<compile_context>
chip_gen: v7x
topology: tpu7x:2x2x1
jax: 0.10.2.dev20260603
libtpu: 0.0.44.dev20260713+nightly
codegen_flags: <defaults>
</compile_context>

<pallas_src>
import functools

import jax
import jax.numpy as jnp
import numpy as np
from jax import lax
from jax.experimental import pallas as pl
from jax.experimental.pallas import tpu as pltpu
from jax.experimental.pallas import tpu_sc as plsc

_VOCAB = 1000000
_EMB = 64
_B = 4096
_L = 200
_N = _B * _L
_KT = 4096
_GRID_T = (_VOCAB + _KT - 1) // _KT
_VPAD = _GRID_T * _KT
_NC = 2
_NS = 16
_NW = _NC * _NS
_SCALE = float(_EMB) ** -0.5


def _positional_encoding_np(seq_len, d_model):
    pos = np.arange(seq_len, dtype=np.float32)[:, None]
    div = np.exp(
        np.arange(0, d_model, 2, dtype=np.float32) * (-np.log(10000.0) / d_model)
    ).astype(np.float32)
    pe = np.zeros((seq_len, d_model), dtype=np.float32)
    pe[:, 0::2] = np.sin(pos * div)
    pe[:, 1::2] = np.cos(pos * div)
    return pe


def _tc_transpose_body(in_ref, out_ref):
    t = in_ref[...].T * _SCALE
    out_ref[...] = jnp.concatenate([t[: _KT // 2], t[_KT // 2:]], axis=1)


def _tc_transpose(table_t):
    return pl.pallas_call(
        _tc_transpose_body,
        grid=(_GRID_T,),
        in_specs=[pl.BlockSpec((_EMB, _KT), lambda i: (0, i))],
        out_specs=pl.BlockSpec((_KT // 2, 128), lambda i: (i, 0)),
        out_shape=jax.ShapeDtypeStruct((_VPAD // 2, 128), jnp.float32),
    )(table_t)


_MESH = plsc.VectorSubcoreMesh(core_axis_name="c", subcore_axis_name="s")


@functools.partial(
    pl.kernel,
    mesh=_MESH,
    out_type=jax.ShapeDtypeStruct((_L, 8, 32, 8, 128), jnp.float32),
    scratch_types=[
        pltpu.VMEM((25, 8, 128), jnp.int32),
        pltpu.VMEM((12800,), jnp.float32),
        pltpu.VMEM((2, 128, _EMB), jnp.float32),
        pltpu.VMEM((2, 8, 8, 129), jnp.float32),
        pltpu.SemaphoreType.DMA,
        pltpu.SemaphoreType.DMA,
        pltpu.SemaphoreType.DMA,
        pltpu.SemaphoreType.DMA,
    ],
    compiler_params=pltpu.CompilerParams(
        use_tc_tiling_on_sc=False, needs_layout_passes=False,
        disable_bounds_checks=True
    ),
)
def _emb_sc(xq_hbm, tlin_hbm, pe_hbm, out_hbm, xb, pev, rows, obp, gs0, gs1,
            os0, os1):
    wid = lax.axis_index("s") * _NC + lax.axis_index("c")
    pltpu.sync_copy(pe_hbm, pev)
    pltpu.sync_copy(xq_hbm.at[:, wid], xb)

    def tbody(a, carry):
        for b in range(8):
            for k in range(8):
                sl = pl.ds(k * 16, 16)
                v = xb[a, b, sl]
                xb[a, b, sl] = (
                    (v & jnp.int32(-4096)) + ((v & 2047) << 1) + ((v >> 11) & 1)
                )
        return carry

    lax.fori_loop(0, 25, tbody, 0)

    gsems = (gs0, gs1)
    osems = (os0, os1)
    iota = lax.iota(jnp.int32, 16)
    gvec = [(16 * k + iota) >> 3 for k in range(4)]
    svec = [(16 * k + iota) & 7 for k in range(4)]

    def fire_gather(l, u):
        pltpu.async_copy(tlin_hbm.at[xb.at[l // 8, l % 8]], rows.at[u],
                         gsems[u])

    def wait_gather(u):
        pltpu.make_async_copy(tlin_hbm.at[xb.at[0, 0]], rows.at[u],
                              gsems[u]).wait()

    def out_src(u):
        return obp.at[u, :, :, pl.ds(0, 128)]

    def fire_out(l, u):
        pltpu.async_copy(out_src(u), out_hbm.at[l, :, wid], osems[u])

    def wait_out(u):
        pltpu.make_async_copy(out_src(u), out_hbm.at[0, :, wid],
                              osems[u]).wait()

    def compute(l, u):
        pes = [pev[pl.ds(l * 64 + k * 16, 16)] for k in range(4)]
        ob = obp.at[u]

        def rbody(r, carry):
            rvec = jnp.full((16,), r, jnp.int32)
            for k in range(4):
                v = rows[u, r, pl.ds(k * 16, 16)] + pes[k]
                plsc.store_scatter(ob, [gvec[k], svec[k], rvec], v)
            return carry

        lax.fori_loop(0, 128, rbody, 0, unroll=8)

    fire_gather(0, 0)
    fire_gather(1, 1)

    def pair(i, carry):
        for u in range(2):
            l = i * 2 + u
            wait_gather(u)

            @pl.when(i >= 1)
            def _():
                wait_out(u)

            compute(l, u)

            @pl.when(l < _L - 2)
            def _():
                fire_gather(l + 2, u)

            fire_out(l, u)
        return carry

    lax.fori_loop(0, _L // 2, pair, 0)
    wait_out(0)
    wait_out(1)


def kernel(x, table):
    xq = x.astype(jnp.int32).T.reshape(25, 8, 32, 128).transpose(0, 2, 1, 3)
    tpair = _tc_transpose(table.T)
    tlin = tpair.reshape(_VPAD, _EMB)
    pe = jnp.asarray(_positional_encoding_np(_L, _EMB).reshape(-1))
    O = _emb_sc(xq, tlin, pe)
    return jnp.transpose(O, (2, 4, 0, 1, 3)).reshape(_B, _L, _EMB)

# --- scband reference (transcript-rebuilt; emitter-appended) ---
"""Pipeline reference for scband-learnable-embedding-43946105373100 (READ-ONLY COPY).

The authoritative reference and input builder live on the scoring server;
editing this copy changes nothing except your own understanding.
"""

import jax, jax.numpy as jnp
import numpy as np

VOCAB = 1000000
EMB = 64
B = 4096
L = 200


def _positional_encoding(seq_len, d_model):
    pos = jnp.arange(seq_len, dtype=jnp.float32)[:, None]
    div = jnp.exp(jnp.arange(0, d_model, 2, dtype=jnp.float32) * (-np.log(10000.0) / d_model))
    pe = jnp.zeros((seq_len, d_model), dtype=jnp.float32)
    pe = pe.at[:, 0::2].set(jnp.sin(pos * div))
    pe = pe.at[:, 1::2].set(jnp.cos(pos * div))
    return pe


def setup_inputs(seed: int = 0) -> dict:
    key = jax.random.key(seed)
    k1, k2 = jax.random.split(key)
    x = jax.random.randint(k1, (B, L), 0, VOCAB, dtype=jnp.int64) if jax.config.jax_enable_x64 else jax.random.randint(k1, (B, L), 0, VOCAB, dtype=jnp.int32)
    table = jax.random.normal(k2, (VOCAB, EMB), dtype=jnp.float32)
    return {"x": x, "table": table}


def reference(x, table):
    scale = EMB ** (-0.5)
    emb = jnp.take(table, x, axis=0) * scale  # [B, L, EMB] gather
    pe = _positional_encoding(emb.shape[1], emb.shape[2])
    return emb + pe[None, :, :]

if __name__ == "__main__":
    import jax
    _d = setup_inputs()
    print(jax.jit(kernel)(*tuple(_d.values())))

</pallas_src>

<mosaic_0001>
#map = affine_map<(d0, d1) -> (0, 0, 0, 0)>
#map1 = affine_map<(d0, d1) -> (0, 0)>
#map2 = affine_map<(d0, d1) -> (0)>
#map3 = affine_map<(d0, d1) -> (0, 0, 0, 0, 0)>
module attributes {stable_mosaic.version = 14 : i64} {
  func.func @_emb_sc(%arg0: i32, %arg1: i32, %arg2: memref<25x32x8x128xi32, #tpu.memory_space<hbm>>, %arg3: memref<1003520x64xf32, #tpu.memory_space<hbm>>, %arg4: memref<12800xf32, #tpu.memory_space<hbm>>, %arg5: memref<200x8x32x8x128xf32, #tpu.memory_space<hbm>>, %arg6: memref<25x8x128xi32, #tpu.memory_space<vmem>>, %arg7: memref<12800xf32, #tpu.memory_space<vmem>>, %arg8: memref<2x128x64xf32, #tpu.memory_space<vmem>>, %arg9: memref<2x8x8x129xf32, #tpu.memory_space<vmem>>, %arg10: memref<!tpu.dma_semaphore, #tpu.memory_space<semaphore_mem>>, %arg11: memref<!tpu.dma_semaphore, #tpu.memory_space<semaphore_mem>>, %arg12: memref<!tpu.dma_semaphore, #tpu.memory_space<semaphore_mem>>, %arg13: memref<!tpu.dma_semaphore, #tpu.memory_space<semaphore_mem>>) attributes {dimension_semantics = [#tpu.dimension_semantics<core_parallel>, #tpu.dimension_semantics<subcore_parallel>], iteration_bounds = array<i64: 2, 16>, scalar_prefetch = 0 : i64, scratch_operands = 8 : i64, tpu.core_type = #tpu.core_type<sc_vector_subcore>, window_params = [{transform_indices = #map}, {transform_indices = #map1}, {transform_indices = #map2}, {transform_indices = #map3}]} {
    %mul3A = arith.constant 2 : i32
    %mul3A_0 = arith.muli %arg1, %mul3A : i32
    %add3A = arith.addi %mul3A_0, %arg0 : i32
    "tpu.region"() ({
      %run_scoped3A = tpu.sem_alloc : memref<!tpu.dma_semaphore, #tpu.memory_space<semaphore_mem>>
      tpu.enqueue_dma source(%arg4 : memref<12800xf32, #tpu.memory_space<hbm>>) target(%arg7 : memref<12800xf32, #tpu.memory_space<vmem>>) target_semaphore(%run_scoped3A : memref<!tpu.dma_semaphore, #tpu.memory_space<semaphore_mem>>)
      tpu.wait_dma2 semaphore(%run_scoped3A : memref<!tpu.dma_semaphore, #tpu.memory_space<semaphore_mem>>) src(%arg4 : memref<12800xf32, #tpu.memory_space<hbm>>) dst(%arg7 : memref<12800xf32, #tpu.memory_space<vmem>>)
      tpu.yield
    }) : () -> ()
    "tpu.region"() ({
      %run_scoped3A = tpu.sem_alloc : memref<!tpu.dma_semaphore, #tpu.memory_space<semaphore_mem>>
      %dma_start3A_126 = arith.constant 0 : i32
      %dma_start3A_127 = arith.constant 0 : i32
      %dma_start3A_128 = arith.constant 0 : i32
      %dma_start3A_129 = tpu.memref_slice %arg2[%dma_start3A_126, %add3A, %dma_start3A_127, %dma_start3A_128] : memref<25x32x8x128xi32, #tpu.memory_space<hbm>> -> memref<25x1x8x128xi32, #tpu.memory_space<hbm>>
      %dma_start3A_130 = tpu.memref_squeeze %dma_start3A_129 : memref<25x1x8x128xi32, #tpu.memory_space<hbm>> -> memref<25x8x128xi32, #tpu.memory_space<hbm>>
      %dma_start3A_131 = arith.constant 0 : i32
      %dma_start3A_132 = arith.constant 0 : i32
      %dma_start3A_133 = arith.constant 0 : i32
      %dma_start3A_134 = tpu.memref_slice %arg2[%dma_start3A_131, %add3A, %dma_start3A_132, %dma_start3A_133] : memref<25x32x8x128xi32, #tpu.memory_space<hbm>> -> memref<25x1x8x128xi32, #tpu.memory_space<hbm>>
      %dma_start3A_135 = tpu.memref_squeeze %dma_start3A_134 : memref<25x1x8x128xi32, #tpu.memory_space<hbm>> -> memref<25x8x128xi32, #tpu.memory_space<hbm>>
      tpu.enqueue_dma source(%dma_start3A_135 : memref<25x8x128xi32, #tpu.memory_space<hbm>>) target(%arg6 : memref<25x8x128xi32, #tpu.memory_space<vmem>>) target_semaphore(%run_scoped3A : memref<!tpu.dma_semaphore, #tpu.memory_space<semaphore_mem>>)
      %dma_wait3A_136 = arith.constant 0 : i32
      %dma_wait3A_137 = arith.constant 0 : i32
      %dma_wait3A_138 = arith.constant 0 : i32
      %dma_wait3A_139 = tpu.memref_slice %arg2[%dma_wait3A_136, %add3A, %dma_wait3A_137, %dma_wait3A_138] : memref<25x32x8x128xi32, #tpu.memory_space<hbm>> -> memref<25x1x8x128xi32, #tpu.memory_space<hbm>>
      %dma_wait3A_140 = tpu.memref_squeeze %dma_wait3A_139 : memref<25x1x8x128xi32, #tpu.memory_space<hbm>> -> memref<25x8x128xi32, #tpu.memory_space<hbm>>
      %dma_wait3A_141 = arith.constant 0 : i32
      %dma_wait3A_142 = arith.constant 0 : i32
      %dma_wait3A_143 = arith.constant 0 : i32
      %dma_wait3A_144 = tpu.memref_slice %arg2[%dma_wait3A_141, %add3A, %dma_wait3A_142, %dma_wait3A_143] : memref<25x32x8x128xi32, #tpu.memory_space<hbm>> -> memref<25x1x8x128xi32, #tpu.memory_space<hbm>>
      %dma_wait3A_145 = tpu.memref_squeeze %dma_wait3A_144 : memref<25x1x8x128xi32, #tpu.memory_space<hbm>> -> memref<25x8x128xi32, #tpu.memory_space<hbm>>
      tpu.wait_dma2 semaphore(%run_scoped3A : memref<!tpu.dma_semaphore, #tpu.memory_space<semaphore_mem>>) src(%dma_wait3A_145 : memref<25x8x128xi32, #tpu.memory_space<hbm>>) dst(%arg6 : memref<25x8x128xi32, #tpu.memory_space<vmem>>)
      tpu.yield
    }) : () -> ()
    %scan3A = arith.constant 0 : i32
    %scan3A_1 = arith.constant 0 : i32
    %scan3A_2 = arith.constant 25 : i32
    %scan3A_3 = arith.addi %scan3A_1, %scan3A_2 : i32
    %scan3A_4 = arith.constant 1 : i32
    scf.for %scan3A_126 = %scan3A_1 to %scan3A_3 step %scan3A_4  : i32 {
      %get3A = arith.constant 0 : i32
      %get3A_127 = arith.index_cast %scan3A_126 : i32 to index
      %get3A_128 = arith.index_cast %get3A : i32 to index
      %get3A_129 = arith.constant 0 : index
      %get3A_130 = tpu.vector_load %arg6[%get3A_127, %get3A_128, %get3A_129] {strides = array<i32>} : memref<25x8x128xi32, #tpu.memory_space<vmem>>, vector<16xi32>,
      %and3A_131 = arith.constant -4096 : i32
      %and3A_132 = vector.broadcast %and3A_131 : i32 to vector<16xi32>
      %and3A_133 = arith.andi %get3A_130, %and3A_132 : vector<16xi32>
      %and3A_134 = arith.constant 2047 : i32
      %and3A_135 = vector.broadcast %and3A_134 : i32 to vector<16xi32>
      %and3A_136 = arith.andi %get3A_130, %and3A_135 : vector<16xi32>
      %shift_left3A = arith.constant 1 : i32
      %shift_left3A_137 = vector.broadcast %shift_left3A : i32 to vector<16xi32>
      %shift_left3A_138 = arith.shli %and3A_136, %shift_left3A_137 : vector<16xi32>
      %add3A_139 = arith.addi %and3A_133, %shift_left3A_138 : vector<16xi32>
      %shift_right_arithmetic3A_140 = arith.constant 11 : i32
      %shift_right_arithmetic3A_141 = vector.broadcast %shift_right_arithmetic3A_140 : i32 to vector<16xi32>
      %shift_right_arithmetic3A_142 = arith.shrsi %get3A_130, %shift_right_arithmetic3A_141 : vector<16xi32>
      %and3A_143 = arith.constant 1 : i32
      %and3A_144 = vector.broadcast %and3A_143 : i32 to vector<16xi32>
      %and3A_145 = arith.andi %shift_right_arithmetic3A_142, %and3A_144 : vector<16xi32>
      %add3A_146 = arith.addi %add3A_139, %and3A_145 : vector<16xi32>
      %swap3A = arith.constant 0 : i32
      %swap3A_147 = arith.index_cast %scan3A_126 : i32 to index
      %swap3A_148 = arith.index_cast %swap3A : i32 to index
      %swap3A_149 = arith.constant 0 : index
      %swap3A_150 = tpu.vector_load %arg6[%swap3A_147, %swap3A_148, %swap3A_149] {strides = array<i32>} : memref<25x8x128xi32, #tpu.memory_space<vmem>>, vector<16xi32>,
      tpu.vector_store %arg6[%swap3A_147, %swap3A_148, %swap3A_149], %add3A_146 {strides = array<i32>} : memref<25x8x128xi32, #tpu.memory_space<vmem>>, vector<16xi32>,
      %get3A_151 = arith.constant 0 : i32
      %get3A_152 = arith.index_cast %scan3A_126 : i32 to index
      %get3A_153 = arith.index_cast %get3A_151 : i32 to index
      %get3A_154 = arith.constant 16 : index
      %get3A_155 = tpu.vector_load %arg6[%get3A_152, %get3A_153, %get3A_154] {strides = array<i32>} : memref<25x8x128xi32, #tpu.memory_space<vmem>>, vector<16xi32>,
      %and3A_156 = arith.constant -4096 : i32
      %and3A_157 = vector.broadcast %and3A_156 : i32 to vector<16xi32>
      %and3A_158 = arith.andi %get3A_155, %and3A_157 : vector<16xi32>
      %and3A_159 = arith.constant 2047 : i32
      %and3A_160 = vector.broadcast %and3A_159 : i32 to vector<16xi32>
      %and3A_161 = arith.andi %get3A_155, %and3A_160 : vector<16xi32>
      %shift_left3A_162 = arith.constant 1 : i32
      %shift_left3A_163 = vector.broadcast %shift_left3A_162 : i32 to vector<16xi32>
      %shift_left3A_164 = arith.shli %and3A_161, %shift_left3A_163 : vector<16xi32>
      %add3A_165 = arith.addi %and3A_158, %shift_left3A_164 : vector<16xi32>
      %shift_right_arithmetic3A_166 = arith.constant 11 : i32
      %shift_right_arithmetic3A_167 = vector.broadcast %shift_right_arithmetic3A_166 : i32 to vector<16xi32>
      %shift_right_arithmetic3A_168 = arith.shrsi %get3A_155, %shift_right_arithmetic3A_167 : vector<16xi32>
      %and3A_169 = arith.constant 1 : i32
      %and3A_170 = vector.broadcast %and3A_169 : i32 to vector<16xi32>
      %and3A_171 = arith.andi %shift_right_arithmetic3A_168, %and3A_170 : vector<16xi32>
      %add3A_172 = arith.addi %add3A_165, %and3A_171 : vector<16xi32>
      %swap3A_173 = arith.constant 0 : i32
      %swap3A_174 = arith.index_cast %scan3A_126 : i32 to index
      %swap3A_175 = arith.index_cast %swap3A_173 : i32 to index
      %swap3A_176 = arith.constant 16 : index
      %swap3A_177 = tpu.vector_load %arg6[%swap3A_174, %swap3A_175, %swap3A_176] {strides = array<i32>} : memref<25x8x128xi32, #tpu.memory_space<vmem>>, vector<16xi32>,
      tpu.vector_store %arg6[%swap3A_174, %swap3A_175, %swap3A_176], %add3A_172 {strides = array<i32>} : memref<25x8x128xi32, #tpu.memory_space<vmem>>, vector<16xi32>,
      %get3A_178 = arith.constant 0 : i32
      %get3A_179 = arith.index_cast %scan3A_126 : i32 to index
      %get3A_180 = arith.index_cast %get3A_178 : i32 to index
      %get3A_181 = arith.constant 32 : index
      %get3A_182 = tpu.vector_load %arg6[%get3A_179, %get3A_180, %get3A_181] {strides = array<i32>} : memref<25x8x128xi32, #tpu.memory_space<vmem>>, vector<16xi32>,
      %and3A_183 = arith.constant -4096 : i32
      %and3A_184 = vector.broadcast %and3A_183 : i32 to vector<16xi32>
      %and3A_185 = arith.andi %get3A_182, %and3A_184 : vector<16xi32>
      %and3A_186 = arith.constant 2047 : i32
      %and3A_187 = vector.broadcast %and3A_186 : i32 to vector<16xi32>
      %and3A_188 = arith.andi %get3A_182, %and3A_187 : vector<16xi32>
      %shift_left3A_189 = arith.constant 1 : i32
      %shift_left3A_190 = vector.broadcast %shift_left3A_189 : i32 to vector<16xi32>
      %shift_left3A_191 = arith.shli %and3A_188, %shift_left3A_190 : vector<16xi32>
      %add3A_192 = arith.addi %and3A_185, %shift_left3A_191 : vector<16xi32>
      %shift_right_arithmetic3A_193 = arith.constant 11 : i32
      %shift_right_arithmetic3A_194 = vector.broadcast %shift_right_arithmetic3A_193 : i32 to vector<16xi32>
      %shift_right_arithmetic3A_195 = arith.shrsi %get3A_182, %shift_right_arithmetic3A_194 : vector<16xi32>
      %and3A_196 = arith.constant 1 : i32
      %and3A_197 = vector.broadcast %and3A_196 : i32 to vector<16xi32>
      %and3A_198 = arith.andi %shift_right_arithmetic3A_195, %and3A_197 : vector<16xi32>
      %add3A_199 = arith.addi %add3A_192, %and3A_198 : vector<16xi32>
      %swap3A_200 = arith.constant 0 : i32
      %swap3A_201 = arith.index_cast %scan3A_126 : i32 to index
      %swap3A_202 = arith.index_cast %swap3A_200 : i32 to index
      %swap3A_203 = arith.constant 32 : index
      %swap3A_204 = tpu.vector_load %arg6[%swap3A_201, %swap3A_202, %swap3A_203] {strides = array<i32>} : memref<25x8x128xi32, #tpu.memory_space<vmem>>, vector<16xi32>,
      tpu.vector_store %arg6[%swap3A_201, %swap3A_202, %swap3A_203], %add3A_199 {strides = array<i32>} : memref<25x8x128xi32, #tpu.memory_space<vmem>>, vector<16xi32>,
      %get3A_205 = arith.constant 0 : i32
      %get3A_206 = arith.index_cast %scan3A_126 : i32 to index
      %get3A_207 = arith.index_cast %get3A_205 : i32 to index
      %get3A_208 = arith.constant 48 : index
      %get3A_209 = tpu.vector_load %arg6[%get3A_206, %get3A_207, %get3A_208] {strides = array<i32>} : memref<25x8x128xi32, #tpu.memory_space<vmem>>, vector<16xi32>,
      %and3A_210 = arith.constant -4096 : i32
      %and3A_211 = vector.broadcast %and3A_210 : i32 to vector<16xi32>
      %and3A_212 = arith.andi %get3A_209, %and3A_211 : vector<16xi32>
      %and3A_213 = arith.constant 2047 : i32
      %and3A_214 = vector.broadcast %and3A_213 : i32 to vector<16xi32>
      %and3A_215 = arith.andi %get3A_209, %and3A_214 : vector<16xi32>
      %shift_left3A_216 = arith.constant 1 : i32
      %shift_left3A_217 = vector.broadcast %shift_left3A_216 : i32 to vector<16xi32>
      %shift_left3A_218 = arith.shli %and3A_215, %shift_left3A_217 : vector<16xi32>
      %add3A_219 = arith.addi %and3A_212, %shift_left3A_218 : vector<16xi32>
      %shift_right_arithmetic3A_220 = arith.constant 11 : i32
      %shift_right_arithmetic3A_221 = vector.broadcast %shift_right_arithmetic3A_220 : i32 to vector<16xi32>
      %shift_right_arithmetic3A_222 = arith.shrsi %get3A_209, %shift_right_arithmetic3A_221 : vector<16xi32>
      %and3A_223 = arith.constant 1 : i32
      %and3A_224 = vector.broadcast %and3A_223 : i32 to vector<16xi32>
      %and3A_225 = arith.andi %shift_right_arithmetic3A_222, %and3A_224 : vector<16xi32>
      %add3A_226 = arith.addi %add3A_219, %and3A_225 : vector<16xi32>
      %swap3A_227 = arith.constant 0 : i32
      %swap3A_228 = arith.index_cast %scan3A_126 : i32 to index
      %swap3A_229 = arith.index_cast %swap3A_227 : i32 to index
      %swap3A_230 = arith.constant 48 : index
      %swap3A_231 = tpu.vector_load %arg6[%swap3A_228, %swap3A_229, %swap3A_230] {strides = array<i32>} : memref<25x8x128xi32, #tpu.memory_space<vmem>>, vector<16xi32>,
      tpu.vector_store %arg6[%swap3A_228, %swap3A_229, %swap3A_230], %add3A_226 {strides = array<i32>} : memref<25x8x128xi32, #tpu.memory_space<vmem>>, vector<16xi32>,
      %get3A_232 = arith.constant 0 : i32
      %get3A_233 = arith.index_cast %scan3A_126 : i32 to index
      %get3A_234 = arith.index_cast %get3A_232 : i32 to index
      %get3A_235 = arith.constant 64 : index
      %get3A_236 = tpu.vector_load %arg6[%get3A_233, %get3A_234, %get3A_235] {strides = array<i32>} : memref<25x8x128xi32, #tpu.memory_space<vmem>>, vector<16xi32>,
      %and3A_237 = arith.constant -4096 : i32
      %and3A_238 = vector.broadcast %and3A_237 : i32 to vector<16xi32>
      %and3A_239 = arith.andi %get3A_236, %and3A_238 : vector<16xi32>
      %and3A_240 = arith.constant 2047 : i32
      %and3A_241 = vector.broadcast %and3A_240 : i32 to vector<16xi32>
      %and3A_242 = arith.andi %get3A_236, %and3A_241 : vector<16xi32>
      %shift_left3A_243 = arith.constant 1 : i32
      %shift_left3A_244 = vector.broadcast %shift_left3A_243 : i32 to vector<16xi32>
      %shift_left3A_245 = arith.shli %and3A_242, %shift_left3A_244 : vector<16xi32>
      %add3A_246 = arith.addi %and3A_239, %shift_left3A_245 : vector<16xi32>
      %shift_right_arithmetic3A_247 = arith.constant 11 : i32
      %shift_right_arithmetic3A_248 = vector.broadcast %shift_right_arithmetic3A_247 : i32 to vector<16xi32>
      %shift_right_arithmetic3A_249 = arith.shrsi %get3A_236, %shift_right_arithmetic3A_248 : vector<16xi32>
      %and3A_250 = arith.constant 1 : i32
      %and3A_251 = vector.broadcast %and3A_250 : i32 to vector<16xi32>
      %and3A_252 = arith.andi %shift_right_arithmetic3A_249, %and3A_251 : vector<16xi32>
      %add3A_253 = arith.addi %add3A_246, %and3A_252 : vector<16xi32>
      %swap3A_254 = arith.constant 0 : i32
      %swap3A_255 = arith.index_cast %scan3A_126 : i32 to index
      %swap3A_256 = arith.index_cast %swap3A_254 : i32 to index
      %swap3A_257 = arith.constant 64 : index
      %swap3A_258 = tpu.vector_load %arg6[%swap3A_255, %swap3A_256, %swap3A_257] {strides = array<i32>} : memref<25x8x128xi32, #tpu.memory_space<vmem>>, vector<16xi32>,
      tpu.vector_store %arg6[%swap3A_255, %swap3A_256, %swap3A_257], %add3A_253 {strides = array<i32>} : memref<25x8x128xi32, #tpu.memory_space<vmem>>, vector<16xi32>,
      %get3A_259 = arith.constant 0 : i32
      %get3A_260 = arith.index_cast %scan3A_126 : i32 to index
      %get3A_261 = arith.index_cast %get3A_259 : i32 to index
      %get3A_262 = arith.constant 80 : index
      %get3A_263 = tpu.vector_load %arg6[%get3A_260, %get3A_261, %get3A_262] {strides = array<i32>} : memref<25x8x128xi32, #tpu.memory_space<vmem>>, vector<16xi32>,
      %and3A_264 = arith.constant -4096 : i32
      %and3A_265 = vector.broadcast %and3A_264 : i32 to vector<16xi32>
      %and3A_266 = arith.andi %get3A_263, %and3A_265 : vector<16xi32>
      %and3A_267 = arith.constant 2047 : i32
      %and3A_268 = vector.broadcast %and3A_267 : i32 to vector<16xi32>
      %and3A_269 = arith.andi %get3A_263, %and3A_268 : vector<16xi32>
      %shift_left3A_270 = arith.constant 1 : i32
      %shift_left3A_271 = vector.broadcast %shift_left3A_270 : i32 to vector<16xi32>
      %shift_left3A_272 = arith.shli %and3A_269, %shift_left3A_271 : vector<16xi32>
      %add3A_273 = arith.addi %and3A_266, %shift_left3A_272 : vector<16xi32>
      %shift_right_arithmetic3A_274 = arith.constant 11 : i32
      %shift_right_arithmetic3A_275 = vector.broadcast %shift_right_arithmetic3A_274 : i32 to vector<16xi32>
      %shift_right_arithmetic3A_276 = arith.shrsi %get3A_263, %shift_right_arithmetic3A_275 : vector<16xi32>
      %and3A_277 = arith.constant 1 : i32
      %and3A_278 = vector.broadcast %and3A_277 : i32 to vector<16xi32>
      %and3A_279 = arith.andi %shift_right_arithmetic3A_276, %and3A_278 : vector<16xi32>
      %add3A_280 = arith.addi %add3A_273, %and3A_279 : vector<16xi32>
      %swap3A_281 = arith.constant 0 : i32
      %swap3A_282 = arith.index_cast %scan3A_126 : i32 to index
      %swap3A_283 = arith.index_cast %swap3A_281 : i32 to index
      %swap3A_284 = arith.constant 80 : index
      %swap3A_285 = tpu.vector_load %arg6[%swap3A_282, %swap3A_283, %swap3A_284] {strides = array<i32>} : memref<25x8x128xi32, #tpu.memory_space<vmem>>, vector<16xi32>,
      tpu.vector_store %arg6[%swap3A_282, %swap3A_283, %swap3A_284], %add3A_280 {strides = array<i32>} : memref<25x8x128xi32, #tpu.memory_space<vmem>>, vector<16xi32>,
      %get3A_286 = arith.constant 0 : i32
      %get3A_287 = arith.index_cast %scan3A_126 : i32 to index
      %get3A_288 = arith.index_cast %get3A_286 : i32 to index
      %get3A_289 = arith.constant 96 : index
      %get3A_290 = tpu.vector_load %arg6[%get3A_287, %get3A_288, %get3A_289] {strides = array<i32>} : memref<25x8x128xi32, #tpu.memory_space<vmem>>, vector<16xi32>,
      %and3A_291 = arith.constant -4096 : i32
      %and3A_292 = vector.broadcast %and3A_291 : i32 to vector<16xi32>
      %and3A_293 = arith.andi %get3A_290, %and3A_292 : vector<16xi32>
      %and3A_294 = arith.constant 2047 : i32
      %and3A_295 = vector.broadcast %and3A_294 : i32 to vector<16xi32>
      %and3A_296 = arith.andi %get3A_290, %and3A_295 : vector<16xi32>
      %shift_left3A_297 = arith.constant 1 : i32
      %shift_left3A_298 = vector.broadcast %shift_left3A_297 : i32 to vector<16xi32>
      %shift_left3A_299 = arith.shli %and3A_296, %shift_left3A_298 : vector<16xi32>
      %add3A_300 = arith.addi %and3A_293, %shift_left3A_299 : vector<16xi32>
      %shift_right_arithmetic3A_301 = arith.constant 11 : i32
      %shift_right_arithmetic3A_302 = vector.broadcast %shift_right_arithmetic3A_301 : i32 to vector<16xi32>
      %shift_right_arithmetic3A_303 = arith.shrsi %get3A_290, %shift_right_arithmetic3A_302 : vector<16xi32>
      %and3A_304 = arith.constant 1 : i32
      %and3A_305 = vector.broadcast %and3A_304 : i32 to vector<16xi32>
      %and3A_306 = arith.andi %shift_right_arithmetic3A_303, %and3A_305 : vector<16xi32>
      %add3A_307 = arith.addi %add3A_300, %and3A_306 : vector<16xi32>
      %swap3A_308 = arith.constant 0 : i32
      %swap3A_309 = arith.index_cast %scan3A_126 : i32 to index
      %swap3A_310 = arith.index_cast %swap3A_308 : i32 to index
      %swap3A_311 = arith.constant 96 : index
      %swap3A_312 = tpu.vector_load %arg6[%swap3A_309, %swap3A_310, %swap3A_311] {strides = array<i32>} : memref<25x8x128xi32, #tpu.memory_space<vmem>>, vector<16xi32>,
      tpu.vector_store %arg6[%swap3A_309, %swap3A_310, %swap3A_311], %add3A_307 {strides = array<i32>} : memref<25x8x128xi32, #tpu.memory_space<vmem>>, vector<16xi32>,
      %get3A_313 = arith.constant 0 : i32
      %get3A_314 = arith.index_cast %scan3A_126 : i32 to index
      %get3A_315 = arith.index_cast %get3A_313 : i32 to index
      %get3A_316 = arith.constant 112 : index
      %get3A_317 = tpu.vector_load %arg6[%get3A_314, %get3A_315, %get3A_316] {strides = array<i32>} : memref<25x8x128xi32, #tpu.memory_space<vmem>>, vector<16xi32>,
      %and3A_318 = arith.constant -4096 : i32
      %and3A_319 = vector.broadcast %and3A_318 : i32 to vector<16xi32>
      %and3A_320 = arith.andi %get3A_317, %and3A_319 : vector<16xi32>
      %and3A_321 = arith.constant 2047 : i32
      %and3A_322 = vector.broadcast %and3A_321 : i32 to vector<16xi32>
      %and3A_323 = arith.andi %get3A_317, %and3A_322 : vector<16xi32>
      %shift_left3A_324 = arith.constant 1 : i32
      %shift_left3A_325 = vector.broadcast %shift_left3A_324 : i32 to vector<16xi32>
      %shift_left3A_326 = arith.shli %and3A_323, %shift_left3A_325 : vector<16xi32>
      %add3A_327 = arith.addi %and3A_320, %shift_left3A_326 : vector<16xi32>
      %shift_right_arithmetic3A_328 = arith.constant 11 : i32
      %shift_right_arithmetic3A_329 = vector.broadcast %shift_right_arithmetic3A_328 : i32 to vector<16xi32>
      %shift_right_arithmetic3A_330 = arith.shrsi %get3A_317, %shift_right_arithmetic3A_329 : vector<16xi32>
      %and3A_331 = arith.constant 1 : i32
      %and3A_332 = vector.broadcast %and3A_331 : i32 to vector<16xi32>
      %and3A_333 = arith.andi %shift_right_arithmetic3A_330, %and3A_332 : vector<16xi32>
      %add3A_334 = arith.addi %add3A_327, %and3A_333 : vector<16xi32>
      %swap3A_335 = arith.constant 0 : i32
      %swap3A_336 = arith.index_cast %scan3A_126 : i32 to index
      %swap3A_337 = arith.index_cast %swap3A_335 : i32 to index
      %swap3A_338 = arith.constant 112 : index
      %swap3A_339 = tpu.vector_load %arg6[%swap3A_336, %swap3A_337, %swap3A_338] {strides = array<i32>} : memref<25x8x128xi32, #tpu.memory_space<vmem>>, vector<16xi32>,
      tpu.vector_store %arg6[%swap3A_336, %swap3A_337, %swap3A_338], %add3A_334 {strides = array<i32>} : memref<25x8x128xi32, #tpu.memory_space<vmem>>, vector<16xi32>,
      %get3A_340 = arith.constant 1 : i32
      %get3A_341 = arith.index_cast %scan3A_126 : i32 to index
      %get3A_342 = arith.index_cast %get3A_340 : i32 to index
      %get3A_343 = arith.constant 0 : index
      %get3A_344 = tpu.vector_load %arg6[%get3A_341, %get3A_342, %get3A_343] {strides = array<i32>} : memref<25x8x128xi32, #tpu.memory_space<vmem>>, vector<16xi32>,
      %and3A_345 = arith.constant -4096 : i32
      %and3A_346 = vector.broadcast %and3A_345 : i32 to vector<16xi32>
      %and3A_347 = arith.andi %get3A_344, %and3A_346 : vector<16xi32>
      %and3A_348 = arith.constant 2047 : i32
      %and3A_349 = vector.broadcast %and3A_348 : i32 to vector<16xi32>
      %and3A_350 = arith.andi %get3A_344, %and3A_349 : vector<16xi32>
      %shift_left3A_351 = arith.constant 1 : i32
      %shift_left3A_352 = vector.broadcast %shift_left3A_351 : i32 to vector<16xi32>
      %shift_left3A_353 = arith.shli %and3A_350, %shift_left3A_352 : vector<16xi32>
      %add3A_354 = arith.addi %and3A_347, %shift_left3A_353 : vector<16xi32>
      %shift_right_arithmetic3A_355 = arith.constant 11 : i32
      %shift_right_arithmetic3A_356 = vector.broadcast %shift_right_arithmetic3A_355 : i32 to vector<16xi32>
      %shift_right_arithmetic3A_357 = arith.shrsi %get3A_344, %shift_right_arithmetic3A_356 : vector<16xi32>
      %and3A_358 = arith.constant 1 : i32
      %and3A_359 = vector.broadcast %and3A_358 : i32 to vector<16xi32>
      %and3A_360 = arith.andi %shift_right_arithmetic3A_357, %and3A_359 : vector<16xi32>
      %add3A_361 = arith.addi %add3A_354, %and3A_360 : vector<16xi32>
      %swap3A_362 = arith.constant 1 : i32
      %swap3A_363 = arith.index_cast %scan3A_126 : i32 to index
      %swap3A_364 = arith.index_cast %swap3A_362 : i32 to index
      %swap3A_365 = arith.constant 0 : index
      %swap3A_366 = tpu.vector_load %arg6[%swap3A_363, %swap3A_364, %swap3A_365] {strides = array<i32>} : memref<25x8x128xi32, #tpu.memory_space<vmem>>, vector<16xi32>,
      tpu.vector_store %arg6[%swap3A_363, %swap3A_364, %swap3A_365], %add3A_361 {strides = array<i32>} : memref<25x8x128xi32, #tpu.memory_space<vmem>>, vector<16xi32>,
      %get3A_367 = arith.constant 1 : i32
      %get3A_368 = arith.index_cast %scan3A_126 : i32 to index
      %get3A_369 = arith.index_cast %get3A_367 : i32 to index
      %get3A_370 = arith.constant 16 : index
      %get3A_371 = tpu.vector_load %arg6[%get3A_368, %get3A_369, %get3A_370] {strides = array<i32>} : memref<25x8x128xi32, #tpu.memory_space<vmem>>, vector<16xi32>,
      %and3A_372 = arith.constant -4096 : i32
      %and3A_373 = vector.broadcast %and3A_372 : i32 to vector<16xi32>
      %and3A_374 = arith.andi %get3A_371, %and3A_373 : vector<16xi32>
      %and3A_375 = arith.constant 2047 : i32
      %and3A_376 = vector.broadcast %and3A_375 : i32 to vector<16xi32>
      %and3A_377 = arith.andi %get3A_371, %and3A_376 : vector<16xi32>
      %shift_left3A_378 = arith.constant 1 : i32
      %shift_left3A_379 = vector.broadcast %shift_left3A_378 : i32 to vector<16xi32>
      %shift_left3A_380 = arith.shli %and3A_377, %shift_left3A_379 : vector<16xi32>
      %add3A_381 = arith.addi %and3A_374, %shift_left3A_380 : vector<16xi32>
      %shift_right_arithmetic3A_382 = arith.constant 11 : i32
      %shift_right_arithmetic3A_383 = vector.broadcast %shift_right_arithmetic3A_382 : i32 to vector<16xi32>
      %shift_right_arithmetic3A_384 = arith.shrsi %get3A_371, %shift_right_arithmetic3A_383 : vector<16xi32>
      %and3A_385 = arith.constant 1 : i32
      %and3A_386 = vector.broadcast %and3A_385 : i32 to vector<16xi32>
      %and3A_387 = arith.andi %shift_right_arithmetic3A_384, %and3A_386 : vector<16xi32>
      %add3A_388 = arith.addi %add3A_381, %and3A_387 : vector<16xi32>
      %swap3A_389 = arith.constant 1 : i32
      %swap3A_390 = arith.index_cast %scan3A_126 : i32 to index
      %swap3A_391 = arith.index_cast %swap3A_389 : i32 to index
      %swap3A_392 = arith.constant 16 : index
      %swap3A_393 = tpu.vector_load %arg6[%swap3A_390, %swap3A_391, %swap3A_392] {strides = array<i32>} : memref<25x8x128xi32, #tpu.memory_space<vmem>>, vector<16xi32>,
      tpu.vector_store %arg6[%swap3A_390, %swap3A_391, %swap3A_392], %add3A_388 {strides = array<i32>} : memref<25x8x128xi32, #tpu.memory_space<vmem>>, vector<16xi32>,
      %get3A_394 = arith.constant 1 : i32
      %get3A_395 = arith.index_cast %scan3A_126 : i32 to index
      %get3A_396 = arith.index_cast %get3A_394 : i32 to index
      %get3A_397 = arith.constant 32 : index
      %get3A_398 = tpu.vector_load %arg6[%get3A_395, %get3A_396, %get3A_397] {strides = array<i32>} : memref<25x8x128xi32, #tpu.memory_space<vmem>>, vector<16xi32>,
      %and3A_399 = arith.constant -4096 : i32
      %and3A_400 = vector.broadcast %and3A_399 : i32 to vector<16xi32>
      %and3A_401 = arith.andi %get3A_398, %and3A_400 : vector<16xi32>
      %and3A_402 = arith.constant 2047 : i32
      %and3A_403 = vector.broadcast %and3A_402 : i32 to vector<16xi32>
      %and3A_404 = arith.andi %get3A_398, %and3A_403 : vector<16xi32>
      %shift_left3A_405 = arith.constant 1 : i32
      %shift_left3A_406 = vector.broadcast %shift_left3A_405 : i32 to vector<16xi32>
      %shift_left3A_407 = arith.shli %and3A_404, %shift_left3A_406 : vector<16xi32>
      %add3A_408 = arith.addi %and3A_401, %shift_left3A_407 : vector<16xi32>
      %shift_right_arithmetic3A_409 = arith.constant 11 : i32
      %shift_right_arithmetic3A_410 = vector.broadcast %shift_right_arithmetic3A_409 : i32 to vector<16xi32>
      %shift_right_arithmetic3A_411 = arith.shrsi %get3A_398, %shift_right_arithmetic3A_410 : vector<16xi32>
      %and3A_412 = arith.constant 1 : i32
      %and3A_413 = vector.broadcast %and3A_412 : i32 to vector<16xi32>
      %and3A_414 = arith.andi %shift_right_arithmetic3A_411, %and3A_413 : vector<16xi32>
      %add3A_415 = arith.addi %add3A_408, %and3A_414 : vector<16xi32>
      %swap3A_416 = arith.constant 1 : i32
      %swap3A_417 = arith.index_cast %scan3A_126 : i32 to index
      %swap3A_418 = arith.index_cast %swap3A_416 : i32 to index
      %swap3A_419 = arith.constant 32 : index
      %swap3A_420 = tpu.vector_load %arg6[%swap3A_417, %swap3A_418, %swap3A_419] {strides = array<i32>} : memref<25x8x128xi32, #tpu.memory_space<vmem>>, vector<16xi32>,
      tpu.vector_store %arg6[%swap3A_417, %swap3A_418, %swap3A_419], %add3A_415 {strides = array<i32>} : memref<25x8x128xi32, #tpu.memory_space<vmem>>, vector<16xi32>,
      %get3A_421 = arith.constant 1 : i32
      %get3A_422 = arith.index_cast %scan3A_126 : i32 to index
      %get3A_423 = arith.index_cast %get3A_421 : i32 to index
      %get3A_424 = arith.constant 48 : index
      %get3A_425 = tpu.vector_load %arg6[%get3A_422, %get3A_423, %get3A_424] {strides = array<i32>} : memref<25x8x128xi32, #tpu.memory_space<vmem>>, vector<16xi32>,
      %and3A_426 = arith.constant -4096 : i32
      %and3A_427 = vector.broadcast %and3A_426 : i32 to vector<16xi32>
      %and3A_428 = arith.andi %get3A_425, %and3A_427 : vector<16xi32>
      %and3A_429 = arith.constant 2047 : i32
      %and3A_430 = vector.broadcast %and3A_429 : i32 to vector<16xi32>
      %and3A_431 = arith.andi %get3A_425, %and3A_430 : vector<16xi32>
      %shift_left3A_432 = arith.constant 1 : i32
      %shift_left3A_433 = vector.broadcast %shift_left3A_432 : i32 to vector<16xi32>
      %shift_left3A_434 = arith.shli %and3A_431, %shift_left3A_433 : vector<16xi32>
      %add3A_435 = arith.addi %and3A_428, %shift_left3A_434 : vector<16xi32>
      %shift_right_arithmetic3A_436 = arith.constant 11 : i32
      %shift_right_arithmetic3A_437 = vector.broadcast %shift_right_arithmetic3A_436 : i32 to vector<16xi32>
      %shift_right_arithmetic3A_438 = arith.shrsi %get3A_425, %shift_right_arithmetic3A_437 : vector<16xi32>
      %and3A_439 = arith.constant 1 : i32
      %and3A_440 = vector.broadcast %and3A_439 : i32 to vector<16xi32>
      %and3A_441 = arith.andi %shift_right_arithmetic3A_438, %and3A_440 : vector<16xi32>
      %add3A_442 = arith.addi %add3A_435, %and3A_441 : vector<16xi32>
      %swap3A_443 = arith.constant 1 : i32
      %swap3A_444 = arith.index_cast %scan3A_126 : i32 to index
      %swap3A_445 = arith.index_cast %swap3A_443 : i32 to index
      %swap3A_446 = arith.constant 48 : index
      %swap3A_447 = tpu.vector_load %arg6[%swap3A_444, %swap3A_445, %swap3A_446] {strides = array<i32>} : memref<25x8x128xi32, #tpu.memory_space<vmem>>, vector<16xi32>,
      tpu.vector_store %arg6[%swap3A_444, %swap3A_445, %swap3A_446], %add3A_442 {strides = array<i32>} : memref<25x8x128xi32, #tpu.memory_space<vmem>>, vector<16xi32>,
      %get3A_448 = arith.constant 1 : i32
      %get3A_449 = arith.index_cast %scan3A_126 : i32 to index
      %get3A_450 = arith.index_cast %get3A_448 : i32 to index
      %get3A_451 = arith.constant 64 : index
      %get3A_452 = tpu.vector_load %arg6[%get3A_449, %get3A_450, %get3A_451] {strides = array<i32>} : memref<25x8x128xi32, #tpu.memory_space<vmem>>, vector<16xi32>,
      %and3A_453 = arith.constant -4096 : i32
      %and3A_454 = vector.broadcast %and3A_453 : i32 to vector<16xi32>
      %and3A_455 = arith.andi %get3A_452, %and3A_454 : vector<16xi32>
      %and3A_456 = arith.constant 2047 : i32
      %and3A_457 = vector.broadcast %and3A_456 : i32 to vector<16xi32>
      %and3A_458 = arith.andi %get3A_452, %and3A_457 : vector<16xi32>
      %shift_left3A_459 = arith.constant 1 : i32
      %shift_left3A_460 = vector.broadcast %shift_left3A_459 : i32 to vector<16xi32>
      %shift_left3A_461 = arith.shli %and3A_458, %shift_left3A_460 : vector<16xi32>
      %add3A_462 = arith.addi %and3A_455, %shift_left3A_461 : vector<16xi32>
      %shift_right_arithmetic3A_463 = arith.constant 11 : i32
      %shift_right_arithmetic3A_464 = vector.broadcast %shift_right_arithmetic3A_463 : i32 to vector<16xi32>
      %shift_right_arithmetic3A_465 = arith.shrsi %get3A_452, %shift_right_arithmetic3A_464 : vector<16xi32>
      %and3A_466 = arith.constant 1 : i32
      %and3A_467 = vector.broadcast %and3A_466 : i32 to vector<16xi32>
      %and3A_468 = arith.andi %shift_right_arithmetic3A_465, %and3A_467 : vector<16xi32>
      %add3A_469 = arith.addi %add3A_462, %and3A_468 : vector<16xi32>
      %swap3A_470 = arith.constant 1 : i32
      %swap3A_471 = arith.index_cast %scan3A_126 : i32 to index
      %swap3A_472 = arith.index_cast %swap3A_470 : i32 to index
      %swap3A_473 = arith.constant 64 : index
      %swap3A_474 = tpu.vector_load %arg6[%swap3A_471, %swap3A_472, %swap3A_473] {strides = array<i32>} : memref<25x8x128xi32, #tpu.memory_space<vmem>>, vector<16xi32>,
      tpu.vector_store %arg6[%swap3A_471, %swap3A_472, %swap3A_473], %add3A_469 {strides = array<i32>} : memref<25x8x128xi32, #tpu.memory_space<vmem>>, vector<16xi32>,
      %get3A_475 = arith.constant 1 : i32
      %get3A_476 = arith.index_cast %scan3A_126 : i32 to index
      %get3A_477 = arith.index_cast %get3A_475 : i32 to index
      %get3A_478 = arith.constant 80 : index
      %get3A_479 = tpu.vector_load %arg6[%get3A_476, %get3A_477, %get3A_478] {strides = array<i32>} : memref<25x8x128xi32, #tpu.memory_space<vmem>>, vector<16xi32>,
      %and3A_480 = arith.constant -4096 : i32
      %and3A_481 = vector.broadcast %and3A_480 : i32 to vector<16xi32>
      %and3A_482 = arith.andi %get3A_479, %and3A_481 : vector<16xi32>
      %and3A_483 = arith.constant 2047 : i32
      %and3A_484 = vector.broadcast %and3A_483 : i32 to vector<16xi32>
      %and3A_485 = arith.andi %get3A_479, %and3A_484 : vector<16xi32>
      %shift_left3A_486 = arith.constant 1 : i32
      %shift_left3A_487 = vector.broadcast %shift_left3A_486 : i32 to vector<16xi32>
      %shift_left3A_488 = arith.shli %and3A_485, %shift_left3A_487 : vector<16xi32>
      %add3A_489 = arith.addi %and3A_482, %shift_left3A_488 : vector<16xi32>
      %shift_right_arithmetic3A_490 = arith.constant 11 : i32
      %shift_right_arithmetic3A_491 = vector.broadcast %shift_right_arithmetic3A_490 : i32 to vector<16xi32>
      %shift_right_arithmetic3A_492 = arith.shrsi %get3A_479, %shift_right_arithmetic3A_491 : vector<16xi32>
      %and3A_493 = arith.constant 1 : i32
      %and3A_494 = vector.broadcast %and3A_493 : i32 to vector<16xi32>
      %and3A_495 = arith.andi %shift_right_arithmetic3A_492, %and3A_494 : vector<16xi32>
      %add3A_496 = arith.addi %add3A_489, %and3A_495 : vector<16xi32>
      %swap3A_497 = arith.constant 1 : i32
      %swap3A_498 = arith.index_cast %scan3A_126 : i32 to index
      %swap3A_499 = arith.index_cast %swap3A_497 : i32 to index
      %swap3A_500 = arith.constant 80 : index
      %swap3A_501 = tpu.vector_load %arg6[%swap3A_498, %swap3A_499, %swap3A_500] {strides = array<i32>} : memref<25x8x128xi32, #tpu.memory_space<vmem>>, vector<16xi32>,
      tpu.vector_store %arg6[%swap3A_498, %swap3A_499, %swap3A_500], %add3A_496 {strides = array<i32>} : memref<25x8x128xi32, #tpu.memory_space<vmem>>, vector<16xi32>,
      %get3A_502 = arith.constant 1 : i32
      %get3A_503 = arith.index_cast %scan3A_126 : i32 to index
      %get3A_504 = arith.index_cast %get3A_502 : i32 to index
      %get3A_505 = arith.constant 96 : index
      %get3A_506 = tpu.vector_load %arg6[%get3A_503, %get3A_504, %get3A_505] {strides = array<i32>} : memref<25x8x128xi32, #tpu.memory_space<vmem>>, vector<16xi32>,
      %and3A_507 = arith.constant -4096 : i32
      %and3A_508 = vector.broadcast %and3A_507 : i32 to vector<16xi32>
      %and3A_509 = arith.andi %get3A_506, %and3A_508 : vector<16xi32>
      %and3A_510 = arith.constant 2047 : i32
      %and3A_511 = vector.broadcast %and3A_510 : i32 to vector<16xi32>
      %and3A_512 = arith.andi %get3A_506, %and3A_511 : vector<16xi32>
      %shift_left3A_513 = arith.constant 1 : i32
      %shift_left3A_514 = vector.broadcast %shift_left3A_513 : i32 to vector<16xi32>
      %shift_left3A_515 = arith.shli %and3A_512, %shift_left3A_514 : vector<16xi32>
      %add3A_516 = arith.addi %and3A_509, %shift_left3A_515 : vector<16xi32>
      %shift_right_arithmetic3A_517 = arith.constant 11 : i32
      %shift_right_arithmetic3A_518 = vector.broadcast %shift_right_arithmetic3A_517 : i32 to vector<16xi32>
      %shift_right_arithmetic3A_519 = arith.shrsi %get3A_506, %shift_right_arithmetic3A_518 : vector<16xi32>
      %and3A_520 = arith.constant 1 : i32
      %and3A_521 = vector.broadcast %and3A_520 : i32 to vector<16xi32>
      %and3A_522 = arith.andi %shift_right_arithmetic3A_519, %and3A_521 : vector<16xi32>
      %add3A_523 = arith.addi %add3A_516, %and3A_522 : vector<16xi32>
      %swap3A_524 = arith.constant 1 : i32
      %swap3A_525 = arith.index_cast %scan3A_126 : i32 to index
      %swap3A_526 = arith.index_cast %swap3A_524 : i32 to index
      %swap3A_527 = arith.constant 96 : index
      %swap3A_528 = tpu.vector_load %arg6[%swap3A_525, %swap3A_526, %swap3A_527] {strides = array<i32>} : memref<25x8x128xi32, #tpu.memory_space<vmem>>, vector<16xi32>,
      tpu.vector_store %arg6[%swap3A_525, %swap3A_526, %swap3A_527], %add3A_523 {strides = array<i32>} : memref<25x8x128xi32, #tpu.memory_space<vmem>>, vector<16xi32>,
      %get3A_529 = arith.constant 1 : i32
      %get3A_530 = arith.index_cast %scan3A_126 : i32 to index
      %get3A_531 = arith.index_cast %get3A_529 : i32 to index
      %get3A_532 = arith.constant 112 : index
      %get3A_533 = tpu.vector_load %arg6[%get3A_530, %get3A_531, %get3A_532] {strides = array<i32>} : memref<25x8x128xi32, #tpu.memory_space<vmem>>, vector<16xi32>,
      %and3A_534 = arith.constant -4096 : i32
      %and3A_535 = vector.broadcast %and3A_534 : i32 to vector<16xi32>
      %and3A_536 = arith.andi %get3A_533, %and3A_535 : vector<16xi32>
      %and3A_537 = arith.constant 2047 : i32
      %and3A_538 = vector.broadcast %and3A_537 : i32 to vector<16xi32>
      %and3A_539 = arith.andi %get3A_533, %and3A_538 : vector<16xi32>
      %shift_left3A_540 = arith.constant 1 : i32
      %shift_left3A_541 = vector.broadcast %shift_left3A_540 : i32 to vector<16xi32>
      %shift_left3A_542 = arith.shli %and3A_539, %shift_left3A_541 : vector<16xi32>
      %add3A_543 = arith.addi %and3A_536, %shift_left3A_542 : vector<16xi32>
      %shift_right_arithmetic3A_544 = arith.constant 11 : i32
      %shift_right_arithmetic3A_545 = vector.broadcast %shift_right_arithmetic3A_544 : i32 to vector<16xi32>
      %shift_right_arithmetic3A_546 = arith.shrsi %get3A_533, %shift_right_arithmetic3A_545 : vector<16xi32>
      %and3A_547 = arith.constant 1 : i32
      %and3A_548 = vector.broadcast %and3A_547 : i32 to vector<16xi32>
      %and3A_549 = arith.andi %shift_right_arithmetic3A_546, %and3A_548 : vector<16xi32>
      %add3A_550 = arith.addi %add3A_543, %and3A_549 : vector<16xi32>
      %swap3A_551 = arith.constant 1 : i32
      %swap3A_552 = arith.index_cast %scan3A_126 : i32 to index
      %swap3A_553 = arith.index_cast %swap3A_551 : i32 to index
      %swap3A_554 = arith.constant 112 : index
      %swap3A_555 = tpu.vector_load %arg6[%swap3A_552, %swap3A_553, %swap3A_554] {strides = array<i32>} : memref<25x8x128xi32, #tpu.memory_space<vmem>>, vector<16xi32>,
      tpu.vector_store %arg6[%swap3A_552, %swap3A_553, %swap3A_554], %add3A_550 {strides = array<i32>} : memref<25x8x128xi32, #tpu.memory_space<vmem>>, vector<16xi32>,
      %get3A_556 = arith.constant 2 : i32
      %get3A_557 = arith.index_cast %scan3A_126 : i32 to index
      %get3A_558 = arith.index_cast %get3A_556 : i32 to index
      %get3A_559 = arith.constant 0 : index
      %get3A_560 = tpu.vector_load %arg6[%get3A_557, %get3A_558, %get3A_559] {strides = array<i32>} : memref<25x8x128xi32, #tpu.memory_space<vmem>>, vector<16xi32>,
      %and3A_561 = arith.constant -4096 : i32
      %and3A_562 = vector.broadcast %and3A_561 : i32 to vector<16xi32>
      %and3A_563 = arith.andi %get3A_560, %and3A_562 : vector<16xi32>
      %and3A_564 = arith.constant 2047 : i32
      %and3A_565 = vector.broadcast %and3A_564 : i32 to vector<16xi32>
      %and3A_566 = arith.andi %get3A_560, %and3A_565 : vector<16xi32>
      %shift_left3A_567 = arith.constant 1 : i32
      %shift_left3A_568 = vector.broadcast %shift_left3A_567 : i32 to vector<16xi32>
      %shift_left3A_569 = arith.shli %and3A_566, %shift_left3A_568 : vector<16xi32>
      %add3A_570 = arith.addi %and3A_563, %shift_left3A_569 : vector<16xi32>
      %shift_right_arithmetic3A_571 = arith.constant 11 : i32
      %shift_right_arithmetic3A_572 = vector.broadcast %shift_right_arithmetic3A_571 : i32 to vector<16xi32>
      %shift_right_arithmetic3A_573 = arith.shrsi %get3A_560, %shift_right_arithmetic3A_572 : vector<16xi32>
      %and3A_574 = arith.constant 1 : i32
      %and3A_575 = vector.broadcast %and3A_574 : i32 to vector<16xi32>
      %and3A_576 = arith.andi %shift_right_arithmetic3A_573, %and3A_575 : vector<16xi32>
      %add3A_577 = arith.addi %add3A_570, %and3A_576 : vector<16xi32>
      %swap3A_578 = arith.constant 2 : i32
      %swap3A_579 = arith.index_cast %scan3A_126 : i32 to index
      %swap3A_580 = arith.index_cast %swap3A_578 : i32 to index
      %swap3A_581 = arith.constant 0 : index
      %swap3A_582 = tpu.vector_load %arg6[%swap3A_579, %swap3A_580, %swap3A_581] {strides = array<i32>} : memref<25x8x128xi32, #tpu.memory_space<vmem>>, vector<16xi32>,
      tpu.vector_store %arg6[%swap3A_579, %swap3A_580, %swap3A_581], %add3A_577 {strides = array<i32>} : memref<25x8x128xi32, #tpu.memory_space<vmem>>, vector<16xi32>,
      %get3A_583 = arith.constant 2 : i32
      %get3A_584 = arith.index_cast %scan3A_126 : i32 to index
      %get3A_585 = arith.index_cast %get3A_583 : i32 to index
      %get3A_586 = arith.constant 16 : index
      %get3A_587 = tpu.vector_load %arg6[%get3A_584, %get3A_585, %get3A_586] {strides = array<i32>} : memref<25x8x128xi32, #tpu.memory_space<vmem>>, vector<16xi32>,
      %and3A_588 = arith.constant -4096 : i32
      %and3A_589 = vector.broadcast %and3A_588 : i32 to vector<16xi32>
      %and3A_590 = arith.andi %get3A_587, %and3A_589 : vector<16xi32>
      %and3A_591 = arith.constant 2047 : i32
      %and3A_592 = vector.broadcast %and3A_591 : i32 to vector<16xi32>
      %and3A_593 = arith.andi %get3A_587, %and3A_592 : vector<16xi32>
      %shift_left3A_594 = arith.constant 1 : i32
      %shift_left3A_595 = vector.broadcast %shift_left3A_594 : i32 to vector<16xi32>
      %shift_left3A_596 = arith.shli %and3A_593, %shift_left3A_595 : vector<16xi32>
      %add3A_597 = arith.addi %and3A_590, %shift_left3A_596 : vector<16xi32>
      %shift_right_arithmetic3A_598 = arith.constant 11 : i32
      %shift_right_arithmetic3A_599 = vector.broadcast %shift_right_arithmetic3A_598 : i32 to vector<16xi32>
      %shift_right_arithmetic3A_600 = arith.shrsi %get3A_587, %shift_right_arithmetic3A_599 : vector<16xi32>
      %and3A_601 = arith.constant 1 : i32
      %and3A_602 = vector.broadcast %and3A_601 : i32 to vector<16xi32>
      %and3A_603 = arith.andi %shift_right_arithmetic3A_600, %and3A_602 : vector<16xi32>
      %add3A_604 = arith.addi %add3A_597, %and3A_603 : vector<16xi32>
      %swap3A_605 = arith.constant 2 : i32
      %swap3A_606 = arith.index_cast %scan3A_126 : i32 to index
      %swap3A_607 = arith.index_cast %swap3A_605 : i32 to index
      %swap3A_608 = arith.constant 16 : index
      %swap3A_609 = tpu.vector_load %arg6[%swap3A_606, %swap3A_607, %swap3A_608] {strides = array<i32>} : memref<25x8x128xi32, #tpu.memory_space<vmem>>, vector<16xi32>,
      tpu.vector_store %arg6[%swap3A_606, %swap3A_607, %swap3A_608], %add3A_604 {strides = array<i32>} : memref<25x8x128xi32, #tpu.memory_space<vmem>>, vector<16xi32>,
      %get3A_610 = arith.constant 2 : i32
      %get3A_611 = arith.index_cast %scan3A_126 : i32 to index
      %get3A_612 = arith.index_cast %get3A_610 : i32 to index
      %get3A_613 = arith.constant 32 : index
      %get3A_614 = tpu.vector_load %arg6[%get3A_611, %get3A_612, %get3A_613] {strides = array<i32>} : memref<25x8x128xi32, #tpu.memory_space<vmem>>, vector<16xi32>,
      %and3A_615 = arith.constant -4096 : i32
      %and3A_616 = vector.broadcast %and3A_615 : i32 to vector<16xi32>
      %and3A_617 = arith.andi %get3A_614, %and3A_616 : vector<16xi32>
      %and3A_618 = arith.constant 2047 : i32
      %and3A_619 = vector.broadcast %and3A_618 : i32 to vector<16xi32>
      %and3A_620 = arith.andi %get3A_614, %and3A_619 : vector<16xi32>
      %shift_left3A_621 = arith.constant 1 : i32
      %shift_left3A_622 = vector.broadcast %shift_left3A_621 : i32 to vector<16xi32>
      %shift_left3A_623 = arith.shli %and3A_620, %shift_left3A_622 : vector<16xi32>
      %add3A_624 = arith.addi %and3A_617, %shift_left3A_623 : vector<16xi32>
      %shift_right_arithmetic3A_625 = arith.constant 11 : i32
      %shift_right_arithmetic3A_626 = vector.broadcast %shift_right_arithmetic3A_625 : i32 to vector<16xi32>
      %shift_right_arithmetic3A_627 = arith.shrsi %get3A_614, %shift_right_arithmetic3A_626 : vector<16xi32>
      %and3A_628 = arith.constant 1 : i32
      %and3A_629 = vector.broadcast %and3A_628 : i32 to vector<16xi32>
      %and3A_630 = arith.andi %shift_right_arithmetic3A_627, %and3A_629 : vector<16xi32>
      %add3A_631 = arith.addi %add3A_624, %and3A_630 : vector<16xi32>
      %swap3A_632 = arith.constant 2 : i32
      %swap3A_633 = arith.index_cast %scan3A_126 : i32 to index
      %swap3A_634 = arith.index_cast %swap3A_632 : i32 to index
      %swap3A_635 = arith.constant 32 : index
      %swap3A_636 = tpu.vector_load %arg6[%swap3A_633, %swap3A_634, %swap3A_635] {strides = array<i32>} : memref<25x8x128xi32, #tpu.memory_space<vmem>>, vector<16xi32>,
      tpu.vector_store %arg6[%swap3A_633, %swap3A_634, %swap3A_635], %add3A_631 {strides = array<i32>} : memref<25x8x128xi32, #tpu.memory_space<vmem>>, vector<16xi32>,
      %get3A_637 = arith.constant 2 : i32
      %get3A_638 = arith.index_cast %scan3A_126 : i32 to index
      %get3A_639 = arith.index_cast %get3A_637 : i32 to index
      %get3A_640 = arith.constant 48 : index
      %get3A_641 = tpu.vector_load %arg6[%get3A_638, %get3A_639, %get3A_640] {strides = array<i32>} : memref<25x8x128xi32, #tpu.memory_space<vmem>>, vector<16xi32>,
      %and3A_642 = arith.constant -4096 : i32
      %and3A_643 = vector.broadcast %and3A_642 : i32 to vector<16xi32>
      %and3A_644 = arith.andi %get3A_641, %and3A_643 : vector<16xi32>
      %and3A_645 = arith.constant 2047 : i32
      %and3A_646 = vector.broadcast %and3A_645 : i32 to vector<16xi32>
      %and3A_647 = arith.andi %get3A_641, %and3A_646 : vector<16xi32>
      %shift_left3A_648 = arith.constant 1 : i32
      %shift_left3A_649 = vector.broadcast %shift_left3A_648 : i32 to vector<16xi32>
      %shift_left3A_650 = arith.shli %and3A_647, %shift_left3A_649 : vector<16xi32>
      %add3A_651 = arith.addi %and3A_644, %shift_left3A_650 : vector<16xi32>
      %shift_right_arithmetic3A_652 = arith.constant 11 : i32
      %shift_right_arithmetic3A_653 = vector.broadcast %shift_right_arithmetic3A_652 : i32 to vector<16xi32>
      %shift_right_arithmetic3A_654 = arith.shrsi %get3A_641, %shift_right_arithmetic3A_653 : vector<16xi32>
      %and3A_655 = arith.constant 1 : i32
      %and3A_656 = vector.broadcast %and3A_655 : i32 to vector<16xi32>
      %and3A_657 = arith.andi %shift_right_arithmetic3A_654, %and3A_656 : vector<16xi32>
      %add3A_658 = arith.addi %add3A_651, %and3A_657 : vector<16xi32>
      %swap3A_659 = arith.constant 2 : i32
      %swap3A_660 = arith.index_cast %scan3A_126 : i32 to index
      %swap3A_661 = arith.index_cast %swap3A_659 : i32 to index
      %swap3A_662 = arith.constant 48 : index
      %swap3A_663 = tpu.vector_load %arg6[%swap3A_660, %swap3A_661, %swap3A_662] {strides = array<i32>} : memref<25x8x128xi32, #tpu.memory_space<vmem>>, vector<16xi32>,
      tpu.vector_store %arg6[%swap3A_660, %swap3A_661, %swap3A_662], %add3A_658 {strides = array<i32>} : memref<25x8x128xi32, #tpu.memory_space<vmem>>, vector<16xi32>,
      %get3A_664 = arith.constant 2 : i32
      %get3A_665 = arith.index_cast %scan3A_126 : i32 to index
      %get3A_666 = arith.index_cast %get3A_664 : i32 to index
      %get3A_667 = arith.constant 64 : index
      %get3A_668 = tpu.vector_load %arg6[%get3A_665, %get3A_666, %get3A_667] {strides = array<i32>} : memref<25x8x128xi32, #tpu.memory_space<vmem>>, vector<16xi32>,
      %and3A_669 = arith.constant -4096 : i32
      %and3A_670 = vector.broadcast %and3A_669 : i32 to vector<16xi32>
      %and3A_671 = arith.andi %get3A_668, %and3A_670 : vector<16xi32>
      %and3A_672 = arith.constant 2047 : i32
      %and3A_673 = vector.broadcast %and3A_672 : i32 to vector<16xi32>
      %and3A_674 = arith.andi %get3A_668, %and3A_673 : vector<16xi32>
      %shift_left3A_675 = arith.constant 1 : i32
      %shift_left3A_676 = vector.broadcast %shift_left3A_675 : i32 to vector<16xi32>
      %shift_left3A_677 = arith.shli %and3A_674, %shift_left3A_676 : vector<16xi32>
      %add3A_678 = arith.addi %and3A_671, %shift_left3A_677 : vector<16xi32>
      %shift_right_arithmetic3A_679 = arith.constant 11 : i32
      %shift_right_arithmetic3A_680 = vector.broadcast %shift_right_arithmetic3A_679 : i32 to vector<16xi32>
      %shift_right_arithmetic3A_681 = arith.shrsi %get3A_668, %shift_right_arithmetic3A_680 : vector<16xi32>
      %and3A_682 = arith.constant 1 : i32
      %and3A_683 = vector.broadcast %and3A_682 : i32 to vector<16xi32>
      %and3A_684 = arith.andi %shift_right_arithmetic3A_681, %and3A_683 : vector<16xi32>
      %add3A_685 = arith.addi %add3A_678, %and3A_684 : vector<16xi32>
      %swap3A_686 = arith.constant 2 : i32
      %swap3A_687 = arith.index_cast %scan3A_126 : i32 to index
      %swap3A_688 = arith.index_cast %swap3A_686 : i32 to index
      %swap3A_689 = arith.constant 64 : index
      %swap3A_690 = tpu.vector_load %arg6[%swap3A_687, %swap3A_688, %swap3A_689] {strides = array<i32>} : memref<25x8x128xi32, #tpu.memory_space<vmem>>, vector<16xi32>,
      tpu.vector_store %arg6[%swap3A_687, %swap3A_688, %swap3A_689], %add3A_685 {strides = array<i32>} : memref<25x8x128xi32, #tpu.memory_space<vmem>>, vector<16xi32>,
      %get3A_691 = arith.constant 2 : i32
      %get3A_692 = arith.index_cast %scan3A_126 : i32 to index
      %get3A_693 = arith.index_cast %get3A_691 : i32 to index
      %get3A_694 = arith.constant 80 : index
      %get3A_695 = tpu.vector_load %arg6[%get3A_692, %get3A_693, %get3A_694] {strides = array<i32>} : memref<25x8x128xi32, #tpu.memory_space<vmem>>, vector<16xi32>,
      %and3A_696 = arith.constant -4096 : i32
      %and3A_697 = vector.broadcast %and3A_696 : i32 to vector<16xi32>
      %and3A_698 = arith.andi %get3A_695, %and3A_697 : vector<16xi32>
      %and3A_699 = arith.constant 2047 : i32
      %and3A_700 = vector.broadcast %and3A_699 : i32 to vector<16xi32>
      %and3A_701 = arith.andi %get3A_695, %and3A_700 : vector<16xi32>
      %shift_left3A_702 = arith.constant 1 : i32
      %shift_left3A_703 = vector.broadcast %shift_left3A_702 : i32 to vector<16xi32>
      %shift_left3A_704 = arith.shli %and3A_701, %shift_left3A_703 : vector<16xi32>
      %add3A_705 = arith.addi %and3A_698, %shift_left3A_704 : vector<16xi32>
      %shift_right_arithmetic3A_706 = arith.constant 11 : i32
      %shift_right_arithmetic3A_707 = vector.broadcast %shift_right_arithmetic3A_706 : i32 to vector<16xi32>
      %shift_right_arithmetic3A_708 = arith.shrsi %get3A_695, %shift_right_arithmetic3A_707 : vector<16xi32>
      %and3A_709 = arith.constant 1 : i32
      %and3A_710 = vector.broadcast %and3A_709 : i32 to vector<16xi32>
      %and3A_711 = arith.andi %shift_right_arithmetic3A_708, %and3A_710 : vector<16xi32>
      %add3A_712 = arith.addi %add3A_705, %and3A_711 : vector<16xi32>
      %swap3A_713 = arith.constant 2 : i32
      %swap3A_714 = arith.index_cast %scan3A_126 : i32 to index
      %swap3A_715 = arith.index_cast %swap3A_713 : i32 to index
      %swap3A_716 = arith.constant 80 : index
      %swap3A_717 = tpu.vector_load %arg6[%swap3A_714, %swap3A_715, %swap3A_716] {strides = array<i32>} : memref<25x8x128xi32, #tpu.memory_space<vmem>>, vector<16xi32>,
      tpu.vector_store %arg6[%swap3A_714, %swap3A_715, %swap3A_716], %add3A_712 {strides = array<i32>} : memref<25x8x128xi32, #tpu.memory_space<vmem>>, vector<16xi32>,
      %get3A_718 = arith.constant 2 : i32
      %get3A_719 = arith.index_cast %scan3A_126 : i32 to index
      %get3A_720 = arith.index_cast %get3A_718 : i32 to index
      %get3A_721 = arith.constant 96 : index
      %get3A_722 = tpu.vector_load %arg6[%get3A_719, %get3A_720, %get3A_721] {strides = array<i32>} : memref<25x8x128xi32, #tpu.memory_space<vmem>>, vector<16xi32>,
      %and3A_723 = arith.constant -4096 : i32
      %and3A_724 = vector.broadcast %and3A_723 : i32 to vector<16xi32>
      %and3A_725 = arith.andi %get3A_722, %and3A_724 : vector<16xi32>
      %and3A_726 = arith.constant 2047 : i32
      %and3A_727 = vector.broadcast %and3A_726 : i32 to vector<16xi32>
      %and3A_728 = arith.andi %get3A_722, %and3A_727 : vector<16xi32>
      %shift_left3A_729 = arith.constant 1 : i32
      %shift_left3A_730 = vector.broadcast %shift_left3A_729 : i32 to vector<16xi32>
      %shift_left3A_731 = arith.shli %and3A_728, %shift_left3A_730 : vector<16xi32>
      %add3A_732 = arith.addi %and3A_725, %shift_left3A_731 : vector<16xi32>
      %shift_right_arithmetic3A_733 = arith.constant 11 : i32
      %shift_right_arithmetic3A_734 = vector.broadcast %shift_right_arithmetic3A_733 : i32 to vector<16xi32>
      %shift_right_arithmetic3A_735 = arith.shrsi %get3A_722, %shift_right_arithmetic3A_734 : vector<16xi32>
      %and3A_736 = arith.constant 1 : i32
      %and3A_737 = vector.broadcast %and3A_736 : i32 to vector<16xi32>
      %and3A_738 = arith.andi %shift_right_arithmetic3A_735, %and3A_737 : vector<16xi32>
      %add3A_739 = arith.addi %add3A_732, %and3A_738 : vector<16xi32>
      %swap3A_740 = arith.constant 2 : i32
      %swap3A_741 = arith.index_cast %scan3A_126 : i32 to index
      %swap3A_742 = arith.index_cast %swap3A_740 : i32 to index
      %swap3A_743 = arith.constant 96 : index
      %swap3A_744 = tpu.vector_load %arg6[%swap3A_741, %swap3A_742, %swap3A_743] {strides = array<i32>} : memref<25x8x128xi32, #tpu.memory_space<vmem>>, vector<16xi32>,
      tpu.vector_store %arg6[%swap3A_741, %swap3A_742, %swap3A_743], %add3A_739 {strides = array<i32>} : memref<25x8x128xi32, #tpu.memory_space<vmem>>, vector<16xi32>,
      %get3A_745 = arith.constant 2 : i32
      %get3A_746 = arith.index_cast %scan3A_126 : i32 to index
      %get3A_747 = arith.index_cast %get3A_745 : i32 to index
      %get3A_748 = arith.constant 112 : index
      %get3A_749 = tpu.vector_load %arg6[%get3A_746, %get3A_747, %get3A_748] {strides = array<i32>} : memref<25x8x128xi32, #tpu.memory_space<vmem>>, vector<16xi32>,
      %and3A_750 = arith.constant -4096 : i32
      %and3A_751 = vector.broadcast %and3A_750 : i32 to vector<16xi32>
      %and3A_752 = arith.andi %get3A_749, %and3A_751 : vector<16xi32>
      %and3A_753 = arith.constant 2047 : i32
      %and3A_754 = vector.broadcast %and3A_753 : i32 to vector<16xi32>
      %and3A_755 = arith.andi %get3A_749, %and3A_754 : vector<16xi32>
      %shift_left3A_756 = arith.constant 1 : i32
      %shift_left3A_757 = vector.broadcast %shift_left3A_756 : i32 to vector<16xi32>
      %shift_left3A_758 = arith.shli %and3A_755, %shift_left3A_757 : vector<16xi32>
      %add3A_759 = arith.addi %and3A_752, %shift_left3A_758 : vector<16xi32>
      %shift_right_arithmetic3A_760 = arith.constant 11 : i32
      %shift_right_arithmetic3A_761 = vector.broadcast %shift_right_arithmetic3A_760 : i32 to vector<16xi32>
      %shift_right_arithmetic3A_762 = arith.shrsi %get3A_749, %shift_right_arithmetic3A_761 : vector<16xi32>
      %and3A_763 = arith.constant 1 : i32
      %and3A_764 = vector.broadcast %and3A_763 : i32 to vector<16xi32>
      %and3A_765 = arith.andi %shift_right_arithmetic3A_762, %and3A_764 : vector<16xi32>
      %add3A_766 = arith.addi %add3A_759, %and3A_765 : vector<16xi32>
      %swap3A_767 = arith.constant 2 : i32
      %swap3A_768 = arith.index_cast %scan3A_126 : i32 to index
      %swap3A_769 = arith.index_cast %swap3A_767 : i32 to index
      %swap3A_770 = arith.constant 112 : index
      %swap3A_771 = tpu.vector_load %arg6[%swap3A_768, %swap3A_769, %swap3A_770] {strides = array<i32>} : memref<25x8x128xi32, #tpu.memory_space<vmem>>, vector<16xi32>,
      tpu.vector_store %arg6[%swap3A_768, %swap3A_769, %swap3A_770], %add3A_766 {strides = array<i32>} : memref<25x8x128xi32, #tpu.memory_space<vmem>>, vector<16xi32>,
      %get3A_772 = arith.constant 3 : i32
      %get3A_773 = arith.index_cast %scan3A_126 : i32 to index
      %get3A_774 = arith.index_cast %get3A_772 : i32 to index
      %get3A_775 = arith.constant 0 : index
      %get3A_776 = tpu.vector_load %arg6[%get3A_773, %get3A_774, %get3A_775] {strides = array<i32>} : memref<25x8x128xi32, #tpu.memory_space<vmem>>, vector<16xi32>,
      %and3A_777 = arith.constant -4096 : i32
      %and3A_778 = vector.broadcast %and3A_777 : i32 to vector<16xi32>
      %and3A_779 = arith.andi %get3A_776, %and3A_778 : vector<16xi32>
      %and3A_780 = arith.constant 2047 : i32
      %and3A_781 = vector.broadcast %and3A_780 : i32 to vector<16xi32>
      %and3A_782 = arith.andi %get3A_776, %and3A_781 : vector<16xi32>
      %shift_left3A_783 = arith.constant 1 : i32
      %shift_left3A_784 = vector.broadcast %shift_left3A_783 : i32 to vector<16xi32>
      %shift_left3A_785 = arith.shli %and3A_782, %shift_left3A_784 : vector<16xi32>
      %add3A_786 = arith.addi %and3A_779, %shift_left3A_785 : vector<16xi32>
      %shift_right_arithmetic3A_787 = arith.constant 11 : i32
      %shift_right_arithmetic3A_788 = vector.broadcast %shift_right_arithmetic3A_787 : i32 to vector<16xi32>
      %shift_right_arithmetic3A_789 = arith.shrsi %get3A_776, %shift_right_arithmetic3A_788 : vector<16xi32>
      %and3A_790 = arith.constant 1 : i32
      %and3A_791 = vector.broadcast %and3A_790 : i32 to vector<16xi32>
      %and3A_792 = arith.andi %shift_right_arithmetic3A_789, %and3A_791 : vector<16xi32>
      %add3A_793 = arith.addi %add3A_786, %and3A_792 : vector<16xi32>
      %swap3A_794 = arith.constant 3 : i32
      %swap3A_795 = arith.index_cast %scan3A_126 : i32 to index
      %swap3A_796 = arith.index_cast %swap3A_794 : i32 to index
      %swap3A_797 = arith.constant 0 : index
      %swap3A_798 = tpu.vector_load %arg6[%swap3A_795, %swap3A_796, %swap3A_797] {strides = array<i32>} : memref<25x8x128xi32, #tpu.memory_space<vmem>>, vector<16xi32>,
      tpu.vector_store %arg6[%swap3A_795, %swap3A_796, %swap3A_797], %add3A_793 {strides = array<i32>} : memref<25x8x128xi32, #tpu.memory_space<vmem>>, vector<16xi32>,
      %get3A_799 = arith.constant 3 : i32
      %get3A_800 = arith.index_cast %scan3A_126 : i32 to index
      %get3A_801 = arith.index_cast %get3A_799 : i32 to index
      %get3A_802 = arith.constant 16 : index
      %get3A_803 = tpu.vector_load %arg6[%get3A_800, %get3A_801, %get3A_802] {strides = array<i32>} : memref<25x8x128xi32, #tpu.memory_space<vmem>>, vector<16xi32>,
      %and3A_804 = arith.constant -4096 : i32
      %and3A_805 = vector.broadcast %and3A_804 : i32 to vector<16xi32>
      %and3A_806 = arith.andi %get3A_803, %and3A_805 : vector<16xi32>
      %and3A_807 = arith.constant 2047 : i32
      %and3A_808 = vector.broadcast %and3A_807 : i32 to vector<16xi32>
      %and3A_809 = arith.andi %get3A_803, %and3A_808 : vector<16xi32>
      %shift_left3A_810 = arith.constant 1 : i32
      %shift_left3A_811 = vector.broadcast %shift_left3A_810 : i32 to vector<16xi32>
      %shift_left3A_812 = arith.shli %and3A_809, %shift_left3A_811 : vector<16xi32>
      %add3A_813 = arith.addi %and3A_806, %shift_left3A_812 : vector<16xi32>
      %shift_right_arithmetic3A_814 = arith.constant 11 : i32
      %shift_right_arithmetic3A_815 = vector.broadcast %shift_right_arithmetic3A_814 : i32 to vector<16xi32>
      %shift_right_arithmetic3A_816 = arith.shrsi %get3A_803, %shift_right_arithmetic3A_815 : vector<16xi32>
      %and3A_817 = arith.constant 1 : i32
      %and3A_818 = vector.broadcast %and3A_817 : i32 to vector<16xi32>
      %and3A_819 = arith.andi %shift_right_arithmetic3A_816, %and3A_818 : vector<16xi32>
      %add3A_820 = arith.addi %add3A_813, %and3A_819 : vector<16xi32>
      %swap3A_821 = arith.constant 3 : i32
      %swap3A_822 = arith.index_cast %scan3A_126 : i32 to index
      %swap3A_823 = arith.index_cast %swap3A_821 : i32 to index
      %swap3A_824 = arith.constant 16 : index
      %swap3A_825 = tpu.vector_load %arg6[%swap3A_822, %swap3A_823, %swap3A_824] {strides = array<i32>} : memref<25x8x128xi32, #tpu.memory_space<vmem>>, vector<16xi32>,
      tpu.vector_store %arg6[%swap3A_822, %swap3A_823, %swap3A_824], %add3A_820 {strides = array<i32>} : memref<25x8x128xi32, #tpu.memory_space<vmem>>, vector<16xi32>,
      %get3A_826 = arith.constant 3 : i32
      %get3A_827 = arith.index_cast %scan3A_126 : i32 to index
      %get3A_828 = arith.index_cast %get3A_826 : i32 to index
      %get3A_829 = arith.constant 32 : index
      %get3A_830 = tpu.vector_load %arg6[%get3A_827, %get3A_828, %get3A_829] {strides = array<i32>} : memref<25x8x128xi32, #tpu.memory_space<vmem>>, vector<16xi32>,
      %and3A_831 = arith.constant -4096 : i32
      %and3A_832 = vector.broadcast %and3A_831 : i32 to vector<16xi32>
      %and3A_833 = arith.andi %get3A_830, %and3A_832 : vector<16xi32>
      %and3A_834 = arith.constant 2047 : i32
      %and3A_835 = vector.broadcast %and3A_834 : i32 to vector<16xi32>
      %and3A_836 = arith.andi %get3A_830, %and3A_835 : vector<16xi32>
      %shift_left3A_837 = arith.constant 1 : i32
      %shift_left3A_838 = vector.broadcast %shift_left3A_837 : i32 to vector<16xi32>
      %shift_left3A_839 = arith.shli %and3A_836, %shift_left3A_838 : vector<16xi32>
      %add3A_840 = arith.addi %and3A_833, %shift_left3A_839 : vector<16xi32>
      %shift_right_arithmetic3A_841 = arith.constant 11 : i32
      %shift_right_arithmetic3A_842 = vector.broadcast %shift_right_arithmetic3A_841 : i32 to vector<16xi32>
      %shift_right_arithmetic3A_843 = arith.shrsi %get3A_830, %shift_right_arithmetic3A_842 : vector<16xi32>
      %and3A_844 = arith.constant 1 : i32
      %and3A_845 = vector.broadcast %and3A_844 : i32 to vector<16xi32>
      %and3A_846 = arith.andi %shift_right_arithmetic3A_843, %and3A_845 : vector<16xi32>
      %add3A_847 = arith.addi %add3A_840, %and3A_846 : vector<16xi32>
      %swap3A_848 = arith.constant 3 : i32
      %swap3A_849 = arith.index_cast %scan3A_126 : i32 to index
      %swap3A_850 = arith.index_cast %swap3A_848 : i32 to index
      %swap3A_851 = arith.constant 32 : index
      %swap3A_852 = tpu.vector_load %arg6[%swap3A_849, %swap3A_850, %swap3A_851] {strides = array<i32>} : memref<25x8x128xi32, #tpu.memory_space<vmem>>, vector<16xi32>,
      tpu.vector_store %arg6[%swap3A_849, %swap3A_850, %swap3A_851], %add3A_847 {strides = array<i32>} : memref<25x8x128xi32, #tpu.memory_space<vmem>>, vector<16xi32>,
      %get3A_853 = arith.constant 3 : i32
      %get3A_854 = arith.index_cast %scan3A_126 : i32 to index
      %get3A_855 = arith.index_cast %get3A_853 : i32 to index
      %get3A_856 = arith.constant 48 : index
      %get3A_857 = tpu.vector_load %arg6[%get3A_854, %get3A_855, %get3A_856] {strides = array<i32>} : memref<25x8x128xi32, #tpu.memory_space<vmem>>, vector<16xi32>,
      %and3A_858 = arith.constant -4096 : i32
      %and3A_859 = vector.broadcast %and3A_858 : i32 to vector<16xi32>
      %and3A_860 = arith.andi %get3A_857, %and3A_859 : vector<16xi32>
      %and3A_861 = arith.constant 2047 : i32
      %and3A_862 = vector.broadcast %and3A_861 : i32 to vector<16xi32>
      %and3A_863 = arith.andi %get3A_857, %and3A_862 : vector<16xi32>
      %shift_left3A_864 = arith.constant 1 : i32
      %shift_left3A_865 = vector.broadcast %shift_left3A_864 : i32 to vector<16xi32>
      %shift_left3A_866 = arith.shli %and3A_863, %shift_left3A_865 : vector<16xi32>
      %add3A_867 = arith.addi %and3A_860, %shift_left3A_866 : vector<16xi32>
      %shift_right_arithmetic3A_868 = arith.constant 11 : i32
      %shift_right_arithmetic3A_869 = vector.broadcast %shift_right_arithmetic3A_868 : i32 to vector<16xi32>
      %shift_right_arithmetic3A_870 = arith.shrsi %get3A_857, %shift_right_arithmetic3A_869 : vector<16xi32>
      %and3A_871 = arith.constant 1 : i32
      %and3A_872 = vector.broadcast %and3A_871 : i32 to vector<16xi32>
      %and3A_873 = arith.andi %shift_right_arithmetic3A_870, %and3A_872 : vector<16xi32>
      %add3A_874 = arith.addi %add3A_867, %and3A_873 : vector<16xi32>
      %swap3A_875 = arith.constant 3 : i32
      %swap3A_876 = arith.index_cast %scan3A_126 : i32 to index
      %swap3A_877 = arith.index_cast %swap3A_875 : i32 to index
      %swap3A_878 = arith.constant 48 : index
      %swap3A_879 = tpu.vector_load %arg6[%swap3A_876, %swap3A_877, %swap3A_878] {strides = array<i32>} : memref<25x8x128xi32, #tpu.memory_space<vmem>>, vector<16xi32>,
      tpu.vector_store %arg6[%swap3A_876, %swap3A_877, %swap3A_878], %add3A_874 {strides = array<i32>} : memref<25x8x128xi32, #tpu.memory_space<vmem>>, vector<16xi32>,
      %get3A_880 = arith.constant 3 : i32
      %get3A_881 = arith.index_cast %scan3A_126 : i32 to index
      %get3A_882 = arith.index_cast %get3A_880 : i32 to index
      %get3A_883 = arith.constant 64 : index
      %get3A_884 = tpu.vector_load %arg6[%get3A_881, %get3A_882, %get3A_883] {strides = array<i32>} : memref<25x8x128xi32, #tpu.memory_space<vmem>>, vector<16xi32>,
      %and3A_885 = arith.constant -4096 : i32
      %and3A_886 = vector.broadcast %and3A_885 : i32 to vector<16xi32>
      %and3A_887 = arith.andi %get3A_884, %and3A_886 : vector<16xi32>
      %and3A_888 = arith.constant 2047 : i32
      %and3A_889 = vector.broadcast %and3A_888 : i32 to vector<16xi32>
      %and3A_890 = arith.andi %get3A_884, %and3A_889 : vector<16xi32>
      %shift_left3A_891 = arith.constant 1 : i32
      %shift_left3A_892 = vector.broadcast %shift_left3A_891 : i32 to vector<16xi32>
      %shift_left3A_893 = arith.shli %and3A_890, %shift_left3A_892 : vector<16xi32>
      %add3A_894 = arith.addi %and3A_887, %shift_left3A_893 : vector<16xi32>
      %shift_right_arithmetic3A_895 = arith.constant 11 : i32
      %shift_right_arithmetic3A_896 = vector.broadcast %shift_right_arithmetic3A_895 : i32 to vector<16xi32>
      %shift_right_arithmetic3A_897 = arith.shrsi %get3A_884, %shift_right_arithmetic3A_896 : vector<16xi32>
      %and3A_898 = arith.constant 1 : i32
      %and3A_899 = vector.broadcast %and3A_898 : i32 to vector<16xi32>
      %and3A_900 = arith.andi %shift_right_arithmetic3A_897, %and3A_899 : vector<16xi32>
      %add3A_901 = arith.addi %add3A_894, %and3A_900 : vector<16xi32>
      %swap3A_902 = arith.constant 3 : i32
      %swap3A_903 = arith.index_cast %scan3A_126 : i32 to index
      %swap3A_904 = arith.index_cast %swap3A_902 : i32 to index
      %swap3A_905 = arith.constant 64 : index
      %swap3A_906 = tpu.vector_load %arg6[%swap3A_903, %swap3A_904, %swap3A_905] {strides = array<i32>} : memref<25x8x128xi32, #tpu.memory_space<vmem>>, vector<16xi32>,
      tpu.vector_store %arg6[%swap3A_903, %swap3A_904, %swap3A_905], %add3A_901 {strides = array<i32>} : memref<25x8x128xi32, #tpu.memory_space<vmem>>, vector<16xi32>,
      %get3A_907 = arith.constant 3 : i32
      %get3A_908 = arith.index_cast %scan3A_126 : i32 to index
      %get3A_909 = arith.index_cast %get3A_907 : i32 to index
      %get3A_910 = arith.constant 80 : index
      %get3A_911 = tpu.vector_load %arg6[%get3A_908, %get3A_909, %get3A_910] {strides = array<i32>} : memref<25x8x128xi32, #tpu.memory_space<vmem>>, vector<16xi32>,
      %and3A_912 = arith.constant -4096 : i32
      %and3A_913 = vector.broadcast %and3A_912 : i32 to vector<16xi32>
      %and3A_914 = arith.andi %get3A_911, %and3A_913 : vector<16xi32>
      %and3A_915 = arith.constant 2047 : i32
      %and3A_916 = vector.broadcast %and3A_915 : i32 to vector<16xi32>
      %and3A_917 = arith.andi %get3A_911, %and3A_916 : vector<16xi32>
      %shift_left3A_918 = arith.constant 1 : i32
      %shift_left3A_919 = vector.broadcast %shift_left3A_918 : i32 to vector<16xi32>
      %shift_left3A_920 = arith.shli %and3A_917, %shift_left3A_919 : vector<16xi32>
      %add3A_921 = arith.addi %and3A_914, %shift_left3A_920 : vector<16xi32>
      %shift_right_arithmetic3A_922 = arith.constant 11 : i32
      %shift_right_arithmetic3A_923 = vector.broadcast %shift_right_arithmetic3A_922 : i32 to vector<16xi32>
      %shift_right_arithmetic3A_924 = arith.shrsi %get3A_911, %shift_right_arithmetic3A_923 : vector<16xi32>
      %and3A_925 = arith.constant 1 : i32
      %and3A_926 = vector.broadcast %and3A_925 : i32 to vector<16xi32>
      %and3A_927 = arith.andi %shift_right_arithmetic3A_924, %and3A_926 : vector<16xi32>
      %add3A_928 = arith.addi %add3A_921, %and3A_927 : vector<16xi32>
      %swap3A_929 = arith.constant 3 : i32
      %swap3A_930 = arith.index_cast %scan3A_126 : i32 to index
      %swap3A_931 = arith.index_cast %swap3A_929 : i32 to index
      %swap3A_932 = arith.constant 80 : index
      %swap3A_933 = tpu.vector_load %arg6[%swap3A_930, %swap3A_931, %swap3A_932] {strides = array<i32>} : memref<25x8x128xi32, #tpu.memory_space<vmem>>, vector<16xi32>,
      tpu.vector_store %arg6[%swap3A_930, %swap3A_931, %swap3A_932], %add3A_928 {strides = array<i32>} : memref<25x8x128xi32, #tpu.memory_space<vmem>>, vector<16xi32>,
      %get3A_934 = arith.constant 3 : i32
      %get3A_935 = arith.index_cast %scan3A_126 : i32 to index
      %get3A_936 = arith.index_cast %get3A_934 : i32 to index
      %get3A_937 = arith.constant 96 : index
      %get3A_938 = tpu.vector_load %arg6[%get3A_935, %get3A_936, %get3A_937] {strides = array<i32>} : memref<25x8x128xi32, #tpu.memory_space<vmem>>, vector<16xi32>,
      %and3A_939 = arith.constant -4096 : i32
      %and3A_940 = vector.broadcast %and3A_939 : i32 to vector<16xi32>
      %and3A_941 = arith.andi %get3A_938, %and3A_940 : vector<16xi32>
      %and3A_942 = arith.constant 2047 : i32
      %and3A_943 = vector.broadcast %and3A_942 : i32 to vector<16xi32>
      %and3A_944 = arith.andi %get3A_938, %and3A_943 : vector<16xi32>
      %shift_left3A_945 = arith.constant 1 : i32
      %shift_left3A_946 = vector.broadcast %shift_left3A_945 : i32 to vector<16xi32>
      %shift_left3A_947 = arith.shli %and3A_944, %shift_left3A_946 : vector<16xi32>
      %add3A_948 = arith.addi %and3A_941, %shift_left3A_947 : vector<16xi32>
      %shift_right_arithmetic3A_949 = arith.constant 11 : i32
      %shift_right_arithmetic3A_950 = vector.broadcast %shift_right_arithmetic3A_949 : i32 to vector<16xi32>
      %shift_right_arithmetic3A_951 = arith.shrsi %get3A_938, %shift_right_arithmetic3A_950 : vector<16xi32>
      %and3A_952 = arith.constant 1 : i32
      %and3A_953 = vector.broadcast %and3A_952 : i32 to vector<16xi32>
      %and3A_954 = arith.andi %shift_right_arithmetic3A_951, %and3A_953 : vector<16xi32>
      %add3A_955 = arith.addi %add3A_948, %and3A_954 : vector<16xi32>
      %swap3A_956 = arith.constant 3 : i32
      %swap3A_957 = arith.index_cast %scan3A_126 : i32 to index
      %swap3A_958 = arith.index_cast %swap3A_956 : i32 to index
      %swap3A_959 = arith.constant 96 : index
      %swap3A_960 = tpu.vector_load %arg6[%swap3A_957, %swap3A_958, %swap3A_959] {strides = array<i32>} : memref<25x8x128xi32, #tpu.memory_space<vmem>>, vector<16xi32>,
      tpu.vector_store %arg6[%swap3A_957, %swap3A_958, %swap3A_959], %add3A_955 {strides = array<i32>} : memref<25x8x128xi32, #tpu.memory_space<vmem>>, vector<16xi32>,
      %get3A_961 = arith.constant 3 : i32
      %get3A_962 = arith.index_cast %scan3A_126 : i32 to index
      %get3A_963 = arith.index_cast %get3A_961 : i32 to index
      %get3A_964 = arith.constant 112 : index
      %get3A_965 = tpu.vector_load %arg6[%get3A_962, %get3A_963, %get3A_964] {strides = array<i32>} : memref<25x8x128xi32, #tpu.memory_space<vmem>>, vector<16xi32>,
      %and3A_966 = arith.constant -4096 : i32
      %and3A_967 = vector.broadcast %and3A_966 : i32 to vector<16xi32>
      %and3A_968 = arith.andi %get3A_965, %and3A_967 : vector<16xi32>
      %and3A_969 = arith.constant 2047 : i32
      %and3A_970 = vector.broadcast %and3A_969 : i32 to vector<16xi32>
      %and3A_971 = arith.andi %get3A_965, %and3A_970 : vector<16xi32>
      %shift_left3A_972 = arith.constant 1 : i32
      %shift_left3A_973 = vector.broadcast %shift_left3A_972 : i32 to vector<16xi32>
      %shift_left3A_974 = arith.shli %and3A_971, %shift_left3A_973 : vector<16xi32>
      %add3A_975 = arith.addi %and3A_968, %shift_left3A_974 : vector<16xi32>
      %shift_right_arithmetic3A_976 = arith.constant 11 : i32
      %shift_right_arithmetic3A_977 = vector.broadcast %shift_right_arithmetic3A_976 : i32 to vector<16xi32>
      %shift_right_arithmetic3A_978 = arith.shrsi %get3A_965, %shift_right_arithmetic3A_977 : vector<16xi32>
      %and3A_979 = arith.constant 1 : i32
      %and3A_980 = vector.broadcast %and3A_979 : i32 to vector<16xi32>
      %and3A_981 = arith.andi %shift_right_arithmetic3A_978, %and3A_980 : vector<16xi32>
      %add3A_982 = arith.addi %add3A_975, %and3A_981 : vector<16xi32>
      %swap3A_983 = arith.constant 3 : i32
      %swap3A_984 = arith.index_cast %scan3A_126 : i32 to index
      %swap3A_985 = arith.index_cast %swap3A_983 : i32 to index
      %swap3A_986 = arith.constant 112 : index
      %swap3A_987 = tpu.vector_load %arg6[%swap3A_984, %swap3A_985, %swap3A_986] {strides = array<i32>} : memref<25x8x128xi32, #tpu.memory_space<vmem>>, vector<16xi32>,
      tpu.vector_store %arg6[%swap3A_984, %swap3A_985, %swap3A_986], %add3A_982 {strides = array<i32>} : memref<25x8x128xi32, #tpu.memory_space<vmem>>, vector<16xi32>,
      %get3A_988 = arith.constant 4 : i32
      %get3A_989 = arith.index_cast %scan3A_126 : i32 to index
      %get3A_990 = arith.index_cast %get3A_988 : i32 to index
      %get3A_991 = arith.constant 0 : index
      %get3A_992 = tpu.vector_load %arg6[%get3A_989, %get3A_990, %get3A_991] {strides = array<i32>} : memref<25x8x128xi32, #tpu.memory_space<vmem>>, vector<16xi32>,
      %and3A_993 = arith.constant -4096 : i32
      %and3A_994 = vector.broadcast %and3A_993 : i32 to vector<16xi32>
      %and3A_995 = arith.andi %get3A_992, %and3A_994 : vector<16xi32>
      %and3A_996 = arith.constant 2047 : i32
      %and3A_997 = vector.broadcast %and3A_996 : i32 to vector<16xi32>
      %and3A_998 = arith.andi %get3A_992, %and3A_997 : vector<16xi32>
      %shift_left3A_999 = arith.constant 1 : i32
      %shift_left3A_1000 = vector.broadcast %shift_left3A_999 : i32 to vector<16xi32>
      %shift_left3A_1001 = arith.shli %and3A_998, %shift_left3A_1000 : vector<16xi32>
      %add3A_1002 = arith.addi %and3A_995, %shift_left3A_1001 : vector<16xi32>
      %shift_right_arithmetic3A_1003 = arith.constant 11 : i32
      %shift_right_arithmetic3A_1004 = vector.broadcast %shift_right_arithmetic3A_1003 : i32 to vector<16xi32>
      %shift_right_arithmetic3A_1005 = arith.shrsi %get3A_992, %shift_right_arithmetic3A_1004 : vector<16xi32>
      %and3A_1006 = arith.constant 1 : i32
      %and3A_1007 = vector.broadcast %and3A_1006 : i32 to vector<16xi32>
      %and3A_1008 = arith.andi %shift_right_arithmetic3A_1005, %and3A_1007 : vector<16xi32>
      %add3A_1009 = arith.addi %add3A_1002, %and3A_1008 : vector<16xi32>
      %swap3A_1010 = arith.constant 4 : i32
      %swap3A_1011 = arith.index_cast %scan3A_126 : i32 to index
      %swap3A_1012 = arith.index_cast %swap3A_1010 : i32 to index
      %swap3A_1013 = arith.constant 0 : index
      %swap3A_1014 = tpu.vector_load %arg6[%swap3A_1011, %swap3A_1012, %swap3A_1013] {strides = array<i32>} : memref<25x8x128xi32, #tpu.memory_space<vmem>>, vector<16xi32>,
      tpu.vector_store %arg6[%swap3A_1011, %swap3A_1012, %swap3A_1013], %add3A_1009 {strides = array<i32>} : memref<25x8x128xi32, #tpu.memory_space<vmem>>, vector<16xi32>,
      %get3A_1015 = arith.constant 4 : i32
      %get3A_1016 = arith.index_cast %scan3A_126 : i32 to index
      %get3A_1017 = arith.index_cast %get3A_1015 : i32 to index
      %get3A_1018 = arith.constant 16 : index
      %get3A_1019 = tpu.vector_load %arg6[%get3A_1016, %get3A_1017, %get3A_1018] {strides = array<i32>} : memref<25x8x128xi32, #tpu.memory_space<vmem>>, vector<16xi32>,
      %and3A_1020 = arith.constant -4096 : i32
      %and3A_1021 = vector.broadcast %and3A_1020 : i32 to vector<16xi32>
      %and3A_1022 = arith.andi %get3A_1019, %and3A_1021 : vector<16xi32>
      %and3A_1023 = arith.constant 2047 : i32
      %and3A_1024 = vector.broadcast %and3A_1023 : i32 to vector<16xi32>
      %and3A_1025 = arith.andi %get3A_1019, %and3A_1024 : vector<16xi32>
      %shift_left3A_1026 = arith.constant 1 : i32
      %shift_left3A_1027 = vector.broadcast %shift_left3A_1026 : i32 to vector<16xi32>
      %shift_left3A_1028 = arith.shli %and3A_1025, %shift_left3A_1027 : vector<16xi32>
      %add3A_1029 = arith.addi %and3A_1022, %shift_left3A_1028 : vector<16xi32>
      %shift_right_arithmetic3A_1030 = arith.constant 11 : i32
      %shift_right_arithmetic3A_1031 = vector.broadcast %shift_right_arithmetic3A_1030 : i32 to vector<16xi32>
      %shift_right_arithmetic3A_1032 = arith.shrsi %get3A_1019, %shift_right_arithmetic3A_1031 : vector<16xi32>
      %and3A_1033 = arith.constant 1 : i32
      %and3A_1034 = vector.broadcast %and3A_1033 : i32 to vector<16xi32>
      %and3A_1035 = arith.andi %shift_right_arithmetic3A_1032, %and3A_1034 : vector<16xi32>
      %add3A_1036 = arith.addi %add3A_1029, %and3A_1035 : vector<16xi32>
      %swap3A_1037 = arith.constant 4 : i32
      %swap3A_1038 = arith.index_cast %scan3A_126 : i32 to index
      %swap3A_1039 = arith.index_cast %swap3A_1037 : i32 to index
      %swap3A_1040 = arith.constant 16 : index
      %swap3A_1041 = tpu.vector_load %arg6[%swap3A_1038, %swap3A_1039, %swap3A_1040] {strides = array<i32>} : memref<25x8x128xi32, #tpu.memory_space<vmem>>, vector<16xi32>,
      tpu.vector_store %arg6[%swap3A_1038, %swap3A_1039, %swap3A_1040], %add3A_1036 {strides = array<i32>} : memref<25x8x128xi32, #tpu.memory_space<vmem>>, vector<16xi32>,
      %get3A_1042 = arith.constant 4 : i32
      %get3A_1043 = arith.index_cast %scan3A_126 : i32 to index
      %get3A_1044 = arith.index_cast %get3A_1042 : i32 to index
      %get3A_1045 = arith.constant 32 : index
      %get3A_1046 = tpu.vector_load %arg6[%get3A_1043, %get3A_1044, %get3A_1045] {strides = array<i32>} : memref<25x8x128xi32, #tpu.memory_space<vmem>>, vector<16xi32>,
      %and3A_1047 = arith.constant -4096 : i32
      %and3A_1048 = vector.broadcast %and3A_1047 : i32 to vector<16xi32>
      %and3A_1049 = arith.andi %get3A_1046, %and3A_1048 : vector<16xi32>
      %and3A_1050 = arith.constant 2047 : i32
      %and3A_1051 = vector.broadcast %and3A_1050 : i32 to vector<16xi32>
      %and3A_1052 = arith.andi %get3A_1046, %and3A_1051 : vector<16xi32>
      %shift_left3A_1053 = arith.constant 1 : i32
      %shift_left3A_1054 = vector.broadcast %shift_left3A_1053 : i32 to vector<16xi32>
      %shift_left3A_1055 = arith.shli %and3A_1052, %shift_left3A_1054 : vector<16xi32>
      %add3A_1056 = arith.addi %and3A_1049, %shift_left3A_1055 : vector<16xi32>
      %shift_right_arithmetic3A_1057 = arith.constant 11 : i32
      %shift_right_arithmetic3A_1058 = vector.broadcast %shift_right_arithmetic3A_1057 : i32 to vector<16xi32>
      %shift_right_arithmetic3A_1059 = arith.shrsi %get3A_1046, %shift_right_arithmetic3A_1058 : vector<16xi32>
      %and3A_1060 = arith.constant 1 : i32
      %and3A_1061 = vector.broadcast %and3A_1060 : i32 to vector<16xi32>
      %and3A_1062 = arith.andi %shift_right_arithmetic3A_1059, %and3A_1061 : vector<16xi32>
      %add3A_1063 = arith.addi %add3A_1056, %and3A_1062 : vector<16xi32>
      %swap3A_1064 = arith.constant 4 : i32
      %swap3A_1065 = arith.index_cast %scan3A_126 : i32 to index
      %swap3A_1066 = arith.index_cast %swap3A_1064 : i32 to index
      %swap3A_1067 = arith.constant 32 : index
      %swap3A_1068 = tpu.vector_load %arg6[%swap3A_1065, %swap3A_1066, %swap3A_1067] {strides = array<i32>} : memref<25x8x128xi32, #tpu.memory_space<vmem>>, vector<16xi32>,
      tpu.vector_store %arg6[%swap3A_1065, %swap3A_1066, %swap3A_1067], %add3A_1063 {strides = array<i32>} : memref<25x8x128xi32, #tpu.memory_space<vmem>>, vector<16xi32>,
      %get3A_1069 = arith.constant 4 : i32
      %get3A_1070 = arith.index_cast %scan3A_126 : i32 to index
      %get3A_1071 = arith.index_cast %get3A_1069 : i32 to index
      %get3A_1072 = arith.constant 48 : index
      %get3A_1073 = tpu.vector_load %arg6[%get3A_1070, %get3A_1071, %get3A_1072] {strides = array<i32>} : memref<25x8x128xi32, #tpu.memory_space<vmem>>, vector<16xi32>,
      %and3A_1074 = arith.constant -4096 : i32
      %and3A_1075 = vector.broadcast %and3A_1074 : i32 to vector<16xi32>
      %and3A_1076 = arith.andi %get3A_1073, %and3A_1075 : vector<16xi32>
      %and3A_1077 = arith.constant 2047 : i32
      %and3A_1078 = vector.broadcast %and3A_1077 : i32 to vector<16xi32>
      %and3A_1079 = arith.andi %get3A_1073, %and3A_1078 : vector<16xi32>
      %shift_left3A_1080 = arith.constant 1 : i32
      %shift_left3A_1081 = vector.broadcast %shift_left3A_1080 : i32 to vector<16xi32>
      %shift_left3A_1082 = arith.shli %and3A_1079, %shift_left3A_1081 : vector<16xi32>
      %add3A_1083 = arith.addi %and3A_1076, %shift_left3A_1082 : vector<16xi32>
      %shift_right_arithmetic3A_1084 = arith.constant 11 : i32
      %shift_right_arithmetic3A_1085 = vector.broadcast %shift_right_arithmetic3A_1084 : i32 to vector<16xi32>
      %shift_right_arithmetic3A_1086 = arith.shrsi %get3A_1073, %shift_right_arithmetic3A_1085 : vector<16xi32>
      %and3A_1087 = arith.constant 1 : i32
      %and3A_1088 = vector.broadcast %and3A_1087 : i32 to vector<16xi32>
      %and3A_1089 = arith.andi %shift_right_arithmetic3A_1086, %and3A_1088 : vector<16xi32>
      %add3A_1090 = arith.addi %add3A_1083, %and3A_1089 : vector<16xi32>
      %swap3A_1091 = arith.constant 4 : i32
      %swap3A_1092 = arith.index_cast %scan3A_126 : i32 to index
      %swap3A_1093 = arith.index_cast %swap3A_1091 : i32 to index
      %swap3A_1094 = arith.constant 48 : index
      %swap3A_1095 = tpu.vector_load %arg6[%swap3A_1092, %swap3A_1093, %swap3A_1094] {strides = array<i32>} : memref<25x8x128xi32, #tpu.memory_space<vmem>>, vector<16xi32>,
      tpu.vector_store %arg6[%swap3A_1092, %swap3A_1093, %swap3A_1094], %add3A_1090 {strides = array<i32>} : memref<25x8x128xi32, #tpu.memory_space<vmem>>, vector<16xi32>,
      %get3A_1096 = arith.constant 4 : i32
      %get3A_1097 = arith.index_cast %scan3A_126 : i32 to index
      %get3A_1098 = arith.index_cast %get3A_1096 : i32 to index
      %get3A_1099 = arith.constant 64 : index
      %get3A_1100 = tpu.vector_load %arg6[%get3A_1097, %get3A_1098, %get3A_1099] {strides = array<i32>} : memref<25x8x128xi32, #tpu.memory_space<vmem>>, vector<16xi32>,
      %and3A_1101 = arith.constant -4096 : i32
      %and3A_1102 = vector.broadcast %and3A_1101 : i32 to vector<16xi32>
      %and3A_1103 = arith.andi %get3A_1100, %and3A_1102 : vector<16xi32>
      %and3A_1104 = arith.constant 2047 : i32
      %and3A_1105 = vector.broadcast %and3A_1104 : i32 to vector<16xi32>
      %and3A_1106 = arith.andi %get3A_1100, %and3A_1105 : vector<16xi32>
      %shift_left3A_1107 = arith.constant 1 : i32
      %shift_left3A_1108 = vector.broadcast %shift_left3A_1107 : i32 to vector<16xi32>
      %shift_left3A_1109 = arith.shli %and3A_1106, %shift_left3A_1108 : vector<16xi32>
      %add3A_1110 = arith.addi %and3A_1103, %shift_left3A_1109 : vector<16xi32>
      %shift_right_arithmetic3A_1111 = arith.constant 11 : i32
      %shift_right_arithmetic3A_1112 = vector.broadcast %shift_right_arithmetic3A_1111 : i32 to vector<16xi32>
      %shift_right_arithmetic3A_1113 = arith.shrsi %get3A_1100, %shift_right_arithmetic3A_1112 : vector<16xi32>
      %and3A_1114 = arith.constant 1 : i32
      %and3A_1115 = vector.broadcast %and3A_1114 : i32 to vector<16xi32>
      %and3A_1116 = arith.andi %shift_right_arithmetic3A_1113, %and3A_1115 : vector<16xi32>
      %add3A_1117 = arith.addi %add3A_1110, %and3A_1116 : vector<16xi32>
      %swap3A_1118 = arith.constant 4 : i32
      %swap3A_1119 = arith.index_cast %scan3A_126 : i32 to index
      %swap3A_1120 = arith.index_cast %swap3A_1118 : i32 to index
      %swap3A_1121 = arith.constant 64 : index
      %swap3A_1122 = tpu.vector_load %arg6[%swap3A_1119, %swap3A_1120, %swap3A_1121] {strides = array<i32>} : memref<25x8x128xi32, #tpu.memory_space<vmem>>, vector<16xi32>,
      tpu.vector_store %arg6[%swap3A_1119, %swap3A_1120, %swap3A_1121], %add3A_1117 {strides = array<i32>} : memref<25x8x128xi32, #tpu.memory_space<vmem>>, vector<16xi32>,
      %get3A_1123 = arith.constant 4 : i32
      %get3A_1124 = arith.index_cast %scan3A_126 : i32 to index
      %get3A_1125 = arith.index_cast %get3A_1123 : i32 to index
      %get3A_1126 = arith.constant 80 : index
      %get3A_1127 = tpu.vector_load %arg6[%get3A_1124, %get3A_1125, %get3A_1126] {strides = array<i32>} : memref<25x8x128xi32, #tpu.memory_space<vmem>>, vector<16xi32>,
      %and3A_1128 = arith.constant -4096 : i32
      %and3A_1129 = vector.broadcast %and3A_1128 : i32 to vector<16xi32>
      %and3A_1130 = arith.andi %get3A_1127, %and3A_1129 : vector<16xi32>
      %and3A_1131 = arith.constant 2047 : i32
      %and3A_1132 = vector.broadcast %and3A_1131 : i32 to vector<16xi32>
      %and3A_1133 = arith.andi %get3A_1127, %and3A_1132 : vector<16xi32>
      %shift_left3A_1134 = arith.constant 1 : i32
      %shift_left3A_1135 = vector.broadcast %shift_left3A_1134 : i32 to vector<16xi32>
      %shift_left3A_1136 = arith.shli %and3A_1133, %shift_left3A_1135 : vector<16xi32>
      %add3A_1137 = arith.addi %and3A_1130, %shift_left3A_1136 : vector<16xi32>
      %shift_right_arithmetic3A_1138 = arith.constant 11 : i32
      %shift_right_arithmetic3A_1139 = vector.broadcast %shift_right_arithmetic3A_1138 : i32 to vector<16xi32>
      %shift_right_arithmetic3A_1140 = arith.shrsi %get3A_1127, %shift_right_arithmetic3A_1139 : vector<16xi32>
      %and3A_1141 = arith.constant 1 : i32
      %and3A_1142 = vector.broadcast %and3A_1141 : i32 to vector<16xi32>
      %and3A_1143 = arith.andi %shift_right_arithmetic3A_1140, %and3A_1142 : vector<16xi32>
      %add3A_1144 = arith.addi %add3A_1137, %and3A_1143 : vector<16xi32>
      %swap3A_1145 = arith.constant 4 : i32
      %swap3A_1146 = arith.index_cast %scan3A_126 : i32 to index
      %swap3A_1147 = arith.index_cast %swap3A_1145 : i32 to index
      %swap3A_1148 = arith.constant 80 : index
      %swap3A_1149 = tpu.vector_load %arg6[%swap3A_1146, %swap3A_1147, %swap3A_1148] {strides = array<i32>} : memref<25x8x128xi32, #tpu.memory_space<vmem>>, vector<16xi32>,
      tpu.vector_store %arg6[%swap3A_1146, %swap3A_1147, %swap3A_1148], %add3A_1144 {strides = array<i32>} : memref<25x8x128xi32, #tpu.memory_space<vmem>>, vector<16xi32>,
      %get3A_1150 = arith.constant 4 : i32
      %get3A_1151 = arith.index_cast %scan3A_126 : i32 to index
      %get3A_1152 = arith.index_cast %get3A_1150 : i32 to index
      %get3A_1153 = arith.constant 96 : index
      %get3A_1154 = tpu.vector_load %arg6[%get3A_1151, %get3A_1152, %get3A_1153] {strides = array<i32>} : memref<25x8x128xi32, #tpu.memory_space<vmem>>, vector<16xi32>,
      %and3A_1155 = arith.constant -4096 : i32
      %and3A_1156 = vector.broadcast %and3A_1155 : i32 to vector<16xi32>
      %and3A_1157 = arith.andi %get3A_1154, %and3A_1156 : vector<16xi32>
      %and3A_1158 = arith.constant 2047 : i32
      %and3A_1159 = vector.broadcast %and3A_1158 : i32 to vector<16xi32>
      %and3A_1160 = arith.andi %get3A_1154, %and3A_1159 : vector<16xi32>
      %shift_left3A_1161 = arith.constant 1 : i32
      %shift_left3A_1162 = vector.broadcast %shift_left3A_1161 : i32 to vector<16xi32>
      %shift_left3A_1163 = arith.shli %and3A_1160, %shift_left3A_1162 : vector<16xi32>
      %add3A_1164 = arith.addi %and3A_1157, %shift_left3A_1163 : vector<16xi32>
      %shift_right_arithmetic3A_1165 = arith.constant 11 : i32
      %shift_right_arithmetic3A_1166 = vector.broadcast %shift_right_arithmetic3A_1165 : i32 to vector<16xi32>
      %shift_right_arithmetic3A_1167 = arith.shrsi %get3A_1154, %shift_right_arithmetic3A_1166 : vector<16xi32>
      %and3A_1168 = arith.constant 1 : i32
      %and3A_1169 = vector.broadcast %and3A_1168 : i32 to vector<16xi32>
      %and3A_1170 = arith.andi %shift_right_arithmetic3A_1167, %and3A_1169 : vector<16xi32>
      %add3A_1171 = arith.addi %add3A_1164, %and3A_1170 : vector<16xi32>
      %swap3A_1172 = arith.constant 4 : i32
      %swap3A_1173 = arith.index_cast %scan3A_126 : i32 to index
      %swap3A_1174 = arith.index_cast %swap3A_1172 : i32 to index
      %swap3A_1175 = arith.constant 96 : index
      %swap3A_1176 = tpu.vector_load %arg6[%swap3A_1173, %swap3A_1174, %swap3A_1175] {strides = array<i32>} : memref<25x8x128xi32, #tpu.memory_space<vmem>>, vector<16xi32>,
      tpu.vector_store %arg6[%swap3A_1173, %swap3A_1174, %swap3A_1175], %add3A_1171 {strides = array<i32>} : memref<25x8x128xi32, #tpu.memory_space<vmem>>, vector<16xi32>,
      %get3A_1177 = arith.constant 4 : i32
      %get3A_1178 = arith.index_cast %scan3A_126 : i32 to index
      %get3A_1179 = arith.index_cast %get3A_1177 : i32 to index
      %get3A_1180 = arith.constant 112 : index
      %get3A_1181 = tpu.vector_load %arg6[%get3A_1178, %get3A_1179, %get3A_1180] {strides = array<i32>} : memref<25x8x128xi32, #tpu.memory_space<vmem>>, vector<16xi32>,
      %and3A_1182 = arith.constant -4096 : i32
      %and3A_1183 = vector.broadcast %and3A_1182 : i32 to vector<16xi32>
      %and3A_1184 = arith.andi %get3A_1181, %and3A_1183 : vector<16xi32>
      %and3A_1185 = arith.constant 2047 : i32
      %and3A_1186 = vector.broadcast %and3A_1185 : i32 to vector<16xi32>
      %and3A_1187 = arith.andi %get3A_1181, %and3A_1186 : vector<16xi32>
      %shift_left3A_1188 = arith.constant 1 : i32
      %shift_left3A_1189 = vector.broadcast %shift_left3A_1188 : i32 to vector<16xi32>
      %shift_left3A_1190 = arith.shli %and3A_1187, %shift_left3A_1189 : vector<16xi32>
      %add3A_1191 = arith.addi %and3A_1184, %shift_left3A_1190 : vector<16xi32>
      %shift_right_arithmetic3A_1192 = arith.constant 11 : i32
      %shift_right_arithmetic3A_1193 = vector.broadcast %shift_right_arithmetic3A_1192 : i32 to vector<16xi32>
      %shift_right_arithmetic3A_1194 = arith.shrsi %get3A_1181, %shift_right_arithmetic3A_1193 : vector<16xi32>
      %and3A_1195 = arith.constant 1 : i32
      %and3A_1196 = vector.broadcast %and3A_1195 : i32 to vector<16xi32>
      %and3A_1197 = arith.andi %shift_right_arithmetic3A_1194, %and3A_1196 : vector<16xi32>
      %add3A_1198 = arith.addi %add3A_1191, %and3A_1197 : vector<16xi32>
      %swap3A_1199 = arith.constant 4 : i32
      %swap3A_1200 = arith.index_cast %scan3A_126 : i32 to index
      %swap3A_1201 = arith.index_cast %swap3A_1199 : i32 to index
      %swap3A_1202 = arith.constant 112 : index
      %swap3A_1203 = tpu.vector_load %arg6[%swap3A_1200, %swap3A_1201, %swap3A_1202] {strides = array<i32>} : memref<25x8x128xi32, #tpu.memory_space<vmem>>, vector<16xi32>,
      tpu.vector_store %arg6[%swap3A_1200, %swap3A_1201, %swap3A_1202], %add3A_1198 {strides = array<i32>} : memref<25x8x128xi32, #tpu.memory_space<vmem>>, vector<16xi32>,
      %get3A_1204 = arith.constant 5 : i32
      %get3A_1205 = arith.index_cast %scan3A_126 : i32 to index
      %get3A_1206 = arith.index_cast %get3A_1204 : i32 to index
      %get3A_1207 = arith.constant 0 : index
      %get3A_1208 = tpu.vector_load %arg6[%get3A_1205, %get3A_1206, %get3A_1207] {strides = array<i32>} : memref<25x8x128xi32, #tpu.memory_space<vmem>>, vector<16xi32>,
      %and3A_1209 = arith.constant -4096 : i32
      %and3A_1210 = vector.broadcast %and3A_1209 : i32 to vector<16xi32>
      %and3A_1211 = arith.andi %get3A_1208, %and3A_1210 : vector<16xi32>
      %and3A_1212 = arith.constant 2047 : i32
      %and3A_1213 = vector.broadcast %and3A_1212 : i32 to vector<16xi32>
      %and3A_1214 = arith.andi %get3A_1208, %and3A_1213 : vector<16xi32>
      %shift_left3A_1215 = arith.constant 1 : i32
      %shift_left3A_1216 = vector.broadcast %shift_left3A_1215 : i32 to vector<16xi32>
      %shift_left3A_1217 = arith.shli %and3A_1214, %shift_left3A_1216 : vector<16xi32>
      %add3A_1218 = arith.addi %and3A_1211, %shift_left3A_1217 : vector<16xi32>
      %shift_right_arithmetic3A_1219 = arith.constant 11 : i32
      %shift_right_arithmetic3A_1220 = vector.broadcast %shift_right_arithmetic3A_1219 : i32 to vector<16xi32>
      %shift_right_arithmetic3A_1221 = arith.shrsi %get3A_1208, %shift_right_arithmetic3A_1220 : vector<16xi32>
      %and3A_1222 = arith.constant 1 : i32
      %and3A_1223 = vector.broadcast %and3A_1222 : i32 to vector<16xi32>
      %and3A_1224 = arith.andi %shift_right_arithmetic3A_1221, %and3A_1223 : vector<16xi32>
      %add3A_1225 = arith.addi %add3A_1218, %and3A_1224 : vector<16xi32>
      %swap3A_1226 = arith.constant 5 : i32
      %swap3A_1227 = arith.index_cast %scan3A_126 : i32 to index
      %swap3A_1228 = arith.index_cast %swap3A_1226 : i32 to index
      %swap3A_1229 = arith.constant 0 : index
      %swap3A_1230 = tpu.vector_load %arg6[%swap3A_1227, %swap3A_1228, %swap3A_1229] {strides = array<i32>} : memref<25x8x128xi32, #tpu.memory_space<vmem>>, vector<16xi32>,
      tpu.vector_store %arg6[%swap3A_1227, %swap3A_1228, %swap3A_1229], %add3A_1225 {strides = array<i32>} : memref<25x8x128xi32, #tpu.memory_space<vmem>>, vector<16xi32>,
      %get3A_1231 = arith.constant 5 : i32
      %get3A_1232 = arith.index_cast %scan3A_126 : i32 to index
      %get3A_1233 = arith.index_cast %get3A_1231 : i32 to index
      %get3A_1234 = arith.constant 16 : index
      %get3A_1235 = tpu.vector_load %arg6[%get3A_1232, %get3A_1233, %get3A_1234] {strides = array<i32>} : memref<25x8x128xi32, #tpu.memory_space<vmem>>, vector<16xi32>,
      %and3A_1236 = arith.constant -4096 : i32
      %and3A_1237 = vector.broadcast %and3A_1236 : i32 to vector<16xi32>
      %and3A_1238 = arith.andi %get3A_1235, %and3A_1237 : vector<16xi32>
      %and3A_1239 = arith.constant 2047 : i32
      %and3A_1240 = vector.broadcast %and3A_1239 : i32 to vector<16xi32>
      %and3A_1241 = arith.andi %get3A_1235, %and3A_1240 : vector<16xi32>
      %shift_left3A_1242 = arith.constant 1 : i32
      %shift_left3A_1243 = vector.broadcast %shift_left3A_1242 : i32 to vector<16xi32>
      %shift_left3A_1244 = arith.shli %and3A_1241, %shift_left3A_1243 : vector<16xi32>
      %add3A_1245 = arith.addi %and3A_1238, %shift_left3A_1244 : vector<16xi32>
      %shift_right_arithmetic3A_1246 = arith.constant 11 : i32
      %shift_right_arithmetic3A_1247 = vector.broadcast %shift_right_arithmetic3A_1246 : i32 to vector<16xi32>
      %shift_right_arithmetic3A_1248 = arith.shrsi %get3A_1235, %shift_right_arithmetic3A_1247 : vector<16xi32>
      %and3A_1249 = arith.constant 1 : i32
      %and3A_1250 = vector.broadcast %and3A_1249 : i32 to vector<16xi32>
      %and3A_1251 = arith.andi %shift_right_arithmetic3A_1248, %and3A_1250 : vector<16xi32>
      %add3A_1252 = arith.addi %add3A_1245, %and3A_1251 : vector<16xi32>
      %swap3A_1253 = arith.constant 5 : i32
      %swap3A_1254 = arith.index_cast %scan3A_126 : i32 to index
      %swap3A_1255 = arith.index_cast %swap3A_1253 : i32 to index
      %swap3A_1256 = arith.constant 16 : index
      %swap3A_1257 = tpu.vector_load %arg6[%swap3A_1254, %swap3A_1255, %swap3A_1256] {strides = array<i32>} : memref<25x8x128xi32, #tpu.memory_space<vmem>>, vector<16xi32>,
      tpu.vector_store %arg6[%swap3A_1254, %swap3A_1255, %swap3A_1256], %add3A_1252 {strides = array<i32>} : memref<25x8x128xi32, #tpu.memory_space<vmem>>, vector<16xi32>,
      %get3A_1258 = arith.constant 5 : i32
      %get3A_1259 = arith.index_cast %scan3A_126 : i32 to index
      %get3A_1260 = arith.index_cast %get3A_1258 : i32 to index
      %get3A_1261 = arith.constant 32 : index
      %get3A_1262 = tpu.vector_load %arg6[%get3A_1259, %get3A_1260, %get3A_1261] {strides = array<i32>} : memref<25x8x128xi32, #tpu.memory_space<vmem>>, vector<16xi32>,
      %and3A_1263 = arith.constant -4096 : i32
      %and3A_1264 = vector.broadcast %and3A_1263 : i32 to vector<16xi32>
      %and3A_1265 = arith.andi %get3A_1262, %and3A_1264 : vector<16xi32>
      %and3A_1266 = arith.constant 2047 : i32
      %and3A_1267 = vector.broadcast %and3A_1266 : i32 to vector<16xi32>
      %and3A_1268 = arith.andi %get3A_1262, %and3A_1267 : vector<16xi32>
      %shift_left3A_1269 = arith.constant 1 : i32
      %shift_left3A_1270 = vector.broadcast %shift_left3A_1269 : i32 to vector<16xi32>
      %shift_left3A_1271 = arith.shli %and3A_1268, %shift_left3A_1270 : vector<16xi32>
      %add3A_1272 = arith.addi %and3A_1265, %shift_left3A_1271 : vector<16xi32>
      %shift_right_arithmetic3A_1273 = arith.constant 11 : i32
      %shift_right_arithmetic3A_1274 = vector.broadcast %shift_right_arithmetic3A_1273 : i32 to vector<16xi32>
      %shift_right_arithmetic3A_1275 = arith.shrsi %get3A_1262, %shift_right_arithmetic3A_1274 : vector<16xi32>
      %and3A_1276 = arith.constant 1 : i32
      %and3A_1277 = vector.broadcast %and3A_1276 : i32 to vector<16xi32>
      %and3A_1278 = arith.andi %shift_right_arithmetic3A_1275, %and3A_1277 : vector<16xi32>
      %add3A_1279 = arith.addi %add3A_1272, %and3A_1278 : vector<16xi32>
      %swap3A_1280 = arith.constant 5 : i32
      %swap3A_1281 = arith.index_cast %scan3A_126 : i32 to index
      %swap3A_1282 = arith.index_cast %swap3A_1280 : i32 to index
      %swap3A_1283 = arith.constant 32 : index
      %swap3A_1284 = tpu.vector_load %arg6[%swap3A_1281, %swap3A_1282, %swap3A_1283] {strides = array<i32>} : memref<25x8x128xi32, #tpu.memory_space<vmem>>, vector<16xi32>,
      tpu.vector_store %arg6[%swap3A_1281, %swap3A_1282, %swap3A_1283], %add3A_1279 {strides = array<i32>} : memref<25x8x128xi32, #tpu.memory_space<vmem>>, vector<16xi32>,
      %get3A_1285 = arith.constant 5 : i32
      %get3A_1286 = arith.index_cast %scan3A_126 : i32 to index
      %get3A_1287 = arith.index_cast %get3A_1285 : i32 to index
      %get3A_1288 = arith.constant 48 : index
      %get3A_1289 = tpu.vector_load %arg6[%get3A_1286, %get3A_1287, %get3A_1288] {strides = array<i32>} : memref<25x8x128xi32, #tpu.memory_space<vmem>>, vector<16xi32>,
      %and3A_1290 = arith.constant -4096 : i32
      %and3A_1291 = vector.broadcast %and3A_1290 : i32 to vector<16xi32>
      %and3A_1292 = arith.andi %get3A_1289, %and3A_1291 : vector<16xi32>
      %and3A_1293 = arith.constant 2047 : i32
      %and3A_1294 = vector.broadcast %and3A_1293 : i32 to vector<16xi32>
      %and3A_1295 = arith.andi %get3A_1289, %and3A_1294 : vector<16xi32>
      %shift_left3A_1296 = arith.constant 1 : i32
      %shift_left3A_1297 = vector.broadcast %shift_left3A_1296 : i32 to vector<16xi32>
      %shift_left3A_1298 = arith.shli %and3A_1295, %shift_left3A_1297 : vector<16xi32>
      %add3A_1299 = arith.addi %and3A_1292, %shift_left3A_1298 : vector<16xi32>
      %shift_right_arithmetic3A_1300 = arith.constant 11 : i32
      %shift_right_arithmetic3A_1301 = vector.broadcast %shift_right_arithmetic3A_1300 : i32 to vector<16xi32>
      %shift_right_arithmetic3A_1302 = arith.shrsi %get3A_1289, %shift_right_arithmetic3A_1301 : vector<16xi32>
      %and3A_1303 = arith.constant 1 : i32
      %and3A_1304 = vector.broadcast %and3A_1303 : i32 to vector<16xi32>
      %and3A_1305 = arith.andi %shift_right_arithmetic3A_1302, %and3A_1304 : vector<16xi32>
      %add3A_1306 = arith.addi %add3A_1299, %and3A_1305 : vector<16xi32>
      %swap3A_1307 = arith.constant 5 : i32
      %swap3A_1308 = arith.index_cast %scan3A_126 : i32 to index
      %swap3A_1309 = arith.index_cast %swap3A_1307 : i32 to index
      %swap3A_1310 = arith.constant 48 : index
      %swap3A_1311 = tpu.vector_load %arg6[%swap3A_1308, %swap3A_1309, %swap3A_1310] {strides = array<i32>} : memref<25x8x128xi32, #tpu.memory_space<vmem>>, vector<16xi32>,
      tpu.vector_store %arg6[%swap3A_1308, %swap3A_1309, %swap3A_1310], %add3A_1306 {strides = array<i32>} : memref<25x8x128xi32, #tpu.memory_space<vmem>>, vector<16xi32>,
      %get3A_1312 = arith.constant 5 : i32
      %get3A_1313 = arith.index_cast %scan3A_126 : i32 to index
      %get3A_1314 = arith.index_cast %get3A_1312 : i32 to index
      %get3A_1315 = arith.constant 64 : index
      %get3A_1316 = tpu.vector_load %arg6[%get3A_1313, %get3A_1314, %get3A_1315] {strides = array<i32>} : memref<25x8x128xi32, #tpu.memory_space<vmem>>, vector<16xi32>,
      %and3A_1317 = arith.constant -4096 : i32
      %and3A_1318 = vector.broadcast %and3A_1317 : i32 to vector<16xi32>
      %and3A_1319 = arith.andi %get3A_1316, %and3A_1318 : vector<16xi32>
      %and3A_1320 = arith.constant 2047 : i32
      %and3A_1321 = vector.broadcast %and3A_1320 : i32 to vector<16xi32>
      %and3A_1322 = arith.andi %get3A_1316, %and3A_1321 : vector<16xi32>
      %shift_left3A_1323 = arith.constant 1 : i32
      %shift_left3A_1324 = vector.broadcast %shift_left3A_1323 : i32 to vector<16xi32>
      %shift_left3A_1325 = arith.shli %and3A_1322, %shift_left3A_1324 : vector<16xi32>
      %add3A_1326 = arith.addi %and3A_1319, %shift_left3A_1325 : vector<16xi32>
      %shift_right_arithmetic3A_1327 = arith.constant 11 : i32
      %shift_right_arithmetic3A_1328 = vector.broadcast %shift_right_arithmetic3A_1327 : i32 to vector<16xi32>
      %shift_right_arithmetic3A_1329 = arith.shrsi %get3A_1316, %shift_right_arithmetic3A_1328 : vector<16xi32>
      %and3A_1330 = arith.constant 1 : i32
      %and3A_1331 = vector.broadcast %and3A_1330 : i32 to vector<16xi32>
      %and3A_1332 = arith.andi %shift_right_arithmetic3A_1329, %and3A_1331 : vector<16xi32>
      %add3A_1333 = arith.addi %add3A_1326, %and3A_1332 : vector<16xi32>
      %swap3A_1334 = arith.constant 5 : i32
      %swap3A_1335 = arith.index_cast %scan3A_126 : i32 to index
      %swap3A_1336 = arith.index_cast %swap3A_1334 : i32 to index
      %swap3A_1337 = arith.constant 64 : index
      %swap3A_1338 = tpu.vector_load %arg6[%swap3A_1335, %swap3A_1336, %swap3A_1337] {strides = array<i32>} : memref<25x8x128xi32, #tpu.memory_space<vmem>>, vector<16xi32>,
      tpu.vector_store %arg6[%swap3A_1335, %swap3A_1336, %swap3A_1337], %add3A_1333 {strides = array<i32>} : memref<25x8x128xi32, #tpu.memory_space<vmem>>, vector<16xi32>,
      %get3A_1339 = arith.constant 5 : i32
      %get3A_1340 = arith.index_cast %scan3A_126 : i32 to index
      %get3A_1341 = arith.index_cast %get3A_1339 : i32 to index
      %get3A_1342 = arith.constant 80 : index
      %get3A_1343 = tpu.vector_load %arg6[%get3A_1340, %get3A_1341, %get3A_1342] {strides = array<i32>} : memref<25x8x128xi32, #tpu.memory_space<vmem>>, vector<16xi32>,
      %and3A_1344 = arith.constant -4096 : i32
      %and3A_1345 = vector.broadcast %and3A_1344 : i32 to vector<16xi32>
      %and3A_1346 = arith.andi %get3A_1343, %and3A_1345 : vector<16xi32>
      %and3A_1347 = arith.constant 2047 : i32
      %and3A_1348 = vector.broadcast %and3A_1347 : i32 to vector<16xi32>
      %and3A_1349 = arith.andi %get3A_1343, %and3A_1348 : vector<16xi32>
      %shift_left3A_1350 = arith.constant 1 : i32
      %shift_left3A_1351 = vector.broadcast %shift_left3A_1350 : i32 to vector<16xi32>
      %shift_left3A_1352 = arith.shli %and3A_1349, %shift_left3A_1351 : vector<16xi32>
      %add3A_1353 = arith.addi %and3A_1346, %shift_left3A_1352 : vector<16xi32>
      %shift_right_arithmetic3A_1354 = arith.constant 11 : i32
      %shift_right_arithmetic3A_1355 = vector.broadcast %shift_right_arithmetic3A_1354 : i32 to vector<16xi32>
      %shift_right_arithmetic3A_1356 = arith.shrsi %get3A_1343, %shift_right_arithmetic3A_1355 : vector<16xi32>
      %and3A_1357 = arith.constant 1 : i32
      %and3A_1358 = vector.broadcast %and3A_1357 : i32 to vector<16xi32>
      %and3A_1359 = arith.andi %shift_right_arithmetic3A_1356, %and3A_1358 : vector<16xi32>
      %add3A_1360 = arith.addi %add3A_1353, %and3A_1359 : vector<16xi32>
      %swap3A_1361 = arith.constant 5 : i32
      %swap3A_1362 = arith.index_cast %scan3A_126 : i32 to index
      %swap3A_1363 = arith.index_cast %swap3A_1361 : i32 to index
      %swap3A_1364 = arith.constant 80 : index
      %swap3A_1365 = tpu.vector_load %arg6[%swap3A_1362, %swap3A_1363, %swap3A_1364] {strides = array<i32>} : memref<25x8x128xi32, #tpu.memory_space<vmem>>, vector<16xi32>,
      tpu.vector_store %arg6[%swap3A_1362, %swap3A_1363, %swap3A_1364], %add3A_1360 {strides = array<i32>} : memref<25x8x128xi32, #tpu.memory_space<vmem>>, vector<16xi32>,
      %get3A_1366 = arith.constant 5 : i32
      %get3A_1367 = arith.index_cast %scan3A_126 : i32 to index
      %get3A_1368 = arith.index_cast %get3A_1366 : i32 to index
      %get3A_1369 = arith.constant 96 : index
      %get3A_1370 = tpu.vector_load %arg6[%get3A_1367, %get3A_1368, %get3A_1369] {strides = array<i32>} : memref<25x8x128xi32, #tpu.memory_space<vmem>>, vector<16xi32>,
      %and3A_1371 = arith.constant -4096 : i32
      %and3A_1372 = vector.broadcast %and3A_1371 : i32 to vector<16xi32>
      %and3A_1373 = arith.andi %get3A_1370, %and3A_1372 : vector<16xi32>
      %and3A_1374 = arith.constant 2047 : i32
      %and3A_1375 = vector.broadcast %and3A_1374 : i32 to vector<16xi32>
      %and3A_1376 = arith.andi %get3A_1370, %and3A_1375 : vector<16xi32>
      %shift_left3A_1377 = arith.constant 1 : i32
      %shift_left3A_1378 = vector.broadcast %shift_left3A_1377 : i32 to vector<16xi32>
      %shift_left3A_1379 = arith.shli %and3A_1376, %shift_left3A_1378 : vector<16xi32>
      %add3A_1380 = arith.addi %and3A_1373, %shift_left3A_1379 : vector<16xi32>
      %shift_right_arithmetic3A_1381 = arith.constant 11 : i32
      %shift_right_arithmetic3A_1382 = vector.broadcast %shift_right_arithmetic3A_1381 : i32 to vector<16xi32>
      %shift_right_arithmetic3A_1383 = arith.shrsi %get3A_1370, %shift_right_arithmetic3A_1382 : vector<16xi32>
      %and3A_1384 = arith.constant 1 : i32
      %and3A_1385 = vector.broadcast %and3A_1384 : i32 to vector<16xi32>
      %and3A_1386 = arith.andi %shift_right_arithmetic3A_1383, %and3A_1385 : vector<16xi32>
      %add3A_1387 = arith.addi %add3A_1380, %and3A_1386 : vector<16xi32>
      %swap3A_1388 = arith.constant 5 : i32
      %swap3A_1389 = arith.index_cast %scan3A_126 : i32 to index
      %swap3A_1390 = arith.index_cast %swap3A_1388 : i32 to index
      %swap3A_1391 = arith.constant 96 : index
      %swap3A_1392 = tpu.vector_load %arg6[%swap3A_1389, %swap3A_1390, %swap3A_1391] {strides = array<i32>} : memref<25x8x128xi32, #tpu.memory_space<vmem>>, vector<16xi32>,
      tpu.vector_store %arg6[%swap3A_1389, %swap3A_1390, %swap3A_1391], %add3A_1387 {strides = array<i32>} : memref<25x8x128xi32, #tpu.memory_space<vmem>>, vector<16xi32>,
      %get3A_1393 = arith.constant 5 : i32
      %get3A_1394 = arith.index_cast %scan3A_126 : i32 to index
      %get3A_1395 = arith.index_cast %get3A_1393 : i32 to index
      %get3A_1396 = arith.constant 112 : index
      %get3A_1397 = tpu.vector_load %arg6[%get3A_1394, %get3A_1395, %get3A_1396] {strides = array<i32>} : memref<25x8x128xi32, #tpu.memory_space<vmem>>, vector<16xi32>,
      %and3A_1398 = arith.constant -4096 : i32
      %and3A_1399 = vector.broadcast %and3A_1398 : i32 to vector<16xi32>
      %and3A_1400 = arith.andi %get3A_1397, %and3A_1399 : vector<16xi32>
      %and3A_1401 = arith.constant 2047 : i32
      %and3A_1402 = vector.broadcast %and3A_1401 : i32 to vector<16xi32>
      %and3A_1403 = arith.andi %get3A_1397, %and3A_1402 : vector<16xi32>
      %shift_left3A_1404 = arith.constant 1 : i32
      %shift_left3A_1405 = vector.broadcast %shift_left3A_1404 : i32 to vector<16xi32>
      %shift_left3A_1406 = arith.shli %and3A_1403, %shift_left3A_1405 : vector<16xi32>
      %add3A_1407 = arith.addi %and3A_1400, %shift_left3A_1406 : vector<16xi32>
      %shift_right_arithmetic3A_1408 = arith.constant 11 : i32
      %shift_right_arithmetic3A_1409 = vector.broadcast %shift_right_arithmetic3A_1408 : i32 to vector<16xi32>
      %shift_right_arithmetic3A_1410 = arith.shrsi %get3A_1397, %shift_right_arithmetic3A_1409 : vector<16xi32>
      %and3A_1411 = arith.constant 1 : i32
      %and3A_1412 = vector.broadcast %and3A_1411 : i32 to vector<16xi32>
      %and3A_1413 = arith.andi %shift_right_arithmetic3A_1410, %and3A_1412 : vector<16xi32>
      %add3A_1414 = arith.addi %add3A_1407, %and3A_1413 : vector<16xi32>
      %swap3A_1415 = arith.constant 5 : i32
      %swap3A_1416 = arith.index_cast %scan3A_126 : i32 to index
      %swap3A_1417 = arith.index_cast %swap3A_1415 : i32 to index
      %swap3A_1418 = arith.constant 112 : index
      %swap3A_1419 = tpu.vector_load %arg6[%swap3A_1416, %swap3A_1417, %swap3A_1418] {strides = array<i32>} : memref<25x8x128xi32, #tpu.memory_space<vmem>>, vector<16xi32>,
      tpu.vector_store %arg6[%swap3A_1416, %swap3A_1417, %swap3A_1418], %add3A_1414 {strides = array<i32>} : memref<25x8x128xi32, #tpu.memory_space<vmem>>, vector<16xi32>,
      %get3A_1420 = arith.constant 6 : i32
      %get3A_1421 = arith.index_cast %scan3A_126 : i32 to index
      %get3A_1422 = arith.index_cast %get3A_1420 : i32 to index
      %get3A_1423 = arith.constant 0 : index
      %get3A_1424 = tpu.vector_load %arg6[%get3A_1421, %get3A_1422, %get3A_1423] {strides = array<i32>} : memref<25x8x128xi32, #tpu.memory_space<vmem>>, vector<16xi32>,
      %and3A_1425 = arith.constant -4096 : i32
      %and3A_1426 = vector.broadcast %and3A_1425 : i32 to vector<16xi32>
      %and3A_1427 = arith.andi %get3A_1424, %and3A_1426 : vector<16xi32>
      %and3A_1428 = arith.constant 2047 : i32
      %and3A_1429 = vector.broadcast %and3A_1428 : i32 to vector<16xi32>
      %and3A_1430 = arith.andi %get3A_1424, %and3A_1429 : vector<16xi32>
      %shift_left3A_1431 = arith.constant 1 : i32
      %shift_left3A_1432 = vector.broadcast %shift_left3A_1431 : i32 to vector<16xi32>
      %shift_left3A_1433 = arith.shli %and3A_1430, %shift_left3A_1432 : vector<16xi32>
      %add3A_1434 = arith.addi %and3A_1427, %shift_left3A_1433 : vector<16xi32>
      %shift_right_arithmetic3A_1435 = arith.constant 11 : i32
      %shift_right_arithmetic3A_1436 = vector.broadcast %shift_right_arithmetic3A_1435 : i32 to vector<16xi32>
      %shift_right_arithmetic3A_1437 = arith.shrsi %get3A_1424, %shift_right_arithmetic3A_1436 : vector<16xi32>
      %and3A_1438 = arith.constant 1 : i32
      %and3A_1439 = vector.broadcast %and3A_1438 : i32 to vector<16xi32>
      %and3A_1440 = arith.andi %shift_right_arithmetic3A_1437, %and3A_1439 : vector<16xi32>
      %add3A_1441 = arith.addi %add3A_1434, %and3A_1440 : vector<16xi32>
      %swap3A_1442 = arith.constant 6 : i32
      %swap3A_1443 = arith.index_cast %scan3A_126 : i32 to index
      %swap3A_1444 = arith.index_cast %swap3A_1442 : i32 to index
      %swap3A_1445 = arith.constant 0 : index
      %swap3A_1446 = tpu.vector_load %arg6[%swap3A_1443, %swap3A_1444, %swap3A_1445] {strides = array<i32>} : memref<25x8x128xi32, #tpu.memory_space<vmem>>, vector<16xi32>,
      tpu.vector_store %arg6[%swap3A_1443, %swap3A_1444, %swap3A_1445], %add3A_1441 {strides = array<i32>} : memref<25x8x128xi32, #tpu.memory_space<vmem>>, vector<16xi32>,
      %get3A_1447 = arith.constant 6 : i32
      %get3A_1448 = arith.index_cast %scan3A_126 : i32 to index
      %get3A_1449 = arith.index_cast %get3A_1447 : i32 to index
      %get3A_1450 = arith.constant 16 : index
      %get3A_1451 = tpu.vector_load %arg6[%get3A_1448, %get3A_1449, %get3A_1450] {strides = array<i32>} : memref<25x8x128xi32, #tpu.memory_space<vmem>>, vector<16xi32>,
      %and3A_1452 = arith.constant -4096 : i32
      %and3A_1453 = vector.broadcast %and3A_1452 : i32 to vector<16xi32>
      %and3A_1454 = arith.andi %get3A_1451, %and3A_1453 : vector<16xi32>
      %and3A_1455 = arith.constant 2047 : i32
      %and3A_1456 = vector.broadcast %and3A_1455 : i32 to vector<16xi32>
      %and3A_1457 = arith.andi %get3A_1451, %and3A_1456 : vector<16xi32>
      %shift_left3A_1458 = arith.constant 1 : i32
      %shift_left3A_1459 = vector.broadcast %shift_left3A_1458 : i32 to vector<16xi32>
      %shift_left3A_1460 = arith.shli %and3A_1457, %shift_left3A_1459 : vector<16xi32>
      %add3A_1461 = arith.addi %and3A_1454, %shift_left3A_1460 : vector<16xi32>
      %shift_right_arithmetic3A_1462 = arith.constant 11 : i32
      %shift_right_arithmetic3A_1463 = vector.broadcast %shift_right_arithmetic3A_1462 : i32 to vector<16xi32>
      %shift_right_arithmetic3A_1464 = arith.shrsi %get3A_1451, %shift_right_arithmetic3A_1463 : vector<16xi32>
      %and3A_1465 = arith.constant 1 : i32
      %and3A_1466 = vector.broadcast %and3A_1465 : i32 to vector<16xi32>
      %and3A_1467 = arith.andi %shift_right_arithmetic3A_1464, %and3A_1466 : vector<16xi32>
      %add3A_1468 = arith.addi %add3A_1461, %and3A_1467 : vector<16xi32>
      %swap3A_1469 = arith.constant 6 : i32
      %swap3A_1470 = arith.index_cast %scan3A_126 : i32 to index
      %swap3A_1471 = arith.index_cast %swap3A_1469 : i32 to index
      %swap3A_1472 = arith.constant 16 : index
      %swap3A_1473 = tpu.vector_load %arg6[%swap3A_1470, %swap3A_1471, %swap3A_1472] {strides = array<i32>} : memref<25x8x128xi32, #tpu.memory_space<vmem>>, vector<16xi32>,
      tpu.vector_store %arg6[%swap3A_1470, %swap3A_1471, %swap3A_1472], %add3A_1468 {strides = array<i32>} : memref<25x8x128xi32, #tpu.memory_space<vmem>>, vector<16xi32>,
      %get3A_1474 = arith.constant 6 : i32
      %get3A_1475 = arith.index_cast %scan3A_126 : i32 to index
      %get3A_1476 = arith.index_cast %get3A_1474 : i32 to index
      %get3A_1477 = arith.constant 32 : index
      %get3A_1478 = tpu.vector_load %arg6[%get3A_1475, %get3A_1476, %get3A_1477] {strides = array<i32>} : memref<25x8x128xi32, #tpu.memory_space<vmem>>, vector<16xi32>,
      %and3A_1479 = arith.constant -4096 : i32
      %and3A_1480 = vector.broadcast %and3A_1479 : i32 to vector<16xi32>
      %and3A_1481 = arith.andi %get3A_1478, %and3A_1480 : vector<16xi32>
      %and3A_1482 = arith.constant 2047 : i32
      %and3A_1483 = vector.broadcast %and3A_1482 : i32 to vector<16xi32>
      %and3A_1484 = arith.andi %get3A_1478, %and3A_1483 : vector<16xi32>
      %shift_left3A_1485 = arith.constant 1 : i32
      %shift_left3A_1486 = vector.broadcast %shift_left3A_1485 : i32 to vector<16xi32>
      %shift_left3A_1487 = arith.shli %and3A_1484, %shift_left3A_1486 : vector<16xi32>
      %add3A_1488 = arith.addi %and3A_1481, %shift_left3A_1487 : vector<16xi32>
      %shift_right_arithmetic3A_1489 = arith.constant 11 : i32
      %shift_right_arithmetic3A_1490 = vector.broadcast %shift_right_arithmetic3A_1489 : i32 to vector<16xi32>
      %shift_right_arithmetic3A_1491 = arith.shrsi %get3A_1478, %shift_right_arithmetic3A_1490 : vector<16xi32>
      %and3A_1492 = arith.constant 1 : i32
      %and3A_1493 = vector.broadcast %and3A_1492 : i32 to vector<16xi32>
      %and3A_1494 = arith.andi %shift_right_arithmetic3A_1491, %and3A_1493 : vector<16xi32>
      %add3A_1495 = arith.addi %add3A_1488, %and3A_1494 : vector<16xi32>
      %swap3A_1496 = arith.constant 6 : i32
      %swap3A_1497 = arith.index_cast %scan3A_126 : i32 to index
      %swap3A_1498 = arith.index_cast %swap3A_1496 : i32 to index
      %swap3A_1499 = arith.constant 32 : index
      %swap3A_1500 = tpu.vector_load %arg6[%swap3A_1497, %swap3A_1498, %swap3A_1499] {strides = array<i32>} : memref<25x8x128xi32, #tpu.memory_space<vmem>>, vector<16xi32>,
      tpu.vector_store %arg6[%swap3A_1497, %swap3A_1498, %swap3A_1499], %add3A_1495 {strides = array<i32>} : memref<25x8x128xi32, #tpu.memory_space<vmem>>, vector<16xi32>,
      %get3A_1501 = arith.constant 6 : i32
      %get3A_1502 = arith.index_cast %scan3A_126 : i32 to index
      %get3A_1503 = arith.index_cast %get3A_1501 : i32 to index
      %get3A_1504 = arith.constant 48 : index
      %get3A_1505 = tpu.vector_load %arg6[%get3A_1502, %get3A_1503, %get3A_1504] {strides = array<i32>} : memref<25x8x128xi32, #tpu.memory_space<vmem>>, vector<16xi32>,
      %and3A_1506 = arith.constant -4096 : i32
      %and3A_1507 = vector.broadcast %and3A_1506 : i32 to vector<16xi32>
      %and3A_1508 = arith.andi %get3A_1505, %and3A_1507 : vector<16xi32>
      %and3A_1509 = arith.constant 2047 : i32
      %and3A_1510 = vector.broadcast %and3A_1509 : i32 to vector<16xi32>
      %and3A_1511 = arith.andi %get3A_1505, %and3A_1510 : vector<16xi32>
      %shift_left3A_1512 = arith.constant 1 : i32
      %shift_left3A_1513 = vector.broadcast %shift_left3A_1512 : i32 to vector<16xi32>
      %shift_left3A_1514 = arith.shli %and3A_1511, %shift_left3A_1513 : vector<16xi32>
      %add3A_1515 = arith.addi %and3A_1508, %shift_left3A_1514 : vector<16xi32>
      %shift_right_arithmetic3A_1516 = arith.constant 11 : i32
      %shift_right_arithmetic3A_1517 = vector.broadcast %shift_right_arithmetic3A_1516 : i32 to vector<16xi32>
      %shift_right_arithmetic3A_1518 = arith.shrsi %get3A_1505, %shift_right_arithmetic3A_1517 : vector<16xi32>
      %and3A_1519 = arith.constant 1 : i32
      %and3A_1520 = vector.broadcast %and3A_1519 : i32 to vector<16xi32>
      %and3A_1521 = arith.andi %shift_right_arithmetic3A_1518, %and3A_1520 : vector<16xi32>
      %add3A_1522 = arith.addi %add3A_1515, %and3A_1521 : vector<16xi32>
      %swap3A_1523 = arith.constant 6 : i32
      %swap3A_1524 = arith.index_cast %scan3A_126 : i32 to index
      %swap3A_1525 = arith.index_cast %swap3A_1523 : i32 to index
      %swap3A_1526 = arith.constant 48 : index
      %swap3A_1527 = tpu.vector_load %arg6[%swap3A_1524, %swap3A_1525, %swap3A_1526] {strides = array<i32>} : memref<25x8x128xi32, #tpu.memory_space<vmem>>, vector<16xi32>,
      tpu.vector_store %arg6[%swap3A_1524, %swap3A_1525, %swap3A_1526], %add3A_1522 {strides = array<i32>} : memref<25x8x128xi32, #tpu.memory_space<vmem>>, vector<16xi32>,
      %get3A_1528 = arith.constant 6 : i32
      %get3A_1529 = arith.index_cast %scan3A_126 : i32 to index
      %get3A_1530 = arith.index_cast %get3A_1528 : i32 to index
      %get3A_1531 = arith.constant 64 : index
      %get3A_1532 = tpu.vector_load %arg6[%get3A_1529, %get3A_1530, %get3A_1531] {strides = array<i32>} : memref<25x8x128xi32, #tpu.memory_space<vmem>>, vector<16xi32>,
      %and3A_1533 = arith.constant -4096 : i32
      %and3A_1534 = vector.broadcast %and3A_1533 : i32 to vector<16xi32>
      %and3A_1535 = arith.andi %get3A_1532, %and3A_1534 : vector<16xi32>
      %and3A_1536 = arith.constant 2047 : i32
      %and3A_1537 = vector.broadcast %and3A_1536 : i32 to vector<16xi32>
      %and3A_1538 = arith.andi %get3A_1532, %and3A_1537 : vector<16xi32>
      %shift_left3A_1539 = arith.constant 1 : i32
      %shift_left3A_1540 = vector.broadcast %shift_left3A_1539 : i32 to vector<16xi32>
      %shift_left3A_1541 = arith.shli %and3A_1538, %shift_left3A_1540 : vector<16xi32>
      %add3A_1542 = arith.addi %and3A_1535, %shift_left3A_1541 : vector<16xi32>
      %shift_right_arithmetic3A_1543 = arith.constant 11 : i32
      %shift_right_arithmetic3A_1544 = vector.broadcast %shift_right_arithmetic3A_1543 : i32 to vector<16xi32>
      %shift_right_arithmetic3A_1545 = arith.shrsi %get3A_1532, %shift_right_arithmetic3A_1544 : vector<16xi32>
      %and3A_1546 = arith.constant 1 : i32
      %and3A_1547 = vector.broadcast %and3A_1546 : i32 to vector<16xi32>
      %and3A_1548 = arith.andi %shift_right_arithmetic3A_1545, %and3A_1547 : vector<16xi32>
      %add3A_1549 = arith.addi %add3A_1542, %and3A_1548 : vector<16xi32>
      %swap3A_1550 = arith.constant 6 : i32
      %swap3A_1551 = arith.index_cast %scan3A_126 : i32 to index
      %swap3A_1552 = arith.index_cast %swap3A_1550 : i32 to index
      %swap3A_1553 = arith.constant 64 : index
      %swap3A_1554 = tpu.vector_load %arg6[%swap3A_1551, %swap3A_1552, %swap3A_1553] {strides = array<i32>} : memref<25x8x128xi32, #tpu.memory_space<vmem>>, vector<16xi32>,
      tpu.vector_store %arg6[%swap3A_1551, %swap3A_1552, %swap3A_1553], %add3A_1549 {strides = array<i32>} : memref<25x8x128xi32, #tpu.memory_space<vmem>>, vector<16xi32>,
      %get3A_1555 = arith.constant 6 : i32
      %get3A_1556 = arith.index_cast %scan3A_126 : i32 to index
      %get3A_1557 = arith.index_cast %get3A_1555 : i32 to index
      %get3A_1558 = arith.constant 80 : index
      %get3A_1559 = tpu.vector_load %arg6[%get3A_1556, %get3A_1557, %get3A_1558] {strides = array<i32>} : memref<25x8x128xi32, #tpu.memory_space<vmem>>, vector<16xi32>,
      %and3A_1560 = arith.constant -4096 : i32
      %and3A_1561 = vector.broadcast %and3A_1560 : i32 to vector<16xi32>
      %and3A_1562 = arith.andi %get3A_1559, %and3A_1561 : vector<16xi32>
      %and3A_1563 = arith.constant 2047 : i32
      %and3A_1564 = vector.broadcast %and3A_1563 : i32 to vector<16xi32>
      %and3A_1565 = arith.andi %get3A_1559, %and3A_1564 : vector<16xi32>
      %shift_left3A_1566 = arith.constant 1 : i32
      %shift_left3A_1567 = vector.broadcast %shift_left3A_1566 : i32 to vector<16xi32>
      %shift_left3A_1568 = arith.shli %and3A_1565, %shift_left3A_1567 : vector<16xi32>
      %add3A_1569 = arith.addi %and3A_1562, %shift_left3A_1568 : vector<16xi32>
      %shift_right_arithmetic3A_1570 = arith.constant 11 : i32
      %shift_right_arithmetic3A_1571 = vector.broadcast %shift_right_arithmetic3A_1570 : i32 to vector<16xi32>
      %shift_right_arithmetic3A_1572 = arith.shrsi %get3A_1559, %shift_right_arithmetic3A_1571 : vector<16xi32>
      %and3A_1573 = arith.constant 1 : i32
      %and3A_1574 = vector.broadcast %and3A_1573 : i32 to vector<16xi32>
      %and3A_1575 = arith.andi %shift_right_arithmetic3A_1572, %and3A_1574 : vector<16xi32>
      %add3A_1576 = arith.addi %add3A_1569, %and3A_1575 : vector<16xi32>
      %swap3A_1577 = arith.constant 6 : i32
      %swap3A_1578 = arith.index_cast %scan3A_126 : i32 to index
      %swap3A_1579 = arith.index_cast %swap3A_1577 : i32 to index
      %swap3A_1580 = arith.constant 80 : index
      %swap3A_1581 = tpu.vector_load %arg6[%swap3A_1578, %swap3A_1579, %swap3A_1580] {strides = array<i32>} : memref<25x8x128xi32, #tpu.memory_space<vmem>>, vector<16xi32>,
      tpu.vector_store %arg6[%swap3A_1578, %swap3A_1579, %swap3A_1580], %add3A_1576 {strides = array<i32>} : memref<25x8x128xi32, #tpu.memory_space<vmem>>, vector<16xi32>,
      %get3A_1582 = arith.constant 6 : i32
      %get3A_1583 = arith.index_cast %scan3A_126 : i32 to index
      %get3A_1584 = arith.index_cast %get3A_1582 : i32 to index
      %get3A_1585 = arith.constant 96 : index
      %get3A_1586 = tpu.vector_load %arg6[%get3A_1583, %get3A_1584, %get3A_1585] {strides = array<i32>} : memref<25x8x128xi32, #tpu.memory_space<vmem>>, vector<16xi32>,
      %and3A_1587 = arith.constant -4096 : i32
      %and3A_1588 = vector.broadcast %and3A_1587 : i32 to vector<16xi32>
      %and3A_1589 = arith.andi %get3A_1586, %and3A_1588 : vector<16xi32>
      %and3A_1590 = arith.constant 2047 : i32
      %and3A_1591 = vector.broadcast %and3A_1590 : i32 to vector<16xi32>
      %and3A_1592 = arith.andi %get3A_1586, %and3A_1591 : vector<16xi32>
      %shift_left3A_1593 = arith.constant 1 : i32
      %shift_left3A_1594 = vector.broadcast %shift_left3A_1593 : i32 to vector<16xi32>
      %shift_left3A_1595 = arith.shli %and3A_1592, %shift_left3A_1594 : vector<16xi32>
      %add3A_1596 = arith.addi %and3A_1589, %shift_left3A_1595 : vector<16xi32>
      %shift_right_arithmetic3A_1597 = arith.constant 11 : i32
      %shift_right_arithmetic3A_1598 = vector.broadcast %shift_right_arithmetic3A_1597 : i32 to vector<16xi32>
      %shift_right_arithmetic3A_1599 = arith.shrsi %get3A_1586, %shift_right_arithmetic3A_1598 : vector<16xi32>
      %and3A_1600 = arith.constant 1 : i32
      %and3A_1601 = vector.broadcast %and3A_1600 : i32 to vector<16xi32>
      %and3A_1602 = arith.andi %shift_right_arithmetic3A_1599, %and3A_1601 : vector<16xi32>
      %add3A_1603 = arith.addi %add3A_1596, %and3A_1602 : vector<16xi32>
      %swap3A_1604 = arith.constant 6 : i32
      %swap3A_1605 = arith.index_cast %scan3A_126 : i32 to index
      %swap3A_1606 = arith.index_cast %swap3A_1604 : i32 to index
      %swap3A_1607 = arith.constant 96 : index
      %swap3A_1608 = tpu.vector_load %arg6[%swap3A_1605, %swap3A_1606, %swap3A_1607] {strides = array<i32>} : memref<25x8x128xi32, #tpu.memory_space<vmem>>, vector<16xi32>,
      tpu.vector_store %arg6[%swap3A_1605, %swap3A_1606, %swap3A_1607], %add3A_1603 {strides = array<i32>} : memref<25x8x128xi32, #tpu.memory_space<vmem>>, vector<16xi32>,
      %get3A_1609 = arith.constant 6 : i32
      %get3A_1610 = arith.index_cast %scan3A_126 : i32 to index
      %get3A_1611 = arith.index_cast %get3A_1609 : i32 to index
      %get3A_1612 = arith.constant 112 : index
      %get3A_1613 = tpu.vector_load %arg6[%get3A_1610, %get3A_1611, %get3A_1612] {strides = array<i32>} : memref<25x8x128xi32, #tpu.memory_space<vmem>>, vector<16xi32>,
      %and3A_1614 = arith.constant -4096 : i32
      %and3A_1615 = vector.broadcast %and3A_1614 : i32 to vector<16xi32>
      %and3A_1616 = arith.andi %get3A_1613, %and3A_1615 : vector<16xi32>
      %and3A_1617 = arith.constant 2047 : i32
      %and3A_1618 = vector.broadcast %and3A_1617 : i32 to vector<16xi32>
      %and3A_1619 = arith.andi %get3A_1613, %and3A_1618 : vector<16xi32>
      %shift_left3A_1620 = arith.constant 1 : i32
      %shift_left3A_1621 = vector.broadcast %shift_left3A_1620 : i32 to vector<16xi32>
      %shift_left3A_1622 = arith.shli %and3A_1619, %shift_left3A_1621 : vector<16xi32>
      %add3A_1623 = arith.addi %and3A_1616, %shift_left3A_1622 : vector<16xi32>
      %shift_right_arithmetic3A_1624 = arith.constant 11 : i32
      %shift_right_arithmetic3A_1625 = vector.broadcast %shift_right_arithmetic3A_1624 : i32 to vector<16xi32>
      %shift_right_arithmetic3A_1626 = arith.shrsi %get3A_1613, %shift_right_arithmetic3A_1625 : vector<16xi32>
      %and3A_1627 = arith.constant 1 : i32
      %and3A_1628 = vector.broadcast %and3A_1627 : i32 to vector<16xi32>
      %and3A_1629 = arith.andi %shift_right_arithmetic3A_1626, %and3A_1628 : vector<16xi32>
      %add3A_1630 = arith.addi %add3A_1623, %and3A_1629 : vector<16xi32>
      %swap3A_1631 = arith.constant 6 : i32
      %swap3A_1632 = arith.index_cast %scan3A_126 : i32 to index
      %swap3A_1633 = arith.index_cast %swap3A_1631 : i32 to index
      %swap3A_1634 = arith.constant 112 : index
      %swap3A_1635 = tpu.vector_load %arg6[%swap3A_1632, %swap3A_1633, %swap3A_1634] {strides = array<i32>} : memref<25x8x128xi32, #tpu.memory_space<vmem>>, vector<16xi32>,
      tpu.vector_store %arg6[%swap3A_1632, %swap3A_1633, %swap3A_1634], %add3A_1630 {strides = array<i32>} : memref<25x8x128xi32, #tpu.memory_space<vmem>>, vector<16xi32>,
      %get3A_1636 = arith.constant 7 : i32
      %get3A_1637 = arith.index_cast %scan3A_126 : i32 to index
      %get3A_1638 = arith.index_cast %get3A_1636 : i32 to index
      %get3A_1639 = arith.constant 0 : index
      %get3A_1640 = tpu.vector_load %arg6[%get3A_1637, %get3A_1638, %get3A_1639] {strides = array<i32>} : memref<25x8x128xi32, #tpu.memory_space<vmem>>, vector<16xi32>,
      %and3A_1641 = arith.constant -4096 : i32
      %and3A_1642 = vector.broadcast %and3A_1641 : i32 to vector<16xi32>
      %and3A_1643 = arith.andi %get3A_1640, %and3A_1642 : vector<16xi32>
      %and3A_1644 = arith.constant 2047 : i32
      %and3A_1645 = vector.broadcast %and3A_1644 : i32 to vector<16xi32>
      %and3A_1646 = arith.andi %get3A_1640, %and3A_1645 : vector<16xi32>
      %shift_left3A_1647 = arith.constant 1 : i32
      %shift_left3A_1648 = vector.broadcast %shift_left3A_1647 : i32 to vector<16xi32>
      %shift_left3A_1649 = arith.shli %and3A_1646, %shift_left3A_1648 : vector<16xi32>
      %add3A_1650 = arith.addi %and3A_1643, %shift_left3A_1649 : vector<16xi32>
      %shift_right_arithmetic3A_1651 = arith.constant 11 : i32
      %shift_right_arithmetic3A_1652 = vector.broadcast %shift_right_arithmetic3A_1651 : i32 to vector<16xi32>
      %shift_right_arithmetic3A_1653 = arith.shrsi %get3A_1640, %shift_right_arithmetic3A_1652 : vector<16xi32>
      %and3A_1654 = arith.constant 1 : i32
      %and3A_1655 = vector.broadcast %and3A_1654 : i32 to vector<16xi32>
      %and3A_1656 = arith.andi %shift_right_arithmetic3A_1653, %and3A_1655 : vector<16xi32>
      %add3A_1657 = arith.addi %add3A_1650, %and3A_1656 : vector<16xi32>
      %swap3A_1658 = arith.constant 7 : i32
      %swap3A_1659 = arith.index_cast %scan3A_126 : i32 to index
      %swap3A_1660 = arith.index_cast %swap3A_1658 : i32 to index
      %swap3A_1661 = arith.constant 0 : index
      %swap3A_1662 = tpu.vector_load %arg6[%swap3A_1659, %swap3A_1660, %swap3A_1661] {strides = array<i32>} : memref<25x8x128xi32, #tpu.memory_space<vmem>>, vector<16xi32>,
      tpu.vector_store %arg6[%swap3A_1659, %swap3A_1660, %swap3A_1661], %add3A_1657 {strides = array<i32>} : memref<25x8x128xi32, #tpu.memory_space<vmem>>, vector<16xi32>,
      %get3A_1663 = arith.constant 7 : i32
      %get3A_1664 = arith.index_cast %scan3A_126 : i32 to index
      %get3A_1665 = arith.index_cast %get3A_1663 : i32 to index
      %get3A_1666 = arith.constant 16 : index
      %get3A_1667 = tpu.vector_load %arg6[%get3A_1664, %get3A_1665, %get3A_1666] {strides = array<i32>} : memref<25x8x128xi32, #tpu.memory_space<vmem>>, vector<16xi32>,
      %and3A_1668 = arith.constant -4096 : i32
      %and3A_1669 = vector.broadcast %and3A_1668 : i32 to vector<16xi32>
      %and3A_1670 = arith.andi %get3A_1667, %and3A_1669 : vector<16xi32>
      %and3A_1671 = arith.constant 2047 : i32
      %and3A_1672 = vector.broadcast %and3A_1671 : i32 to vector<16xi32>
      %and3A_1673 = arith.andi %get3A_1667, %and3A_1672 : vector<16xi32>
      %shift_left3A_1674 = arith.constant 1 : i32
      %shift_left3A_1675 = vector.broadcast %shift_left3A_1674 : i32 to vector<16xi32>
      %shift_left3A_1676 = arith.shli %and3A_1673, %shift_left3A_1675 : vector<16xi32>
      %add3A_1677 = arith.addi %and3A_1670, %shift_left3A_1676 : vector<16xi32>
      %shift_right_arithmetic3A_1678 = arith.constant 11 : i32
      %shift_right_arithmetic3A_1679 = vector.broadcast %shift_right_arithmetic3A_1678 : i32 to vector<16xi32>
      %shift_right_arithmetic3A_1680 = arith.shrsi %get3A_1667, %shift_right_arithmetic3A_1679 : vector<16xi32>
      %and3A_1681 = arith.constant 1 : i32
      %and3A_1682 = vector.broadcast %and3A_1681 : i32 to vector<16xi32>
      %and3A_1683 = arith.andi %shift_right_arithmetic3A_1680, %and3A_1682 : vector<16xi32>
      %add3A_1684 = arith.addi %add3A_1677, %and3A_1683 : vector<16xi32>
      %swap3A_1685 = arith.constant 7 : i32
      %swap3A_1686 = arith.index_cast %scan3A_126 : i32 to index
      %swap3A_1687 = arith.index_cast %swap3A_1685 : i32 to index
      %swap3A_1688 = arith.constant 16 : index
      %swap3A_1689 = tpu.vector_load %arg6[%swap3A_1686, %swap3A_1687, %swap3A_1688] {strides = array<i32>} : memref<25x8x128xi32, #tpu.memory_space<vmem>>, vector<16xi32>,
      tpu.vector_store %arg6[%swap3A_1686, %swap3A_1687, %swap3A_1688], %add3A_1684 {strides = array<i32>} : memref<25x8x128xi32, #tpu.memory_space<vmem>>, vector<16xi32>,
      %get3A_1690 = arith.constant 7 : i32
      %get3A_1691 = arith.index_cast %scan3A_126 : i32 to index
      %get3A_1692 = arith.index_cast %get3A_1690 : i32 to index
      %get3A_1693 = arith.constant 32 : index
      %get3A_1694 = tpu.vector_load %arg6[%get3A_1691, %get3A_1692, %get3A_1693] {strides = array<i32>} : memref<25x8x128xi32, #tpu.memory_space<vmem>>, vector<16xi32>,
      %and3A_1695 = arith.constant -4096 : i32
      %and3A_1696 = vector.broadcast %and3A_1695 : i32 to vector<16xi32>
      %and3A_1697 = arith.andi %get3A_1694, %and3A_1696 : vector<16xi32>
      %and3A_1698 = arith.constant 2047 : i32
      %and3A_1699 = vector.broadcast %and3A_1698 : i32 to vector<16xi32>
      %and3A_1700 = arith.andi %get3A_1694, %and3A_1699 : vector<16xi32>
      %shift_left3A_1701 = arith.constant 1 : i32
      %shift_left3A_1702 = vector.broadcast %shift_left3A_1701 : i32 to vector<16xi32>
      %shift_left3A_1703 = arith.shli %and3A_1700, %shift_left3A_1702 : vector<16xi32>
      %add3A_1704 = arith.addi %and3A_1697, %shift_left3A_1703 : vector<16xi32>
      %shift_right_arithmetic3A_1705 = arith.constant 11 : i32
      %shift_right_arithmetic3A_1706 = vector.broadcast %shift_right_arithmetic3A_1705 : i32 to vector<16xi32>
      %shift_right_arithmetic3A_1707 = arith.shrsi %get3A_1694, %shift_right_arithmetic3A_1706 : vector<16xi32>
      %and3A_1708 = arith.constant 1 : i32
      %and3A_1709 = vector.broadcast %and3A_1708 : i32 to vector<16xi32>
      %and3A_1710 = arith.andi %shift_right_arithmetic3A_1707, %and3A_1709 : vector<16xi32>
      %add3A_1711 = arith.addi %add3A_1704, %and3A_1710 : vector<16xi32>
      %swap3A_1712 = arith.constant 7 : i32
      %swap3A_1713 = arith.index_cast %scan3A_126 : i32 to index
      %swap3A_1714 = arith.index_cast %swap3A_1712 : i32 to index
      %swap3A_1715 = arith.constant 32 : index
      %swap3A_1716 = tpu.vector_load %arg6[%swap3A_1713, %swap3A_1714, %swap3A_1715] {strides = array<i32>} : memref<25x8x128xi32, #tpu.memory_space<vmem>>, vector<16xi32>,
      tpu.vector_store %arg6[%swap3A_1713, %swap3A_1714, %swap3A_1715], %add3A_1711 {strides = array<i32>} : memref<25x8x128xi32, #tpu.memory_space<vmem>>, vector<16xi32>,
      %get3A_1717 = arith.constant 7 : i32
      %get3A_1718 = arith.index_cast %scan3A_126 : i32 to index
      %get3A_1719 = arith.index_cast %get3A_1717 : i32 to index
      %get3A_1720 = arith.constant 48 : index
      %get3A_1721 = tpu.vector_load %arg6[%get3A_1718, %get3A_1719, %get3A_1720] {strides = array<i32>} : memref<25x8x128xi32, #tpu.memory_space<vmem>>, vector<16xi32>,
      %and3A_1722 = arith.constant -4096 : i32
      %and3A_1723 = vector.broadcast %and3A_1722 : i32 to vector<16xi32>
      %and3A_1724 = arith.andi %get3A_1721, %and3A_1723 : vector<16xi32>
      %and3A_1725 = arith.constant 2047 : i32
      %and3A_1726 = vector.broadcast %and3A_1725 : i32 to vector<16xi32>
      %and3A_1727 = arith.andi %get3A_1721, %and3A_1726 : vector<16xi32>
      %shift_left3A_1728 = arith.constant 1 : i32
      %shift_left3A_1729 = vector.broadcast %shift_left3A_1728 : i32 to vector<16xi32>
      %shift_left3A_1730 = arith.shli %and3A_1727, %shift_left3A_1729 : vector<16xi32>
      %add3A_1731 = arith.addi %and3A_1724, %shift_left3A_1730 : vector<16xi32>
      %shift_right_arithmetic3A_1732 = arith.constant 11 : i32
      %shift_right_arithmetic3A_1733 = vector.broadcast %shift_right_arithmetic3A_1732 : i32 to vector<16xi32>
      %shift_right_arithmetic3A_1734 = arith.shrsi %get3A_1721, %shift_right_arithmetic3A_1733 : vector<16xi32>
      %and3A_1735 = arith.constant 1 : i32
      %and3A_1736 = vector.broadcast %and3A_1735 : i32 to vector<16xi32>
      %and3A_1737 = arith.andi %shift_right_arithmetic3A_1734, %and3A_1736 : vector<16xi32>
      %add3A_1738 = arith.addi %add3A_1731, %and3A_1737 : vector<16xi32>
      %swap3A_1739 = arith.constant 7 : i32
      %swap3A_1740 = arith.index_cast %scan3A_126 : i32 to index
      %swap3A_1741 = arith.index_cast %swap3A_1739 : i32 to index
      %swap3A_1742 = arith.constant 48 : index
      %swap3A_1743 = tpu.vector_load %arg6[%swap3A_1740, %swap3A_1741, %swap3A_1742] {strides = array<i32>} : memref<25x8x128xi32, #tpu.memory_space<vmem>>, vector<16xi32>,
      tpu.vector_store %arg6[%swap3A_1740, %swap3A_1741, %swap3A_1742], %add3A_1738 {strides = array<i32>} : memref<25x8x128xi32, #tpu.memory_space<vmem>>, vector<16xi32>,
      %get3A_1744 = arith.constant 7 : i32
      %get3A_1745 = arith.index_cast %scan3A_126 : i32 to index
      %get3A_1746 = arith.index_cast %get3A_1744 : i32 to index
      %get3A_1747 = arith.constant 64 : index
      %get3A_1748 = tpu.vector_load %arg6[%get3A_1745, %get3A_1746, %get3A_1747] {strides = array<i32>} : memref<25x8x128xi32, #tpu.memory_space<vmem>>, vector<16xi32>,
      %and3A_1749 = arith.constant -4096 : i32
      %and3A_1750 = vector.broadcast %and3A_1749 : i32 to vector<16xi32>
      %and3A_1751 = arith.andi %get3A_1748, %and3A_1750 : vector<16xi32>
      %and3A_1752 = arith.constant 2047 : i32
      %and3A_1753 = vector.broadcast %and3A_1752 : i32 to vector<16xi32>
      %and3A_1754 = arith.andi %get3A_1748, %and3A_1753 : vector<16xi32>
      %shift_left3A_1755 = arith.constant 1 : i32
      %shift_left3A_1756 = vector.broadcast %shift_left3A_1755 : i32 to vector<16xi32>
      %shift_left3A_1757 = arith.shli %and3A_1754, %shift_left3A_1756 : vector<16xi32>
      %add3A_1758 = arith.addi %and3A_1751, %shift_left3A_1757 : vector<16xi32>
      %shift_right_arithmetic3A_1759 = arith.constant 11 : i32
      %shift_right_arithmetic3A_1760 = vector.broadcast %shift_right_arithmetic3A_1759 : i32 to vector<16xi32>
      %shift_right_arithmetic3A_1761 = arith.shrsi %get3A_1748, %shift_right_arithmetic3A_1760 : vector<16xi32>
      %and3A_1762 = arith.constant 1 : i32
      %and3A_1763 = vector.broadcast %and3A_1762 : i32 to vector<16xi32>
      %and3A_1764 = arith.andi %shift_right_arithmetic3A_1761, %and3A_1763 : vector<16xi32>
      %add3A_1765 = arith.addi %add3A_1758, %and3A_1764 : vector<16xi32>
      %swap3A_1766 = arith.constant 7 : i32
      %swap3A_1767 = arith.index_cast %scan3A_126 : i32 to index
      %swap3A_1768 = arith.index_cast %swap3A_1766 : i32 to index
      %swap3A_1769 = arith.constant 64 : index
      %swap3A_1770 = tpu.vector_load %arg6[%swap3A_1767, %swap3A_1768, %swap3A_1769] {strides = array<i32>} : memref<25x8x128xi32, #tpu.memory_space<vmem>>, vector<16xi32>,
      tpu.vector_store %arg6[%swap3A_1767, %swap3A_1768, %swap3A_1769], %add3A_1765 {strides = array<i32>} : memref<25x8x128xi32, #tpu.memory_space<vmem>>, vector<16xi32>,
      %get3A_1771 = arith.constant 7 : i32
      %get3A_1772 = arith.index_cast %scan3A_126 : i32 to index
      %get3A_1773 = arith.index_cast %get3A_1771 : i32 to index
      %get3A_1774 = arith.constant 80 : index
      %get3A_1775 = tpu.vector_load %arg6[%get3A_1772, %get3A_1773, %get3A_1774] {strides = array<i32>} : memref<25x8x128xi32, #tpu.memory_space<vmem>>, vector<16xi32>,
      %and3A_1776 = arith.constant -4096 : i32
      %and3A_1777 = vector.broadcast %and3A_1776 : i32 to vector<16xi32>
      %and3A_1778 = arith.andi %get3A_1775, %and3A_1777 : vector<16xi32>
      %and3A_1779 = arith.constant 2047 : i32
      %and3A_1780 = vector.broadcast %and3A_1779 : i32 to vector<16xi32>
      %and3A_1781 = arith.andi %get3A_1775, %and3A_1780 : vector<16xi32>
      %shift_left3A_1782 = arith.constant 1 : i32
      %shift_left3A_1783 = vector.broadcast %shift_left3A_1782 : i32 to vector<16xi32>
      %shift_left3A_1784 = arith.shli %and3A_1781, %shift_left3A_1783 : vector<16xi32>
      %add3A_1785 = arith.addi %and3A_1778, %shift_left3A_1784 : vector<16xi32>
      %shift_right_arithmetic3A_1786 = arith.constant 11 : i32
      %shift_right_arithmetic3A_1787 = vector.broadcast %shift_right_arithmetic3A_1786 : i32 to vector<16xi32>
      %shift_right_arithmetic3A_1788 = arith.shrsi %get3A_1775, %shift_right_arithmetic3A_1787 : vector<16xi32>
      %and3A_1789 = arith.constant 1 : i32
      %and3A_1790 = vector.broadcast %and3A_1789 : i32 to vector<16xi32>
      %and3A_1791 = arith.andi %shift_right_arithmetic3A_1788, %and3A_1790 : vector<16xi32>
      %add3A_1792 = arith.addi %add3A_1785, %and3A_1791 : vector<16xi32>
      %swap3A_1793 = arith.constant 7 : i32
      %swap3A_1794 = arith.index_cast %scan3A_126 : i32 to index
      %swap3A_1795 = arith.index_cast %swap3A_1793 : i32 to index
      %swap3A_1796 = arith.constant 80 : index
      %swap3A_1797 = tpu.vector_load %arg6[%swap3A_1794, %swap3A_1795, %swap3A_1796] {strides = array<i32>} : memref<25x8x128xi32, #tpu.memory_space<vmem>>, vector<16xi32>,
      tpu.vector_store %arg6[%swap3A_1794, %swap3A_1795, %swap3A_1796], %add3A_1792 {strides = array<i32>} : memref<25x8x128xi32, #tpu.memory_space<vmem>>, vector<16xi32>,
      %get3A_1798 = arith.constant 7 : i32
      %get3A_1799 = arith.index_cast %scan3A_126 : i32 to index
      %get3A_1800 = arith.index_cast %get3A_1798 : i32 to index
      %get3A_1801 = arith.constant 96 : index
      %get3A_1802 = tpu.vector_load %arg6[%get3A_1799, %get3A_1800, %get3A_1801] {strides = array<i32>} : memref<25x8x128xi32, #tpu.memory_space<vmem>>, vector<16xi32>,
      %and3A_1803 = arith.constant -4096 : i32
      %and3A_1804 = vector.broadcast %and3A_1803 : i32 to vector<16xi32>
      %and3A_1805 = arith.andi %get3A_1802, %and3A_1804 : vector<16xi32>
      %and3A_1806 = arith.constant 2047 : i32
      %and3A_1807 = vector.broadcast %and3A_1806 : i32 to vector<16xi32>
      %and3A_1808 = arith.andi %get3A_1802, %and3A_1807 : vector<16xi32>
      %shift_left3A_1809 = arith.constant 1 : i32
      %shift_left3A_1810 = vector.broadcast %shift_left3A_1809 : i32 to vector<16xi32>
      %shift_left3A_1811 = arith.shli %and3A_1808, %shift_left3A_1810 : vector<16xi32>
      %add3A_1812 = arith.addi %and3A_1805, %shift_left3A_1811 : vector<16xi32>
      %shift_right_arithmetic3A_1813 = arith.constant 11 : i32
      %shift_right_arithmetic3A_1814 = vector.broadcast %shift_right_arithmetic3A_1813 : i32 to vector<16xi32>
      %shift_right_arithmetic3A_1815 = arith.shrsi %get3A_1802, %shift_right_arithmetic3A_1814 : vector<16xi32>
      %and3A_1816 = arith.constant 1 : i32
      %and3A_1817 = vector.broadcast %and3A_1816 : i32 to vector<16xi32>
      %and3A_1818 = arith.andi %shift_right_arithmetic3A_1815, %and3A_1817 : vector<16xi32>
      %add3A_1819 = arith.addi %add3A_1812, %and3A_1818 : vector<16xi32>
      %swap3A_1820 = arith.constant 7 : i32
      %swap3A_1821 = arith.index_cast %scan3A_126 : i32 to index
      %swap3A_1822 = arith.index_cast %swap3A_1820 : i32 to index
      %swap3A_1823 = arith.constant 96 : index
      %swap3A_1824 = tpu.vector_load %arg6[%swap3A_1821, %swap3A_1822, %swap3A_1823] {strides = array<i32>} : memref<25x8x128xi32, #tpu.memory_space<vmem>>, vector<16xi32>,
      tpu.vector_store %arg6[%swap3A_1821, %swap3A_1822, %swap3A_1823], %add3A_1819 {strides = array<i32>} : memref<25x8x128xi32, #tpu.memory_space<vmem>>, vector<16xi32>,
      %get3A_1825 = arith.constant 7 : i32
      %get3A_1826 = arith.index_cast %scan3A_126 : i32 to index
      %get3A_1827 = arith.index_cast %get3A_1825 : i32 to index
      %get3A_1828 = arith.constant 112 : index
      %get3A_1829 = tpu.vector_load %arg6[%get3A_1826, %get3A_1827, %get3A_1828] {strides = array<i32>} : memref<25x8x128xi32, #tpu.memory_space<vmem>>, vector<16xi32>,
      %and3A_1830 = arith.constant -4096 : i32
      %and3A_1831 = vector.broadcast %and3A_1830 : i32 to vector<16xi32>
      %and3A_1832 = arith.andi %get3A_1829, %and3A_1831 : vector<16xi32>
      %and3A_1833 = arith.constant 2047 : i32
      %and3A_1834 = vector.broadcast %and3A_1833 : i32 to vector<16xi32>
      %and3A_1835 = arith.andi %get3A_1829, %and3A_1834 : vector<16xi32>
      %shift_left3A_1836 = arith.constant 1 : i32
      %shift_left3A_1837 = vector.broadcast %shift_left3A_1836 : i32 to vector<16xi32>
      %shift_left3A_1838 = arith.shli %and3A_1835, %shift_left3A_1837 : vector<16xi32>
      %add3A_1839 = arith.addi %and3A_1832, %shift_left3A_1838 : vector<16xi32>
      %shift_right_arithmetic3A_1840 = arith.constant 11 : i32
      %shift_right_arithmetic3A_1841 = vector.broadcast %shift_right_arithmetic3A_1840 : i32 to vector<16xi32>
      %shift_right_arithmetic3A_1842 = arith.shrsi %get3A_1829, %shift_right_arithmetic3A_1841 : vector<16xi32>
      %and3A_1843 = arith.constant 1 : i32
      %and3A_1844 = vector.broadcast %and3A_1843 : i32 to vector<16xi32>
      %and3A_1845 = arith.andi %shift_right_arithmetic3A_1842, %and3A_1844 : vector<16xi32>
      %add3A_1846 = arith.addi %add3A_1839, %and3A_1845 : vector<16xi32>
      %swap3A_1847 = arith.constant 7 : i32
      %swap3A_1848 = arith.index_cast %scan3A_126 : i32 to index
      %swap3A_1849 = arith.index_cast %swap3A_1847 : i32 to index
      %swap3A_1850 = arith.constant 112 : index
      %swap3A_1851 = tpu.vector_load %arg6[%swap3A_1848, %swap3A_1849, %swap3A_1850] {strides = array<i32>} : memref<25x8x128xi32, #tpu.memory_space<vmem>>, vector<16xi32>,
      tpu.vector_store %arg6[%swap3A_1848, %swap3A_1849, %swap3A_1850], %add3A_1846 {strides = array<i32>} : memref<25x8x128xi32, #tpu.memory_space<vmem>>, vector<16xi32>,
    }
    %scan3A_5 = arith.constant 25 : i32
    %iota3A = tpu.iota {dimensions = array<i32: 0>} : vector<16xi32>
    %add3A_6 = arith.constant 0 : i32
    %add3A_7 = vector.broadcast %add3A_6 : i32 to vector<16xi32>
    %add3A_8 = arith.addi %add3A_7, %iota3A : vector<16xi32>
    %shift_right_arithmetic3A = arith.constant 3 : i32
    %shift_right_arithmetic3A_9 = vector.broadcast %shift_right_arithmetic3A : i32 to vector<16xi32>
    %shift_right_arithmetic3A_10 = arith.shrsi %add3A_8, %shift_right_arithmetic3A_9 : vector<16xi32>
    %add3A_11 = arith.constant 16 : i32
    %add3A_12 = vector.broadcast %add3A_11 : i32 to vector<16xi32>
    %add3A_13 = arith.addi %add3A_12, %iota3A : vector<16xi32>
    %shift_right_arithmetic3A_14 = arith.constant 3 : i32
    %shift_right_arithmetic3A_15 = vector.broadcast %shift_right_arithmetic3A_14 : i32 to vector<16xi32>
    %shift_right_arithmetic3A_16 = arith.shrsi %add3A_13, %shift_right_arithmetic3A_15 : vector<16xi32>
    %add3A_17 = arith.constant 32 : i32
    %add3A_18 = vector.broadcast %add3A_17 : i32 to vector<16xi32>
    %add3A_19 = arith.addi %add3A_18, %iota3A : vector<16xi32>
    %shift_right_arithmetic3A_20 = arith.constant 3 : i32
    %shift_right_arithmetic3A_21 = vector.broadcast %shift_right_arithmetic3A_20 : i32 to vector<16xi32>
    %shift_right_arithmetic3A_22 = arith.shrsi %add3A_19, %shift_right_arithmetic3A_21 : vector<16xi32>
    %add3A_23 = arith.constant 48 : i32
    %add3A_24 = vector.broadcast %add3A_23 : i32 to vector<16xi32>
    %add3A_25 = arith.addi %add3A_24, %iota3A : vector<16xi32>
    %shift_right_arithmetic3A_26 = arith.constant 3 : i32
    %shift_right_arithmetic3A_27 = vector.broadcast %shift_right_arithmetic3A_26 : i32 to vector<16xi32>
    %shift_right_arithmetic3A_28 = arith.shrsi %add3A_25, %shift_right_arithmetic3A_27 : vector<16xi32>
    %add3A_29 = arith.constant 0 : i32
    %add3A_30 = vector.broadcast %add3A_29 : i32 to vector<16xi32>
    %add3A_31 = arith.addi %add3A_30, %iota3A : vector<16xi32>
    %and3A = arith.constant 7 : i32
    %and3A_32 = vector.broadcast %and3A : i32 to vector<16xi32>
    %and3A_33 = arith.andi %add3A_31, %and3A_32 : vector<16xi32>
    %add3A_34 = arith.constant 16 : i32
    %add3A_35 = vector.broadcast %add3A_34 : i32 to vector<16xi32>
    %add3A_36 = arith.addi %add3A_35, %iota3A : vector<16xi32>
    %and3A_37 = arith.constant 7 : i32
    %and3A_38 = vector.broadcast %and3A_37 : i32 to vector<16xi32>
    %and3A_39 = arith.andi %add3A_36, %and3A_38 : vector<16xi32>
    %add3A_40 = arith.constant 32 : i32
    %add3A_41 = vector.broadcast %add3A_40 : i32 to vector<16xi32>
    %add3A_42 = arith.addi %add3A_41, %iota3A : vector<16xi32>
    %and3A_43 = arith.constant 7 : i32
    %and3A_44 = vector.broadcast %and3A_43 : i32 to vector<16xi32>
    %and3A_45 = arith.andi %add3A_42, %and3A_44 : vector<16xi32>
    %add3A_46 = arith.constant 48 : i32
    %add3A_47 = vector.broadcast %add3A_46 : i32 to vector<16xi32>
    %add3A_48 = arith.addi %add3A_47, %iota3A : vector<16xi32>
    %and3A_49 = arith.constant 7 : i32
    %and3A_50 = vector.broadcast %and3A_49 : i32 to vector<16xi32>
    %and3A_51 = arith.andi %add3A_48, %and3A_50 : vector<16xi32>
    %dma_start3A = arith.constant 0 : i32
    %dma_start3A_52 = arith.constant 0 : i32
    %dma_start3A_53 = arith.constant 0 : i32
    %dma_start3A_54 = arith.constant 0 : i32
    %dma_start3A_55 = arith.constant 0 : i32
    %dma_start3A_56 = tpu.memref_slice %arg8[%dma_start3A_53, %dma_start3A_54, %dma_start3A_55] : memref<2x128x64xf32, #tpu.memory_space<vmem>> -> memref<1x128x64xf32, #tpu.memory_space<vmem>>
    %dma_start3A_57 = tpu.memref_squeeze %dma_start3A_56 : memref<1x128x64xf32, #tpu.memory_space<vmem>> -> memref<128x64xf32, #tpu.memory_space<vmem>>
    %dma_start3A_58 = arith.constant 0 : i32
    %dma_start3A_59 = tpu.memref_slice %arg6[%dma_start3A, %dma_start3A_52, %dma_start3A_58] : memref<25x8x128xi32, #tpu.memory_space<vmem>> -> memref<1x1x128xi32, #tpu.memory_space<vmem>>
    %dma_start3A_60 = tpu.memref_squeeze %dma_start3A_59 : memref<1x1x128xi32, #tpu.memory_space<vmem>> -> memref<128xi32, #tpu.memory_space<vmem>>
    %dma_start3A_61 = arith.constant 0 : i32
    %dma_start3A_62 = arith.constant 0 : i32
    %dma_start3A_63 = tpu.memref_slice %arg3[%dma_start3A_61, %dma_start3A_62] : memref<1003520x64xf32, #tpu.memory_space<hbm>> -> memref<1003520x64xf32, #tpu.memory_space<hbm>>
    tpu.enqueue_indirect_dma source(%dma_start3A_63 : memref<1003520x64xf32, #tpu.memory_space<hbm>>) target(%dma_start3A_57 : memref<128x64xf32, #tpu.memory_space<vmem>>) offsets(%dma_start3A_60 : memref<128xi32, #tpu.memory_space<vmem>>) semaphore(%arg10 : memref<!tpu.dma_semaphore, #tpu.memory_space<semaphore_mem>>)
    %dma_start3A_64 = arith.constant 0 : i32
    %dma_start3A_65 = arith.constant 1 : i32
    %dma_start3A_66 = arith.constant 1 : i32
    %dma_start3A_67 = arith.constant 0 : i32
    %dma_start3A_68 = arith.constant 0 : i32
    %dma_start3A_69 = tpu.memref_slice %arg8[%dma_start3A_66, %dma_start3A_67, %dma_start3A_68] : memref<2x128x64xf32, #tpu.memory_space<vmem>> -> memref<1x128x64xf32, #tpu.memory_space<vmem>>
    %dma_start3A_70 = tpu.memref_squeeze %dma_start3A_69 : memref<1x128x64xf32, #tpu.memory_space<vmem>> -> memref<128x64xf32, #tpu.memory_space<vmem>>
    %dma_start3A_71 = arith.constant 0 : i32
    %dma_start3A_72 = tpu.memref_slice %arg6[%dma_start3A_64, %dma_start3A_65, %dma_start3A_71] : memref<25x8x128xi32, #tpu.memory_space<vmem>> -> memref<1x1x128xi32, #tpu.memory_space<vmem>>
    %dma_start3A_73 = tpu.memref_squeeze %dma_start3A_72 : memref<1x1x128xi32, #tpu.memory_space<vmem>> -> memref<128xi32, #tpu.memory_space<vmem>>
    %dma_start3A_74 = arith.constant 0 : i32
    %dma_start3A_75 = arith.constant 0 : i32
    %dma_start3A_76 = tpu.memref_slice %arg3[%dma_start3A_74, %dma_start3A_75] : memref<1003520x64xf32, #tpu.memory_space<hbm>> -> memref<1003520x64xf32, #tpu.memory_space<hbm>>
    tpu.enqueue_indirect_dma source(%dma_start3A_76 : memref<1003520x64xf32, #tpu.memory_space<hbm>>) target(%dma_start3A_70 : memref<128x64xf32, #tpu.memory_space<vmem>>) offsets(%dma_start3A_73 : memref<128xi32, #tpu.memory_space<vmem>>) semaphore(%arg11 : memref<!tpu.dma_semaphore, #tpu.memory_space<semaphore_mem>>)
    %scan3A_77 = arith.constant 0 : i32
    %scan3A_78 = arith.constant 0 : i32
    %scan3A_79 = arith.constant 100 : i32
    %scan3A_80 = arith.addi %scan3A_78, %scan3A_79 : i32
    %scan3A_81 = arith.constant 1 : i32
    scf.for %scan3A_126 = %scan3A_78 to %scan3A_80 step %scan3A_81  : i32 {
      %mul3A_127 = arith.constant 2 : i32
      %mul3A_128 = arith.muli %scan3A_126, %mul3A_127 : i32
      %add3A_129 = arith.constant 0 : i32
      %add3A_130 = arith.addi %mul3A_128, %add3A_129 : i32
      %dma_wait3A_131 = arith.constant 0 : i32
      %dma_wait3A_132 = arith.constant 0 : i32
      %dma_wait3A_133 = arith.constant 0 : i32
      %dma_wait3A_134 = arith.constant 0 : i32
      %dma_wait3A_135 = arith.constant 0 : i32
      %dma_wait3A_136 = tpu.memref_slice %arg8[%dma_wait3A_133, %dma_wait3A_134, %dma_wait3A_135] : memref<2x128x64xf32, #tpu.memory_space<vmem>> -> memref<1x128x64xf32, #tpu.memory_space<vmem>>
      %dma_wait3A_137 = tpu.memref_squeeze %dma_wait3A_136 : memref<1x128x64xf32, #tpu.memory_space<vmem>> -> memref<128x64xf32, #tpu.memory_space<vmem>>
      %dma_wait3A_138 = arith.constant 0 : i32
      %dma_wait3A_139 = tpu.memref_slice %arg6[%dma_wait3A_131, %dma_wait3A_132, %dma_wait3A_138] : memref<25x8x128xi32, #tpu.memory_space<vmem>> -> memref<1x1x128xi32, #tpu.memory_space<vmem>>
      %dma_wait3A_140 = tpu.memref_squeeze %dma_wait3A_139 : memref<1x1x128xi32, #tpu.memory_space<vmem>> -> memref<128xi32, #tpu.memory_space<vmem>>
      %dma_wait3A_141 = arith.constant 0 : i32
      %dma_wait3A_142 = arith.constant 0 : i32
      %dma_wait3A_143 = tpu.memref_slice %arg3[%dma_wait3A_141, %dma_wait3A_142] : memref<1003520x64xf32, #tpu.memory_space<hbm>> -> memref<1003520x64xf32, #tpu.memory_space<hbm>>
      tpu.wait_indirect_dma semaphore(%arg10 : memref<!tpu.dma_semaphore, #tpu.memory_space<semaphore_mem>>) src(%dma_wait3A_143 : memref<1003520x64xf32, #tpu.memory_space<hbm>>) dst(%dma_wait3A_137 : memref<128x64xf32, #tpu.memory_space<vmem>>)
      %ge3A = arith.constant 1 : i32
      %ge3A_144 = arith.cmpi sge, %scan3A_126, %ge3A : i32
      %convert_element_type3A = arith.extui %ge3A_144 : i1 to i32
      %cond3A = arith.constant 0 : i32
      %cond3A_145 = arith.cmpi ne, %convert_element_type3A, %cond3A : i32
      scf.if %cond3A_145 {
        %dma_wait3A_280 = arith.constant 0 : i32
        %dma_wait3A_281 = arith.constant 0 : i32
        %dma_wait3A_282 = arith.constant 0 : i32
        %dma_wait3A_283 = arith.constant 0 : i32
        %dma_wait3A_284 = arith.constant 0 : i32
        %dma_wait3A_285 = tpu.memref_slice %arg9[%dma_wait3A_280, %dma_wait3A_282, %dma_wait3A_283, %dma_wait3A_284] : memref<2x8x8x129xf32, #tpu.memory_space<vmem>> -> memref<1x8x8x128xf32, #tpu.memory_space<vmem>>
        %dma_wait3A_286 = tpu.memref_squeeze %dma_wait3A_285 : memref<1x8x8x128xf32, #tpu.memory_space<vmem>> -> memref<8x8x128xf32, #tpu.memory_space<vmem>>
        %dma_wait3A_287 = arith.constant 0 : i32
        %dma_wait3A_288 = arith.constant 0 : i32
        %dma_wait3A_289 = arith.constant 0 : i32
        %dma_wait3A_290 = tpu.memref_slice %arg5[%dma_wait3A_281, %dma_wait3A_287, %add3A, %dma_wait3A_288, %dma_wait3A_289] : memref<200x8x32x8x128xf32, #tpu.memory_space<hbm>> -> memref<1x8x1x8x128xf32, #tpu.memory_space<hbm>>
        %dma_wait3A_291 = tpu.memref_squeeze %dma_wait3A_290 : memref<1x8x1x8x128xf32, #tpu.memory_space<hbm>> -> memref<8x8x128xf32, #tpu.memory_space<hbm>>
        %dma_wait3A_292 = arith.constant 0 : i32
        %dma_wait3A_293 = arith.constant 0 : i32
        %dma_wait3A_294 = arith.constant 0 : i32
        %dma_wait3A_295 = tpu.memref_slice %arg5[%dma_wait3A_281, %dma_wait3A_292, %add3A, %dma_wait3A_293, %dma_wait3A_294] : memref<200x8x32x8x128xf32, #tpu.memory_space<hbm>> -> memref<1x8x1x8x128xf32, #tpu.memory_space<hbm>>
        %dma_wait3A_296 = tpu.memref_squeeze %dma_wait3A_295 : memref<1x8x1x8x128xf32, #tpu.memory_space<hbm>> -> memref<8x8x128xf32, #tpu.memory_space<hbm>>
        %dma_wait3A_297 = arith.constant 0 : i32
        %dma_wait3A_298 = arith.constant 0 : i32
        %dma_wait3A_299 = arith.constant 0 : i32
        %dma_wait3A_300 = tpu.memref_slice %arg9[%dma_wait3A_280, %dma_wait3A_297, %dma_wait3A_298, %dma_wait3A_299] : memref<2x8x8x129xf32, #tpu.memory_space<vmem>> -> memref<1x8x8x128xf32, #tpu.memory_space<vmem>>
        %dma_wait3A_301 = tpu.memref_squeeze %dma_wait3A_300 : memref<1x8x8x128xf32, #tpu.memory_space<vmem>> -> memref<8x8x128xf32, #tpu.memory_space<vmem>>
        tpu.wait_dma2 semaphore(%arg12 : memref<!tpu.dma_semaphore, #tpu.memory_space<semaphore_mem>>) src(%dma_wait3A_301 : memref<8x8x128xf32, #tpu.memory_space<vmem>>) dst(%dma_wait3A_296 : memref<8x8x128xf32, #tpu.memory_space<hbm>>)
      } else {
      }
      %mul3A_146 = arith.constant 64 : i32
      %mul3A_147 = arith.muli %add3A_130, %mul3A_146 : i32
      %add3A_148 = arith.constant 0 : i32
      %add3A_149 = arith.addi %mul3A_147, %add3A_148 : i32
      %get3A = arith.index_cast %add3A_149 : i32 to index
      %get3A_150 = tpu.vector_load %arg7[%get3A] {strides = array<i32>} : memref<12800xf32, #tpu.memory_space<vmem>>, vector<16xf32>,
      %mul3A_151 = arith.constant 64 : i32
      %mul3A_152 = arith.muli %add3A_130, %mul3A_151 : i32
      %add3A_153 = arith.constant 16 : i32
      %add3A_154 = arith.addi %mul3A_152, %add3A_153 : i32
      %get3A_155 = arith.index_cast %add3A_154 : i32 to index
      %get3A_156 = tpu.vector_load %arg7[%get3A_155] {strides = array<i32>} : memref<12800xf32, #tpu.memory_space<vmem>>, vector<16xf32>,
      %mul3A_157 = arith.constant 64 : i32
      %mul3A_158 = arith.muli %add3A_130, %mul3A_157 : i32
      %add3A_159 = arith.constant 32 : i32
      %add3A_160 = arith.addi %mul3A_158, %add3A_159 : i32
      %get3A_161 = arith.index_cast %add3A_160 : i32 to index
      %get3A_162 = tpu.vector_load %arg7[%get3A_161] {strides = array<i32>} : memref<12800xf32, #tpu.memory_space<vmem>>, vector<16xf32>,
      %mul3A_163 = arith.constant 64 : i32
      %mul3A_164 = arith.muli %add3A_130, %mul3A_163 : i32
      %add3A_165 = arith.constant 48 : i32
      %add3A_166 = arith.addi %mul3A_164, %add3A_165 : i32
      %get3A_167 = arith.index_cast %add3A_166 : i32 to index
      %get3A_168 = tpu.vector_load %arg7[%get3A_167] {strides = array<i32>} : memref<12800xf32, #tpu.memory_space<vmem>>, vector<16xf32>,
      %scan3A_169 = arith.constant 0 : i32
      %scan3A_170 = arith.constant 0 : i32
      %scan3A_171 = arith.constant 0 : i32
      %scan3A_172 = arith.constant 128 : i32
      %scan3A_173 = arith.addi %scan3A_171, %scan3A_172 : i32
      %scan3A_174 = arith.constant 8 : i32
      scf.for %scan3A_280 = %scan3A_171 to %scan3A_173 step %scan3A_174  : i32 {
        %broadcast_in_dim3A = vector.broadcast %scan3A_280 : i32 to vector<16xi32>
        %get3A_281 = arith.constant 0 : i32
        %get3A_282 = arith.index_cast %get3A_281 : i32 to index
        %get3A_283 = arith.index_cast %scan3A_280 : i32 to index
        %get3A_284 = arith.constant 0 : index
        %get3A_285 = tpu.vector_load %arg8[%get3A_282, %get3A_283, %get3A_284] {strides = array<i32>} : memref<2x128x64xf32, #tpu.memory_space<vmem>>, vector<16xf32>,
        %add3A_286 = arith.addf %get3A_285, %get3A_150 : vector<16xf32>
        %scatter3A = arith.constant 0 : i32
        %scatter3A_287 = arith.constant 0 : i32
        %scatter3A_288 = arith.constant 0 : i32
        %scatter3A_289 = tpu.memref_slice %arg9[%scan3A_170, %scatter3A, %scatter3A_287, %scatter3A_288] : memref<2x8x8x129xf32, #tpu.memory_space<vmem>> -> memref<1x8x8x129xf32, #tpu.memory_space<vmem>>
        %scatter3A_290 = tpu.memref_squeeze %scatter3A_289 : memref<1x8x8x129xf32, #tpu.memory_space<vmem>> -> memref<8x8x129xf32, #tpu.memory_space<vmem>>
        tpu.vector_store_idx %scatter3A_290[%shift_right_arithmetic3A_10, %and3A_33, %broadcast_in_dim3A], %add3A_286 : memref<8x8x129xf32, #tpu.memory_space<vmem>>[vector<16xi32>, vector<16xi32>, vector<16xi32>], vector<16xf32>,
        %get3A_291 = arith.constant 0 : i32
        %get3A_292 = arith.index_cast %get3A_291 : i32 to index
        %get3A_293 = arith.index_cast %scan3A_280 : i32 to index
        %get3A_294 = arith.constant 16 : index
        %get3A_295 = tpu.vector_load %arg8[%get3A_292, %get3A_293, %get3A_294] {strides = array<i32>} : memref<2x128x64xf32, #tpu.memory_space<vmem>>, vector<16xf32>,
        %add3A_296 = arith.addf %get3A_295, %get3A_156 : vector<16xf32>
        %scatter3A_297 = arith.constant 0 : i32
        %scatter3A_298 = arith.constant 0 : i32
        %scatter3A_299 = arith.constant 0 : i32
        %scatter3A_300 = tpu.memref_slice %arg9[%scan3A_170, %scatter3A_297, %scatter3A_298, %scatter3A_299] : memref<2x8x8x129xf32, #tpu.memory_space<vmem>> -> memref<1x8x8x129xf32, #tpu.memory_space<vmem>>
        %scatter3A_301 = tpu.memref_squeeze %scatter3A_300 : memref<1x8x8x129xf32, #tpu.memory_space<vmem>> -> memref<8x8x129xf32, #tpu.memory_space<vmem>>
        tpu.vector_store_idx %scatter3A_301[%shift_right_arithmetic3A_16, %and3A_39, %broadcast_in_dim3A], %add3A_296 : memref<8x8x129xf32, #tpu.memory_space<vmem>>[vector<16xi32>, vector<16xi32>, vector<16xi32>], vector<16xf32>,
        %get3A_302 = arith.constant 0 : i32
        %get3A_303 = arith.index_cast %get3A_302 : i32 to index
        %get3A_304 = arith.index_cast %scan3A_280 : i32 to index
        %get3A_305 = arith.constant 32 : index
        %get3A_306 = tpu.vector_load %arg8[%get3A_303, %get3A_304, %get3A_305] {strides = array<i32>} : memref<2x128x64xf32, #tpu.memory_space<vmem>>, vector<16xf32>,
        %add3A_307 = arith.addf %get3A_306, %get3A_162 : vector<16xf32>
        %scatter3A_308 = arith.constant 0 : i32
        %scatter3A_309 = arith.constant 0 : i32
        %scatter3A_310 = arith.constant 0 : i32
        %scatter3A_311 = tpu.memref_slice %arg9[%scan3A_170, %scatter3A_308, %scatter3A_309, %scatter3A_310] : memref<2x8x8x129xf32, #tpu.memory_space<vmem>> -> memref<1x8x8x129xf32, #tpu.memory_space<vmem>>
        %scatter3A_312 = tpu.memref_squeeze %scatter3A_311 : memref<1x8x8x129xf32, #tpu.memory_space<vmem>> -> memref<8x8x129xf32, #tpu.memory_space<vmem>>
        tpu.vector_store_idx %scatter3A_312[%shift_right_arithmetic3A_22, %and3A_45, %broadcast_in_dim3A], %add3A_307 : memref<8x8x129xf32, #tpu.memory_space<vmem>>[vector<16xi32>, vector<16xi32>, vector<16xi32>], vector<16xf32>,
        %get3A_313 = arith.constant 0 : i32
        %get3A_314 = arith.index_cast %get3A_313 : i32 to index
        %get3A_315 = arith.index_cast %scan3A_280 : i32 to index
        %get3A_316 = arith.constant 48 : index
        %get3A_317 = tpu.vector_load %arg8[%get3A_314, %get3A_315, %get3A_316] {strides = array<i32>} : memref<2x128x64xf32, #tpu.memory_space<vmem>>, vector<16xf32>,
        %add3A_318 = arith.addf %get3A_317, %get3A_168 : vector<16xf32>
        %scatter3A_319 = arith.constant 0 : i32
        %scatter3A_320 = arith.constant 0 : i32
        %scatter3A_321 = arith.constant 0 : i32
        %scatter3A_322 = tpu.memref_slice %arg9[%scan3A_170, %scatter3A_319, %scatter3A_320, %scatter3A_321] : memref<2x8x8x129xf32, #tpu.memory_space<vmem>> -> memref<1x8x8x129xf32, #tpu.memory_space<vmem>>
        %scatter3A_323 = tpu.memref_squeeze %scatter3A_322 : memref<1x8x8x129xf32, #tpu.memory_space<vmem>> -> memref<8x8x129xf32, #tpu.memory_space<vmem>>
        tpu.vector_store_idx %scatter3A_323[%shift_right_arithmetic3A_28, %and3A_51, %broadcast_in_dim3A], %add3A_318 : memref<8x8x129xf32, #tpu.memory_space<vmem>>[vector<16xi32>, vector<16xi32>, vector<16xi32>], vector<16xf32>,
        %scan3A_324 = arith.constant 1 : i32
        %scan3A_325 = arith.addi %scan3A_280, %scan3A_324 : i32
        %broadcast_in_dim3A_326 = vector.broadcast %scan3A_325 : i32 to vector<16xi32>
        %get3A_327 = arith.constant 0 : i32
        %get3A_328 = arith.index_cast %get3A_327 : i32 to index
        %get3A_329 = arith.index_cast %scan3A_325 : i32 to index
        %get3A_330 = arith.constant 0 : index
        %get3A_331 = tpu.vector_load %arg8[%get3A_328, %get3A_329, %get3A_330] {strides = array<i32>} : memref<2x128x64xf32, #tpu.memory_space<vmem>>, vector<16xf32>,
        %add3A_332 = arith.addf %get3A_331, %get3A_150 : vector<16xf32>
        %scatter3A_333 = arith.constant 0 : i32
        %scatter3A_334 = arith.constant 0 : i32
        %scatter3A_335 = arith.constant 0 : i32
        %scatter3A_336 = tpu.memref_slice %arg9[%scan3A_170, %scatter3A_333, %scatter3A_334, %scatter3A_335] : memref<2x8x8x129xf32, #tpu.memory_space<vmem>> -> memref<1x8x8x129xf32, #tpu.memory_space<vmem>>
        %scatter3A_337 = tpu.memref_squeeze %scatter3A_336 : memref<1x8x8x129xf32, #tpu.memory_space<vmem>> -> memref<8x8x129xf32, #tpu.memory_space<vmem>>
        tpu.vector_store_idx %scatter3A_337[%shift_right_arithmetic3A_10, %and3A_33, %broadcast_in_dim3A_326], %add3A_332 : memref<8x8x129xf32, #tpu.memory_space<vmem>>[vector<16xi32>, vector<16xi32>, vector<16xi32>], vector<16xf32>,
        %get3A_338 = arith.constant 0 : i32
        %get3A_339 = arith.index_cast %get3A_338 : i32 to index
        %get3A_340 = arith.index_cast %scan3A_325 : i32 to index
        %get3A_341 = arith.constant 16 : index
        %get3A_342 = tpu.vector_load %arg8[%get3A_339, %get3A_340, %get3A_341] {strides = array<i32>} : memref<2x128x64xf32, #tpu.memory_space<vmem>>, vector<16xf32>,
        %add3A_343 = arith.addf %get3A_342, %get3A_156 : vector<16xf32>
        %scatter3A_344 = arith.constant 0 : i32
        %scatter3A_345 = arith.constant 0 : i32
        %scatter3A_346 = arith.constant 0 : i32
        %scatter3A_347 = tpu.memref_slice %arg9[%scan3A_170, %scatter3A_344, %scatter3A_345, %scatter3A_346] : memref<2x8x8x129xf32, #tpu.memory_space<vmem>> -> memref<1x8x8x129xf32, #tpu.memory_space<vmem>>
        %scatter3A_348 = tpu.memref_squeeze %scatter3A_347 : memref<1x8x8x129xf32, #tpu.memory_space<vmem>> -> memref<8x8x129xf32, #tpu.memory_space<vmem>>
        tpu.vector_store_idx %scatter3A_348[%shift_right_arithmetic3A_16, %and3A_39, %broadcast_in_dim3A_326], %add3A_343 : memref<8x8x129xf32, #tpu.memory_space<vmem>>[vector<16xi32>, vector<16xi32>, vector<16xi32>], vector<16xf32>,
        %get3A_349 = arith.constant 0 : i32
        %get3A_350 = arith.index_cast %get3A_349 : i32 to index
        %get3A_351 = arith.index_cast %scan3A_325 : i32 to index
        %get3A_352 = arith.constant 32 : index
        %get3A_353 = tpu.vector_load %arg8[%get3A_350, %get3A_351, %get3A_352] {strides = array<i32>} : memref<2x128x64xf32, #tpu.memory_space<vmem>>, vector<16xf32>,
        %add3A_354 = arith.addf %get3A_353, %get3A_162 : vector<16xf32>
        %scatter3A_355 = arith.constant 0 : i32
        %scatter3A_356 = arith.constant 0 : i32
        %scatter3A_357 = arith.constant 0 : i32
        %scatter3A_358 = tpu.memref_slice %arg9[%scan3A_170, %scatter3A_355, %scatter3A_356, %scatter3A_357] : memref<2x8x8x129xf32, #tpu.memory_space<vmem>> -> memref<1x8x8x129xf32, #tpu.memory_space<vmem>>
        %scatter3A_359 = tpu.memref_squeeze %scatter3A_358 : memref<1x8x8x129xf32, #tpu.memory_space<vmem>> -> memref<8x8x129xf32, #tpu.memory_space<vmem>>
        tpu.vector_store_idx %scatter3A_359[%shift_right_arithmetic3A_22, %and3A_45, %broadcast_in_dim3A_326], %add3A_354 : memref<8x8x129xf32, #tpu.memory_space<vmem>>[vector<16xi32>, vector<16xi32>, vector<16xi32>], vector<16xf32>,
        %get3A_360 = arith.constant 0 : i32
        %get3A_361 = arith.index_cast %get3A_360 : i32 to index
        %get3A_362 = arith.index_cast %scan3A_325 : i32 to index
        %get3A_363 = arith.constant 48 : index
        %get3A_364 = tpu.vector_load %arg8[%get3A_361, %get3A_362, %get3A_363] {strides = array<i32>} : memref<2x128x64xf32, #tpu.memory_space<vmem>>, vector<16xf32>,
        %add3A_365 = arith.addf %get3A_364, %get3A_168 : vector<16xf32>
        %scatter3A_366 = arith.constant 0 : i32
        %scatter3A_367 = arith.constant 0 : i32
        %scatter3A_368 = arith.constant 0 : i32
        %scatter3A_369 = tpu.memref_slice %arg9[%scan3A_170, %scatter3A_366, %scatter3A_367, %scatter3A_368] : memref<2x8x8x129xf32, #tpu.memory_space<vmem>> -> memref<1x8x8x129xf32, #tpu.memory_space<vmem>>
        %scatter3A_370 = tpu.memref_squeeze %scatter3A_369 : memref<1x8x8x129xf32, #tpu.memory_space<vmem>> -> memref<8x8x129xf32, #tpu.memory_space<vmem>>
        tpu.vector_store_idx %scatter3A_370[%shift_right_arithmetic3A_28, %and3A_51, %broadcast_in_dim3A_326], %add3A_365 : memref<8x8x129xf32, #tpu.memory_space<vmem>>[vector<16xi32>, vector<16xi32>, vector<16xi32>], vector<16xf32>,
        %scan3A_371 = arith.constant 2 : i32
        %scan3A_372 = arith.addi %scan3A_280, %scan3A_371 : i32
        %broadcast_in_dim3A_373 = vector.broadcast %scan3A_372 : i32 to vector<16xi32>
        %get3A_374 = arith.constant 0 : i32
        %get3A_375 = arith.index_cast %get3A_374 : i32 to index
        %get3A_376 = arith.index_cast %scan3A_372 : i32 to index
        %get3A_377 = arith.constant 0 : index
        %get3A_378 = tpu.vector_load %arg8[%get3A_375, %get3A_376, %get3A_377] {strides = array<i32>} : memref<2x128x64xf32, #tpu.memory_space<vmem>>, vector<16xf32>,
        %add3A_379 = arith.addf %get3A_378, %get3A_150 : vector<16xf32>
        %scatter3A_380 = arith.constant 0 : i32
        %scatter3A_381 = arith.constant 0 : i32
        %scatter3A_382 = arith.constant 0 : i32
        %scatter3A_383 = tpu.memref_slice %arg9[%scan3A_170, %scatter3A_380, %scatter3A_381, %scatter3A_382] : memref<2x8x8x129xf32, #tpu.memory_space<vmem>> -> memref<1x8x8x129xf32, #tpu.memory_space<vmem>>
        %scatter3A_384 = tpu.memref_squeeze %scatter3A_383 : memref<1x8x8x129xf32, #tpu.memory_space<vmem>> -> memref<8x8x129xf32, #tpu.memory_space<vmem>>
        tpu.vector_store_idx %scatter3A_384[%shift_right_arithmetic3A_10, %and3A_33, %broadcast_in_dim3A_373], %add3A_379 : memref<8x8x129xf32, #tpu.memory_space<vmem>>[vector<16xi32>, vector<16xi32>, vector<16xi32>], vector<16xf32>,
        %get3A_385 = arith.constant 0 : i32
        %get3A_386 = arith.index_cast %get3A_385 : i32 to index
        %get3A_387 = arith.index_cast %scan3A_372 : i32 to index
        %get3A_388 = arith.constant 16 : index
        %get3A_389 = tpu.vector_load %arg8[%get3A_386, %get3A_387, %get3A_388] {strides = array<i32>} : memref<2x128x64xf32, #tpu.memory_space<vmem>>, vector<16xf32>,
        %add3A_390 = arith.addf %get3A_389, %get3A_156 : vector<16xf32>
        %scatter3A_391 = arith.constant 0 : i32
        %scatter3A_392 = arith.constant 0 : i32
        %scatter3A_393 = arith.constant 0 : i32
        %scatter3A_394 = tpu.memref_slice %arg9[%scan3A_170, %scatter3A_391, %scatter3A_392, %scatter3A_393] : memref<2x8x8x129xf32, #tpu.memory_space<vmem>> -> memref<1x8x8x129xf32, #tpu.memory_space<vmem>>
        %scatter3A_395 = tpu.memref_squeeze %scatter3A_394 : memref<1x8x8x129xf32, #tpu.memory_space<vmem>> -> memref<8x8x129xf32, #tpu.memory_space<vmem>>
        tpu.vector_store_idx %scatter3A_395[%shift_right_arithmetic3A_16, %and3A_39, %broadcast_in_dim3A_373], %add3A_390 : memref<8x8x129xf32, #tpu.memory_space<vmem>>[vector<16xi32>, vector<16xi32>, vector<16xi32>], vector<16xf32>,
        %get3A_396 = arith.constant 0 : i32
        %get3A_397 = arith.index_cast %get3A_396 : i32 to index
        %get3A_398 = arith.index_cast %scan3A_372 : i32 to index
        %get3A_399 = arith.constant 32 : index
        %get3A_400 = tpu.vector_load %arg8[%get3A_397, %get3A_398, %get3A_399] {strides = array<i32>} : memref<2x128x64xf32, #tpu.memory_space<vmem>>, vector<16xf32>,
        %add3A_401 = arith.addf %get3A_400, %get3A_162 : vector<16xf32>
        %scatter3A_402 = arith.constant 0 : i32
        %scatter3A_403 = arith.constant 0 : i32
        %scatter3A_404 = arith.constant 0 : i32
        %scatter3A_405 = tpu.memref_slice %arg9[%scan3A_170, %scatter3A_402, %scatter3A_403, %scatter3A_404] : memref<2x8x8x129xf32, #tpu.memory_space<vmem>> -> memref<1x8x8x129xf32, #tpu.memory_space<vmem>>
        %scatter3A_406 = tpu.memref_squeeze %scatter3A_405 : memref<1x8x8x129xf32, #tpu.memory_space<vmem>> -> memref<8x8x129xf32, #tpu.memory_space<vmem>>
        tpu.vector_store_idx %scatter3A_406[%shift_right_arithmetic3A_22, %and3A_45, %broadcast_in_dim3A_373], %add3A_401 : memref<8x8x129xf32, #tpu.memory_space<vmem>>[vector<16xi32>, vector<16xi32>, vector<16xi32>], vector<16xf32>,
        %get3A_407 = arith.constant 0 : i32
        %get3A_408 = arith.index_cast %get3A_407 : i32 to index
        %get3A_409 = arith.index_cast %scan3A_372 : i32 to index
        %get3A_410 = arith.constant 48 : index
        %get3A_411 = tpu.vector_load %arg8[%get3A_408, %get3A_409, %get3A_410] {strides = array<i32>} : memref<2x128x64xf32, #tpu.memory_space<vmem>>, vector<16xf32>,
        %add3A_412 = arith.addf %get3A_411, %get3A_168 : vector<16xf32>
        %scatter3A_413 = arith.constant 0 : i32
        %scatter3A_414 = arith.constant 0 : i32
        %scatter3A_415 = arith.constant 0 : i32
        %scatter3A_416 = tpu.memref_slice %arg9[%scan3A_170, %scatter3A_413, %scatter3A_414, %scatter3A_415] : memref<2x8x8x129xf32, #tpu.memory_space<vmem>> -> memref<1x8x8x129xf32, #tpu.memory_space<vmem>>
        %scatter3A_417 = tpu.memref_squeeze %scatter3A_416 : memref<1x8x8x129xf32, #tpu.memory_space<vmem>> -> memref<8x8x129xf32, #tpu.memory_space<vmem>>
        tpu.vector_store_idx %scatter3A_417[%shift_right_arithmetic3A_28, %and3A_51, %broadcast_in_dim3A_373], %add3A_412 : memref<8x8x129xf32, #tpu.memory_space<vmem>>[vector<16xi32>, vector<16xi32>, vector<16xi32>], vector<16xf32>,
        %scan3A_418 = arith.constant 3 : i32
        %scan3A_419 = arith.addi %scan3A_280, %scan3A_418 : i32
        %broadcast_in_dim3A_420 = vector.broadcast %scan3A_419 : i32 to vector<16xi32>
        %get3A_421 = arith.constant 0 : i32
        %get3A_422 = arith.index_cast %get3A_421 : i32 to index
        %get3A_423 = arith.index_cast %scan3A_419 : i32 to index
        %get3A_424 = arith.constant 0 : index
        %get3A_425 = tpu.vector_load %arg8[%get3A_422, %get3A_423, %get3A_424] {strides = array<i32>} : memref<2x128x64xf32, #tpu.memory_space<vmem>>, vector<16xf32>,
        %add3A_426 = arith.addf %get3A_425, %get3A_150 : vector<16xf32>
        %scatter3A_427 = arith.constant 0 : i32
        %scatter3A_428 = arith.constant 0 : i32
        %scatter3A_429 = arith.constant 0 : i32
        %scatter3A_430 = tpu.memref_slice %arg9[%scan3A_170, %scatter3A_427, %scatter3A_428, %scatter3A_429] : memref<2x8x8x129xf32, #tpu.memory_space<vmem>> -> memref<1x8x8x129xf32, #tpu.memory_space<vmem>>
        %scatter3A_431 = tpu.memref_squeeze %scatter3A_430 : memref<1x8x8x129xf32, #tpu.memory_space<vmem>> -> memref<8x8x129xf32, #tpu.memory_space<vmem>>
        tpu.vector_store_idx %scatter3A_431[%shift_right_arithmetic3A_10, %and3A_33, %broadcast_in_dim3A_420], %add3A_426 : memref<8x8x129xf32, #tpu.memory_space<vmem>>[vector<16xi32>, vector<16xi32>, vector<16xi32>], vector<16xf32>,
        %get3A_432 = arith.constant 0 : i32
        %get3A_433 = arith.index_cast %get3A_432 : i32 to index
        %get3A_434 = arith.index_cast %scan3A_419 : i32 to index
        %get3A_435 = arith.constant 16 : index
        %get3A_436 = tpu.vector_load %arg8[%get3A_433, %get3A_434, %get3A_435] {strides = array<i32>} : memref<2x128x64xf32, #tpu.memory_space<vmem>>, vector<16xf32>,
        %add3A_437 = arith.addf %get3A_436, %get3A_156 : vector<16xf32>
        %scatter3A_438 = arith.constant 0 : i32
        %scatter3A_439 = arith.constant 0 : i32
        %scatter3A_440 = arith.constant 0 : i32
        %scatter3A_441 = tpu.memref_slice %arg9[%scan3A_170, %scatter3A_438, %scatter3A_439, %scatter3A_440] : memref<2x8x8x129xf32, #tpu.memory_space<vmem>> -> memref<1x8x8x129xf32, #tpu.memory_space<vmem>>
        %scatter3A_442 = tpu.memref_squeeze %scatter3A_441 : memref<1x8x8x129xf32, #tpu.memory_space<vmem>> -> memref<8x8x129xf32, #tpu.memory_space<vmem>>
        tpu.vector_store_idx %scatter3A_442[%shift_right_arithmetic3A_16, %and3A_39, %broadcast_in_dim3A_420], %add3A_437 : memref<8x8x129xf32, #tpu.memory_space<vmem>>[vector<16xi32>, vector<16xi32>, vector<16xi32>], vector<16xf32>,
        %get3A_443 = arith.constant 0 : i32
        %get3A_444 = arith.index_cast %get3A_443 : i32 to index
        %get3A_445 = arith.index_cast %scan3A_419 : i32 to index
        %get3A_446 = arith.constant 32 : index
        %get3A_447 = tpu.vector_load %arg8[%get3A_444, %get3A_445, %get3A_446] {strides = array<i32>} : memref<2x128x64xf32, #tpu.memory_space<vmem>>, vector<16xf32>,
        %add3A_448 = arith.addf %get3A_447, %get3A_162 : vector<16xf32>
        %scatter3A_449 = arith.constant 0 : i32
        %scatter3A_450 = arith.constant 0 : i32
        %scatter3A_451 = arith.constant 0 : i32
        %scatter3A_452 = tpu.memref_slice %arg9[%scan3A_170, %scatter3A_449, %scatter3A_450, %scatter3A_451] : memref<2x8x8x129xf32, #tpu.memory_space<vmem>> -> memref<1x8x8x129xf32, #tpu.memory_space<vmem>>
        %scatter3A_453 = tpu.memref_squeeze %scatter3A_452 : memref<1x8x8x129xf32, #tpu.memory_space<vmem>> -> memref<8x8x129xf32, #tpu.memory_space<vmem>>
        tpu.vector_store_idx %scatter3A_453[%shift_right_arithmetic3A_22, %and3A_45, %broadcast_in_dim3A_420], %add3A_448 : memref<8x8x129xf32, #tpu.memory_space<vmem>>[vector<16xi32>, vector<16xi32>, vector<16xi32>], vector<16xf32>,
        %get3A_454 = arith.constant 0 : i32
        %get3A_455 = arith.index_cast %get3A_454 : i32 to index
        %get3A_456 = arith.index_cast %scan3A_419 : i32 to index
        %get3A_457 = arith.constant 48 : index
        %get3A_458 = tpu.vector_load %arg8[%get3A_455, %get3A_456, %get3A_457] {strides = array<i32>} : memref<2x128x64xf32, #tpu.memory_space<vmem>>, vector<16xf32>,
        %add3A_459 = arith.addf %get3A_458, %get3A_168 : vector<16xf32>
        %scatter3A_460 = arith.constant 0 : i32
        %scatter3A_461 = arith.constant 0 : i32
        %scatter3A_462 = arith.constant 0 : i32
        %scatter3A_463 = tpu.memref_slice %arg9[%scan3A_170, %scatter3A_460, %scatter3A_461, %scatter3A_462] : memref<2x8x8x129xf32, #tpu.memory_space<vmem>> -> memref<1x8x8x129xf32, #tpu.memory_space<vmem>>
        %scatter3A_464 = tpu.memref_squeeze %scatter3A_463 : memref<1x8x8x129xf32, #tpu.memory_space<vmem>> -> memref<8x8x129xf32, #tpu.memory_space<vmem>>
        tpu.vector_store_idx %scatter3A_464[%shift_right_arithmetic3A_28, %and3A_51, %broadcast_in_dim3A_420], %add3A_459 : memref<8x8x129xf32, #tpu.memory_space<vmem>>[vector<16xi32>, vector<16xi32>, vector<16xi32>], vector<16xf32>,
        %scan3A_465 = arith.constant 4 : i32
        %scan3A_466 = arith.addi %scan3A_280, %scan3A_465 : i32
        %broadcast_in_dim3A_467 = vector.broadcast %scan3A_466 : i32 to vector<16xi32>
        %get3A_468 = arith.constant 0 : i32
        %get3A_469 = arith.index_cast %get3A_468 : i32 to index
        %get3A_470 = arith.index_cast %scan3A_466 : i32 to index
        %get3A_471 = arith.constant 0 : index
        %get3A_472 = tpu.vector_load %arg8[%get3A_469, %get3A_470, %get3A_471] {strides = array<i32>} : memref<2x128x64xf32, #tpu.memory_space<vmem>>, vector<16xf32>,
        %add3A_473 = arith.addf %get3A_472, %get3A_150 : vector<16xf32>
        %scatter3A_474 = arith.constant 0 : i32
        %scatter3A_475 = arith.constant 0 : i32
        %scatter3A_476 = arith.constant 0 : i32
        %scatter3A_477 = tpu.memref_slice %arg9[%scan3A_170, %scatter3A_474, %scatter3A_475, %scatter3A_476] : memref<2x8x8x129xf32, #tpu.memory_space<vmem>> -> memref<1x8x8x129xf32, #tpu.memory_space<vmem>>
        %scatter3A_478 = tpu.memref_squeeze %scatter3A_477 : memref<1x8x8x129xf32, #tpu.memory_space<vmem>> -> memref<8x8x129xf32, #tpu.memory_space<vmem>>
        tpu.vector_store_idx %scatter3A_478[%shift_right_arithmetic3A_10, %and3A_33, %broadcast_in_dim3A_467], %add3A_473 : memref<8x8x129xf32, #tpu.memory_space<vmem>>[vector<16xi32>, vector<16xi32>, vector<16xi32>], vector<16xf32>,
        %get3A_479 = arith.constant 0 : i32
        %get3A_480 = arith.index_cast %get3A_479 : i32 to index
        %get3A_481 = arith.index_cast %scan3A_466 : i32 to index
        %get3A_482 = arith.constant 16 : index
        %get3A_483 = tpu.vector_load %arg8[%get3A_480, %get3A_481, %get3A_482] {strides = array<i32>} : memref<2x128x64xf32, #tpu.memory_space<vmem>>, vector<16xf32>,
        %add3A_484 = arith.addf %get3A_483, %get3A_156 : vector<16xf32>
        %scatter3A_485 = arith.constant 0 : i32
        %scatter3A_486 = arith.constant 0 : i32
        %scatter3A_487 = arith.constant 0 : i32
        %scatter3A_488 = tpu.memref_slice %arg9[%scan3A_170, %scatter3A_485, %scatter3A_486, %scatter3A_487] : memref<2x8x8x129xf32, #tpu.memory_space<vmem>> -> memref<1x8x8x129xf32, #tpu.memory_space<vmem>>
        %scatter3A_489 = tpu.memref_squeeze %scatter3A_488 : memref<1x8x8x129xf32, #tpu.memory_space<vmem>> -> memref<8x8x129xf32, #tpu.memory_space<vmem>>
        tpu.vector_store_idx %scatter3A_489[%shift_right_arithmetic3A_16, %and3A_39, %broadcast_in_dim3A_467], %add3A_484 : memref<8x8x129xf32, #tpu.memory_space<vmem>>[vector<16xi32>, vector<16xi32>, vector<16xi32>], vector<16xf32>,
        %get3A_490 = arith.constant 0 : i32
        %get3A_491 = arith.index_cast %get3A_490 : i32 to index
        %get3A_492 = arith.index_cast %scan3A_466 : i32 to index
        %get3A_493 = arith.constant 32 : index
        %get3A_494 = tpu.vector_load %arg8[%get3A_491, %get3A_492, %get3A_493] {strides = array<i32>} : memref<2x128x64xf32, #tpu.memory_space<vmem>>, vector<16xf32>,
        %add3A_495 = arith.addf %get3A_494, %get3A_162 : vector<16xf32>
        %scatter3A_496 = arith.constant 0 : i32
        %scatter3A_497 = arith.constant 0 : i32
        %scatter3A_498 = arith.constant 0 : i32
        %scatter3A_499 = tpu.memref_slice %arg9[%scan3A_170, %scatter3A_496, %scatter3A_497, %scatter3A_498] : memref<2x8x8x129xf32, #tpu.memory_space<vmem>> -> memref<1x8x8x129xf32, #tpu.memory_space<vmem>>
        %scatter3A_500 = tpu.memref_squeeze %scatter3A_499 : memref<1x8x8x129xf32, #tpu.memory_space<vmem>> -> memref<8x8x129xf32, #tpu.memory_space<vmem>>
        tpu.vector_store_idx %scatter3A_500[%shift_right_arithmetic3A_22, %and3A_45, %broadcast_in_dim3A_467], %add3A_495 : memref<8x8x129xf32, #tpu.memory_space<vmem>>[vector<16xi32>, vector<16xi32>, vector<16xi32>], vector<16xf32>,
        %get3A_501 = arith.constant 0 : i32
        %get3A_502 = arith.index_cast %get3A_501 : i32 to index
        %get3A_503 = arith.index_cast %scan3A_466 : i32 to index
        %get3A_504 = arith.constant 48 : index
        %get3A_505 = tpu.vector_load %arg8[%get3A_502, %get3A_503, %get3A_504] {strides = array<i32>} : memref<2x128x64xf32, #tpu.memory_space<vmem>>, vector<16xf32>,
        %add3A_506 = arith.addf %get3A_505, %get3A_168 : vector<16xf32>
        %scatter3A_507 = arith.constant 0 : i32
        %scatter3A_508 = arith.constant 0 : i32
        %scatter3A_509 = arith.constant 0 : i32
        %scatter3A_510 = tpu.memref_slice %arg9[%scan3A_170, %scatter3A_507, %scatter3A_508, %scatter3A_509] : memref<2x8x8x129xf32, #tpu.memory_space<vmem>> -> memref<1x8x8x129xf32, #tpu.memory_space<vmem>>
        %scatter3A_511 = tpu.memref_squeeze %scatter3A_510 : memref<1x8x8x129xf32, #tpu.memory_space<vmem>> -> memref<8x8x129xf32, #tpu.memory_space<vmem>>
        tpu.vector_store_idx %scatter3A_511[%shift_right_arithmetic3A_28, %and3A_51, %broadcast_in_dim3A_467], %add3A_506 : memref<8x8x129xf32, #tpu.memory_space<vmem>>[vector<16xi32>, vector<16xi32>, vector<16xi32>], vector<16xf32>,
        %scan3A_512 = arith.constant 5 : i32
        %scan3A_513 = arith.addi %scan3A_280, %scan3A_512 : i32
        %broadcast_in_dim3A_514 = vector.broadcast %scan3A_513 : i32 to vector<16xi32>
        %get3A_515 = arith.constant 0 : i32
        %get3A_516 = arith.index_cast %get3A_515 : i32 to index
        %get3A_517 = arith.index_cast %scan3A_513 : i32 to index
        %get3A_518 = arith.constant 0 : index
        %get3A_519 = tpu.vector_load %arg8[%get3A_516, %get3A_517, %get3A_518] {strides = array<i32>} : memref<2x128x64xf32, #tpu.memory_space<vmem>>, vector<16xf32>,
        %add3A_520 = arith.addf %get3A_519, %get3A_150 : vector<16xf32>
        %scatter3A_521 = arith.constant 0 : i32
        %scatter3A_522 = arith.constant 0 : i32
        %scatter3A_523 = arith.constant 0 : i32
        %scatter3A_524 = tpu.memref_slice %arg9[%scan3A_170, %scatter3A_521, %scatter3A_522, %scatter3A_523] : memref<2x8x8x129xf32, #tpu.memory_space<vmem>> -> memref<1x8x8x129xf32, #tpu.memory_space<vmem>>
        %scatter3A_525 = tpu.memref_squeeze %scatter3A_524 : memref<1x8x8x129xf32, #tpu.memory_space<vmem>> -> memref<8x8x129xf32, #tpu.memory_space<vmem>>
        tpu.vector_store_idx %scatter3A_525[%shift_right_arithmetic3A_10, %and3A_33, %broadcast_in_dim3A_514], %add3A_520 : memref<8x8x129xf32, #tpu.memory_space<vmem>>[vector<16xi32>, vector<16xi32>, vector<16xi32>], vector<16xf32>,
        %get3A_526 = arith.constant 0 : i32
        %get3A_527 = arith.index_cast %get3A_526 : i32 to index
        %get3A_528 = arith.index_cast %scan3A_513 : i32 to index
        %get3A_529 = arith.constant 16 : index
        %get3A_530 = tpu.vector_load %arg8[%get3A_527, %get3A_528, %get3A_529] {strides = array<i32>} : memref<2x128x64xf32, #tpu.memory_space<vmem>>, vector<16xf32>,
        %add3A_531 = arith.addf %get3A_530, %get3A_156 : vector<16xf32>
        %scatter3A_532 = arith.constant 0 : i32
        %scatter3A_533 = arith.constant 0 : i32
        %scatter3A_534 = arith.constant 0 : i32
        %scatter3A_535 = tpu.memref_slice %arg9[%scan3A_170, %scatter3A_532, %scatter3A_533, %scatter3A_534] : memref<2x8x8x129xf32, #tpu.memory_space<vmem>> -> memref<1x8x8x129xf32, #tpu.memory_space<vmem>>
        %scatter3A_536 = tpu.memref_squeeze %scatter3A_535 : memref<1x8x8x129xf32, #tpu.memory_space<vmem>> -> memref<8x8x129xf32, #tpu.memory_space<vmem>>
        tpu.vector_store_idx %scatter3A_536[%shift_right_arithmetic3A_16, %and3A_39, %broadcast_in_dim3A_514], %add3A_531 : memref<8x8x129xf32, #tpu.memory_space<vmem>>[vector<16xi32>, vector<16xi32>, vector<16xi32>], vector<16xf32>,
        %get3A_537 = arith.constant 0 : i32
        %get3A_538 = arith.index_cast %get3A_537 : i32 to index
        %get3A_539 = arith.index_cast %scan3A_513 : i32 to index
        %get3A_540 = arith.constant 32 : index
        %get3A_541 = tpu.vector_load %arg8[%get3A_538, %get3A_539, %get3A_540] {strides = array<i32>} : memref<2x128x64xf32, #tpu.memory_space<vmem>>, vector<16xf32>,
        %add3A_542 = arith.addf %get3A_541, %get3A_162 : vector<16xf32>
        %scatter3A_543 = arith.constant 0 : i32
        %scatter3A_544 = arith.constant 0 : i32
        %scatter3A_545 = arith.constant 0 : i32
        %scatter3A_546 = tpu.memref_slice %arg9[%scan3A_170, %scatter3A_543, %scatter3A_544, %scatter3A_545] : memref<2x8x8x129xf32, #tpu.memory_space<vmem>> -> memref<1x8x8x129xf32, #tpu.memory_space<vmem>>
        %scatter3A_547 = tpu.memref_squeeze %scatter3A_546 : memref<1x8x8x129xf32, #tpu.memory_space<vmem>> -> memref<8x8x129xf32, #tpu.memory_space<vmem>>
        tpu.vector_store_idx %scatter3A_547[%shift_right_arithmetic3A_22, %and3A_45, %broadcast_in_dim3A_514], %add3A_542 : memref<8x8x129xf32, #tpu.memory_space<vmem>>[vector<16xi32>, vector<16xi32>, vector<16xi32>], vector<16xf32>,
        %get3A_548 = arith.constant 0 : i32
        %get3A_549 = arith.index_cast %get3A_548 : i32 to index
        %get3A_550 = arith.index_cast %scan3A_513 : i32 to index
        %get3A_551 = arith.constant 48 : index
        %get3A_552 = tpu.vector_load %arg8[%get3A_549, %get3A_550, %get3A_551] {strides = array<i32>} : memref<2x128x64xf32, #tpu.memory_space<vmem>>, vector<16xf32>,
        %add3A_553 = arith.addf %get3A_552, %get3A_168 : vector<16xf32>
        %scatter3A_554 = arith.constant 0 : i32
        %scatter3A_555 = arith.constant 0 : i32
        %scatter3A_556 = arith.constant 0 : i32
        %scatter3A_557 = tpu.memref_slice %arg9[%scan3A_170, %scatter3A_554, %scatter3A_555, %scatter3A_556] : memref<2x8x8x129xf32, #tpu.memory_space<vmem>> -> memref<1x8x8x129xf32, #tpu.memory_space<vmem>>
        %scatter3A_558 = tpu.memref_squeeze %scatter3A_557 : memref<1x8x8x129xf32, #tpu.memory_space<vmem>> -> memref<8x8x129xf32, #tpu.memory_space<vmem>>
        tpu.vector_store_idx %scatter3A_558[%shift_right_arithmetic3A_28, %and3A_51, %broadcast_in_dim3A_514], %add3A_553 : memref<8x8x129xf32, #tpu.memory_space<vmem>>[vector<16xi32>, vector<16xi32>, vector<16xi32>], vector<16xf32>,
        %scan3A_559 = arith.constant 6 : i32
        %scan3A_560 = arith.addi %scan3A_280, %scan3A_559 : i32
        %broadcast_in_dim3A_561 = vector.broadcast %scan3A_560 : i32 to vector<16xi32>
        %get3A_562 = arith.constant 0 : i32
        %get3A_563 = arith.index_cast %get3A_562 : i32 to index
        %get3A_564 = arith.index_cast %scan3A_560 : i32 to index
        %get3A_565 = arith.constant 0 : index
        %get3A_566 = tpu.vector_load %arg8[%get3A_563, %get3A_564, %get3A_565] {strides = array<i32>} : memref<2x128x64xf32, #tpu.memory_space<vmem>>, vector<16xf32>,
        %add3A_567 = arith.addf %get3A_566, %get3A_150 : vector<16xf32>
        %scatter3A_568 = arith.constant 0 : i32
        %scatter3A_569 = arith.constant 0 : i32
        %scatter3A_570 = arith.constant 0 : i32
        %scatter3A_571 = tpu.memref_slice %arg9[%scan3A_170, %scatter3A_568, %scatter3A_569, %scatter3A_570] : memref<2x8x8x129xf32, #tpu.memory_space<vmem>> -> memref<1x8x8x129xf32, #tpu.memory_space<vmem>>
        %scatter3A_572 = tpu.memref_squeeze %scatter3A_571 : memref<1x8x8x129xf32, #tpu.memory_space<vmem>> -> memref<8x8x129xf32, #tpu.memory_space<vmem>>
        tpu.vector_store_idx %scatter3A_572[%shift_right_arithmetic3A_10, %and3A_33, %broadcast_in_dim3A_561], %add3A_567 : memref<8x8x129xf32, #tpu.memory_space<vmem>>[vector<16xi32>, vector<16xi32>, vector<16xi32>], vector<16xf32>,
        %get3A_573 = arith.constant 0 : i32
        %get3A_574 = arith.index_cast %get3A_573 : i32 to index
        %get3A_575 = arith.index_cast %scan3A_560 : i32 to index
        %get3A_576 = arith.constant 16 : index
        %get3A_577 = tpu.vector_load %arg8[%get3A_574, %get3A_575, %get3A_576] {strides = array<i32>} : memref<2x128x64xf32, #tpu.memory_space<vmem>>, vector<16xf32>,
        %add3A_578 = arith.addf %get3A_577, %get3A_156 : vector<16xf32>
        %scatter3A_579 = arith.constant 0 : i32
        %scatter3A_580 = arith.constant 0 : i32
        %scatter3A_581 = arith.constant 0 : i32
        %scatter3A_582 = tpu.memref_slice %arg9[%scan3A_170, %scatter3A_579, %scatter3A_580, %scatter3A_581] : memref<2x8x8x129xf32, #tpu.memory_space<vmem>> -> memref<1x8x8x129xf32, #tpu.memory_space<vmem>>
        %scatter3A_583 = tpu.memref_squeeze %scatter3A_582 : memref<1x8x8x129xf32, #tpu.memory_space<vmem>> -> memref<8x8x129xf32, #tpu.memory_space<vmem>>
        tpu.vector_store_idx %scatter3A_583[%shift_right_arithmetic3A_16, %and3A_39, %broadcast_in_dim3A_561], %add3A_578 : memref<8x8x129xf32, #tpu.memory_space<vmem>>[vector<16xi32>, vector<16xi32>, vector<16xi32>], vector<16xf32>,
        %get3A_584 = arith.constant 0 : i32
        %get3A_585 = arith.index_cast %get3A_584 : i32 to index
        %get3A_586 = arith.index_cast %scan3A_560 : i32 to index
        %get3A_587 = arith.constant 32 : index
        %get3A_588 = tpu.vector_load %arg8[%get3A_585, %get3A_586, %get3A_587] {strides = array<i32>} : memref<2x128x64xf32, #tpu.memory_space<vmem>>, vector<16xf32>,
        %add3A_589 = arith.addf %get3A_588, %get3A_162 : vector<16xf32>
        %scatter3A_590 = arith.constant 0 : i32
        %scatter3A_591 = arith.constant 0 : i32
        %scatter3A_592 = arith.constant 0 : i32
        %scatter3A_593 = tpu.memref_slice %arg9[%scan3A_170, %scatter3A_590, %scatter3A_591, %scatter3A_592] : memref<2x8x8x129xf32, #tpu.memory_space<vmem>> -> memref<1x8x8x129xf32, #tpu.memory_space<vmem>>
        %scatter3A_594 = tpu.memref_squeeze %scatter3A_593 : memref<1x8x8x129xf32, #tpu.memory_space<vmem>> -> memref<8x8x129xf32, #tpu.memory_space<vmem>>
        tpu.vector_store_idx %scatter3A_594[%shift_right_arithmetic3A_22, %and3A_45, %broadcast_in_dim3A_561], %add3A_589 : memref<8x8x129xf32, #tpu.memory_space<vmem>>[vector<16xi32>, vector<16xi32>, vector<16xi32>], vector<16xf32>,
        %get3A_595 = arith.constant 0 : i32
        %get3A_596 = arith.index_cast %get3A_595 : i32 to index
        %get3A_597 = arith.index_cast %scan3A_560 : i32 to index
        %get3A_598 = arith.constant 48 : index
        %get3A_599 = tpu.vector_load %arg8[%get3A_596, %get3A_597, %get3A_598] {strides = array<i32>} : memref<2x128x64xf32, #tpu.memory_space<vmem>>, vector<16xf32>,
        %add3A_600 = arith.addf %get3A_599, %get3A_168 : vector<16xf32>
        %scatter3A_601 = arith.constant 0 : i32
        %scatter3A_602 = arith.constant 0 : i32
        %scatter3A_603 = arith.constant 0 : i32
        %scatter3A_604 = tpu.memref_slice %arg9[%scan3A_170, %scatter3A_601, %scatter3A_602, %scatter3A_603] : memref<2x8x8x129xf32, #tpu.memory_space<vmem>> -> memref<1x8x8x129xf32, #tpu.memory_space<vmem>>
        %scatter3A_605 = tpu.memref_squeeze %scatter3A_604 : memref<1x8x8x129xf32, #tpu.memory_space<vmem>> -> memref<8x8x129xf32, #tpu.memory_space<vmem>>
        tpu.vector_store_idx %scatter3A_605[%shift_right_arithmetic3A_28, %and3A_51, %broadcast_in_dim3A_561], %add3A_600 : memref<8x8x129xf32, #tpu.memory_space<vmem>>[vector<16xi32>, vector<16xi32>, vector<16xi32>], vector<16xf32>,
        %scan3A_606 = arith.constant 7 : i32
        %scan3A_607 = arith.addi %scan3A_280, %scan3A_606 : i32
        %broadcast_in_dim3A_608 = vector.broadcast %scan3A_607 : i32 to vector<16xi32>
        %get3A_609 = arith.constant 0 : i32
        %get3A_610 = arith.index_cast %get3A_609 : i32 to index
        %get3A_611 = arith.index_cast %scan3A_607 : i32 to index
        %get3A_612 = arith.constant 0 : index
        %get3A_613 = tpu.vector_load %arg8[%get3A_610, %get3A_611, %get3A_612] {strides = array<i32>} : memref<2x128x64xf32, #tpu.memory_space<vmem>>, vector<16xf32>,
        %add3A_614 = arith.addf %get3A_613, %get3A_150 : vector<16xf32>
        %scatter3A_615 = arith.constant 0 : i32
        %scatter3A_616 = arith.constant 0 : i32
        %scatter3A_617 = arith.constant 0 : i32
        %scatter3A_618 = tpu.memref_slice %arg9[%scan3A_170, %scatter3A_615, %scatter3A_616, %scatter3A_617] : memref<2x8x8x129xf32, #tpu.memory_space<vmem>> -> memref<1x8x8x129xf32, #tpu.memory_space<vmem>>
        %scatter3A_619 = tpu.memref_squeeze %scatter3A_618 : memref<1x8x8x129xf32, #tpu.memory_space<vmem>> -> memref<8x8x129xf32, #tpu.memory_space<vmem>>
        tpu.vector_store_idx %scatter3A_619[%shift_right_arithmetic3A_10, %and3A_33, %broadcast_in_dim3A_608], %add3A_614 : memref<8x8x129xf32, #tpu.memory_space<vmem>>[vector<16xi32>, vector<16xi32>, vector<16xi32>], vector<16xf32>,
        %get3A_620 = arith.constant 0 : i32
        %get3A_621 = arith.index_cast %get3A_620 : i32 to index
        %get3A_622 = arith.index_cast %scan3A_607 : i32 to index
        %get3A_623 = arith.constant 16 : index
        %get3A_624 = tpu.vector_load %arg8[%get3A_621, %get3A_622, %get3A_623] {strides = array<i32>} : memref<2x128x64xf32, #tpu.memory_space<vmem>>, vector<16xf32>,
        %add3A_625 = arith.addf %get3A_624, %get3A_156 : vector<16xf32>
        %scatter3A_626 = arith.constant 0 : i32
        %scatter3A_627 = arith.constant 0 : i32
        %scatter3A_628 = arith.constant 0 : i32
        %scatter3A_629 = tpu.memref_slice %arg9[%scan3A_170, %scatter3A_626, %scatter3A_627, %scatter3A_628] : memref<2x8x8x129xf32, #tpu.memory_space<vmem>> -> memref<1x8x8x129xf32, #tpu.memory_space<vmem>>
        %scatter3A_630 = tpu.memref_squeeze %scatter3A_629 : memref<1x8x8x129xf32, #tpu.memory_space<vmem>> -> memref<8x8x129xf32, #tpu.memory_space<vmem>>
        tpu.vector_store_idx %scatter3A_630[%shift_right_arithmetic3A_16, %and3A_39, %broadcast_in_dim3A_608], %add3A_625 : memref<8x8x129xf32, #tpu.memory_space<vmem>>[vector<16xi32>, vector<16xi32>, vector<16xi32>], vector<16xf32>,
        %get3A_631 = arith.constant 0 : i32
        %get3A_632 = arith.index_cast %get3A_631 : i32 to index
        %get3A_633 = arith.index_cast %scan3A_607 : i32 to index
        %get3A_634 = arith.constant 32 : index
        %get3A_635 = tpu.vector_load %arg8[%get3A_632, %get3A_633, %get3A_634] {strides = array<i32>} : memref<2x128x64xf32, #tpu.memory_space<vmem>>, vector<16xf32>,
        %add3A_636 = arith.addf %get3A_635, %get3A_162 : vector<16xf32>
        %scatter3A_637 = arith.constant 0 : i32
        %scatter3A_638 = arith.constant 0 : i32
        %scatter3A_639 = arith.constant 0 : i32
        %scatter3A_640 = tpu.memref_slice %arg9[%scan3A_170, %scatter3A_637, %scatter3A_638, %scatter3A_639] : memref<2x8x8x129xf32, #tpu.memory_space<vmem>> -> memref<1x8x8x129xf32, #tpu.memory_space<vmem>>
        %scatter3A_641 = tpu.memref_squeeze %scatter3A_640 : memref<1x8x8x129xf32, #tpu.memory_space<vmem>> -> memref<8x8x129xf32, #tpu.memory_space<vmem>>
        tpu.vector_store_idx %scatter3A_641[%shift_right_arithmetic3A_22, %and3A_45, %broadcast_in_dim3A_608], %add3A_636 : memref<8x8x129xf32, #tpu.memory_space<vmem>>[vector<16xi32>, vector<16xi32>, vector<16xi32>], vector<16xf32>,
        %get3A_642 = arith.constant 0 : i32
        %get3A_643 = arith.index_cast %get3A_642 : i32 to index
        %get3A_644 = arith.index_cast %scan3A_607 : i32 to index
        %get3A_645 = arith.constant 48 : index
        %get3A_646 = tpu.vector_load %arg8[%get3A_643, %get3A_644, %get3A_645] {strides = array<i32>} : memref<2x128x64xf32, #tpu.memory_space<vmem>>, vector<16xf32>,
        %add3A_647 = arith.addf %get3A_646, %get3A_168 : vector<16xf32>
        %scatter3A_648 = arith.constant 0 : i32
        %scatter3A_649 = arith.constant 0 : i32
        %scatter3A_650 = arith.constant 0 : i32
        %scatter3A_651 = tpu.memref_slice %arg9[%scan3A_170, %scatter3A_648, %scatter3A_649, %scatter3A_650] : memref<2x8x8x129xf32, #tpu.memory_space<vmem>> -> memref<1x8x8x129xf32, #tpu.memory_space<vmem>>
        %scatter3A_652 = tpu.memref_squeeze %scatter3A_651 : memref<1x8x8x129xf32, #tpu.memory_space<vmem>> -> memref<8x8x129xf32, #tpu.memory_space<vmem>>
        tpu.vector_store_idx %scatter3A_652[%shift_right_arithmetic3A_28, %and3A_51, %broadcast_in_dim3A_608], %add3A_647 : memref<8x8x129xf32, #tpu.memory_space<vmem>>[vector<16xi32>, vector<16xi32>, vector<16xi32>], vector<16xf32>,
      }
      %scan3A_175 = arith.constant 128 : i32
      %lt3A = arith.constant 198 : i32
      %lt3A_176 = arith.cmpi slt, %add3A_130, %lt3A : i32
      %convert_element_type3A_177 = arith.extui %lt3A_176 : i1 to i32
      %cond3A_178 = arith.constant 0 : i32
      %cond3A_179 = arith.cmpi ne, %convert_element_type3A_177, %cond3A_178 : i32
      scf.if %cond3A_179 {
        %add3A_280 = arith.constant 2 : i32
        %add3A_281 = arith.addi %add3A_130, %add3A_280 : i32
        %jit3A = arith.constant 8 : i32
        %div3A = arith.divsi %add3A_281, %jit3A : i32
        %sign3A = arith.constant 0 : i32
        %sign3A_282 = arith.cmpi sgt, %add3A_281, %sign3A : i32
        %sign3A_283 = arith.extui %sign3A_282 : i1 to i32
        %sign3A_284 = arith.constant 0 : i32
        %sign3A_285 = arith.cmpi slt, %add3A_281, %sign3A_284 : i32
        %sign3A_286 = arith.extui %sign3A_285 : i1 to i32
        %sign3A_287 = arith.subi %sign3A_283, %sign3A_286 : i32
        %sign3A_288 = arith.constant 0 : i32
        %sign3A_289 = arith.cmpi sgt, %jit3A, %sign3A_288 : i32
        %sign3A_290 = arith.extui %sign3A_289 : i1 to i32
        %sign3A_291 = arith.constant 0 : i32
        %sign3A_292 = arith.cmpi slt, %jit3A, %sign3A_291 : i32
        %sign3A_293 = arith.extui %sign3A_292 : i1 to i32
        %sign3A_294 = arith.subi %sign3A_290, %sign3A_293 : i32
        %ne3A = arith.cmpi ne, %sign3A_287, %sign3A_294 : i32
        %rem3A = arith.remsi %add3A_281, %jit3A : i32
        %ne3A_295 = arith.constant 0 : i32
        %ne3A_296 = arith.cmpi ne, %rem3A, %ne3A_295 : i32
        %and3A_297 = arith.andi %ne3A, %ne3A_296 : i1
        %sub3A = arith.constant 1 : i32
        %sub3A_298 = arith.subi %div3A, %sub3A : i32
        %select_n3A = arith.select %and3A_297, %sub3A_298, %div3A : i32
        %jit3A_299 = arith.constant 8 : i32
        %eq3A = arith.constant 0 : i32
        %eq3A_300 = arith.cmpi eq, %jit3A_299, %eq3A : i32
        %jit3A_301 = arith.constant 1 : i32
        %select_n3A_302 = arith.select %eq3A_300, %jit3A_301, %jit3A_299 : i32
        %rem3A_303 = arith.remsi %add3A_281, %select_n3A_302 : i32
        %ne3A_304 = arith.constant 0 : i32
        %ne3A_305 = arith.cmpi ne, %rem3A_303, %ne3A_304 : i32
        %lt3A_306 = arith.constant 0 : i32
        %lt3A_307 = arith.cmpi slt, %rem3A_303, %lt3A_306 : i32
        %lt3A_308 = arith.constant 0 : i32
        %lt3A_309 = arith.cmpi slt, %select_n3A_302, %lt3A_308 : i32
        %ne3A_310 = arith.xori %lt3A_307, %lt3A_309 : i1
        %and3A_311 = arith.andi %ne3A_310, %ne3A_305 : i1
        %add3A_312 = arith.addi %rem3A_303, %select_n3A_302 : i32
        %select_n3A_313 = arith.select %and3A_311, %add3A_312, %rem3A_303 : i32
        %dma_start3A_314 = arith.constant 0 : i32
        %dma_start3A_315 = arith.constant 0 : i32
        %dma_start3A_316 = arith.constant 0 : i32
        %dma_start3A_317 = tpu.memref_slice %arg8[%dma_start3A_314, %dma_start3A_315, %dma_start3A_316] : memref<2x128x64xf32, #tpu.memory_space<vmem>> -> memref<1x128x64xf32, #tpu.memory_space<vmem>>
        %dma_start3A_318 = tpu.memref_squeeze %dma_start3A_317 : memref<1x128x64xf32, #tpu.memory_space<vmem>> -> memref<128x64xf32, #tpu.memory_space<vmem>>
        %dma_start3A_319 = arith.constant 0 : i32
        %dma_start3A_320 = tpu.memref_slice %arg6[%select_n3A, %select_n3A_313, %dma_start3A_319] : memref<25x8x128xi32, #tpu.memory_space<vmem>> -> memref<1x1x128xi32, #tpu.memory_space<vmem>>
        %dma_start3A_321 = tpu.memref_squeeze %dma_start3A_320 : memref<1x1x128xi32, #tpu.memory_space<vmem>> -> memref<128xi32, #tpu.memory_space<vmem>>
        %dma_start3A_322 = arith.constant 0 : i32
        %dma_start3A_323 = arith.constant 0 : i32
        %dma_start3A_324 = tpu.memref_slice %arg3[%dma_start3A_322, %dma_start3A_323] : memref<1003520x64xf32, #tpu.memory_space<hbm>> -> memref<1003520x64xf32, #tpu.memory_space<hbm>>
        tpu.enqueue_indirect_dma source(%dma_start3A_324 : memref<1003520x64xf32, #tpu.memory_space<hbm>>) target(%dma_start3A_318 : memref<128x64xf32, #tpu.memory_space<vmem>>) offsets(%dma_start3A_321 : memref<128xi32, #tpu.memory_space<vmem>>) semaphore(%arg10 : memref<!tpu.dma_semaphore, #tpu.memory_space<semaphore_mem>>)
      } else {
      }
      %dma_start3A_180 = arith.constant 0 : i32
      %dma_start3A_181 = arith.constant 0 : i32
      %dma_start3A_182 = arith.constant 0 : i32
      %dma_start3A_183 = arith.constant 0 : i32
      %dma_start3A_184 = tpu.memref_slice %arg9[%dma_start3A_180, %dma_start3A_181, %dma_start3A_182, %dma_start3A_183] : memref<2x8x8x129xf32, #tpu.memory_space<vmem>> -> memref<1x8x8x128xf32, #tpu.memory_space<vmem>>
      %dma_start3A_185 = tpu.memref_squeeze %dma_start3A_184 : memref<1x8x8x128xf32, #tpu.memory_space<vmem>> -> memref<8x8x128xf32, #tpu.memory_space<vmem>>
      %dma_start3A_186 = arith.constant 0 : i32
      %dma_start3A_187 = arith.constant 0 : i32
      %dma_start3A_188 = arith.constant 0 : i32
      %dma_start3A_189 = tpu.memref_slice %arg5[%add3A_130, %dma_start3A_186, %add3A, %dma_start3A_187, %dma_start3A_188] : memref<200x8x32x8x128xf32, #tpu.memory_space<hbm>> -> memref<1x8x1x8x128xf32, #tpu.memory_space<hbm>>
      %dma_start3A_190 = tpu.memref_squeeze %dma_start3A_189 : memref<1x8x1x8x128xf32, #tpu.memory_space<hbm>> -> memref<8x8x128xf32, #tpu.memory_space<hbm>>
      %dma_start3A_191 = arith.constant 0 : i32
      %dma_start3A_192 = arith.constant 0 : i32
      %dma_start3A_193 = arith.constant 0 : i32
      %dma_start3A_194 = tpu.memref_slice %arg5[%add3A_130, %dma_start3A_191, %add3A, %dma_start3A_192, %dma_start3A_193] : memref<200x8x32x8x128xf32, #tpu.memory_space<hbm>> -> memref<1x8x1x8x128xf32, #tpu.memory_space<hbm>>
      %dma_start3A_195 = tpu.memref_squeeze %dma_start3A_194 : memref<1x8x1x8x128xf32, #tpu.memory_space<hbm>> -> memref<8x8x128xf32, #tpu.memory_space<hbm>>
      %dma_start3A_196 = arith.constant 0 : i32
      %dma_start3A_197 = arith.constant 0 : i32
      %dma_start3A_198 = arith.constant 0 : i32
      %dma_start3A_199 = tpu.memref_slice %arg9[%dma_start3A_180, %dma_start3A_196, %dma_start3A_197, %dma_start3A_198] : memref<2x8x8x129xf32, #tpu.memory_space<vmem>> -> memref<1x8x8x128xf32, #tpu.memory_space<vmem>>
      %dma_start3A_200 = tpu.memref_squeeze %dma_start3A_199 : memref<1x8x8x128xf32, #tpu.memory_space<vmem>> -> memref<8x8x128xf32, #tpu.memory_space<vmem>>
      tpu.enqueue_dma source(%dma_start3A_200 : memref<8x8x128xf32, #tpu.memory_space<vmem>>) target(%dma_start3A_195 : memref<8x8x128xf32, #tpu.memory_space<hbm>>) target_semaphore(%arg12 : memref<!tpu.dma_semaphore, #tpu.memory_space<semaphore_mem>>)
      %mul3A_201 = arith.constant 2 : i32
      %mul3A_202 = arith.muli %scan3A_126, %mul3A_201 : i32
      %add3A_203 = arith.constant 1 : i32
      %add3A_204 = arith.addi %mul3A_202, %add3A_203 : i32
      %dma_wait3A_205 = arith.constant 0 : i32
      %dma_wait3A_206 = arith.constant 0 : i32
      %dma_wait3A_207 = arith.constant 1 : i32
      %dma_wait3A_208 = arith.constant 0 : i32
      %dma_wait3A_209 = arith.constant 0 : i32
      %dma_wait3A_210 = tpu.memref_slice %arg8[%dma_wait3A_207, %dma_wait3A_208, %dma_wait3A_209] : memref<2x128x64xf32, #tpu.memory_space<vmem>> -> memref<1x128x64xf32, #tpu.memory_space<vmem>>
      %dma_wait3A_211 = tpu.memref_squeeze %dma_wait3A_210 : memref<1x128x64xf32, #tpu.memory_space<vmem>> -> memref<128x64xf32, #tpu.memory_space<vmem>>
      %dma_wait3A_212 = arith.constant 0 : i32
      %dma_wait3A_213 = tpu.memref_slice %arg6[%dma_wait3A_205, %dma_wait3A_206, %dma_wait3A_212] : memref<25x8x128xi32, #tpu.memory_space<vmem>> -> memref<1x1x128xi32, #tpu.memory_space<vmem>>
      %dma_wait3A_214 = tpu.memref_squeeze %dma_wait3A_213 : memref<1x1x128xi32, #tpu.memory_space<vmem>> -> memref<128xi32, #tpu.memory_space<vmem>>
      %dma_wait3A_215 = arith.constant 0 : i32
      %dma_wait3A_216 = arith.constant 0 : i32
      %dma_wait3A_217 = tpu.memref_slice %arg3[%dma_wait3A_215, %dma_wait3A_216] : memref<1003520x64xf32, #tpu.memory_space<hbm>> -> memref<1003520x64xf32, #tpu.memory_space<hbm>>
      tpu.wait_indirect_dma semaphore(%arg11 : memref<!tpu.dma_semaphore, #tpu.memory_space<semaphore_mem>>) src(%dma_wait3A_217 : memref<1003520x64xf32, #tpu.memory_space<hbm>>) dst(%dma_wait3A_211 : memref<128x64xf32, #tpu.memory_space<vmem>>)
      %ge3A_218 = arith.constant 1 : i32
      %ge3A_219 = arith.cmpi sge, %scan3A_126, %ge3A_218 : i32
      %convert_element_type3A_220 = arith.extui %ge3A_219 : i1 to i32
      %cond3A_221 = arith.constant 0 : i32
      %cond3A_222 = arith.cmpi ne, %convert_element_type3A_220, %cond3A_221 : i32
      scf.if %cond3A_222 {
        %dma_wait3A_280 = arith.constant 1 : i32
        %dma_wait3A_281 = arith.constant 0 : i32
        %dma_wait3A_282 = arith.constant 0 : i32
        %dma_wait3A_283 = arith.constant 0 : i32
        %dma_wait3A_284 = arith.constant 0 : i32
        %dma_wait3A_285 = tpu.memref_slice %arg9[%dma_wait3A_280, %dma_wait3A_282, %dma_wait3A_283, %dma_wait3A_284] : memref<2x8x8x129xf32, #tpu.memory_space<vmem>> -> memref<1x8x8x128xf32, #tpu.memory_space<vmem>>
        %dma_wait3A_286 = tpu.memref_squeeze %dma_wait3A_285 : memref<1x8x8x128xf32, #tpu.memory_space<vmem>> -> memref<8x8x128xf32, #tpu.memory_space<vmem>>
        %dma_wait3A_287 = arith.constant 0 : i32
        %dma_wait3A_288 = arith.constant 0 : i32
        %dma_wait3A_289 = arith.constant 0 : i32
        %dma_wait3A_290 = tpu.memref_slice %arg5[%dma_wait3A_281, %dma_wait3A_287, %add3A, %dma_wait3A_288, %dma_wait3A_289] : memref<200x8x32x8x128xf32, #tpu.memory_space<hbm>> -> memref<1x8x1x8x128xf32, #tpu.memory_space<hbm>>
        %dma_wait3A_291 = tpu.memref_squeeze %dma_wait3A_290 : memref<1x8x1x8x128xf32, #tpu.memory_space<hbm>> -> memref<8x8x128xf32, #tpu.memory_space<hbm>>
        %dma_wait3A_292 = arith.constant 0 : i32
        %dma_wait3A_293 = arith.constant 0 : i32
        %dma_wait3A_294 = arith.constant 0 : i32
        %dma_wait3A_295 = tpu.memref_slice %arg5[%dma_wait3A_281, %dma_wait3A_292, %add3A, %dma_wait3A_293, %dma_wait3A_294] : memref<200x8x32x8x128xf32, #tpu.memory_space<hbm>> -> memref<1x8x1x8x128xf32, #tpu.memory_space<hbm>>
        %dma_wait3A_296 = tpu.memref_squeeze %dma_wait3A_295 : memref<1x8x1x8x128xf32, #tpu.memory_space<hbm>> -> memref<8x8x128xf32, #tpu.memory_space<hbm>>
        %dma_wait3A_297 = arith.constant 0 : i32
        %dma_wait3A_298 = arith.constant 0 : i32
        %dma_wait3A_299 = arith.constant 0 : i32
        %dma_wait3A_300 = tpu.memref_slice %arg9[%dma_wait3A_280, %dma_wait3A_297, %dma_wait3A_298, %dma_wait3A_299] : memref<2x8x8x129xf32, #tpu.memory_space<vmem>> -> memref<1x8x8x128xf32, #tpu.memory_space<vmem>>
        %dma_wait3A_301 = tpu.memref_squeeze %dma_wait3A_300 : memref<1x8x8x128xf32, #tpu.memory_space<vmem>> -> memref<8x8x128xf32, #tpu.memory_space<vmem>>
        tpu.wait_dma2 semaphore(%arg13 : memref<!tpu.dma_semaphore, #tpu.memory_space<semaphore_mem>>) src(%dma_wait3A_301 : memref<8x8x128xf32, #tpu.memory_space<vmem>>) dst(%dma_wait3A_296 : memref<8x8x128xf32, #tpu.memory_space<hbm>>)
      } else {
      }
      %mul3A_223 = arith.constant 64 : i32
      %mul3A_224 = arith.muli %add3A_204, %mul3A_223 : i32
      %add3A_225 = arith.constant 0 : i32
      %add3A_226 = arith.addi %mul3A_224, %add3A_225 : i32
      %get3A_227 = arith.index_cast %add3A_226 : i32 to index
      %get3A_228 = tpu.vector_load %arg7[%get3A_227] {strides = array<i32>} : memref<12800xf32, #tpu.memory_space<vmem>>, vector<16xf32>,
      %mul3A_229 = arith.constant 64 : i32
      %mul3A_230 = arith.muli %add3A_204, %mul3A_229 : i32
      %add3A_231 = arith.constant 16 : i32
      %add3A_232 = arith.addi %mul3A_230, %add3A_231 : i32
      %get3A_233 = arith.index_cast %add3A_232 : i32 to index
      %get3A_234 = tpu.vector_load %arg7[%get3A_233] {strides = array<i32>} : memref<12800xf32, #tpu.memory_space<vmem>>, vector<16xf32>,
      %mul3A_235 = arith.constant 64 : i32
      %mul3A_236 = arith.muli %add3A_204, %mul3A_235 : i32
      %add3A_237 = arith.constant 32 : i32
      %add3A_238 = arith.addi %mul3A_236, %add3A_237 : i32
      %get3A_239 = arith.index_cast %add3A_238 : i32 to index
      %get3A_240 = tpu.vector_load %arg7[%get3A_239] {strides = array<i32>} : memref<12800xf32, #tpu.memory_space<vmem>>, vector<16xf32>,
      %mul3A_241 = arith.constant 64 : i32
      %mul3A_242 = arith.muli %add3A_204, %mul3A_241 : i32
      %add3A_243 = arith.constant 48 : i32
      %add3A_244 = arith.addi %mul3A_242, %add3A_243 : i32
      %get3A_245 = arith.index_cast %add3A_244 : i32 to index
      %get3A_246 = tpu.vector_load %arg7[%get3A_245] {strides = array<i32>} : memref<12800xf32, #tpu.memory_space<vmem>>, vector<16xf32>,
      %scan3A_247 = arith.constant 0 : i32
      %scan3A_248 = arith.constant 1 : i32
      %scan3A_249 = arith.constant 0 : i32
      %scan3A_250 = arith.constant 128 : i32
      %scan3A_251 = arith.addi %scan3A_249, %scan3A_250 : i32
      %scan3A_252 = arith.constant 8 : i32
      scf.for %scan3A_280 = %scan3A_249 to %scan3A_251 step %scan3A_252  : i32 {
        %broadcast_in_dim3A = vector.broadcast %scan3A_280 : i32 to vector<16xi32>
        %get3A_281 = arith.constant 1 : i32
        %get3A_282 = arith.index_cast %get3A_281 : i32 to index
        %get3A_283 = arith.index_cast %scan3A_280 : i32 to index
        %get3A_284 = arith.constant 0 : index
        %get3A_285 = tpu.vector_load %arg8[%get3A_282, %get3A_283, %get3A_284] {strides = array<i32>} : memref<2x128x64xf32, #tpu.memory_space<vmem>>, vector<16xf32>,
        %add3A_286 = arith.addf %get3A_285, %get3A_228 : vector<16xf32>
        %scatter3A = arith.constant 0 : i32
        %scatter3A_287 = arith.constant 0 : i32
        %scatter3A_288 = arith.constant 0 : i32
        %scatter3A_289 = tpu.memref_slice %arg9[%scan3A_248, %scatter3A, %scatter3A_287, %scatter3A_288] : memref<2x8x8x129xf32, #tpu.memory_space<vmem>> -> memref<1x8x8x129xf32, #tpu.memory_space<vmem>>
        %scatter3A_290 = tpu.memref_squeeze %scatter3A_289 : memref<1x8x8x129xf32, #tpu.memory_space<vmem>> -> memref<8x8x129xf32, #tpu.memory_space<vmem>>
        tpu.vector_store_idx %scatter3A_290[%shift_right_arithmetic3A_10, %and3A_33, %broadcast_in_dim3A], %add3A_286 : memref<8x8x129xf32, #tpu.memory_space<vmem>>[vector<16xi32>, vector<16xi32>, vector<16xi32>], vector<16xf32>,
        %get3A_291 = arith.constant 1 : i32
        %get3A_292 = arith.index_cast %get3A_291 : i32 to index
        %get3A_293 = arith.index_cast %scan3A_280 : i32 to index
        %get3A_294 = arith.constant 16 : index
        %get3A_295 = tpu.vector_load %arg8[%get3A_292, %get3A_293, %get3A_294] {strides = array<i32>} : memref<2x128x64xf32, #tpu.memory_space<vmem>>, vector<16xf32>,
        %add3A_296 = arith.addf %get3A_295, %get3A_234 : vector<16xf32>
        %scatter3A_297 = arith.constant 0 : i32
        %scatter3A_298 = arith.constant 0 : i32
        %scatter3A_299 = arith.constant 0 : i32
        %scatter3A_300 = tpu.memref_slice %arg9[%scan3A_248, %scatter3A_297, %scatter3A_298, %scatter3A_299] : memref<2x8x8x129xf32, #tpu.memory_space<vmem>> -> memref<1x8x8x129xf32, #tpu.memory_space<vmem>>
        %scatter3A_301 = tpu.memref_squeeze %scatter3A_300 : memref<1x8x8x129xf32, #tpu.memory_space<vmem>> -> memref<8x8x129xf32, #tpu.memory_space<vmem>>
        tpu.vector_store_idx %scatter3A_301[%shift_right_arithmetic3A_16, %and3A_39, %broadcast_in_dim3A], %add3A_296 : memref<8x8x129xf32, #tpu.memory_space<vmem>>[vector<16xi32>, vector<16xi32>, vector<16xi32>], vector<16xf32>,
        %get3A_302 = arith.constant 1 : i32
        %get3A_303 = arith.index_cast %get3A_302 : i32 to index
        %get3A_304 = arith.index_cast %scan3A_280 : i32 to index
        %get3A_305 = arith.constant 32 : index
        %get3A_306 = tpu.vector_load %arg8[%get3A_303, %get3A_304, %get3A_305] {strides = array<i32>} : memref<2x128x64xf32, #tpu.memory_space<vmem>>, vector<16xf32>,
        %add3A_307 = arith.addf %get3A_306, %get3A_240 : vector<16xf32>
        %scatter3A_308 = arith.constant 0 : i32
        %scatter3A_309 = arith.constant 0 : i32
        %scatter3A_310 = arith.constant 0 : i32
        %scatter3A_311 = tpu.memref_slice %arg9[%scan3A_248, %scatter3A_308, %scatter3A_309, %scatter3A_310] : memref<2x8x8x129xf32, #tpu.memory_space<vmem>> -> memref<1x8x8x129xf32, #tpu.memory_space<vmem>>
        %scatter3A_312 = tpu.memref_squeeze %scatter3A_311 : memref<1x8x8x129xf32, #tpu.memory_space<vmem>> -> memref<8x8x129xf32, #tpu.memory_space<vmem>>
        tpu.vector_store_idx %scatter3A_312[%shift_right_arithmetic3A_22, %and3A_45, %broadcast_in_dim3A], %add3A_307 : memref<8x8x129xf32, #tpu.memory_space<vmem>>[vector<16xi32>, vector<16xi32>, vector<16xi32>], vector<16xf32>,
        %get3A_313 = arith.constant 1 : i32
        %get3A_314 = arith.index_cast %get3A_313 : i32 to index
        %get3A_315 = arith.index_cast %scan3A_280 : i32 to index
        %get3A_316 = arith.constant 48 : index
        %get3A_317 = tpu.vector_load %arg8[%get3A_314, %get3A_315, %get3A_316] {strides = array<i32>} : memref<2x128x64xf32, #tpu.memory_space<vmem>>, vector<16xf32>,
        %add3A_318 = arith.addf %get3A_317, %get3A_246 : vector<16xf32>
        %scatter3A_319 = arith.constant 0 : i32
        %scatter3A_320 = arith.constant 0 : i32
        %scatter3A_321 = arith.constant 0 : i32
        %scatter3A_322 = tpu.memref_slice %arg9[%scan3A_248, %scatter3A_319, %scatter3A_320, %scatter3A_321] : memref<2x8x8x129xf32, #tpu.memory_space<vmem>> -> memref<1x8x8x129xf32, #tpu.memory_space<vmem>>
        %scatter3A_323 = tpu.memref_squeeze %scatter3A_322 : memref<1x8x8x129xf32, #tpu.memory_space<vmem>> -> memref<8x8x129xf32, #tpu.memory_space<vmem>>
        tpu.vector_store_idx %scatter3A_323[%shift_right_arithmetic3A_28, %and3A_51, %broadcast_in_dim3A], %add3A_318 : memref<8x8x129xf32, #tpu.memory_space<vmem>>[vector<16xi32>, vector<16xi32>, vector<16xi32>], vector<16xf32>,
        %scan3A_324 = arith.constant 1 : i32
        %scan3A_325 = arith.addi %scan3A_280, %scan3A_324 : i32
        %broadcast_in_dim3A_326 = vector.broadcast %scan3A_325 : i32 to vector<16xi32>
        %get3A_327 = arith.constant 1 : i32
        %get3A_328 = arith.index_cast %get3A_327 : i32 to index
        %get3A_329 = arith.index_cast %scan3A_325 : i32 to index
        %get3A_330 = arith.constant 0 : index
        %get3A_331 = tpu.vector_load %arg8[%get3A_328, %get3A_329, %get3A_330] {strides = array<i32>} : memref<2x128x64xf32, #tpu.memory_space<vmem>>, vector<16xf32>,
        %add3A_332 = arith.addf %get3A_331, %get3A_228 : vector<16xf32>
        %scatter3A_333 = arith.constant 0 : i32
        %scatter3A_334 = arith.constant 0 : i32
        %scatter3A_335 = arith.constant 0 : i32
        %scatter3A_336 = tpu.memref_slice %arg9[%scan3A_248, %scatter3A_333, %scatter3A_334, %scatter3A_335] : memref<2x8x8x129xf32, #tpu.memory_space<vmem>> -> memref<1x8x8x129xf32, #tpu.memory_space<vmem>>
        %scatter3A_337 = tpu.memref_squeeze %scatter3A_336 : memref<1x8x8x129xf32, #tpu.memory_space<vmem>> -> memref<8x8x129xf32, #tpu.memory_space<vmem>>
        tpu.vector_store_idx %scatter3A_337[%shift_right_arithmetic3A_10, %and3A_33, %broadcast_in_dim3A_326], %add3A_332 : memref<8x8x129xf32, #tpu.memory_space<vmem>>[vector<16xi32>, vector<16xi32>, vector<16xi32>], vector<16xf32>,
        %get3A_338 = arith.constant 1 : i32
        %get3A_339 = arith.index_cast %get3A_338 : i32 to index
        %get3A_340 = arith.index_cast %scan3A_325 : i32 to index
        %get3A_341 = arith.constant 16 : index
        %get3A_342 = tpu.vector_load %arg8[%get3A_339, %get3A_340, %get3A_341] {strides = array<i32>} : memref<2x128x64xf32, #tpu.memory_space<vmem>>, vector<16xf32>,
        %add3A_343 = arith.addf %get3A_342, %get3A_234 : vector<16xf32>
        %scatter3A_344 = arith.constant 0 : i32
        %scatter3A_345 = arith.constant 0 : i32
        %scatter3A_346 = arith.constant 0 : i32
        %scatter3A_347 = tpu.memref_slice %arg9[%scan3A_248, %scatter3A_344, %scatter3A_345, %scatter3A_346] : memref<2x8x8x129xf32, #tpu.memory_space<vmem>> -> memref<1x8x8x129xf32, #tpu.memory_space<vmem>>
        %scatter3A_348 = tpu.memref_squeeze %scatter3A_347 : memref<1x8x8x129xf32, #tpu.memory_space<vmem>> -> memref<8x8x129xf32, #tpu.memory_space<vmem>>
        tpu.vector_store_idx %scatter3A_348[%shift_right_arithmetic3A_16, %and3A_39, %broadcast_in_dim3A_326], %add3A_343 : memref<8x8x129xf32, #tpu.memory_space<vmem>>[vector<16xi32>, vector<16xi32>, vector<16xi32>], vector<16xf32>,
        %get3A_349 = arith.constant 1 : i32
        %get3A_350 = arith.index_cast %get3A_349 : i32 to index
        %get3A_351 = arith.index_cast %scan3A_325 : i32 to index
        %get3A_352 = arith.constant 32 : index
        %get3A_353 = tpu.vector_load %arg8[%get3A_350, %get3A_351, %get3A_352] {strides = array<i32>} : memref<2x128x64xf32, #tpu.memory_space<vmem>>, vector<16xf32>,
        %add3A_354 = arith.addf %get3A_353, %get3A_240 : vector<16xf32>
        %scatter3A_355 = arith.constant 0 : i32
        %scatter3A_356 = arith.constant 0 : i32
        %scatter3A_357 = arith.constant 0 : i32
        %scatter3A_358 = tpu.memref_slice %arg9[%scan3A_248, %scatter3A_355, %scatter3A_356, %scatter3A_357] : memref<2x8x8x129xf32, #tpu.memory_space<vmem>> -> memref<1x8x8x129xf32, #tpu.memory_space<vmem>>
        %scatter3A_359 = tpu.memref_squeeze %scatter3A_358 : memref<1x8x8x129xf32, #tpu.memory_space<vmem>> -> memref<8x8x129xf32, #tpu.memory_space<vmem>>
        tpu.vector_store_idx %scatter3A_359[%shift_right_arithmetic3A_22, %and3A_45, %broadcast_in_dim3A_326], %add3A_354 : memref<8x8x129xf32, #tpu.memory_space<vmem>>[vector<16xi32>, vector<16xi32>, vector<16xi32>], vector<16xf32>,
        %get3A_360 = arith.constant 1 : i32
        %get3A_361 = arith.index_cast %get3A_360 : i32 to index
        %get3A_362 = arith.index_cast %scan3A_325 : i32 to index
        %get3A_363 = arith.constant 48 : index
        %get3A_364 = tpu.vector_load %arg8[%get3A_361, %get3A_362, %get3A_363] {strides = array<i32>} : memref<2x128x64xf32, #tpu.memory_space<vmem>>, vector<16xf32>,
        %add3A_365 = arith.addf %get3A_364, %get3A_246 : vector<16xf32>
        %scatter3A_366 = arith.constant 0 : i32
        %scatter3A_367 = arith.constant 0 : i32
        %scatter3A_368 = arith.constant 0 : i32
        %scatter3A_369 = tpu.memref_slice %arg9[%scan3A_248, %scatter3A_366, %scatter3A_367, %scatter3A_368] : memref<2x8x8x129xf32, #tpu.memory_space<vmem>> -> memref<1x8x8x129xf32, #tpu.memory_space<vmem>>
        %scatter3A_370 = tpu.memref_squeeze %scatter3A_369 : memref<1x8x8x129xf32, #tpu.memory_space<vmem>> -> memref<8x8x129xf32, #tpu.memory_space<vmem>>
        tpu.vector_store_idx %scatter3A_370[%shift_right_arithmetic3A_28, %and3A_51, %broadcast_in_dim3A_326], %add3A_365 : memref<8x8x129xf32, #tpu.memory_space<vmem>>[vector<16xi32>, vector<16xi32>, vector<16xi32>], vector<16xf32>,
        %scan3A_371 = arith.constant 2 : i32
        %scan3A_372 = arith.addi %scan3A_280, %scan3A_371 : i32
        %broadcast_in_dim3A_373 = vector.broadcast %scan3A_372 : i32 to vector<16xi32>
        %get3A_374 = arith.constant 1 : i32
        %get3A_375 = arith.index_cast %get3A_374 : i32 to index
        %get3A_376 = arith.index_cast %scan3A_372 : i32 to index
        %get3A_377 = arith.constant 0 : index
        %get3A_378 = tpu.vector_load %arg8[%get3A_375, %get3A_376, %get3A_377] {strides = array<i32>} : memref<2x128x64xf32, #tpu.memory_space<vmem>>, vector<16xf32>,
        %add3A_379 = arith.addf %get3A_378, %get3A_228 : vector<16xf32>
        %scatter3A_380 = arith.constant 0 : i32
        %scatter3A_381 = arith.constant 0 : i32
        %scatter3A_382 = arith.constant 0 : i32
        %scatter3A_383 = tpu.memref_slice %arg9[%scan3A_248, %scatter3A_380, %scatter3A_381, %scatter3A_382] : memref<2x8x8x129xf32, #tpu.memory_space<vmem>> -> memref<1x8x8x129xf32, #tpu.memory_space<vmem>>
        %scatter3A_384 = tpu.memref_squeeze %scatter3A_383 : memref<1x8x8x129xf32, #tpu.memory_space<vmem>> -> memref<8x8x129xf32, #tpu.memory_space<vmem>>
        tpu.vector_store_idx %scatter3A_384[%shift_right_arithmetic3A_10, %and3A_33, %broadcast_in_dim3A_373], %add3A_379 : memref<8x8x129xf32, #tpu.memory_space<vmem>>[vector<16xi32>, vector<16xi32>, vector<16xi32>], vector<16xf32>,
        %get3A_385 = arith.constant 1 : i32
        %get3A_386 = arith.index_cast %get3A_385 : i32 to index
        %get3A_387 = arith.index_cast %scan3A_372 : i32 to index
        %get3A_388 = arith.constant 16 : index
        %get3A_389 = tpu.vector_load %arg8[%get3A_386, %get3A_387, %get3A_388] {strides = array<i32>} : memref<2x128x64xf32, #tpu.memory_space<vmem>>, vector<16xf32>,
        %add3A_390 = arith.addf %get3A_389, %get3A_234 : vector<16xf32>
        %scatter3A_391 = arith.constant 0 : i32
        %scatter3A_392 = arith.constant 0 : i32
        %scatter3A_393 = arith.constant 0 : i32
        %scatter3A_394 = tpu.memref_slice %arg9[%scan3A_248, %scatter3A_391, %scatter3A_392, %scatter3A_393] : memref<2x8x8x129xf32, #tpu.memory_space<vmem>> -> memref<1x8x8x129xf32, #tpu.memory_space<vmem>>
        %scatter3A_395 = tpu.memref_squeeze %scatter3A_394 : memref<1x8x8x129xf32, #tpu.memory_space<vmem>> -> memref<8x8x129xf32, #tpu.memory_space<vmem>>
        tpu.vector_store_idx %scatter3A_395[%shift_right_arithmetic3A_16, %and3A_39, %broadcast_in_dim3A_373], %add3A_390 : memref<8x8x129xf32, #tpu.memory_space<vmem>>[vector<16xi32>, vector<16xi32>, vector<16xi32>], vector<16xf32>,
        %get3A_396 = arith.constant 1 : i32
        %get3A_397 = arith.index_cast %get3A_396 : i32 to index
        %get3A_398 = arith.index_cast %scan3A_372 : i32 to index
        %get3A_399 = arith.constant 32 : index
        %get3A_400 = tpu.vector_load %arg8[%get3A_397, %get3A_398, %get3A_399] {strides = array<i32>} : memref<2x128x64xf32, #tpu.memory_space<vmem>>, vector<16xf32>,
        %add3A_401 = arith.addf %get3A_400, %get3A_240 : vector<16xf32>
        %scatter3A_402 = arith.constant 0 : i32
        %scatter3A_403 = arith.constant 0 : i32
        %scatter3A_404 = arith.constant 0 : i32
        %scatter3A_405 = tpu.memref_slice %arg9[%scan3A_248, %scatter3A_402, %scatter3A_403, %scatter3A_404] : memref<2x8x8x129xf32, #tpu.memory_space<vmem>> -> memref<1x8x8x129xf32, #tpu.memory_space<vmem>>
        %scatter3A_406 = tpu.memref_squeeze %scatter3A_405 : memref<1x8x8x129xf32, #tpu.memory_space<vmem>> -> memref<8x8x129xf32, #tpu.memory_space<vmem>>
        tpu.vector_store_idx %scatter3A_406[%shift_right_arithmetic3A_22, %and3A_45, %broadcast_in_dim3A_373], %add3A_401 : memref<8x8x129xf32, #tpu.memory_space<vmem>>[vector<16xi32>, vector<16xi32>, vector<16xi32>], vector<16xf32>,
        %get3A_407 = arith.constant 1 : i32
        %get3A_408 = arith.index_cast %get3A_407 : i32 to index
        %get3A_409 = arith.index_cast %scan3A_372 : i32 to index
        %get3A_410 = arith.constant 48 : index
        %get3A_411 = tpu.vector_load %arg8[%get3A_408, %get3A_409, %get3A_410] {strides = array<i32>} : memref<2x128x64xf32, #tpu.memory_space<vmem>>, vector<16xf32>,
        %add3A_412 = arith.addf %get3A_411, %get3A_246 : vector<16xf32>
        %scatter3A_413 = arith.constant 0 : i32
        %scatter3A_414 = arith.constant 0 : i32
        %scatter3A_415 = arith.constant 0 : i32
        %scatter3A_416 = tpu.memref_slice %arg9[%scan3A_248, %scatter3A_413, %scatter3A_414, %scatter3A_415] : memref<2x8x8x129xf32, #tpu.memory_space<vmem>> -> memref<1x8x8x129xf32, #tpu.memory_space<vmem>>
        %scatter3A_417 = tpu.memref_squeeze %scatter3A_416 : memref<1x8x8x129xf32, #tpu.memory_space<vmem>> -> memref<8x8x129xf32, #tpu.memory_space<vmem>>
        tpu.vector_store_idx %scatter3A_417[%shift_right_arithmetic3A_28, %and3A_51, %broadcast_in_dim3A_373], %add3A_412 : memref<8x8x129xf32, #tpu.memory_space<vmem>>[vector<16xi32>, vector<16xi32>, vector<16xi32>], vector<16xf32>,
        %scan3A_418 = arith.constant 3 : i32
        %scan3A_419 = arith.addi %scan3A_280, %scan3A_418 : i32
        %broadcast_in_dim3A_420 = vector.broadcast %scan3A_419 : i32 to vector<16xi32>
        %get3A_421 = arith.constant 1 : i32
        %get3A_422 = arith.index_cast %get3A_421 : i32 to index
        %get3A_423 = arith.index_cast %scan3A_419 : i32 to index
        %get3A_424 = arith.constant 0 : index
        %get3A_425 = tpu.vector_load %arg8[%get3A_422, %get3A_423, %get3A_424] {strides = array<i32>} : memref<2x128x64xf32, #tpu.memory_space<vmem>>, vector<16xf32>,
        %add3A_426 = arith.addf %get3A_425, %get3A_228 : vector<16xf32>
        %scatter3A_427 = arith.constant 0 : i32
        %scatter3A_428 = arith.constant 0 : i32
        %scatter3A_429 = arith.constant 0 : i32
        %scatter3A_430 = tpu.memref_slice %arg9[%scan3A_248, %scatter3A_427, %scatter3A_428, %scatter3A_429] : memref<2x8x8x129xf32, #tpu.memory_space<vmem>> -> memref<1x8x8x129xf32, #tpu.memory_space<vmem>>
        %scatter3A_431 = tpu.memref_squeeze %scatter3A_430 : memref<1x8x8x129xf32, #tpu.memory_space<vmem>> -> memref<8x8x129xf32, #tpu.memory_space<vmem>>
        tpu.vector_store_idx %scatter3A_431[%shift_right_arithmetic3A_10, %and3A_33, %broadcast_in_dim3A_420], %add3A_426 : memref<8x8x129xf32, #tpu.memory_space<vmem>>[vector<16xi32>, vector<16xi32>, vector<16xi32>], vector<16xf32>,
        %get3A_432 = arith.constant 1 : i32
        %get3A_433 = arith.index_cast %get3A_432 : i32 to index
        %get3A_434 = arith.index_cast %scan3A_419 : i32 to index
        %get3A_435 = arith.constant 16 : index
        %get3A_436 = tpu.vector_load %arg8[%get3A_433, %get3A_434, %get3A_435] {strides = array<i32>} : memref<2x128x64xf32, #tpu.memory_space<vmem>>, vector<16xf32>,
        %add3A_437 = arith.addf %get3A_436, %get3A_234 : vector<16xf32>
        %scatter3A_438 = arith.constant 0 : i32
        %scatter3A_439 = arith.constant 0 : i32
        %scatter3A_440 = arith.constant 0 : i32
        %scatter3A_441 = tpu.memref_slice %arg9[%scan3A_248, %scatter3A_438, %scatter3A_439, %scatter3A_440] : memref<2x8x8x129xf32, #tpu.memory_space<vmem>> -> memref<1x8x8x129xf32, #tpu.memory_space<vmem>>
        %scatter3A_442 = tpu.memref_squeeze %scatter3A_441 : memref<1x8x8x129xf32, #tpu.memory_space<vmem>> -> memref<8x8x129xf32, #tpu.memory_space<vmem>>
        tpu.vector_store_idx %scatter3A_442[%shift_right_arithmetic3A_16, %and3A_39, %broadcast_in_dim3A_420], %add3A_437 : memref<8x8x129xf32, #tpu.memory_space<vmem>>[vector<16xi32>, vector<16xi32>, vector<16xi32>], vector<16xf32>,
        %get3A_443 = arith.constant 1 : i32
        %get3A_444 = arith.index_cast %get3A_443 : i32 to index
        %get3A_445 = arith.index_cast %scan3A_419 : i32 to index
        %get3A_446 = arith.constant 32 : index
        %get3A_447 = tpu.vector_load %arg8[%get3A_444, %get3A_445, %get3A_446] {strides = array<i32>} : memref<2x128x64xf32, #tpu.memory_space<vmem>>, vector<16xf32>,
        %add3A_448 = arith.addf %get3A_447, %get3A_240 : vector<16xf32>
        %scatter3A_449 = arith.constant 0 : i32
        %scatter3A_450 = arith.constant 0 : i32
        %scatter3A_451 = arith.constant 0 : i32
        %scatter3A_452 = tpu.memref_slice %arg9[%scan3A_248, %scatter3A_449, %scatter3A_450, %scatter3A_451] : memref<2x8x8x129xf32, #tpu.memory_space<vmem>> -> memref<1x8x8x129xf32, #tpu.memory_space<vmem>>
        %scatter3A_453 = tpu.memref_squeeze %scatter3A_452 : memref<1x8x8x129xf32, #tpu.memory_space<vmem>> -> memref<8x8x129xf32, #tpu.memory_space<vmem>>
        tpu.vector_store_idx %scatter3A_453[%shift_right_arithmetic3A_22, %and3A_45, %broadcast_in_dim3A_420], %add3A_448 : memref<8x8x129xf32, #tpu.memory_space<vmem>>[vector<16xi32>, vector<16xi32>, vector<16xi32>], vector<16xf32>,
        %get3A_454 = arith.constant 1 : i32
        %get3A_455 = arith.index_cast %get3A_454 : i32 to index
        %get3A_456 = arith.index_cast %scan3A_419 : i32 to index
        %get3A_457 = arith.constant 48 : index
        %get3A_458 = tpu.vector_load %arg8[%get3A_455, %get3A_456, %get3A_457] {strides = array<i32>} : memref<2x128x64xf32, #tpu.memory_space<vmem>>, vector<16xf32>,
        %add3A_459 = arith.addf %get3A_458, %get3A_246 : vector<16xf32>
        %scatter3A_460 = arith.constant 0 : i32
        %scatter3A_461 = arith.constant 0 : i32
        %scatter3A_462 = arith.constant 0 : i32
        %scatter3A_463 = tpu.memref_slice %arg9[%scan3A_248, %scatter3A_460, %scatter3A_461, %scatter3A_462] : memref<2x8x8x129xf32, #tpu.memory_space<vmem>> -> memref<1x8x8x129xf32, #tpu.memory_space<vmem>>
        %scatter3A_464 = tpu.memref_squeeze %scatter3A_463 : memref<1x8x8x129xf32, #tpu.memory_space<vmem>> -> memref<8x8x129xf32, #tpu.memory_space<vmem>>
        tpu.vector_store_idx %scatter3A_464[%shift_right_arithmetic3A_28, %and3A_51, %broadcast_in_dim3A_420], %add3A_459 : memref<8x8x129xf32, #tpu.memory_space<vmem>>[vector<16xi32>, vector<16xi32>, vector<16xi32>], vector<16xf32>,
        %scan3A_465 = arith.constant 4 : i32
        %scan3A_466 = arith.addi %scan3A_280, %scan3A_465 : i32
        %broadcast_in_dim3A_467 = vector.broadcast %scan3A_466 : i32 to vector<16xi32>
        %get3A_468 = arith.constant 1 : i32
        %get3A_469 = arith.index_cast %get3A_468 : i32 to index
        %get3A_470 = arith.index_cast %scan3A_466 : i32 to index
        %get3A_471 = arith.constant 0 : index
        %get3A_472 = tpu.vector_load %arg8[%get3A_469, %get3A_470, %get3A_471] {strides = array<i32>} : memref<2x128x64xf32, #tpu.memory_space<vmem>>, vector<16xf32>,
        %add3A_473 = arith.addf %get3A_472, %get3A_228 : vector<16xf32>
        %scatter3A_474 = arith.constant 0 : i32
        %scatter3A_475 = arith.constant 0 : i32
        %scatter3A_476 = arith.constant 0 : i32
        %scatter3A_477 = tpu.memref_slice %arg9[%scan3A_248, %scatter3A_474, %scatter3A_475, %scatter3A_476] : memref<2x8x8x129xf32, #tpu.memory_space<vmem>> -> memref<1x8x8x129xf32, #tpu.memory_space<vmem>>
        %scatter3A_478 = tpu.memref_squeeze %scatter3A_477 : memref<1x8x8x129xf32, #tpu.memory_space<vmem>> -> memref<8x8x129xf32, #tpu.memory_space<vmem>>
        tpu.vector_store_idx %scatter3A_478[%shift_right_arithmetic3A_10, %and3A_33, %broadcast_in_dim3A_467], %add3A_473 : memref<8x8x129xf32, #tpu.memory_space<vmem>>[vector<16xi32>, vector<16xi32>, vector<16xi32>], vector<16xf32>,
        %get3A_479 = arith.constant 1 : i32
        %get3A_480 = arith.index_cast %get3A_479 : i32 to index
        %get3A_481 = arith.index_cast %scan3A_466 : i32 to index
        %get3A_482 = arith.constant 16 : index
        %get3A_483 = tpu.vector_load %arg8[%get3A_480, %get3A_481, %get3A_482] {strides = array<i32>} : memref<2x128x64xf32, #tpu.memory_space<vmem>>, vector<16xf32>,
        %add3A_484 = arith.addf %get3A_483, %get3A_234 : vector<16xf32>
        %scatter3A_485 = arith.constant 0 : i32
        %scatter3A_486 = arith.constant 0 : i32
        %scatter3A_487 = arith.constant 0 : i32
        %scatter3A_488 = tpu.memref_slice %arg9[%scan3A_248, %scatter3A_485, %scatter3A_486, %scatter3A_487] : memref<2x8x8x129xf32, #tpu.memory_space<vmem>> -> memref<1x8x8x129xf32, #tpu.memory_space<vmem>>
        %scatter3A_489 = tpu.memref_squeeze %scatter3A_488 : memref<1x8x8x129xf32, #tpu.memory_space<vmem>> -> memref<8x8x129xf32, #tpu.memory_space<vmem>>
        tpu.vector_store_idx %scatter3A_489[%shift_right_arithmetic3A_16, %and3A_39, %broadcast_in_dim3A_467], %add3A_484 : memref<8x8x129xf32, #tpu.memory_space<vmem>>[vector<16xi32>, vector<16xi32>, vector<16xi32>], vector<16xf32>,
        %get3A_490 = arith.constant 1 : i32
        %get3A_491 = arith.index_cast %get3A_490 : i32 to index
        %get3A_492 = arith.index_cast %scan3A_466 : i32 to index
        %get3A_493 = arith.constant 32 : index
        %get3A_494 = tpu.vector_load %arg8[%get3A_491, %get3A_492, %get3A_493] {strides = array<i32>} : memref<2x128x64xf32, #tpu.memory_space<vmem>>, vector<16xf32>,
        %add3A_495 = arith.addf %get3A_494, %get3A_240 : vector<16xf32>
        %scatter3A_496 = arith.constant 0 : i32
        %scatter3A_497 = arith.constant 0 : i32
        %scatter3A_498 = arith.constant 0 : i32
        %scatter3A_499 = tpu.memref_slice %arg9[%scan3A_248, %scatter3A_496, %scatter3A_497, %scatter3A_498] : memref<2x8x8x129xf32, #tpu.memory_space<vmem>> -> memref<1x8x8x129xf32, #tpu.memory_space<vmem>>
        %scatter3A_500 = tpu.memref_squeeze %scatter3A_499 : memref<1x8x8x129xf32, #tpu.memory_space<vmem>> -> memref<8x8x129xf32, #tpu.memory_space<vmem>>
        tpu.vector_store_idx %scatter3A_500[%shift_right_arithmetic3A_22, %and3A_45, %broadcast_in_dim3A_467], %add3A_495 : memref<8x8x129xf32, #tpu.memory_space<vmem>>[vector<16xi32>, vector<16xi32>, vector<16xi32>], vector<16xf32>,
        %get3A_501 = arith.constant 1 : i32
        %get3A_502 = arith.index_cast %get3A_501 : i32 to index
        %get3A_503 = arith.index_cast %scan3A_466 : i32 to index
        %get3A_504 = arith.constant 48 : index
        %get3A_505 = tpu.vector_load %arg8[%get3A_502, %get3A_503, %get3A_504] {strides = array<i32>} : memref<2x128x64xf32, #tpu.memory_space<vmem>>, vector<16xf32>,
        %add3A_506 = arith.addf %get3A_505, %get3A_246 : vector<16xf32>
        %scatter3A_507 = arith.constant 0 : i32
        %scatter3A_508 = arith.constant 0 : i32
        %scatter3A_509 = arith.constant 0 : i32
        %scatter3A_510 = tpu.memref_slice %arg9[%scan3A_248, %scatter3A_507, %scatter3A_508, %scatter3A_509] : memref<2x8x8x129xf32, #tpu.memory_space<vmem>> -> memref<1x8x8x129xf32, #tpu.memory_space<vmem>>
        %scatter3A_511 = tpu.memref_squeeze %scatter3A_510 : memref<1x8x8x129xf32, #tpu.memory_space<vmem>> -> memref<8x8x129xf32, #tpu.memory_space<vmem>>
        tpu.vector_store_idx %scatter3A_511[%shift_right_arithmetic3A_28, %and3A_51, %broadcast_in_dim3A_467], %add3A_506 : memref<8x8x129xf32, #tpu.memory_space<vmem>>[vector<16xi32>, vector<16xi32>, vector<16xi32>], vector<16xf32>,
        %scan3A_512 = arith.constant 5 : i32
        %scan3A_513 = arith.addi %scan3A_280, %scan3A_512 : i32
        %broadcast_in_dim3A_514 = vector.broadcast %scan3A_513 : i32 to vector<16xi32>
        %get3A_515 = arith.constant 1 : i32
        %get3A_516 = arith.index_cast %get3A_515 : i32 to index
        %get3A_517 = arith.index_cast %scan3A_513 : i32 to index
        %get3A_518 = arith.constant 0 : index
        %get3A_519 = tpu.vector_load %arg8[%get3A_516, %get3A_517, %get3A_518] {strides = array<i32>} : memref<2x128x64xf32, #tpu.memory_space<vmem>>, vector<16xf32>,
        %add3A_520 = arith.addf %get3A_519, %get3A_228 : vector<16xf32>
        %scatter3A_521 = arith.constant 0 : i32
        %scatter3A_522 = arith.constant 0 : i32
        %scatter3A_523 = arith.constant 0 : i32
        %scatter3A_524 = tpu.memref_slice %arg9[%scan3A_248, %scatter3A_521, %scatter3A_522, %scatter3A_523] : memref<2x8x8x129xf32, #tpu.memory_space<vmem>> -> memref<1x8x8x129xf32, #tpu.memory_space<vmem>>
        %scatter3A_525 = tpu.memref_squeeze %scatter3A_524 : memref<1x8x8x129xf32, #tpu.memory_space<vmem>> -> memref<8x8x129xf32, #tpu.memory_space<vmem>>
        tpu.vector_store_idx %scatter3A_525[%shift_right_arithmetic3A_10, %and3A_33, %broadcast_in_dim3A_514], %add3A_520 : memref<8x8x129xf32, #tpu.memory_space<vmem>>[vector<16xi32>, vector<16xi32>, vector<16xi32>], vector<16xf32>,
        %get3A_526 = arith.constant 1 : i32
        %get3A_527 = arith.index_cast %get3A_526 : i32 to index
        %get3A_528 = arith.index_cast %scan3A_513 : i32 to index
        %get3A_529 = arith.constant 16 : index
        %get3A_530 = tpu.vector_load %arg8[%get3A_527, %get3A_528, %get3A_529] {strides = array<i32>} : memref<2x128x64xf32, #tpu.memory_space<vmem>>, vector<16xf32>,
        %add3A_531 = arith.addf %get3A_530, %get3A_234 : vector<16xf32>
        %scatter3A_532 = arith.constant 0 : i32
        %scatter3A_533 = arith.constant 0 : i32
        %scatter3A_534 = arith.constant 0 : i32
        %scatter3A_535 = tpu.memref_slice %arg9[%scan3A_248, %scatter3A_532, %scatter3A_533, %scatter3A_534] : memref<2x8x8x129xf32, #tpu.memory_space<vmem>> -> memref<1x8x8x129xf32, #tpu.memory_space<vmem>>
        %scatter3A_536 = tpu.memref_squeeze %scatter3A_535 : memref<1x8x8x129xf32, #tpu.memory_space<vmem>> -> memref<8x8x129xf32, #tpu.memory_space<vmem>>
        tpu.vector_store_idx %scatter3A_536[%shift_right_arithmetic3A_16, %and3A_39, %broadcast_in_dim3A_514], %add3A_531 : memref<8x8x129xf32, #tpu.memory_space<vmem>>[vector<16xi32>, vector<16xi32>, vector<16xi32>], vector<16xf32>,
        %get3A_537 = arith.constant 1 : i32
        %get3A_538 = arith.index_cast %get3A_537 : i32 to index
        %get3A_539 = arith.index_cast %scan3A_513 : i32 to index
        %get3A_540 = arith.constant 32 : index
        %get3A_541 = tpu.vector_load %arg8[%get3A_538, %get3A_539, %get3A_540] {strides = array<i32>} : memref<2x128x64xf32, #tpu.memory_space<vmem>>, vector<16xf32>,
        %add3A_542 = arith.addf %get3A_541, %get3A_240 : vector<16xf32>
        %scatter3A_543 = arith.constant 0 : i32
        %scatter3A_544 = arith.constant 0 : i32
        %scatter3A_545 = arith.constant 0 : i32
        %scatter3A_546 = tpu.memref_slice %arg9[%scan3A_248, %scatter3A_543, %scatter3A_544, %scatter3A_545] : memref<2x8x8x129xf32, #tpu.memory_space<vmem>> -> memref<1x8x8x129xf32, #tpu.memory_space<vmem>>
        %scatter3A_547 = tpu.memref_squeeze %scatter3A_546 : memref<1x8x8x129xf32, #tpu.memory_space<vmem>> -> memref<8x8x129xf32, #tpu.memory_space<vmem>>
        tpu.vector_store_idx %scatter3A_547[%shift_right_arithmetic3A_22, %and3A_45, %broadcast_in_dim3A_514], %add3A_542 : memref<8x8x129xf32, #tpu.memory_space<vmem>>[vector<16xi32>, vector<16xi32>, vector<16xi32>], vector<16xf32>,
        %get3A_548 = arith.constant 1 : i32
        %get3A_549 = arith.index_cast %get3A_548 : i32 to index
        %get3A_550 = arith.index_cast %scan3A_513 : i32 to index
        %get3A_551 = arith.constant 48 : index
        %get3A_552 = tpu.vector_load %arg8[%get3A_549, %get3A_550, %get3A_551] {strides = array<i32>} : memref<2x128x64xf32, #tpu.memory_space<vmem>>, vector<16xf32>,
        %add3A_553 = arith.addf %get3A_552, %get3A_246 : vector<16xf32>
        %scatter3A_554 = arith.constant 0 : i32
        %scatter3A_555 = arith.constant 0 : i32
        %scatter3A_556 = arith.constant 0 : i32
        %scatter3A_557 = tpu.memref_slice %arg9[%scan3A_248, %scatter3A_554, %scatter3A_555, %scatter3A_556] : memref<2x8x8x129xf32, #tpu.memory_space<vmem>> -> memref<1x8x8x129xf32, #tpu.memory_space<vmem>>
        %scatter3A_558 = tpu.memref_squeeze %scatter3A_557 : memref<1x8x8x129xf32, #tpu.memory_space<vmem>> -> memref<8x8x129xf32, #tpu.memory_space<vmem>>
        tpu.vector_store_idx %scatter3A_558[%shift_right_arithmetic3A_28, %and3A_51, %broadcast_in_dim3A_514], %add3A_553 : memref<8x8x129xf32, #tpu.memory_space<vmem>>[vector<16xi32>, vector<16xi32>, vector<16xi32>], vector<16xf32>,
        %scan3A_559 = arith.constant 6 : i32
        %scan3A_560 = arith.addi %scan3A_280, %scan3A_559 : i32
        %broadcast_in_dim3A_561 = vector.broadcast %scan3A_560 : i32 to vector<16xi32>
        %get3A_562 = arith.constant 1 : i32
        %get3A_563 = arith.index_cast %get3A_562 : i32 to index
        %get3A_564 = arith.index_cast %scan3A_560 : i32 to index
        %get3A_565 = arith.constant 0 : index
        %get3A_566 = tpu.vector_load %arg8[%get3A_563, %get3A_564, %get3A_565] {strides = array<i32>} : memref<2x128x64xf32, #tpu.memory_space<vmem>>, vector<16xf32>,
        %add3A_567 = arith.addf %get3A_566, %get3A_228 : vector<16xf32>
        %scatter3A_568 = arith.constant 0 : i32
        %scatter3A_569 = arith.constant 0 : i32
        %scatter3A_570 = arith.constant 0 : i32
        %scatter3A_571 = tpu.memref_slice %arg9[%scan3A_248, %scatter3A_568, %scatter3A_569, %scatter3A_570] : memref<2x8x8x129xf32, #tpu.memory_space<vmem>> -> memref<1x8x8x129xf32, #tpu.memory_space<vmem>>
        %scatter3A_572 = tpu.memref_squeeze %scatter3A_571 : memref<1x8x8x129xf32, #tpu.memory_space<vmem>> -> memref<8x8x129xf32, #tpu.memory_space<vmem>>
        tpu.vector_store_idx %scatter3A_572[%shift_right_arithmetic3A_10, %and3A_33, %broadcast_in_dim3A_561], %add3A_567 : memref<8x8x129xf32, #tpu.memory_space<vmem>>[vector<16xi32>, vector<16xi32>, vector<16xi32>], vector<16xf32>,
        %get3A_573 = arith.constant 1 : i32
        %get3A_574 = arith.index_cast %get3A_573 : i32 to index
        %get3A_575 = arith.index_cast %scan3A_560 : i32 to index
        %get3A_576 = arith.constant 16 : index
        %get3A_577 = tpu.vector_load %arg8[%get3A_574, %get3A_575, %get3A_576] {strides = array<i32>} : memref<2x128x64xf32, #tpu.memory_space<vmem>>, vector<16xf32>,
        %add3A_578 = arith.addf %get3A_577, %get3A_234 : vector<16xf32>
        %scatter3A_579 = arith.constant 0 : i32
        %scatter3A_580 = arith.constant 0 : i32
        %scatter3A_581 = arith.constant 0 : i32
        %scatter3A_582 = tpu.memref_slice %arg9[%scan3A_248, %scatter3A_579, %scatter3A_580, %scatter3A_581] : memref<2x8x8x129xf32, #tpu.memory_space<vmem>> -> memref<1x8x8x129xf32, #tpu.memory_space<vmem>>
        %scatter3A_583 = tpu.memref_squeeze %scatter3A_582 : memref<1x8x8x129xf32, #tpu.memory_space<vmem>> -> memref<8x8x129xf32, #tpu.memory_space<vmem>>
        tpu.vector_store_idx %scatter3A_583[%shift_right_arithmetic3A_16, %and3A_39, %broadcast_in_dim3A_561], %add3A_578 : memref<8x8x129xf32, #tpu.memory_space<vmem>>[vector<16xi32>, vector<16xi32>, vector<16xi32>], vector<16xf32>,
        %get3A_584 = arith.constant 1 : i32
        %get3A_585 = arith.index_cast %get3A_584 : i32 to index
        %get3A_586 = arith.index_cast %scan3A_560 : i32 to index
        %get3A_587 = arith.constant 32 : index
        %get3A_588 = tpu.vector_load %arg8[%get3A_585, %get3A_586, %get3A_587] {strides = array<i32>} : memref<2x128x64xf32, #tpu.memory_space<vmem>>, vector<16xf32>,
        %add3A_589 = arith.addf %get3A_588, %get3A_240 : vector<16xf32>
        %scatter3A_590 = arith.constant 0 : i32
        %scatter3A_591 = arith.constant 0 : i32
        %scatter3A_592 = arith.constant 0 : i32
        %scatter3A_593 = tpu.memref_slice %arg9[%scan3A_248, %scatter3A_590, %scatter3A_591, %scatter3A_592] : memref<2x8x8x129xf32, #tpu.memory_space<vmem>> -> memref<1x8x8x129xf32, #tpu.memory_space<vmem>>
        %scatter3A_594 = tpu.memref_squeeze %scatter3A_593 : memref<1x8x8x129xf32, #tpu.memory_space<vmem>> -> memref<8x8x129xf32, #tpu.memory_space<vmem>>
        tpu.vector_store_idx %scatter3A_594[%shift_right_arithmetic3A_22, %and3A_45, %broadcast_in_dim3A_561], %add3A_589 : memref<8x8x129xf32, #tpu.memory_space<vmem>>[vector<16xi32>, vector<16xi32>, vector<16xi32>], vector<16xf32>,
        %get3A_595 = arith.constant 1 : i32
        %get3A_596 = arith.index_cast %get3A_595 : i32 to index
        %get3A_597 = arith.index_cast %scan3A_560 : i32 to index
        %get3A_598 = arith.constant 48 : index
        %get3A_599 = tpu.vector_load %arg8[%get3A_596, %get3A_597, %get3A_598] {strides = array<i32>} : memref<2x128x64xf32, #tpu.memory_space<vmem>>, vector<16xf32>,
        %add3A_600 = arith.addf %get3A_599, %get3A_246 : vector<16xf32>
        %scatter3A_601 = arith.constant 0 : i32
        %scatter3A_602 = arith.constant 0 : i32
        %scatter3A_603 = arith.constant 0 : i32
        %scatter3A_604 = tpu.memref_slice %arg9[%scan3A_248, %scatter3A_601, %scatter3A_602, %scatter3A_603] : memref<2x8x8x129xf32, #tpu.memory_space<vmem>> -> memref<1x8x8x129xf32, #tpu.memory_space<vmem>>
        %scatter3A_605 = tpu.memref_squeeze %scatter3A_604 : memref<1x8x8x129xf32, #tpu.memory_space<vmem>> -> memref<8x8x129xf32, #tpu.memory_space<vmem>>
        tpu.vector_store_idx %scatter3A_605[%shift_right_arithmetic3A_28, %and3A_51, %broadcast_in_dim3A_561], %add3A_600 : memref<8x8x129xf32, #tpu.memory_space<vmem>>[vector<16xi32>, vector<16xi32>, vector<16xi32>], vector<16xf32>,
        %scan3A_606 = arith.constant 7 : i32
        %scan3A_607 = arith.addi %scan3A_280, %scan3A_606 : i32
        %broadcast_in_dim3A_608 = vector.broadcast %scan3A_607 : i32 to vector<16xi32>
        %get3A_609 = arith.constant 1 : i32
        %get3A_610 = arith.index_cast %get3A_609 : i32 to index
        %get3A_611 = arith.index_cast %scan3A_607 : i32 to index
        %get3A_612 = arith.constant 0 : index
        %get3A_613 = tpu.vector_load %arg8[%get3A_610, %get3A_611, %get3A_612] {strides = array<i32>} : memref<2x128x64xf32, #tpu.memory_space<vmem>>, vector<16xf32>,
        %add3A_614 = arith.addf %get3A_613, %get3A_228 : vector<16xf32>
        %scatter3A_615 = arith.constant 0 : i32
        %scatter3A_616 = arith.constant 0 : i32
        %scatter3A_617 = arith.constant 0 : i32
        %scatter3A_618 = tpu.memref_slice %arg9[%scan3A_248, %scatter3A_615, %scatter3A_616, %scatter3A_617] : memref<2x8x8x129xf32, #tpu.memory_space<vmem>> -> memref<1x8x8x129xf32, #tpu.memory_space<vmem>>
        %scatter3A_619 = tpu.memref_squeeze %scatter3A_618 : memref<1x8x8x129xf32, #tpu.memory_space<vmem>> -> memref<8x8x129xf32, #tpu.memory_space<vmem>>
        tpu.vector_store_idx %scatter3A_619[%shift_right_arithmetic3A_10, %and3A_33, %broadcast_in_dim3A_608], %add3A_614 : memref<8x8x129xf32, #tpu.memory_space<vmem>>[vector<16xi32>, vector<16xi32>, vector<16xi32>], vector<16xf32>,
        %get3A_620 = arith.constant 1 : i32
        %get3A_621 = arith.index_cast %get3A_620 : i32 to index
        %get3A_622 = arith.index_cast %scan3A_607 : i32 to index
        %get3A_623 = arith.constant 16 : index
        %get3A_624 = tpu.vector_load %arg8[%get3A_621, %get3A_622, %get3A_623] {strides = array<i32>} : memref<2x128x64xf32, #tpu.memory_space<vmem>>, vector<16xf32>,
        %add3A_625 = arith.addf %get3A_624, %get3A_234 : vector<16xf32>
        %scatter3A_626 = arith.constant 0 : i32
        %scatter3A_627 = arith.constant 0 : i32
        %scatter3A_628 = arith.constant 0 : i32
        %scatter3A_629 = tpu.memref_slice %arg9[%scan3A_248, %scatter3A_626, %scatter3A_627, %scatter3A_628] : memref<2x8x8x129xf32, #tpu.memory_space<vmem>> -> memref<1x8x8x129xf32, #tpu.memory_space<vmem>>
        %scatter3A_630 = tpu.memref_squeeze %scatter3A_629 : memref<1x8x8x129xf32, #tpu.memory_space<vmem>> -> memref<8x8x129xf32, #tpu.memory_space<vmem>>
        tpu.vector_store_idx %scatter3A_630[%shift_right_arithmetic3A_16, %and3A_39, %broadcast_in_dim3A_608], %add3A_625 : memref<8x8x129xf32, #tpu.memory_space<vmem>>[vector<16xi32>, vector<16xi32>, vector<16xi32>], vector<16xf32>,
        %get3A_631 = arith.constant 1 : i32
        %get3A_632 = arith.index_cast %get3A_631 : i32 to index
        %get3A_633 = arith.index_cast %scan3A_607 : i32 to index
        %get3A_634 = arith.constant 32 : index
        %get3A_635 = tpu.vector_load %arg8[%get3A_632, %get3A_633, %get3A_634] {strides = array<i32>} : memref<2x128x64xf32, #tpu.memory_space<vmem>>, vector<16xf32>,
        %add3A_636 = arith.addf %get3A_635, %get3A_240 : vector<16xf32>
        %scatter3A_637 = arith.constant 0 : i32
        %scatter3A_638 = arith.constant 0 : i32
        %scatter3A_639 = arith.constant 0 : i32
        %scatter3A_640 = tpu.memref_slice %arg9[%scan3A_248, %scatter3A_637, %scatter3A_638, %scatter3A_639] : memref<2x8x8x129xf32, #tpu.memory_space<vmem>> -> memref<1x8x8x129xf32, #tpu.memory_space<vmem>>
        %scatter3A_641 = tpu.memref_squeeze %scatter3A_640 : memref<1x8x8x129xf32, #tpu.memory_space<vmem>> -> memref<8x8x129xf32, #tpu.memory_space<vmem>>
        tpu.vector_store_idx %scatter3A_641[%shift_right_arithmetic3A_22, %and3A_45, %broadcast_in_dim3A_608], %add3A_636 : memref<8x8x129xf32, #tpu.memory_space<vmem>>[vector<16xi32>, vector<16xi32>, vector<16xi32>], vector<16xf32>,
        %get3A_642 = arith.constant 1 : i32
        %get3A_643 = arith.index_cast %get3A_642 : i32 to index
        %get3A_644 = arith.index_cast %scan3A_607 : i32 to index
        %get3A_645 = arith.constant 48 : index
        %get3A_646 = tpu.vector_load %arg8[%get3A_643, %get3A_644, %get3A_645] {strides = array<i32>} : memref<2x128x64xf32, #tpu.memory_space<vmem>>, vector<16xf32>,
        %add3A_647 = arith.addf %get3A_646, %get3A_246 : vector<16xf32>
        %scatter3A_648 = arith.constant 0 : i32
        %scatter3A_649 = arith.constant 0 : i32
        %scatter3A_650 = arith.constant 0 : i32
        %scatter3A_651 = tpu.memref_slice %arg9[%scan3A_248, %scatter3A_648, %scatter3A_649, %scatter3A_650] : memref<2x8x8x129xf32, #tpu.memory_space<vmem>> -> memref<1x8x8x129xf32, #tpu.memory_space<vmem>>
        %scatter3A_652 = tpu.memref_squeeze %scatter3A_651 : memref<1x8x8x129xf32, #tpu.memory_space<vmem>> -> memref<8x8x129xf32, #tpu.memory_space<vmem>>
        tpu.vector_store_idx %scatter3A_652[%shift_right_arithmetic3A_28, %and3A_51, %broadcast_in_dim3A_608], %add3A_647 : memref<8x8x129xf32, #tpu.memory_space<vmem>>[vector<16xi32>, vector<16xi32>, vector<16xi32>], vector<16xf32>,
      }
      %scan3A_253 = arith.constant 128 : i32
      %lt3A_254 = arith.constant 198 : i32
      %lt3A_255 = arith.cmpi slt, %add3A_204, %lt3A_254 : i32
      %convert_element_type3A_256 = arith.extui %lt3A_255 : i1 to i32
      %cond3A_257 = arith.constant 0 : i32
      %cond3A_258 = arith.cmpi ne, %convert_element_type3A_256, %cond3A_257 : i32
      scf.if %cond3A_258 {
        %add3A_280 = arith.constant 2 : i32
        %add3A_281 = arith.addi %add3A_204, %add3A_280 : i32
        %jit3A = arith.constant 8 : i32
        %div3A = arith.divsi %add3A_281, %jit3A : i32
        %sign3A = arith.constant 0 : i32
        %sign3A_282 = arith.cmpi sgt, %add3A_281, %sign3A : i32
        %sign3A_283 = arith.extui %sign3A_282 : i1 to i32
        %sign3A_284 = arith.constant 0 : i32
        %sign3A_285 = arith.cmpi slt, %add3A_281, %sign3A_284 : i32
        %sign3A_286 = arith.extui %sign3A_285 : i1 to i32
        %sign3A_287 = arith.subi %sign3A_283, %sign3A_286 : i32
        %sign3A_288 = arith.constant 0 : i32
        %sign3A_289 = arith.cmpi sgt, %jit3A, %sign3A_288 : i32
        %sign3A_290 = arith.extui %sign3A_289 : i1 to i32
        %sign3A_291 = arith.constant 0 : i32
        %sign3A_292 = arith.cmpi slt, %jit3A, %sign3A_291 : i32
        %sign3A_293 = arith.extui %sign3A_292 : i1 to i32
        %sign3A_294 = arith.subi %sign3A_290, %sign3A_293 : i32
        %ne3A = arith.cmpi ne, %sign3A_287, %sign3A_294 : i32
        %rem3A = arith.remsi %add3A_281, %jit3A : i32
        %ne3A_295 = arith.constant 0 : i32
        %ne3A_296 = arith.cmpi ne, %rem3A, %ne3A_295 : i32
        %and3A_297 = arith.andi %ne3A, %ne3A_296 : i1
        %sub3A = arith.constant 1 : i32
        %sub3A_298 = arith.subi %div3A, %sub3A : i32
        %select_n3A = arith.select %and3A_297, %sub3A_298, %div3A : i32
        %jit3A_299 = arith.constant 8 : i32
        %eq3A = arith.constant 0 : i32
        %eq3A_300 = arith.cmpi eq, %jit3A_299, %eq3A : i32
        %jit3A_301 = arith.constant 1 : i32
        %select_n3A_302 = arith.select %eq3A_300, %jit3A_301, %jit3A_299 : i32
        %rem3A_303 = arith.remsi %add3A_281, %select_n3A_302 : i32
        %ne3A_304 = arith.constant 0 : i32
        %ne3A_305 = arith.cmpi ne, %rem3A_303, %ne3A_304 : i32
        %lt3A_306 = arith.constant 0 : i32
        %lt3A_307 = arith.cmpi slt, %rem3A_303, %lt3A_306 : i32
        %lt3A_308 = arith.constant 0 : i32
        %lt3A_309 = arith.cmpi slt, %select_n3A_302, %lt3A_308 : i32
        %ne3A_310 = arith.xori %lt3A_307, %lt3A_309 : i1
        %and3A_311 = arith.andi %ne3A_310, %ne3A_305 : i1
        %add3A_312 = arith.addi %rem3A_303, %select_n3A_302 : i32
        %select_n3A_313 = arith.select %and3A_311, %add3A_312, %rem3A_303 : i32
        %dma_start3A_314 = arith.constant 1 : i32
        %dma_start3A_315 = arith.constant 0 : i32
        %dma_start3A_316 = arith.constant 0 : i32
        %dma_start3A_317 = tpu.memref_slice %arg8[%dma_start3A_314, %dma_start3A_315, %dma_start3A_316] : memref<2x128x64xf32, #tpu.memory_space<vmem>> -> memref<1x128x64xf32, #tpu.memory_space<vmem>>
        %dma_start3A_318 = tpu.memref_squeeze %dma_start3A_317 : memref<1x128x64xf32, #tpu.memory_space<vmem>> -> memref<128x64xf32, #tpu.memory_space<vmem>>
        %dma_start3A_319 = arith.constant 0 : i32
        %dma_start3A_320 = tpu.memref_slice %arg6[%select_n3A, %select_n3A_313, %dma_start3A_319] : memref<25x8x128xi32, #tpu.memory_space<vmem>> -> memref<1x1x128xi32, #tpu.memory_space<vmem>>
        %dma_start3A_321 = tpu.memref_squeeze %dma_start3A_320 : memref<1x1x128xi32, #tpu.memory_space<vmem>> -> memref<128xi32, #tpu.memory_space<vmem>>
        %dma_start3A_322 = arith.constant 0 : i32
        %dma_start3A_323 = arith.constant 0 : i32
        %dma_start3A_324 = tpu.memref_slice %arg3[%dma_start3A_322, %dma_start3A_323] : memref<1003520x64xf32, #tpu.memory_space<hbm>> -> memref<1003520x64xf32, #tpu.memory_space<hbm>>
        tpu.enqueue_indirect_dma source(%dma_start3A_324 : memref<1003520x64xf32, #tpu.memory_space<hbm>>) target(%dma_start3A_318 : memref<128x64xf32, #tpu.memory_space<vmem>>) offsets(%dma_start3A_321 : memref<128xi32, #tpu.memory_space<vmem>>) semaphore(%arg11 : memref<!tpu.dma_semaphore, #tpu.memory_space<semaphore_mem>>)
      } else {
      }
      %dma_start3A_259 = arith.constant 1 : i32
      %dma_start3A_260 = arith.constant 0 : i32
      %dma_start3A_261 = arith.constant 0 : i32
      %dma_start3A_262 = arith.constant 0 : i32
      %dma_start3A_263 = tpu.memref_slice %arg9[%dma_start3A_259, %dma_start3A_260, %dma_start3A_261, %dma_start3A_262] : memref<2x8x8x129xf32, #tpu.memory_space<vmem>> -> memref<1x8x8x128xf32, #tpu.memory_space<vmem>>
      %dma_start3A_264 = tpu.memref_squeeze %dma_start3A_263 : memref<1x8x8x128xf32, #tpu.memory_space<vmem>> -> memref<8x8x128xf32, #tpu.memory_space<vmem>>
      %dma_start3A_265 = arith.constant 0 : i32
      %dma_start3A_266 = arith.constant 0 : i32
      %dma_start3A_267 = arith.constant 0 : i32
      %dma_start3A_268 = tpu.memref_slice %arg5[%add3A_204, %dma_start3A_265, %add3A, %dma_start3A_266, %dma_start3A_267] : memref<200x8x32x8x128xf32, #tpu.memory_space<hbm>> -> memref<1x8x1x8x128xf32, #tpu.memory_space<hbm>>
      %dma_start3A_269 = tpu.memref_squeeze %dma_start3A_268 : memref<1x8x1x8x128xf32, #tpu.memory_space<hbm>> -> memref<8x8x128xf32, #tpu.memory_space<hbm>>
      %dma_start3A_270 = arith.constant 0 : i32
      %dma_start3A_271 = arith.constant 0 : i32
      %dma_start3A_272 = arith.constant 0 : i32
      %dma_start3A_273 = tpu.memref_slice %arg5[%add3A_204, %dma_start3A_270, %add3A, %dma_start3A_271, %dma_start3A_272] : memref<200x8x32x8x128xf32, #tpu.memory_space<hbm>> -> memref<1x8x1x8x128xf32, #tpu.memory_space<hbm>>
      %dma_start3A_274 = tpu.memref_squeeze %dma_start3A_273 : memref<1x8x1x8x128xf32, #tpu.memory_space<hbm>> -> memref<8x8x128xf32, #tpu.memory_space<hbm>>
      %dma_start3A_275 = arith.constant 0 : i32
      %dma_start3A_276 = arith.constant 0 : i32
      %dma_start3A_277 = arith.constant 0 : i32
      %dma_start3A_278 = tpu.memref_slice %arg9[%dma_start3A_259, %dma_start3A_275, %dma_start3A_276, %dma_start3A_277] : memref<2x8x8x129xf32, #tpu.memory_space<vmem>> -> memref<1x8x8x128xf32, #tpu.memory_space<vmem>>
      %dma_start3A_279 = tpu.memref_squeeze %dma_start3A_278 : memref<1x8x8x128xf32, #tpu.memory_space<vmem>> -> memref<8x8x128xf32, #tpu.memory_space<vmem>>
      tpu.enqueue_dma source(%dma_start3A_279 : memref<8x8x128xf32, #tpu.memory_space<vmem>>) target(%dma_start3A_274 : memref<8x8x128xf32, #tpu.memory_space<hbm>>) target_semaphore(%arg13 : memref<!tpu.dma_semaphore, #tpu.memory_space<semaphore_mem>>)
    }
    %scan3A_82 = arith.constant 100 : i32
    %dma_wait3A = arith.constant 0 : i32
    %dma_wait3A_83 = arith.constant 0 : i32
    %dma_wait3A_84 = arith.constant 0 : i32
    %dma_wait3A_85 = arith.constant 0 : i32
    %dma_wait3A_86 = arith.constant 0 : i32
    %dma_wait3A_87 = tpu.memref_slice %arg9[%dma_wait3A, %dma_wait3A_84, %dma_wait3A_85, %dma_wait3A_86] : memref<2x8x8x129xf32, #tpu.memory_space<vmem>> -> memref<1x8x8x128xf32, #tpu.memory_space<vmem>>
    %dma_wait3A_88 = tpu.memref_squeeze %dma_wait3A_87 : memref<1x8x8x128xf32, #tpu.memory_space<vmem>> -> memref<8x8x128xf32, #tpu.memory_space<vmem>>
    %dma_wait3A_89 = arith.constant 0 : i32
    %dma_wait3A_90 = arith.constant 0 : i32
    %dma_wait3A_91 = arith.constant 0 : i32
    %dma_wait3A_92 = tpu.memref_slice %arg5[%dma_wait3A_83, %dma_wait3A_89, %add3A, %dma_wait3A_90, %dma_wait3A_91] : memref<200x8x32x8x128xf32, #tpu.memory_space<hbm>> -> memref<1x8x1x8x128xf32, #tpu.memory_space<hbm>>
    %dma_wait3A_93 = tpu.memref_squeeze %dma_wait3A_92 : memref<1x8x1x8x128xf32, #tpu.memory_space<hbm>> -> memref<8x8x128xf32, #tpu.memory_space<hbm>>
    %dma_wait3A_94 = arith.constant 0 : i32
    %dma_wait3A_95 = arith.constant 0 : i32
    %dma_wait3A_96 = arith.constant 0 : i32
    %dma_wait3A_97 = tpu.memref_slice %arg5[%dma_wait3A_83, %dma_wait3A_94, %add3A, %dma_wait3A_95, %dma_wait3A_96] : memref<200x8x32x8x128xf32, #tpu.memory_space<hbm>> -> memref<1x8x1x8x128xf32, #tpu.memory_space<hbm>>
    %dma_wait3A_98 = tpu.memref_squeeze %dma_wait3A_97 : memref<1x8x1x8x128xf32, #tpu.memory_space<hbm>> -> memref<8x8x128xf32, #tpu.memory_space<hbm>>
    %dma_wait3A_99 = arith.constant 0 : i32
    %dma_wait3A_100 = arith.constant 0 : i32
    %dma_wait3A_101 = arith.constant 0 : i32
    %dma_wait3A_102 = tpu.memref_slice %arg9[%dma_wait3A, %dma_wait3A_99, %dma_wait3A_100, %dma_wait3A_101] : memref<2x8x8x129xf32, #tpu.memory_space<vmem>> -> memref<1x8x8x128xf32, #tpu.memory_space<vmem>>
    %dma_wait3A_103 = tpu.memref_squeeze %dma_wait3A_102 : memref<1x8x8x128xf32, #tpu.memory_space<vmem>> -> memref<8x8x128xf32, #tpu.memory_space<vmem>>
    tpu.wait_dma2 semaphore(%arg12 : memref<!tpu.dma_semaphore, #tpu.memory_space<semaphore_mem>>) src(%dma_wait3A_103 : memref<8x8x128xf32, #tpu.memory_space<vmem>>) dst(%dma_wait3A_98 : memref<8x8x128xf32, #tpu.memory_space<hbm>>)
    %dma_wait3A_104 = arith.constant 1 : i32
    %dma_wait3A_105 = arith.constant 0 : i32
    %dma_wait3A_106 = arith.constant 0 : i32
    %dma_wait3A_107 = arith.constant 0 : i32
    %dma_wait3A_108 = arith.constant 0 : i32
    %dma_wait3A_109 = tpu.memref_slice %arg9[%dma_wait3A_104, %dma_wait3A_106, %dma_wait3A_107, %dma_wait3A_108] : memref<2x8x8x129xf32, #tpu.memory_space<vmem>> -> memref<1x8x8x128xf32, #tpu.memory_space<vmem>>
    %dma_wait3A_110 = tpu.memref_squeeze %dma_wait3A_109 : memref<1x8x8x128xf32, #tpu.memory_space<vmem>> -> memref<8x8x128xf32, #tpu.memory_space<vmem>>
    %dma_wait3A_111 = arith.constant 0 : i32
    %dma_wait3A_112 = arith.constant 0 : i32
    %dma_wait3A_113 = arith.constant 0 : i32
    %dma_wait3A_114 = tpu.memref_slice %arg5[%dma_wait3A_105, %dma_wait3A_111, %add3A, %dma_wait3A_112, %dma_wait3A_113] : memref<200x8x32x8x128xf32, #tpu.memory_space<hbm>> -> memref<1x8x1x8x128xf32, #tpu.memory_space<hbm>>
    %dma_wait3A_115 = tpu.memref_squeeze %dma_wait3A_114 : memref<1x8x1x8x128xf32, #tpu.memory_space<hbm>> -> memref<8x8x128xf32, #tpu.memory_space<hbm>>
    %dma_wait3A_116 = arith.constant 0 : i32
    %dma_wait3A_117 = arith.constant 0 : i32
    %dma_wait3A_118 = arith.constant 0 : i32
    %dma_wait3A_119 = tpu.memref_slice %arg5[%dma_wait3A_105, %dma_wait3A_116, %add3A, %dma_wait3A_117, %dma_wait3A_118] : memref<200x8x32x8x128xf32, #tpu.memory_space<hbm>> -> memref<1x8x1x8x128xf32, #tpu.memory_space<hbm>>
    %dma_wait3A_120 = tpu.memref_squeeze %dma_wait3A_119 : memref<1x8x1x8x128xf32, #tpu.memory_space<hbm>> -> memref<8x8x128xf32, #tpu.memory_space<hbm>>
    %dma_wait3A_121 = arith.constant 0 : i32
    %dma_wait3A_122 = arith.constant 0 : i32
    %dma_wait3A_123 = arith.constant 0 : i32
    %dma_wait3A_124 = tpu.memref_slice %arg9[%dma_wait3A_104, %dma_wait3A_121, %dma_wait3A_122, %dma_wait3A_123] : memref<2x8x8x129xf32, #tpu.memory_space<vmem>> -> memref<1x8x8x128xf32, #tpu.memory_space<vmem>>
    %dma_wait3A_125 = tpu.memref_squeeze %dma_wait3A_124 : memref<1x8x8x128xf32, #tpu.memory_space<vmem>> -> memref<8x8x128xf32, #tpu.memory_space<vmem>>
    tpu.wait_dma2 semaphore(%arg13 : memref<!tpu.dma_semaphore, #tpu.memory_space<semaphore_mem>>) src(%dma_wait3A_125 : memref<8x8x128xf32, #tpu.memory_space<vmem>>) dst(%dma_wait3A_120 : memref<8x8x128xf32, #tpu.memory_space<hbm>>)
    return
  }
}

module attributes {stable_mosaic.version = 14 : i64} {
  func.func @_tc_transpose_body(%arg0: i32, %arg1: memref<64x4096xf32, #tpu.memory_space<vmem>>, %arg2: memref<2048x128xf32, #tpu.memory_space<vmem>>) attributes {dimension_semantics = [#tpu.dimension_semantics<arbitrary>], iteration_bounds = array<i64: 245>, scalar_prefetch = 0 : i64, scratch_operands = 0 : i64, tpu.core_type = #tpu.core_type<tc>, window_params = [{transform_indices = @transform_0, window_bounds = array<i64: 64, 4096>}, {transform_indices = @transform_1, window_bounds = array<i64: 2048, 128>}]} {
    %get3A = arith.constant 0 : index
    %get3A_0 = arith.constant 0 : index
    %get3A_1 = vector.load %arg1[%get3A, %get3A_0] : memref<64x4096xf32, #tpu.memory_space<vmem>>, vector<64x4096xf32>
    %transpose3A = tpu.transpose %get3A_1, [1, 0] : vector<64x4096xf32> -> vector<4096x64xf32>
    %mul3A = arith.constant 1.250000e-01 : f32
    %mul3A_2 = vector.broadcast %mul3A : f32 to vector<4096x64xf32>
    %mul3A_3 = arith.mulf %transpose3A, %mul3A_2 : vector<4096x64xf32>
    %slice3A = vector.extract_strided_slice %mul3A_3 {offsets = [0, 0], sizes = [2048, 64], strides = [1, 1]} : vector<4096x64xf32> to vector<2048x64xf32>
    %slice3A_4 = vector.extract_strided_slice %mul3A_3 {offsets = [2048, 0], sizes = [2048, 64], strides = [1, 1]} : vector<4096x64xf32> to vector<2048x64xf32>
    %concatenate3A = tpu.concatenate %slice3A, %slice3A_4 in 1 : vector<2048x64xf32>, vector<2048x64xf32> -> vector<2048x128xf32>
    %swap3A = arith.constant 0 : index
    %swap3A_5 = arith.constant 0 : index
    %swap3A_6 = vector.load %arg2[%swap3A, %swap3A_5] : memref<2048x128xf32, #tpu.memory_space<vmem>>, vector<2048x128xf32>
    tpu.vector_store %arg2[%swap3A, %swap3A_5], %concatenate3A {strides = array<i32>} : memref<2048x128xf32, #tpu.memory_space<vmem>>, vector<2048x128xf32>,
    return
  }
  func.func @transform_0(%arg0: i32) -> (i32, i32) {
    %c0_i32 = arith.constant 0 : i32
    %c0_i32_0 = arith.constant 0 : i32
    return %c0_i32, %arg0 : i32, i32
  }
  func.func @transform_1(%arg0: i32) -> (i32, i32) {
    %c0_i32 = arith.constant 0 : i32
    %c0_i32_0 = arith.constant 0 : i32
    return %arg0, %c0_i32 : i32, i32
  }
}

</mosaic_0001>

<sc_bundles>
// kernel: kernel.4.cloned.1.call-start
scs
__scs_entry_jumppad:
0x0: {  	(pc) =	sbr.rel $0x88, $3  }
0x1: {  	(tag) =	ssettag $0x0;
	lr =	simm.s32 $0x1  }
0x2: {  	[smem:$0x3F9F] =	sst lr;
	_ =	strace $0xD0000000  }
0x3: {  	_ = 	snop  }
0x4: {  	_ = 	snop  }
0x5: {  	_ = 	snop  }
0x6: {  	_ = 	snop  }
0x7: {  	_ = 	snop  }
__scs_overlays_trampoline_lowered:
0x8: {  	[smem:$0x3FAE] =	sst s0  }
0x9: {  	[smem:$0x3FAF] =	sst s1  }
0xa: {  	[smem:$0x3FB0] =	sst s2  }
0xb: {  	[smem:$0x3FB1] =	sst s3  }
0xc: {  	[smem:$0x3FB2] =	sst s4  }
0xd: {  	[smem:$0x3FB3] =	sst s5  }
0xe: {  	[smem:$0x3FB4] =	sst s6  }
0xf: {  	[smem:$0x3FB5] =	sst s7  }
0x10: {  	[smem:$0x3FB6] =	sst s8  }
0x11: {  	[smem:$0x3FB7] =	sst s9;
	s0 =	simm.s32 @!p0 $0x0  }
0x12: {  	s1 =	sld [smem:$0x3F9D];
	s0 =	simm.s32 @p0 $0x1  }
0x13: {  	[smem:$0x3FB8] =	sst s0;
	s0 =	simm.s32 @!p1 $0x0  }
0x14: {  	s2 =	sld [smem:$0x3F9C];
	s0 =	simm.s32 @p1 $0x1  }
0x15: {  	[smem:$0x3FB9] =	sst s0;
	s0 =	simm.s32 @!p2 $0x0  }
0x16: {  	s3 =	sld [smem:$0x3FDB];
	s0 =	simm.s32 @p2 $0x1  }
0x17: {  	s4 =	simm.s32 $0x1BF5;
	[smem:$0x3FBB] =	sst s0  }
0x18: {  	s0 =	sld [smem:$0x3F9E];
	_ =	swait.ge [sflag:s4], $0x0  }
0x19: {  	s7 =	sld [smem:$0x3F9F]  }
0x1a: {  	s8 =	sadd.s32 $0xFFFFE003, lr  }
0x1b: {  	s9 =	sadd.s32 $0xFFFFFEF7, lr;
	s5 =	simm.s32 $0xFFFFFFFF;
	p2 =	slt.u32 s8, $0xFFFFF086  }
0x1c: {  	p1 =	slt.u32 s9, $0xF7A;
	s5 =	simm.s32 @!p2 $0x0  }
0x1d: {  	s5 =	simm.s32 @p1 $0x1;
	p0 =	seq.s32 s7, s2  }
0x1e: {  	s7 =	smul.u32 @!p0 $0xF7A, s2;
	p2 =	seq.s32 @!p0 s5, $0x0  }
0x1f: {  	s9 =	smul.u32 $0xF7A, s1;
	s8 =	simm.s32 @!p0 $0x1BF5;
	p2 =	por !p2, p0  }
0x20: {  	[sflag:s8] =	ssyncset.s32 @!p0 $0xFFFFF086;
	s6 =	sadd.s32 @!p0 s3, s7;
	s7 =	simm.s32 @!p0 $0x108  }
0x21: {  	s3 =	sadd.s32 s3, s9;
	s6 =	sadd.s32 @!p0 $0x88, s6;
	s7 =	simm.s32 @p2 $0x1082  }
0x22: {  	[simem:s7], [sflag:s8] =	dma.local @!p0 [hbm:s6], $0xF7A  }
0x23: {  	s9 =	sor.u32 $0xD0000000, s2;
	s6 =	simm.s32 $0x108;
	_ =	swait.ge @!p0 [sflag:s8], $0x0  }
0x24: {  	s3 =	sadd.s32 $0x88, s3;
	s6 =	simm.s32 @!p1 $0x1082;
	[sflag:s4] =	ssyncset.s32 $0xFFFFF086  }
0x25: {  	[simem:s6], [sflag:s4] =	dma.local [hbm:s3], $0xF7A  }
0x26: {  	[smem:$0x3F9F] =	sst s1;
	(tag) =	ssettag s2;
	_ =	strace s9  }
0x27: {  	s1 =	sld [smem:$0x3FAF]  }
0x28: {  	s2 =	sld [smem:$0x3FB0]  }
0x29: {  	s4 =	sld [smem:$0x3FB2]  }
0x2a: {  	p0 =	seq.s32 s5, $0x0;
	s5 =	sld [smem:$0x3FB3]  }
0x2b: {  	s6 =	sld [smem:$0x3FB4]  }
0x2c: {  	s7 =	sld [smem:$0x3FB5]  }
0x2d: {  	s3 =	simm.s32 $0x108;
	s8 =	sld [smem:$0x3FB6]  }
0x2e: {  	s3 =	simm.s32 @!p0 $0x1082;
	s9 =	sld [smem:$0x3FB7]  }
0x2f: {  	lr =	sadd.s32 s0, s3;
	s0 =	sld [smem:$0x3FAE]  }
0x30: {  	s3 =	sld [smem:$0x3FB1]  }
0x31: {  	[smem:$0x3FBA] =	sst s10  }
0x32: {  	s10 =	sld [smem:$0x3FB8];
	_ =	sdelay $0x3  }
0x33: {  	p0 =	seq.s32 s10, $0x1;
	s10 =	sld [smem:$0x3FBA];
	_ =	sdelay $0x3  }
0x34: {  	[smem:$0x3FBA] =	sst s10  }
0x35: {  	s10 =	sld [smem:$0x3FB9];
	_ =	sdelay $0x3  }
0x36: {  	p1 =	seq.s32 s10, $0x1;
	s10 =	sld [smem:$0x3FBA];
	_ =	sdelay $0x3  }
0x37: {  	[smem:$0x3FBA] =	sst s10  }
0x38: {  	s10 =	sld [smem:$0x3FBB]  }
0x39: {  	_ = 	snop;
	(pc) =	sbr.ind lr, $3  }
0x3a: {  	_ = 	snop  }
0x3b: {  	_ = 	snop  }
0x3c: {  	p2 =	seq.s32 s10, $0x1;
	s10 =	sld [smem:$0x3FBA]  }
0x3d: {  	_ =	shalt  }
0x3e: {  	_ =	shalt  }
0x3f: {  	_ =	shalt  }
0x40: {  	_ =	shalt  }
0x41: {  	_ =	shalt  }
0x42: {  	_ =	shalt  }
0x43: {  	_ =	shalt  }
0x44: {  	_ =	shalt  }
0x45: {  	_ =	shalt  }
0x46: {  	_ =	shalt  }
0x47: {  	_ =	shalt  }
0x48: {  	_ =	shalt  }
0x49: {  	_ =	shalt  }
0x4a: {  	_ =	shalt  }
0x4b: {  	_ =	shalt  }
0x4c: {  	_ =	shalt  }
0x4d: {  	_ =	shalt  }
0x4e: {  	_ =	shalt  }
0x4f: {  	_ =	shalt  }
0x50: {  	_ =	shalt  }
0x51: {  	_ =	shalt  }
0x52: {  	_ =	shalt  }
0x53: {  	_ =	shalt  }
0x54: {  	_ =	shalt  }
0x55: {  	_ =	shalt  }
0x56: {  	_ =	shalt  }
0x57: {  	_ =	shalt  }
0x58: {  	_ =	shalt  }
0x59: {  	_ =	shalt  }
0x5a: {  	_ =	shalt  }
0x5b: {  	_ =	shalt  }
0x5c: {  	_ =	shalt  }
0x5d: {  	_ =	shalt  }
0x5e: {  	_ =	shalt  }
0x5f: {  	_ =	shalt  }
0x60: {  	_ =	shalt  }
0x61: {  	_ =	shalt  }
0x62: {  	_ =	shalt  }
0x63: {  	_ =	shalt  }
0x64: {  	_ =	shalt  }
0x65: {  	_ =	shalt  }
0x66: {  	_ =	shalt  }
0x67: {  	_ =	shalt  }
0x68: {  	_ =	shalt  }
0x69: {  	_ =	shalt  }
0x6a: {  	_ =	shalt  }
0x6b: {  	_ =	shalt  }
0x6c: {  	_ =	shalt  }
0x6d: {  	_ =	shalt  }
0x6e: {  	_ =	shalt  }
0x6f: {  	_ =	shalt  }
0x70: {  	_ =	shalt  }
0x71: {  	_ =	shalt  }
0x72: {  	_ =	shalt  }
0x73: {  	_ =	shalt  }
0x74: {  	_ =	shalt  }
0x75: {  	_ =	shalt  }
0x76: {  	_ =	shalt  }
0x77: {  	_ =	shalt  }
0x78: {  	_ =	shalt  }
0x79: {  	_ =	shalt  }
0x7a: {  	_ =	shalt  }
0x7b: {  	_ =	shalt  }
0x7c: {  	_ =	shalt  }
0x7d: {  	_ =	shalt  }
0x7e: {  	_ =	shalt  }
0x7f: {  	_ =	shalt  }
0x80: {  	_ =	shalt  }
0x81: {  	_ =	shalt  }
0x82: {  	_ =	shalt  }
0x83: {  	_ =	shalt  }
0x84: {  	_ =	shalt  }
0x85: {  	_ =	shalt  }
0x86: {  	_ =	shalt  }
0x87: {  	_ =	shalt  }
.Lfunc_end0:
.L_simem_size_0:
called_computation_lowered:
.L_overlay_start_0:
0x88: {  	s2 =	sld [smem:$0x3FD9]  }
0x89: {  	s3 =	sld [smem:$0x3FFE];
	_ =	sdelay $0x1  }
0x8a: {  	s1 =	srdreg.scid  }
0x8b: {  	s0 =	sand.u32 $0x1, s1  }
0x8c: {  	s17 =	sshll.u32 s0, $0xA;
	s2 =	sadd.s32 s3, s2  }
0x8d: {  	s2 =	sadd.s32 s2, s17  }
0x8e: {  	[smem:$0x3FC6] =	sst s2  }
0x8f: {  	_ = 	snop  }
0x90: {  	s2 =	sld [smem:$0x3FC9]  }
0x91: {  	s18 =	sld [smem:$0x3FD0];
	(tm) =	ssettm $0x1  }
0x92: {  	s4 =	sld [smem:$0x3FFB];
	_ =	sdelay $0x3  }
0x93: {  	_ =	strace s4  }
0x94: {  	s4 =	sld [smem:$0x3FFC];
	_ =	sdelay $0x3  }
0x95: {  	_ =	strace s4  }
0x96: {  	s4 =	sld [smem:$0x3FFD];
	_ =	sdelay $0x3  }
0x97: {  	_ =	strace s4  }
0x98: {  	_ =	strace $0x8FFFFFFF  }
0x99: {  	s19 =	sld [smem:$0x3FDB];
	_ =	sdelay $0x1  }
0x9a: {  	s5 =	simm.s32 $_scs_section_size  }
0x9b: {  	s6 =	simm.s32 $_size__tile_overlayer_lowered;
	s7 =	simm.s32 $_tile_overlayer_lowered  }
0x9c: {  	s22 =	simm.s32 $0x1BFF;
	s21 =	sshll.u32 s7, $0x1;
	s4 =	sadd.s32 s5, s19  }
0x9d: {  	s8 =	simm.s32 $0x0;
	s20 =	sshll.u32 s6, $0x1;
	s6 =	sadd.s32 s21, s4  }
0x9e: {  	[timem:s8], [sflag:s22] =	dma.local [hbm:s6], s20  }
0x9f: {  	_ =	swait.ge [sflag:s22], s20  }
0xa0: {  	s5 =	ssub.s32 $0x0, s20;
	[sflag:s22] =	ssyncset.done $0x0  }
0xa1: {  	[sflag:s22] =	ssyncadd.s32 s5;
	_ =	sdelay $0x1  }
0xa2: {  	s23 =	simm.s32 $0x1B8B  }
0xa3: {  	_ =	swait.ge [sflag:s23], $0x1  }
0xa4: {  	[sflag:s23] =	ssyncset.done $0x0  }
0xa5: {  	s25 =	simm.s32 $0x1B8E;
	s24 =	sld [smem:$0x3FFE];
	[sflag:s23] =	ssyncadd.s32 $0xFFFFFFFF  }
0xa6: {  	s26 =	simm.s32 $execute0_lowered;
	[smem:$0x3FD2] =	sst s25  }
0xa7: {  	s6 =	sshll.u32 s26, $0x1;
	_ =	strace $0x80000046;
	[dreg:$0x1] =	wrdreg $0xFFFFFFFF  }
0xa8: {  	s28 =	simm.s32 $_size_execute0_lowered;
	s4 =	sadd.s32 s4, s6;
	[dreg:$0x0] =	wrdreg $0x0  }
0xa9: {  	s6 =	sshll.u32 s28, $0x1;
	[dreg:$0x2] =	wrdreg s4  }
0xaa: {  	[dreg:$0x3] =	wrdreg s6  }
0xab: {  	[dreg:$0x4] =	wrdreg $0xC0  }
0xac: {  	_ =	task [dreg:s8], $0x5FFFF  }
0xad: {  	[dreg:$0x1] =	wrdreg $0xFFFFFFFF  }
0xae: {  	[dreg:$0x0] =	wrdreg $0x60  }
0xaf: {  	[dreg:$0x2] =	wrdreg s2  }
0xb0: {  	[dreg:$0x3] =	wrdreg s24  }
0xb1: {  	[dreg:$0x4] =	wrdreg s18  }
0xb2: {  	[dreg:$0x5] =	wrdreg $0x9  }
0xb3: {  	_ =	task.clear_ibuf [dreg:s8], $0x6FFFF;
	_ =	strace $0x90000046  }
0xb4: {  	s29 =	simm.s32 $0x9;
	_ =	strace $0x80000048  }
0xb5: {  	_ =	swait.ge [sflag:s29], $0x1  }
0xb6: {  	[sflag:s29] =	ssyncadd.s32 $0xFFFFFFFF  }
0xb7: {  	_ =	strace $0x90000048  }
0xb8: {  	_ =	sfence  }
0xb9: {  	s30 =	sld [smem:$0x0];
	_ =	sdelay $0x2  }
0xba: {  	s31 =	sshll.u32 s1, $0xD;
	s1 =	sshrl.u32 s1, $0x2  }
0xbb: {  	s3 =	sand.u32 $0x4000, s31;
	s1 =	sadd.s32 s1, s30  }
0xbc: {  	s0 =	sor.u32 s3, s0;
	s1 =	sshll.u32 s1, $0x11  }
0xbd: {  	s0 =	sor.u32 s1, s0  }
0xbe: {  	s0 =	sadd.s32 $0x8F2B, s0  }
0xbf: {  	[sflag:s0] =	ssyncadd.remote.s32 $0x1  }
0xc0: {  	_ =	sfence.sel $0xFFFF  }
0xc1: {  	[dreg:$0x0] =	wrdreg $0xFFFFFFFF;
	(pc) =	sbr.abs _section_cstart, $3  }
0xc2: {  	[dreg:$0x1] =	wrdreg $0xFFFFFFFF  }
0xc3: {  	_ =	task.clear_ibuf [dreg:s8], $0x2FFFF;
	_ =	strace $0x9FFFFFFF  }
0xc4: {  	(tm) =	ssettm $0x7FFFFFFF  }
0xc5: {  	_ =	shalt  }
tec
execute0_lowered:
.L_overlay_start_1:
0x0: {  	(tag) =	ssettag $0x1  }
0x1: {  	s0 =	rddreg [dreg:$0x0]  }
0x2: {  	s6 =	rddreg [dreg:$0x1]  }
0x3: {  	s2 =	rddreg [dreg:$0x2];
	s4 =	srdreg.scid  }
0x4: {  	s3 =	simm.s32 $0x0;
	s1 =	stileid.u32;
	s10 =	simm.s32 $0x5  }
0x5: {  	s11 =	simm.s32 $0x400;
	s12 =	simm.s32 $0x8000;
	s13 =	simm.s32 $0x80  }
0x6: {  	s14 =	simm.s32 $0x9600;
	s15 =	simm.s32 $0xB600;
	s16 =	simm.s32 $0x1  }
0x7: {  	s17 =	simm.s32 $0xD600;
	s18 =	simm.s32 $0x2;
	s19 =	simm.s32 $0xF800  }
0x8: {  	s20 =	simm.s32 $0x3;
	s21 =	simm.s32 $0x4;
	s22 =	simm.s32 $0x0  }
0x9: {  	s4 =	sand.u32 $0x1, s4;
	[smem:$0x7FF] =	sst s3;
	s5 =	sshll.u32 s1, $0xB  }
0xa: {  	s7 =	sshll.u32 s4, $0xA;
	_ =	strace $0x80000047;
	s8 =	ssub.s32 $0x2, s4  }
0xb: {  	s4 =	sor.u32 s7, s5;
	s5 =	sadd.s32 $0x600, s6;
	s31 =	sshrl.u32 s8, $0x1  }
0xc: {  	v0 =	vimm.s32 $0x0;
	vm0 =	vcmask $0x300;
	v1 =	vlaneseq.u32;
	s6 =	sadd.s32 $0x7A8600, s6;
	s9 =	sshrl.u32 s4, $0x3;
	s8 =	ssub.s32 s8, s31  }
0xd: {  	v0 =	vsel vm0, $0x3, v0;
	v1 =	vmul.u32 $0x88, v1;
	s7 =	sadd.s32 s0, s9;
	s8 =	smax.u32 s8, $0x1;
	s9 =	simm.s32 $0x6400  }
.LBB2_1:
0xe: {  	[tilespmem:s9], [sflag:$0x5] =	stream.linear.gather [hbm4b:s6+s3], $0x3200, $0x38;
	[tilespmem:$0x11A00] =	vst v63  }
0xf: {  	_ =	swait.ge [sflag:s10], $0x3200  }
0x10: {  	[sflag:s10] =	ssyncset.done $0x0  }
0x11: {  	[sflag:s10] =	ssyncadd.s32 $0xFFFFCE00  }
0x12: {  	[tilespmem:s3], [sflag:$0x5] =	stream.strided.gather [hbm4b:s7+s11], $0x6400, s12, s11, $0x38;
	[tilespmem:$0x11A00] =	vst v63  }
0x13: {  	_ =	swait.ge [sflag:s10], $0x6400  }
0x14: {  	[sflag:s10] =	ssyncset.done $0x0  }
0x15: {  	s23 =	simm.s32 $0x0;
	[sflag:s10] =	ssyncadd.s32 $0xFFFF9C00  }
0x16: {  	v2 =	vld [tilespmem:s23+$0x0]  }
0x17: {  	v3 =	vld [tilespmem:s23+$0x10]  }
0x18: {  	v8 =	vld [tilespmem:s23+$0x30]  }
0x19: {  	v13 =	vld [tilespmem:s23+$0x70]  }
0x1a: {  	v19 =	vld [tilespmem:s23+$0xD0]  }
0x1b: {  	v34 =	vld [tilespmem:s23+$0xE0]  }
0x1c: {  	v36 =	vld [tilespmem:s23+$0xF0]  }
0x1d: {  	v38 =	vld [tilespmem:s23+$0x100]  }
0x1e: {  	v40 =	vld [tilespmem:s23+$0x110]  }
0x1f: {  	v23 =	vld [tilespmem:s23+$0x120];
	v5 =	vand.u32 $0xFFFFF000, v2;
	v6 =	vshll.u32 v2, $0x1;
	v2 =	vshrl.u32 v2, $0xB  }
0x20: {  	v25 =	vld [tilespmem:s23+$0x130];
	v7 =	vshll.u32 v3, $0x1;
	v9 =	vand.u32 $0xFFFFF000, v3;
	v3 =	vshrl.u32 v3, $0xB  }
0x21: {  	v48 =	vld [tilespmem:s23+$0x140];
	v10 =	vand.u32 $0xFFFFF000, v8;
	v15 =	vand.u32 $0xFFFFF000, v13;
	v35 =	vshll.u32 v19, $0x1  }
0x22: {  	v52 =	vld [tilespmem:s23+$0x150];
	v21 =	vand.u32 $0xFFFFF000, v19;
	v19 =	vshrl.u32 v19, $0xB;
	v37 =	vshll.u32 v34, $0x1  }
0x23: {  	v54 =	vld [tilespmem:s23+$0x160];
	v39 =	vand.u32 $0xFFFFF000, v34;
	v41 =	vshll.u32 v36, $0x1;
	v22 =	vand.u32 $0xFFFFF000, v36  }
0x24: {  	v44 =	vand.u32 $0xFFFFF000, v38;
	v45 =	vshll.u32 v38, $0x1;
	v24 =	vshll.u32 v40, $0x1  }
0x25: {  	v26 =	vand.u32 $0xFFFFF000, v40;
	v49 =	vand.u32 $0xFFFFF000, v23;
	v50 =	vshll.u32 v23, $0x1  }
0x26: {  	v23 =	vshrl.u32 v23, $0xB;
	v51 =	vshll.u32 v25, $0x1;
	v27 =	vand.u32 $0xFFFFF000, v25  }
0x27: {  	v25 =	vshrl.u32 v25, $0xB;
	v53 =	vshll.u32 v48, $0x1;
	v55 =	vand.u32 $0xFFFFF000, v48  }
0x28: {  	v57 =	vshll.u32 v52, $0x1;
	v29 =	vand.u32 $0xFFFFF000, v52;
	v61 =	vand.u32 $0xFFFFF000, v54  }
0x29: {  	v60 =	vld [tilespmem:s23+$0x1A0];
	v31 =	vshll.u32 v54, $0x1;
	v6 =	vand.u32 $0xFFE, v6;
	v2 =	vand.u32 $0x1, v2  }
0x2a: {  	v4 =	vld [tilespmem:s23+$0x20];
	v7 =	vand.u32 $0xFFE, v7;
	v19 =	vand.u32 $0x1, v19;
	v24 =	vand.u32 $0xFFE, v24  }
0x2b: {  	v23 =	vand.u32 $0x1, v23;
	v25 =	vand.u32 $0x1, v25;
	v31 =	vand.u32 $0xFFE, v31  }
0x2c: {  	v56 =	vld [tilespmem:s23+$0x170];
	v5 =	vor.u32 v5, v6;
	v6 =	vor.u32 v9, v7;
	v7 =	vand.u32 $0x1, v3  }
0x2d: {  	v46 =	vor.u32 v26, v24;
	v24 =	vand.u32 $0xFFE, v51;
	v26 =	vshrl.u32 v52, $0xB  }
0x2e: {  	v31 =	vor.u32 v61, v31;
	v52 =	vand.u32 $0xFFFFF000, v60;
	v3 =	vor.u32 v2, v5  }
0x2f: {  	v9 =	vld [tilespmem:s23+$0x50];
	v2 =	vor.u32 v7, v6;
	v5 =	vshll.u32 v4, $0x1;
	v7 =	vand.u32 $0xFFFFF000, v4  }
0x30: {  	v6 =	vld [tilespmem:s23+$0x40];
	v4 =	vshrl.u32 v4, $0xB;
	v24 =	vor.u32 v27, v24;
	v59 =	vand.u32 $0x1, v26  }
0x31: {  	v27 =	vshrl.u32 v56, $0xB;
	v5 =	vand.u32 $0xFFE, v5;
	v4 =	vand.u32 $0x1, v4  }
0x32: {  	v27 =	vand.u32 $0x1, v27;
	v5 =	vor.u32 v7, v5;
	v7 =	vshll.u32 v8, $0x1  }
0x33: {  	v8 =	vshrl.u32 v8, $0xB;
	v7 =	vand.u32 $0xFFE, v7;
	v4 =	vor.u32 v4, v5  }
0x34: {  	v11 =	vld [tilespmem:s23+$0x60];
	v5 =	vor.u32 v10, v7;
	v7 =	vand.u32 $0x1, v8;
	v12 =	vshll.u32 v9, $0x1  }
0x35: {  	v14 =	vand.u32 $0xFFFFF000, v9;
	v9 =	vshrl.u32 v9, $0xB;
	v8 =	vand.u32 $0xFFFFF000, v6  }
0x36: {  	v62 =	vld [tilespmem:s23+$0x1E0];
	v10 =	vshll.u32 v6, $0x1;
	v6 =	vshrl.u32 v6, $0xB;
	v12 =	vand.u32 $0xFFE, v12  }
0x37: {  	v63 =	vld [tilespmem:s23+$0x1F0];
	v9 =	vand.u32 $0x1, v9;
	v10 =	vand.u32 $0xFFE, v10;
	v6 =	vand.u32 $0x1, v6  }
0x38: {  	v12 =	vor.u32 v14, v12;
	v10 =	vor.u32 v8, v10;
	v8 =	vor.u32 v7, v5  }
0x39: {  	v5 =	vor.u32 v9, v12;
	v7 =	vand.u32 $0xFFFFF000, v11;
	v12 =	vshll.u32 v13, $0x1  }
0x3a: {  	v9 =	vld [tilespmem:s23+$0x80];
	v13 =	vshrl.u32 v13, $0xB;
	v6 =	vor.u32 v6, v10;
	v10 =	vshll.u32 v11, $0x1  }
0x3b: {  	v14 =	vld [tilespmem:s23+$0x90];
	v11 =	vshrl.u32 v11, $0xB;
	v12 =	vand.u32 $0xFFE, v12;
	v13 =	vand.u32 $0x1, v13;
	[tilespmem:s23+$0x30] =	vst v8  }
0x3c: {  	v8 =	vshll.u32 v62, $0x1;
	[tilespmem:s23+$0x50] =	vst v5;
	v5 =	vand.u32 $0xFFFFF000, v63;
	v10 =	vand.u32 $0xFFE, v10  }
0x3d: {  	v11 =	vand.u32 $0x1, v11;
	v12 =	vor.u32 v15, v12;
	v15 =	vld [tilespmem:s23+$0xB0];
	v7 =	vor.u32 v7, v10  }
0x3e: {  	[tilespmem:s23+$0x40] =	vst v6;
	v6 =	vand.u32 $0xFFE, v8;
	v10 =	vor.u32 v11, v7;
	v7 =	vor.u32 v13, v12  }
0x3f: {  	v11 =	vshll.u32 v9, $0x1;
	v13 =	vand.u32 $0xFFFFF000, v9;
	v9 =	vshrl.u32 v9, $0xB  }
0x40: {  	v12 =	vld [tilespmem:s23+$0xA0];
	v16 =	vand.u32 $0xFFFFF000, v14;
	v11 =	vand.u32 $0xFFE, v11;
	v9 =	vand.u32 $0x1, v9  }
0x41: {  	v11 =	vor.u32 v13, v11;
	v13 =	vshll.u32 v14, $0x1;
	v14 =	vshrl.u32 v14, $0xB  }
0x42: {  	v18 =	vshll.u32 v15, $0x1;
	v20 =	vand.u32 $0xFFFFF000, v15;
	v15 =	vshrl.u32 v15, $0xB  }
0x43: {  	v13 =	vand.u32 $0xFFE, v13;
	v9 =	vor.u32 v9, v11;
	v18 =	vand.u32 $0xFFE, v18  }
0x44: {  	v17 =	vld [tilespmem:s23+$0xC0];
	v15 =	vand.u32 $0x1, v15;
	v11 =	vor.u32 v16, v13;
	v13 =	vand.u32 $0x1, v14  }
0x45: {  	v14 =	vand.u32 $0xFFFFF000, v12;
	v33 =	vshll.u32 v12, $0x1;
	v12 =	vshrl.u32 v12, $0xB  }
0x46: {  	v18 =	vor.u32 v20, v18;
	v20 =	vshrl.u32 v36, $0xB;
	v16 =	vand.u32 $0xFFE, v33  }
0x47: {  	v12 =	vand.u32 $0x1, v12;
	v43 =	vand.u32 $0x1, v20;
	v33 =	vshll.u32 v56, $0x1  }
0x48: {  	v16 =	vor.u32 v14, v16;
	v14 =	vor.u32 v13, v11;
	v11 =	vor.u32 v15, v18  }
0x49: {  	v15 =	vshll.u32 v17, $0x1;
	v18 =	vand.u32 $0xFFE, v35;
	v35 =	vand.u32 $0xFFFFF000, v56  }
0x4a: {  	v30 =	vld [tilespmem:s23+$0x190];
	v33 =	vand.u32 $0xFFE, v33;
	v13 =	vor.u32 v12, v16;
	v12 =	vand.u32 $0xFFFFF000, v17  }
0x4b: {  	v36 =	vld [tilespmem:s23+$0x1D0];
	v17 =	vshrl.u32 v17, $0xB;
	v15 =	vand.u32 $0xFFE, v15;
	v18 =	vor.u32 v21, v18  }
0x4c: {  	v16 =	vshrl.u32 v34, $0xB;
	v21 =	vshrl.u32 v40, $0xB;
	v33 =	vor.u32 v35, v33  }
0x4d: {  	v17 =	vand.u32 $0x1, v17;
	v12 =	vor.u32 v12, v15;
	v16 =	vand.u32 $0x1, v16  }
0x4e: {  	v51 =	vld [tilespmem:s23+$0x240];
	v47 =	vand.u32 $0x1, v21;
	v15 =	vor.u32 v17, v12;
	v12 =	vor.u32 v19, v18  }
0x4f: {  	v17 =	vand.u32 $0xFFE, v37;
	v19 =	vand.u32 $0xFFE, v41;
	v18 =	vshrl.u32 v38, $0xB  }
0x50: {  	v28 =	vld [tilespmem:s23+$0x180];
	v37 =	vshll.u32 v30, $0x1;
	v56 =	vshll.u32 v36, $0x1;
	v17 =	vor.u32 v39, v17  }
0x51: {  	v42 =	vor.u32 v22, v19;
	v22 =	vand.u32 $0xFFE, v45;
	v18 =	vand.u32 $0x1, v18  }
0x52: {  	v32 =	vld [tilespmem:s23+$0x1B0];
	v39 =	vand.u32 $0xFFFFF000, v30;
	v37 =	vand.u32 $0xFFE, v37;
	v30 =	vshrl.u32 v30, $0xB  }
0x53: {  	v45 =	vand.u32 $0xFFFFF000, v36;
	v36 =	vshrl.u32 v36, $0xB;
	[tilespmem:s23+$0xD0] =	vst v12;
	v12 =	vshll.u32 v51, $0x1  }
0x54: {  	v34 =	vld [tilespmem:s23+$0x1C0];
	v17 =	vor.u32 v16, v17;
	v20 =	vor.u32 v44, v22;
	v21 =	vor.u32 v43, v42  }
0x55: {  	v40 =	vld [tilespmem:s23+$0x220];
	v16 =	vor.u32 v47, v46;
	v22 =	vshrl.u32 v48, $0xB;
	v46 =	vand.u32 $0xFFFFF000, v28  }
0x56: {  	v47 =	vshll.u32 v28, $0x1;
	v28 =	vshrl.u32 v28, $0xB;
	v37 =	vor.u32 v39, v37  }
0x57: {  	v30 =	vand.u32 $0x1, v30;
	v43 =	vand.u32 $0xFFFFF000, v32;
	v36 =	vand.u32 $0x1, v36  }
0x58: {  	[tilespmem:s23+$0x0] =	vst v3;
	v12 =	vand.u32 $0xFFE, v12;
	v18 =	vor.u32 v18, v20;
	v20 =	vand.u32 $0xFFE, v50  }
0x59: {  	[tilespmem:s23+$0x90] =	vst v14;
	v38 =	vld [tilespmem:s23+$0x210];
	v22 =	vand.u32 $0x1, v22;
	v28 =	vand.u32 $0x1, v28;
	v50 =	vshll.u32 v60, $0x1  }
0x5a: {  	[tilespmem:s23+$0xA0] =	vst v13;
	v41 =	vld [tilespmem:s23+$0x250];
	v3 =	vand.u32 $0xFFFFF000, v34;
	v13 =	vshll.u32 v40, $0x1;
	v14 =	vshrl.u32 v40, $0xB  }
0x5b: {  	v19 =	vor.u32 v49, v20;
	v13 =	vand.u32 $0xFFE, v13;
	v14 =	vand.u32 $0x1, v14  }
0x5c: {  	v20 =	vor.u32 v23, v19;
	v19 =	vor.u32 v25, v24;
	v23 =	vand.u32 $0xFFE, v53  }
0x5d: {  	v25 =	vand.u32 $0xFFE, v57;
	v24 =	vshrl.u32 v54, $0xB;
	v53 =	vshll.u32 v32, $0x1  }
0x5e: {  	[tilespmem:s23+$0x80] =	vst v9;
	v32 =	vshrl.u32 v32, $0xB;
	v9 =	vand.u32 $0xFFFFF000, v38;
	v61 =	vshrl.u32 v38, $0xB  }
0x5f: {  	v48 =	vld [tilespmem:s23+$0x200];
	v35 =	vand.u32 $0xFFFFF000, v41;
	v23 =	vor.u32 v55, v23;
	v58 =	vor.u32 v29, v25  }
0x60: {  	v42 =	vld [tilespmem:s23+$0x260];
	v24 =	vand.u32 $0x1, v24;
	v29 =	vshrl.u32 v60, $0xB;
	v32 =	vand.u32 $0x1, v32  }
0x61: {  	v55 =	vshll.u32 v34, $0x1;
	v34 =	vshrl.u32 v34, $0xB;
	v60 =	vshll.u32 v63, $0x1  }
0x62: {  	v22 =	vor.u32 v22, v23;
	v26 =	vor.u32 v59, v58;
	v24 =	vor.u32 v24, v31  }
0x63: {  	v23 =	vor.u32 v27, v33;
	v27 =	vand.u32 $0xFFE, v47;
	v29 =	vand.u32 $0x1, v29  }
0x64: {  	[tilespmem:s23+$0x10] =	vst v2;
	v49 =	vld [tilespmem:s23+$0x230];
	v2 =	vand.u32 $0xFFE, v55;
	v34 =	vand.u32 $0x1, v34;
	v59 =	vshrl.u32 v62, $0xB  }
0x65: {  	[tilespmem:s23+$0x70] =	vst v7;
	v57 =	vld [tilespmem:s23+$0x280];
	v31 =	vshrl.u32 v63, $0xB;
	v7 =	vand.u32 $0xFFFFF000, v48;
	v39 =	vshrl.u32 v42, $0xB  }
0x66: {  	[tilespmem:s23+$0xC0] =	vst v15;
	v15 =	vld [tilespmem:s23+$0x2D0];
	v25 =	vor.u32 v46, v27;
	v2 =	vor.u32 v3, v2;
	v8 =	vand.u32 $0x1, v59  }
0x67: {  	[tilespmem:s23+$0x60] =	vst v10;
	v10 =	vand.u32 $0x1, v31;
	v27 =	vor.u32 v28, v25;
	v25 =	vor.u32 v30, v37  }
0x68: {  	v28 =	vand.u32 $0xFFE, v50;
	v37 =	vand.u32 $0xFFE, v53;
	v3 =	vor.u32 v34, v2  }
0x69: {  	[tilespmem:s23+$0xB0] =	vst v11;
	v58 =	vld [tilespmem:s23+$0x290];
	v11 =	vand.u32 $0xFFFFF000, v49;
	v63 =	vshrl.u32 v49, $0xB;
	v28 =	vor.u32 v52, v28  }
0x6a: {  	[tilespmem:s23+$0x20] =	vst v4;
	v54 =	vor.u32 v43, v37;
	v37 =	vand.u32 $0xFFE, v56;
	v47 =	vand.u32 $0xFFFFF000, v57  }
0x6b: {  	v31 =	vld [tilespmem:s23+$0x2A0];
	[tilespmem:s23+$0x1C0] =	vst v3;
	v3 =	vand.u32 $0xFFFFF000, v15;
	v28 =	vor.u32 v29, v28;
	v4 =	vor.u32 v45, v37  }
0x6c: {  	v29 =	vor.u32 v32, v54;
	v32 =	vand.u32 $0xFFE, v60;
	v2 =	vor.u32 v36, v4  }
0x6d: {  	v4 =	vand.u32 $0xFFFFF000, v62;
	v62 =	vshll.u32 v49, $0x1;
	v36 =	vshrl.u32 v41, $0xB  }
0x6e: {  	v30 =	vld [tilespmem:s23+$0x2E0];
	v49 =	vshrl.u32 v57, $0xB;
	v52 =	vand.u32 $0xFFFFF000, v58;
	v53 =	vshrl.u32 v58, $0xB  }
0x6f: {  	v4 =	vor.u32 v4, v6;
	v6 =	vor.u32 v5, v32;
	v33 =	vand.u32 $0xFFE, v62  }
0x70: {  	[tilespmem:s23+$0x120] =	vst v20;
	v20 =	vand.u32 $0x1, v49;
	v56 =	vand.u32 $0x1, v53;
	v59 =	vand.u32 $0xFFFFF000, v31  }
0x71: {  	v54 =	vld [tilespmem:s23+$0x310];
	v60 =	vshll.u32 v31, $0x1;
	v5 =	vor.u32 v8, v4;
	v4 =	vor.u32 v10, v6  }
0x72: {  	v6 =	vshll.u32 v48, $0x1;
	v8 =	vshrl.u32 v48, $0xB;
	v11 =	vor.u32 v11, v33  }
0x73: {  	[tilespmem:s23+$0x130] =	vst v19;
	v48 =	vshll.u32 v57, $0x1;
	v43 =	vshll.u32 v30, $0x1;
	v6 =	vand.u32 $0xFFE, v6  }
0x74: {  	v50 =	vld [tilespmem:s23+$0x300];
	v19 =	vand.u32 $0xFFE, v48;
	[tilespmem:s23+$0x1E0] =	vst v5;
	v5 =	vand.u32 $0xFFE, v43;
	v6 =	vor.u32 v7, v6  }
0x75: {  	v32 =	vld [tilespmem:s23+$0x2C0];
	v7 =	vand.u32 $0x1, v8;
	v8 =	vshll.u32 v38, $0x1;
	v38 =	vand.u32 $0xFFFFF000, v42  }
0x76: {  	[tilespmem:s23+$0x100] =	vst v18;
	v10 =	vld [tilespmem:s23+$0x2B0];
	v18 =	vor.u32 v47, v19;
	v49 =	vand.u32 $0xFFFFF000, v54;
	v8 =	vand.u32 $0xFFE, v8  }
0x77: {  	v6 =	vor.u32 v7, v6;
	v57 =	vor.u32 v20, v18;
	v20 =	vand.u32 $0xFFE, v60  }
0x78: {  	v7 =	vor.u32 v9, v8;
	v8 =	vand.u32 $0x1, v61;
	v9 =	vand.u32 $0xFFFFF000, v40  }
0x79: {  	v44 =	vld [tilespmem:s23+$0x270];
	v40 =	vand.u32 $0x1, v39;
	v61 =	vshrl.u32 v31, $0xB;
	v19 =	vor.u32 v59, v20  }
0x7a: {  	v37 =	vand.u32 $0xFFFFF000, v32;
	[tilespmem:s23+$0x200] =	vst v6;
	v6 =	vand.u32 $0xFFFFF000, v50;
	v9 =	vor.u32 v9, v13  }
0x7b: {  	v13 =	vand.u32 $0x1, v63;
	v7 =	vor.u32 v8, v7;
	v62 =	vshll.u32 v10, $0x1  }
0x7c: {  	v31 =	vand.u32 $0xFFFFF000, v10;
	v10 =	vshrl.u32 v10, $0xB;
	v8 =	vor.u32 v14, v9  }
0x7d: {  	v47 =	vld [tilespmem:s23+$0x350];
	v9 =	vor.u32 v13, v11;
	v11 =	vand.u32 $0xFFFFF000, v51;
	v13 =	vshrl.u32 v51, $0xB  }
0x7e: {  	[tilespmem:s23+$0x170] =	vst v23;
	v14 =	vshll.u32 v41, $0x1;
	v41 =	vshll.u32 v44, $0x1;
	v51 =	vshll.u32 v58, $0x1  }
0x7f: {  	v23 =	vand.u32 $0xFFE, v62;
	v10 =	vand.u32 $0x1, v10;
	[tilespmem:s23+$0x210] =	vst v7;
	v7 =	vshll.u32 v50, $0x1  }
0x80: {  	[tilespmem:s23+$0xE0] =	vst v17;
	v13 =	vand.u32 $0x1, v13;
	v14 =	vand.u32 $0xFFE, v14;
	v11 =	vor.u32 v11, v12  }
0x81: {  	[tilespmem:s23+$0x140] =	vst v22;
	v60 =	vld [tilespmem:s23+$0x3B0];
	v17 =	vand.u32 $0xFFE, v41;
	v22 =	vand.u32 $0xFFE, v51;
	v33 =	vor.u32 v31, v23  }
0x82: {  	v7 =	vand.u32 $0xFFE, v7;
	v53 =	vshll.u32 v47, $0x1;
	v12 =	vor.u32 v35, v14  }
0x83: {  	v14 =	vand.u32 $0x1, v36;
	v11 =	vor.u32 v13, v11;
	v13 =	vshll.u32 v42, $0x1  }
0x84: {  	v42 =	vand.u32 $0xFFFFF000, v44;
	v44 =	vshrl.u32 v44, $0xB;
	v55 =	vor.u32 v52, v22  }
0x85: {  	v22 =	vand.u32 $0x1, v61;
	v10 =	vor.u32 v10, v33;
	v35 =	vshll.u32 v32, $0x1  }
0x86: {  	v6 =	vor.u32 v6, v7;
	v61 =	vshll.u32 v60, $0x1;
	v62 =	vshrl.u32 v60, $0xB  }
0x87: {  	v12 =	vor.u32 v14, v12;
	v13 =	vand.u32 $0xFFE, v13;
	v45 =	vor.u32 v42, v17  }
0x88: {  	v63 =	vld [tilespmem:s23+$0x320];
	v46 =	vand.u32 $0x1, v44;
	v58 =	vor.u32 v56, v55;
	v19 =	vor.u32 v22, v19  }
0x89: {  	[tilespmem:s23+$0x110] =	vst v16;
	v41 =	vld [tilespmem:s23+$0x340];
	v20 =	vand.u32 $0xFFE, v35;
	v42 =	vand.u32 $0xFFFFF000, v30;
	v44 =	vshrl.u32 v30, $0xB  }
0x8a: {  	[tilespmem:s23+$0x150] =	vst v26;
	v51 =	vld [tilespmem:s23+$0x380];
	v55 =	vand.u32 $0xFFFFF000, v47;
	v17 =	vand.u32 $0xFFE, v53;
	v56 =	vshrl.u32 v47, $0xB  }
0x8b: {  	[tilespmem:s23+$0x1F0] =	vst v4;
	v36 =	vld [tilespmem:s23+$0x330];
	v13 =	vor.u32 v38, v13;
	v16 =	vor.u32 v46, v45;
	v38 =	vshrl.u32 v32, $0xB  }
0x8c: {  	[tilespmem:s23+$0x280] =	vst v57;
	v14 =	vld [tilespmem:s23+$0x2F0];
	v20 =	vor.u32 v37, v20;
	v45 =	vand.u32 $0x1, v44;
	v4 =	vor.u32 v42, v5  }
0x8d: {  	[tilespmem:s23+$0x240] =	vst v11;
	v11 =	vshrl.u32 v63, $0xB;
	v57 =	vand.u32 $0x1, v56;
	v13 =	vor.u32 v40, v13  }
0x8e: {  	[tilespmem:s23+$0x190] =	vst v25;
	v39 =	vand.u32 $0x1, v38;
	v40 =	vshll.u32 v15, $0x1;
	v15 =	vshrl.u32 v15, $0xB  }
0x8f: {  	[tilespmem:s23+$0x1D0] =	vst v2;
	v4 =	vor.u32 v45, v4;
	v25 =	vand.u32 $0xFFE, v40;
	v2 =	vor.u32 v39, v20  }
0x90: {  	v15 =	vand.u32 $0x1, v15;
	v52 =	vshrl.u32 v41, $0xB;
	[tilespmem:s23+$0x2E0] =	vst v4;
	v4 =	vand.u32 $0xFFFFF000, v51  }
0x91: {  	[tilespmem:s23+$0x250] =	vst v12;
	v3 =	vor.u32 v3, v25;
	v12 =	vand.u32 $0xFFFFF000, v36;
	v46 =	vshll.u32 v14, $0x1  }
0x92: {  	[tilespmem:s23+$0x220] =	vst v8;
	v48 =	vand.u32 $0xFFFFF000, v14;
	v14 =	vshrl.u32 v14, $0xB;
	v26 =	vand.u32 $0xFFE, v46  }
0x93: {  	[tilespmem:s23+$0x260] =	vst v13;
	v13 =	vshrl.u32 v36, $0xB;
	v14 =	vand.u32 $0x1, v14;
	v5 =	vor.u32 v48, v26  }
0x94: {  	[tilespmem:s23+$0x230] =	vst v9;
	v3 =	vor.u32 v15, v3;
	v15 =	vld [tilespmem:s23+$0x360];
	v5 =	vor.u32 v14, v5;
	v14 =	vshrl.u32 v50, $0xB  }
0x95: {  	[tilespmem:s23+$0x290] =	vst v58;
	v58 =	vld [tilespmem:s23+$0x3A0];
	v50 =	vshrl.u32 v54, $0xB;
	v8 =	vand.u32 $0x1, v14;
	v14 =	vshll.u32 v54, $0x1  }
0x96: {  	[tilespmem:s23+$0x270] =	vst v16;
	v16 =	vand.u32 $0x1, v52;
	v9 =	vand.u32 $0x1, v50;
	v54 =	vld [tilespmem:s23+$0x390];
	v14 =	vand.u32 $0xFFE, v14  }
0x97: {  	v6 =	vor.u32 v8, v6;
	v8 =	vshll.u32 v63, $0x1;
	v7 =	vor.u32 v49, v14  }
0x98: {  	v8 =	vand.u32 $0xFFE, v8;
	v7 =	vor.u32 v9, v7;
	v9 =	vand.u32 $0xFFFFF000, v63  }
0x99: {  	[tilespmem:s23+$0x2B0] =	vst v10;
	v10 =	vand.u32 $0xFFFFF000, v15;
	v14 =	vld [tilespmem:s23+$0x370];
	v63 =	vand.u32 $0x1, v62;
	v8 =	vor.u32 v9, v8  }
0x9a: {  	v9 =	vand.u32 $0x1, v11;
	v11 =	vshll.u32 v36, $0x1;
	[tilespmem:s23+$0x310] =	vst v7;
	v7 =	vand.u32 $0xFFFFF000, v58  }
0x9b: {  	[tilespmem:s23+$0x300] =	vst v6;
	v11 =	vand.u32 $0xFFE, v11;
	v8 =	vor.u32 v9, v8;
	v6 =	vand.u32 $0xFFFFF000, v54  }
0x9c: {  	v9 =	vor.u32 v12, v11;
	v11 =	vand.u32 $0x1, v13;
	v13 =	vshll.u32 v41, $0x1  }
0x9d: {  	v12 =	vand.u32 $0xFFFFF000, v41;
	[tilespmem:s23+$0x320] =	vst v8;
	v8 =	vand.u32 $0xFFFFF000, v60;
	v13 =	vand.u32 $0xFFE, v13  }
0x9e: {  	[tilespmem:s23+$0x2C0] =	vst v2;
	v9 =	vor.u32 v11, v9;
	v59 =	vshll.u32 v14, $0x1;
	v2 =	vand.u32 $0xFFFFF000, v14  }
0x9f: {  	v14 =	vshrl.u32 v14, $0xB;
	v12 =	vor.u32 v12, v13;
	v13 =	vor.u32 v55, v17  }
0xa0: {  	v11 =	vor.u32 v16, v12;
	v12 =	vor.u32 v57, v13;
	v13 =	vshll.u32 v15, $0x1  }
0xa1: {  	[tilespmem:s23+$0xF0] =	vst v21;
	v17 =	vand.u32 $0xFFE, v59;
	v15 =	vshrl.u32 v15, $0xB;
	v13 =	vand.u32 $0xFFE, v13  }
0xa2: {  	[tilespmem:s23+$0x160] =	vst v24;
	v2 =	vor.u32 v2, v17;
	v15 =	vand.u32 $0x1, v15;
	v10 =	vor.u32 v10, v13  }
0xa3: {  	[tilespmem:s23+$0x2D0] =	vst v3;
	v13 =	vand.u32 $0x1, v14;
	v3 =	vor.u32 v15, v10;
	v10 =	vshll.u32 v51, $0x1  }
0xa4: {  	[tilespmem:s23+$0x180] =	vst v27;
	v14 =	vld [tilespmem:s23+$0x3C0];
	v2 =	vor.u32 v13, v2;
	v13 =	vshrl.u32 v51, $0xB;
	v10 =	vand.u32 $0xFFE, v10  }
0xa5: {  	[tilespmem:s23+$0x2F0] =	vst v5;
	v5 =	vand.u32 $0x1, v13;
	v4 =	vor.u32 v4, v10;
	v10 =	vshll.u32 v54, $0x1  }
0xa6: {  	[tilespmem:s23+$0x1A0] =	vst v28;
	v13 =	vshrl.u32 v54, $0xB;
	v10 =	vand.u32 $0xFFE, v10;
	v4 =	vor.u32 v5, v4  }
0xa7: {  	[tilespmem:s23+$0x1B0] =	vst v29;
	v5 =	vor.u32 v6, v10;
	v10 =	vand.u32 $0x1, v13;
	v13 =	vshll.u32 v58, $0x1;
	v6 =	vld [tilespmem:s23+$0x3D0]  }
0xa8: {  	[tilespmem:s23+$0x2A0] =	vst v19;
	v16 =	vand.u32 $0xFFE, v61;
	v15 =	vshrl.u32 v58, $0xB;
	v13 =	vand.u32 $0xFFE, v13  }
0xa9: {  	[tilespmem:s23+$0x340] =	vst v11;
	v15 =	vand.u32 $0x1, v15;
	v11 =	vshll.u32 v14, $0x1;
	v7 =	vor.u32 v7, v13  }
0xaa: {  	[tilespmem:s23+$0x350] =	vst v12;
	v12 =	vshrl.u32 v14, $0xB;
	v13 =	vor.u32 v8, v16;
	v8 =	vor.u32 v15, v7;
	v7 =	vld [tilespmem:s23+$0x3E0]  }
0xab: {  	s24 =	simm.s32 $0x1000;
	[tilespmem:s23+$0x330] =	vst v9;
	v9 =	vor.u32 v10, v5;
	v10 =	vand.u32 $0xFFFFF000, v14;
	v5 =	vor.u32 v63, v13  }
.LBB2_2:
0xac: {  	p0 =	sne.s32 s24, $0x18000;
	[tilespmem:s23+$0x360] =	vst v3;
	v3 =	vand.u32 $0xFFE, v11;
	v11 =	vand.u32 $0x1, v12;
	v12 =	vshll.u32 v6, $0x1;
	v13 =	vld [tilespmem:s23+$0x3F0]  }
0xad: {  	[tilespmem:s23+$0x370] =	vst v2;
	v2 =	vand.u32 $0xFFFFF000, v6;
	v12 =	vand.u32 $0xFFE, v12;
	v6 =	vshrl.u32 v6, $0xB  }
0xae: {  	v3 =	vor.u32 v10, v3;
	[tilespmem:s23+$0x380] =	vst v4;
	v2 =	vor.u32 v2, v12;
	v4 =	vand.u32 $0x1, v6  }
0xaf: {  	s0 =	sshra.s32 s24, $0x2;
	v3 =	vor.u32 v11, v3;
	[tilespmem:s23+$0x390] =	vst v9;
	v2 =	vor.u32 v4, v2;
	v4 =	vshll.u32 v7, $0x1  }
0xb0: {  	v6 =	vld [tilespmem:s0+$0x0];
	[tilespmem:s23+$0x3A0] =	vst v8;
	v8 =	vand.u32 $0xFFFFF000, v7;
	v4 =	vand.u32 $0xFFE, v4;
	v7 =	vshrl.u32 v7, $0xB  }
0xb1: {  	v9 =	vld [tilespmem:s0+$0x10];
	[tilespmem:s23+$0x3B0] =	vst v5;
	v4 =	vor.u32 v8, v4;
	v5 =	vand.u32 $0x1, v7;
	v7 =	vshll.u32 v13, $0x1  }
0xb2: {  	v8 =	vshrl.u32 v13, $0xB;
	[tilespmem:s23+$0x3C0] =	vst v3;
	v3 =	vand.u32 $0xFFFFF000, v13;
	v7 =	vand.u32 $0xFFE, v7  }
0xb3: {  	[tilespmem:s23+$0x3D0] =	vst v2;
	v2 =	vor.u32 v5, v4;
	v3 =	vor.u32 v3, v7;
	v4 =	vand.u32 $0x1, v8  }
0xb4: {  	v5 =	vld [tilespmem:s0+$0x20];
	[tilespmem:s23+$0x3E0] =	vst v2;
	v2 =	vor.u32 v4, v3  }
0xb5: {  	v3 =	vand.u32 $0xFFFFF000, v6;
	v4 =	vshll.u32 v6, $0x1;
	v6 =	vshrl.u32 v6, $0xB;
	[tilespmem:s23+$0x3F0] =	vst v2;
	s23 =	smov.u32 s0  }
0xb6: {  	v2 =	vand.u32 $0xFFE, v4;
	v4 =	vand.u32 $0x1, v6;
	v6 =	vshll.u32 v9, $0x1;
	v7 =	vld [tilespmem:s23+$0x30]  }
0xb7: {  	v8 =	vand.u32 $0xFFFFF000, v9;
	v9 =	vshrl.u32 v9, $0xB;
	v6 =	vand.u32 $0xFFE, v6  }
0xb8: {  	v2 =	vor.u32 v3, v2;
	v6 =	vor.u32 v8, v6;
	v8 =	vand.u32 $0x1, v9  }
0xb9: {  	v3 =	vor.u32 v4, v2;
	v2 =	vor.u32 v8, v6;
	v4 =	vshll.u32 v5, $0x1;
	v6 =	vld [tilespmem:s23+$0x40]  }
0xba: {  	v8 =	vand.u32 $0xFFFFF000, v5;
	v5 =	vshrl.u32 v5, $0xB;
	v4 =	vand.u32 $0xFFE, v4;
	v9 =	vld [tilespmem:s23+$0x50]  }
0xbb: {  	v5 =	vand.u32 $0x1, v5;
	v4 =	vor.u32 v8, v4;
	v8 =	vshll.u32 v7, $0x1  }
0xbc: {  	v10 =	vand.u32 $0xFFFFF000, v7;
	v7 =	vshrl.u32 v7, $0xB;
	v8 =	vand.u32 $0xFFE, v8  }
0xbd: {  	v4 =	vor.u32 v5, v4;
	v7 =	vand.u32 $0x1, v7;
	v5 =	vor.u32 v10, v8  }
0xbe: {  	v8 =	vand.u32 $0xFFFFF000, v6;
	v10 =	vshll.u32 v6, $0x1;
	v6 =	vshrl.u32 v6, $0xB;
	v11 =	vld [tilespmem:s23+$0x60]  }
0xbf: {  	v10 =	vand.u32 $0xFFE, v10;
	v6 =	vand.u32 $0x1, v6;
	v12 =	vshll.u32 v9, $0x1;
	v13 =	vld [tilespmem:s23+$0x70]  }
0xc0: {  	v14 =	vand.u32 $0xFFFFF000, v9;
	v9 =	vshrl.u32 v9, $0xB;
	v12 =	vand.u32 $0xFFE, v12  }
0xc1: {  	v8 =	vor.u32 v8, v10;
	v9 =	vand.u32 $0x1, v9;
	v10 =	vor.u32 v14, v12  }
0xc2: {  	v7 =	vor.u32 v7, v5;
	v6 =	vor.u32 v6, v8;
	v5 =	vor.u32 v9, v10;
	v10 =	vld [tilespmem:s23+$0x80]  }
0xc3: {  	v8 =	vand.u32 $0xFFFFF000, v11;
	v9 =	vshll.u32 v11, $0x1;
	v11 =	vshrl.u32 v11, $0xB  }
0xc4: {  	v9 =	vand.u32 $0xFFE, v9;
	v11 =	vand.u32 $0x1, v11;
	v12 =	vshll.u32 v13, $0x1;
	v14 =	vld [tilespmem:s23+$0x90]  }
0xc5: {  	v15 =	vand.u32 $0xFFFFF000, v13;
	v13 =	vshrl.u32 v13, $0xB;
	v12 =	vand.u32 $0xFFE, v12  }
0xc6: {  	v8 =	vor.u32 v8, v9;
	v13 =	vand.u32 $0x1, v13;
	v12 =	vor.u32 v15, v12  }
0xc7: {  	v9 =	vor.u32 v11, v8;
	v8 =	vor.u32 v13, v12;
	v11 =	vshll.u32 v10, $0x1;
	v12 =	vld [tilespmem:s23+$0xA0]  }
0xc8: {  	v13 =	vand.u32 $0xFFFFF000, v10;
	v10 =	vshrl.u32 v10, $0xB;
	v11 =	vand.u32 $0xFFE, v11;
	v15 =	vld [tilespmem:s23+$0xB0]  }
0xc9: {  	v10 =	vand.u32 $0x1, v10;
	v11 =	vor.u32 v13, v11;
	v13 =	vshll.u32 v14, $0x1  }
0xca: {  	v16 =	vand.u32 $0xFFFFF000, v14;
	v14 =	vshrl.u32 v14, $0xB;
	v13 =	vand.u32 $0xFFE, v13  }
0xcb: {  	v10 =	vor.u32 v10, v11;
	v11 =	vor.u32 v16, v13;
	v13 =	vand.u32 $0x1, v14  }
0xcc: {  	v14 =	vand.u32 $0xFFFFF000, v12;
	v16 =	vshll.u32 v12, $0x1;
	v12 =	vshrl.u32 v12, $0xB;
	v17 =	vld [tilespmem:s23+$0xC0]  }
0xcd: {  	v16 =	vand.u32 $0xFFE, v16;
	v12 =	vand.u32 $0x1, v12;
	v18 =	vshll.u32 v15, $0x1;
	v19 =	vld [tilespmem:s23+$0xD0]  }
0xce: {  	v20 =	vand.u32 $0xFFFFF000, v15;
	v15 =	vshrl.u32 v15, $0xB;
	v18 =	vand.u32 $0xFFE, v18  }
0xcf: {  	v14 =	vor.u32 v14, v16;
	v15 =	vand.u32 $0x1, v15;
	v16 =	vor.u32 v20, v18  }
0xd0: {  	v13 =	vor.u32 v13, v11;
	v12 =	vor.u32 v12, v14;
	v11 =	vor.u32 v15, v16;
	v16 =	vld [tilespmem:s23+$0xE0]  }
0xd1: {  	v14 =	vand.u32 $0xFFFFF000, v17;
	v15 =	vshll.u32 v17, $0x1;
	v17 =	vshrl.u32 v17, $0xB  }
0xd2: {  	v15 =	vand.u32 $0xFFE, v15;
	v17 =	vand.u32 $0x1, v17;
	v18 =	vshll.u32 v19, $0x1;
	v20 =	vld [tilespmem:s23+$0xF0]  }
0xd3: {  	v21 =	vand.u32 $0xFFFFF000, v19;
	v19 =	vshrl.u32 v19, $0xB;
	v18 =	vand.u32 $0xFFE, v18  }
0xd4: {  	v14 =	vor.u32 v14, v15;
	v19 =	vand.u32 $0x1, v19;
	v18 =	vor.u32 v21, v18  }
0xd5: {  	v15 =	vor.u32 v17, v14;
	v14 =	vor.u32 v19, v18;
	v17 =	vshll.u32 v16, $0x1;
	v18 =	vld [tilespmem:s23+$0x100]  }
0xd6: {  	v19 =	vand.u32 $0xFFFFF000, v16;
	v16 =	vshrl.u32 v16, $0xB;
	v17 =	vand.u32 $0xFFE, v17;
	v21 =	vld [tilespmem:s23+$0x110]  }
0xd7: {  	v16 =	vand.u32 $0x1, v16;
	v17 =	vor.u32 v19, v17;
	v19 =	vshll.u32 v20, $0x1  }
0xd8: {  	v22 =	vand.u32 $0xFFFFF000, v20;
	v20 =	vshrl.u32 v20, $0xB;
	v19 =	vand.u32 $0xFFE, v19  }
0xd9: {  	v16 =	vor.u32 v16, v17;
	v17 =	vor.u32 v22, v19;
	v19 =	vand.u32 $0x1, v20  }
0xda: {  	v20 =	vand.u32 $0xFFFFF000, v18;
	v22 =	vshll.u32 v18, $0x1;
	v18 =	vshrl.u32 v18, $0xB;
	v23 =	vld [tilespmem:s23+$0x120]  }
0xdb: {  	v22 =	vand.u32 $0xFFE, v22;
	v18 =	vand.u32 $0x1, v18;
	v24 =	vshll.u32 v21, $0x1;
	v25 =	vld [tilespmem:s23+$0x130]  }
0xdc: {  	v26 =	vand.u32 $0xFFFFF000, v21;
	v21 =	vshrl.u32 v21, $0xB;
	v24 =	vand.u32 $0xFFE, v24  }
0xdd: {  	v20 =	vor.u32 v20, v22;
	v21 =	vand.u32 $0x1, v21;
	v22 =	vor.u32 v26, v24  }
0xde: {  	v19 =	vor.u32 v19, v17;
	v18 =	vor.u32 v18, v20;
	v17 =	vor.u32 v21, v22;
	v22 =	vld [tilespmem:s23+$0x140]  }
0xdf: {  	v20 =	vand.u32 $0xFFFFF000, v23;
	v21 =	vshll.u32 v23, $0x1;
	v23 =	vshrl.u32 v23, $0xB  }
0xe0: {  	v21 =	vand.u32 $0xFFE, v21;
	v23 =	vand.u32 $0x1, v23;
	v24 =	vshll.u32 v25, $0x1;
	v26 =	vld [tilespmem:s23+$0x150]  }
0xe1: {  	v27 =	vand.u32 $0xFFFFF000, v25;
	v25 =	vshrl.u32 v25, $0xB;
	v24 =	vand.u32 $0xFFE, v24  }
0xe2: {  	v20 =	vor.u32 v20, v21;
	v25 =	vand.u32 $0x1, v25;
	v24 =	vor.u32 v27, v24  }
0xe3: {  	v21 =	vor.u32 v23, v20;
	v20 =	vor.u32 v25, v24;
	v23 =	vshll.u32 v22, $0x1;
	v24 =	vld [tilespmem:s23+$0x160]  }
0xe4: {  	v25 =	vand.u32 $0xFFFFF000, v22;
	v22 =	vshrl.u32 v22, $0xB;
	v23 =	vand.u32 $0xFFE, v23;
	v27 =	vld [tilespmem:s23+$0x170]  }
0xe5: {  	v22 =	vand.u32 $0x1, v22;
	v23 =	vor.u32 v25, v23;
	v25 =	vshll.u32 v26, $0x1  }
0xe6: {  	v28 =	vand.u32 $0xFFFFF000, v26;
	v26 =	vshrl.u32 v26, $0xB;
	v25 =	vand.u32 $0xFFE, v25  }
0xe7: {  	v22 =	vor.u32 v22, v23;
	v23 =	vor.u32 v28, v25;
	v25 =	vand.u32 $0x1, v26  }
0xe8: {  	v26 =	vand.u32 $0xFFFFF000, v24;
	v28 =	vshll.u32 v24, $0x1;
	v24 =	vshrl.u32 v24, $0xB;
	v29 =	vld [tilespmem:s23+$0x180]  }
0xe9: {  	v28 =	vand.u32 $0xFFE, v28;
	v24 =	vand.u32 $0x1, v24;
	v30 =	vshll.u32 v27, $0x1;
	v31 =	vld [tilespmem:s23+$0x190]  }
0xea: {  	v32 =	vand.u32 $0xFFFFF000, v27;
	v27 =	vshrl.u32 v27, $0xB;
	v30 =	vand.u32 $0xFFE, v30  }
0xeb: {  	v26 =	vor.u32 v26, v28;
	v27 =	vand.u32 $0x1, v27;
	v28 =	vor.u32 v32, v30  }
0xec: {  	v25 =	vor.u32 v25, v23;
	v24 =	vor.u32 v24, v26;
	v23 =	vor.u32 v27, v28;
	v28 =	vld [tilespmem:s23+$0x1A0]  }
0xed: {  	v26 =	vand.u32 $0xFFFFF000, v29;
	v27 =	vshll.u32 v29, $0x1;
	v29 =	vshrl.u32 v29, $0xB  }
0xee: {  	v27 =	vand.u32 $0xFFE, v27;
	v29 =	vand.u32 $0x1, v29;
	v30 =	vshll.u32 v31, $0x1;
	v32 =	vld [tilespmem:s23+$0x1B0]  }
0xef: {  	v33 =	vand.u32 $0xFFFFF000, v31;
	v31 =	vshrl.u32 v31, $0xB;
	v30 =	vand.u32 $0xFFE, v30  }
0xf0: {  	v26 =	vor.u32 v26, v27;
	v31 =	vand.u32 $0x1, v31;
	v30 =	vor.u32 v33, v30  }
0xf1: {  	v27 =	vor.u32 v29, v26;
	v26 =	vor.u32 v31, v30;
	v29 =	vshll.u32 v28, $0x1;
	v30 =	vld [tilespmem:s23+$0x1C0]  }
0xf2: {  	v31 =	vand.u32 $0xFFFFF000, v28;
	v28 =	vshrl.u32 v28, $0xB;
	v29 =	vand.u32 $0xFFE, v29;
	v33 =	vld [tilespmem:s23+$0x1D0]  }
0xf3: {  	v28 =	vand.u32 $0x1, v28;
	v29 =	vor.u32 v31, v29;
	v31 =	vshll.u32 v32, $0x1  }
0xf4: {  	v34 =	vand.u32 $0xFFFFF000, v32;
	v32 =	vshrl.u32 v32, $0xB;
	v31 =	vand.u32 $0xFFE, v31  }
0xf5: {  	v28 =	vor.u32 v28, v29;
	v29 =	vor.u32 v34, v31;
	v31 =	vand.u32 $0x1, v32  }
0xf6: {  	v32 =	vand.u32 $0xFFFFF000, v30;
	v34 =	vshll.u32 v30, $0x1;
	v30 =	vshrl.u32 v30, $0xB;
	v35 =	vld [tilespmem:s23+$0x1E0]  }
0xf7: {  	v34 =	vand.u32 $0xFFE, v34;
	v30 =	vand.u32 $0x1, v30;
	v36 =	vshll.u32 v33, $0x1;
	v37 =	vld [tilespmem:s23+$0x1F0]  }
0xf8: {  	v38 =	vand.u32 $0xFFFFF000, v33;
	v33 =	vshrl.u32 v33, $0xB;
	v36 =	vand.u32 $0xFFE, v36  }
0xf9: {  	v32 =	vor.u32 v32, v34;
	v33 =	vand.u32 $0x1, v33;
	v34 =	vor.u32 v38, v36  }
0xfa: {  	v31 =	vor.u32 v31, v29;
	v30 =	vor.u32 v30, v32;
	v29 =	vor.u32 v33, v34;
	v34 =	vld [tilespmem:s23+$0x200]  }
0xfb: {  	v32 =	vand.u32 $0xFFFFF000, v35;
	v33 =	vshll.u32 v35, $0x1;
	v35 =	vshrl.u32 v35, $0xB  }
0xfc: {  	v33 =	vand.u32 $0xFFE, v33;
	v35 =	vand.u32 $0x1, v35;
	v36 =	vshll.u32 v37, $0x1;
	v38 =	vld [tilespmem:s23+$0x210]  }
0xfd: {  	v39 =	vand.u32 $0xFFFFF000, v37;
	v37 =	vshrl.u32 v37, $0xB;
	v36 =	vand.u32 $0xFFE, v36  }
0xfe: {  	v32 =	vor.u32 v32, v33;
	v37 =	vand.u32 $0x1, v37;
	v36 =	vor.u32 v39, v36  }
0xff: {  	v33 =	vor.u32 v35, v32;
	v32 =	vor.u32 v37, v36;
	v35 =	vshll.u32 v34, $0x1;
	v36 =	vld [tilespmem:s23+$0x220]  }
0x100: {  	v37 =	vand.u32 $0xFFFFF000, v34;
	v34 =	vshrl.u32 v34, $0xB;
	v35 =	vand.u32 $0xFFE, v35;
	v39 =	vld [tilespmem:s23+$0x230]  }
0x101: {  	v34 =	vand.u32 $0x1, v34;
	v35 =	vor.u32 v37, v35;
	v37 =	vshll.u32 v38, $0x1  }
0x102: {  	v40 =	vand.u32 $0xFFFFF000, v38;
	v38 =	vshrl.u32 v38, $0xB;
	v37 =	vand.u32 $0xFFE, v37  }
0x103: {  	v34 =	vor.u32 v34, v35;
	v35 =	vor.u32 v40, v37;
	v37 =	vand.u32 $0x1, v38  }
0x104: {  	v38 =	vand.u32 $0xFFFFF000, v36;
	v40 =	vshll.u32 v36, $0x1;
	v36 =	vshrl.u32 v36, $0xB;
	v41 =	vld [tilespmem:s23+$0x240]  }
0x105: {  	v40 =	vand.u32 $0xFFE, v40;
	v36 =	vand.u32 $0x1, v36;
	v42 =	vshll.u32 v39, $0x1;
	v43 =	vld [tilespmem:s23+$0x250]  }
0x106: {  	v44 =	vand.u32 $0xFFFFF000, v39;
	v39 =	vshrl.u32 v39, $0xB;
	v42 =	vand.u32 $0xFFE, v42  }
0x107: {  	v38 =	vor.u32 v38, v40;
	v39 =	vand.u32 $0x1, v39;
	v40 =	vor.u32 v44, v42  }
0x108: {  	v37 =	vor.u32 v37, v35;
	v36 =	vor.u32 v36, v38;
	v35 =	vor.u32 v39, v40;
	v38 =	vld [tilespmem:s23+$0x260]  }
0x109: {  	v39 =	vand.u32 $0xFFFFF000, v41;
	v40 =	vshll.u32 v41, $0x1;
	v41 =	vshrl.u32 v41, $0xB  }
0x10a: {  	v40 =	vand.u32 $0xFFE, v40;
	v41 =	vand.u32 $0x1, v41;
	v42 =	vshll.u32 v43, $0x1;
	v44 =	vld [tilespmem:s23+$0x270]  }
0x10b: {  	v45 =	vand.u32 $0xFFFFF000, v43;
	v43 =	vshrl.u32 v43, $0xB;
	v42 =	vand.u32 $0xFFE, v42  }
0x10c: {  	[tilespmem:s23+$0x0] =	vst v3;
	v3 =	vor.u32 v39, v40;
	v39 =	vor.u32 v45, v42;
	v40 =	vand.u32 $0x1, v43  }
0x10d: {  	[tilespmem:s23+$0x10] =	vst v2;
	v3 =	vor.u32 v41, v3;
	v2 =	vor.u32 v40, v39;
	v39 =	vshll.u32 v38, $0x1;
	v40 =	vld [tilespmem:s23+$0x280]  }
0x10e: {  	[tilespmem:s23+$0x20] =	vst v4;
	v4 =	vand.u32 $0xFFFFF000, v38;
	v39 =	vand.u32 $0xFFE, v39;
	v38 =	vshrl.u32 v38, $0xB;
	v41 =	vld [tilespmem:s23+$0x290]  }
0x10f: {  	[tilespmem:s23+$0x30] =	vst v7;
	v4 =	vor.u32 v4, v39;
	v7 =	vand.u32 $0x1, v38;
	v38 =	vshll.u32 v44, $0x1  }
0x110: {  	v39 =	vshrl.u32 v44, $0xB;
	[tilespmem:s23+$0x40] =	vst v6;
	v6 =	vand.u32 $0xFFFFF000, v44;
	v38 =	vand.u32 $0xFFE, v38  }
0x111: {  	v4 =	vor.u32 v7, v4;
	[tilespmem:s23+$0x50] =	vst v5;
	v5 =	vor.u32 v6, v38;
	v6 =	vand.u32 $0x1, v39  }
0x112: {  	[tilespmem:s23+$0x60] =	vst v9;
	v7 =	vand.u32 $0xFFFFF000, v40;
	v9 =	vshll.u32 v40, $0x1;
	v38 =	vshrl.u32 v40, $0xB;
	v39 =	vld [tilespmem:s23+$0x2A0]  }
0x113: {  	[tilespmem:s23+$0x70] =	vst v8;
	v8 =	vand.u32 $0xFFE, v9;
	v9 =	vand.u32 $0x1, v38;
	v38 =	vshll.u32 v41, $0x1;
	v40 =	vld [tilespmem:s23+$0x2B0]  }
0x114: {  	[tilespmem:s23+$0x80] =	vst v10;
	v10 =	vand.u32 $0xFFFFF000, v41;
	v38 =	vand.u32 $0xFFE, v38;
	v41 =	vshrl.u32 v41, $0xB  }
0x115: {  	v8 =	vor.u32 v7, v8;
	[tilespmem:s23+$0x90] =	vst v13;
	v10 =	vor.u32 v10, v38;
	v13 =	vand.u32 $0x1, v41  }
0x116: {  	v7 =	vor.u32 v6, v5;
	v6 =	vor.u32 v9, v8;
	[tilespmem:s23+$0xA0] =	vst v12;
	v5 =	vor.u32 v13, v10;
	v10 =	vld [tilespmem:s23+$0x2C0]  }
0x117: {  	[tilespmem:s23+$0xB0] =	vst v11;
	v8 =	vand.u32 $0xFFFFF000, v39;
	v9 =	vshll.u32 v39, $0x1;
	v11 =	vshrl.u32 v39, $0xB  }
0x118: {  	[tilespmem:s23+$0xC0] =	vst v15;
	v9 =	vand.u32 $0xFFE, v9;
	v11 =	vand.u32 $0x1, v11;
	v12 =	vshll.u32 v40, $0x1;
	v13 =	vld [tilespmem:s23+$0x2D0]  }
0x119: {  	v15 =	vshrl.u32 v40, $0xB;
	[tilespmem:s23+$0xD0] =	vst v14;
	v14 =	vand.u32 $0xFFFFF000, v40;
	v12 =	vand.u32 $0xFFE, v12  }
0x11a: {  	v8 =	vor.u32 v8, v9;
	[tilespmem:s23+$0xE0] =	vst v16;
	v12 =	vor.u32 v14, v12;
	v14 =	vand.u32 $0x1, v15  }
0x11b: {  	v9 =	vor.u32 v11, v8;
	[tilespmem:s23+$0xF0] =	vst v19;
	v8 =	vor.u32 v14, v12;
	v11 =	vshll.u32 v10, $0x1;
	v12 =	vld [tilespmem:s23+$0x2E0]  }
0x11c: {  	v14 =	vand.u32 $0xFFFFF000, v10;
	v10 =	vshrl.u32 v10, $0xB;
	[tilespmem:s23+$0x100] =	vst v18;
	v11 =	vand.u32 $0xFFE, v11;
	v15 =	vld [tilespmem:s23+$0x2F0]  }
0x11d: {  	v10 =	vand.u32 $0x1, v10;
	[tilespmem:s23+$0x110] =	vst v17;
	v11 =	vor.u32 v14, v11;
	v14 =	vshll.u32 v13, $0x1  }
0x11e: {  	v16 =	vand.u32 $0xFFFFF000, v13;
	v13 =	vshrl.u32 v13, $0xB;
	[tilespmem:s23+$0x120] =	vst v21;
	v14 =	vand.u32 $0xFFE, v14  }
0x11f: {  	v10 =	vor.u32 v10, v11;
	v13 =	vand.u32 $0x1, v13;
	[tilespmem:s23+$0x130] =	vst v20;
	v11 =	vor.u32 v16, v14  }
0x120: {  	[tilespmem:s23+$0x140] =	vst v22;
	v14 =	vand.u32 $0xFFFFF000, v12;
	v16 =	vshll.u32 v12, $0x1;
	v12 =	vshrl.u32 v12, $0xB;
	v17 =	vld [tilespmem:s23+$0x300]  }
0x121: {  	[tilespmem:s23+$0x150] =	vst v25;
	v16 =	vand.u32 $0xFFE, v16;
	v12 =	vand.u32 $0x1, v12;
	v18 =	vshll.u32 v15, $0x1;
	v19 =	vld [tilespmem:s23+$0x310]  }
0x122: {  	v20 =	vand.u32 $0xFFFFF000, v15;
	v15 =	vshrl.u32 v15, $0xB;
	[tilespmem:s23+$0x160] =	vst v24;
	v18 =	vand.u32 $0xFFE, v18  }
0x123: {  	v14 =	vor.u32 v14, v16;
	v15 =	vand.u32 $0x1, v15;
	[tilespmem:s23+$0x170] =	vst v23;
	v16 =	vor.u32 v20, v18  }
0x124: {  	v11 =	vor.u32 v13, v11;
	v12 =	vor.u32 v12, v14;
	[tilespmem:s23+$0x180] =	vst v27;
	v13 =	vor.u32 v15, v16;
	v14 =	vld [tilespmem:s23+$0x320]  }
0x125: {  	[tilespmem:s23+$0x190] =	vst v26;
	v15 =	vand.u32 $0xFFFFF000, v17;
	v16 =	vshll.u32 v17, $0x1;
	v17 =	vshrl.u32 v17, $0xB  }
0x126: {  	[tilespmem:s23+$0x1A0] =	vst v28;
	v16 =	vand.u32 $0xFFE, v16;
	v17 =	vand.u32 $0x1, v17;
	v18 =	vshll.u32 v19, $0x1;
	v20 =	vld [tilespmem:s23+$0x330]  }
0x127: {  	v21 =	vand.u32 $0xFFFFF000, v19;
	v19 =	vshrl.u32 v19, $0xB;
	[tilespmem:s23+$0x1B0] =	vst v31;
	v18 =	vand.u32 $0xFFE, v18  }
0x128: {  	v15 =	vor.u32 v15, v16;
	[tilespmem:s23+$0x1C0] =	vst v30;
	v16 =	vor.u32 v21, v18;
	v18 =	vand.u32 $0x1, v19  }
0x129: {  	v15 =	vor.u32 v17, v15;
	[tilespmem:s23+$0x1D0] =	vst v29;
	v16 =	vor.u32 v18, v16;
	v17 =	vshll.u32 v14, $0x1;
	v18 =	vld [tilespmem:s23+$0x340]  }
0x12a: {  	v19 =	vand.u32 $0xFFFFF000, v14;
	v14 =	vshrl.u32 v14, $0xB;
	[tilespmem:s23+$0x1E0] =	vst v33;
	v17 =	vand.u32 $0xFFE, v17;
	v21 =	vld [tilespmem:s23+$0x350]  }
0x12b: {  	v14 =	vand.u32 $0x1, v14;
	[tilespmem:s23+$0x1F0] =	vst v32;
	v17 =	vor.u32 v19, v17;
	v19 =	vshll.u32 v20, $0x1  }
0x12c: {  	v22 =	vand.u32 $0xFFFFF000, v20;
	v20 =	vshrl.u32 v20, $0xB;
	[tilespmem:s23+$0x200] =	vst v34;
	v19 =	vand.u32 $0xFFE, v19  }
0x12d: {  	v14 =	vor.u32 v14, v17;
	[tilespmem:s23+$0x210] =	vst v37;
	v17 =	vor.u32 v22, v19;
	v19 =	vand.u32 $0x1, v20  }
0x12e: {  	[tilespmem:s23+$0x220] =	vst v36;
	v20 =	vand.u32 $0xFFFFF000, v18;
	v22 =	vshll.u32 v18, $0x1;
	v18 =	vshrl.u32 v18, $0xB;
	v23 =	vld [tilespmem:s23+$0x360]  }
0x12f: {  	[tilespmem:s23+$0x230] =	vst v35;
	v22 =	vand.u32 $0xFFE, v22;
	v18 =	vand.u32 $0x1, v18;
	v24 =	vshll.u32 v21, $0x1;
	v25 =	vld [tilespmem:s23+$0x370]  }
0x130: {  	[tilespmem:s23+$0x240] =	vst v3;
	v3 =	vand.u32 $0xFFFFF000, v21;
	v24 =	vand.u32 $0xFFE, v24;
	v21 =	vshrl.u32 v21, $0xB  }
0x131: {  	[tilespmem:s23+$0x250] =	vst v2;
	v2 =	vor.u32 v20, v22;
	v3 =	vor.u32 v3, v24;
	v20 =	vand.u32 $0x1, v21  }
0x132: {  	v17 =	vor.u32 v19, v17;
	[tilespmem:s23+$0x260] =	vst v4;
	v18 =	vor.u32 v18, v2;
	v19 =	vor.u32 v20, v3;
	v4 =	vld [tilespmem:s23+$0x380]  }
0x133: {  	[tilespmem:s23+$0x270] =	vst v7;
	v2 =	vand.u32 $0xFFFFF000, v23;
	v3 =	vshll.u32 v23, $0x1;
	v7 =	vshrl.u32 v23, $0xB  }
0x134: {  	[tilespmem:s23+$0x280] =	vst v6;
	v3 =	vand.u32 $0xFFE, v3;
	v6 =	vand.u32 $0x1, v7;
	v7 =	vshll.u32 v25, $0x1;
	v20 =	vld [tilespmem:s23+$0x390]  }
0x135: {  	v21 =	vshrl.u32 v25, $0xB;
	[tilespmem:s23+$0x290] =	vst v5;
	v5 =	vand.u32 $0xFFFFF000, v25;
	v7 =	vand.u32 $0xFFE, v7  }
0x136: {  	v2 =	vor.u32 v2, v3;
	[tilespmem:s23+$0x2A0] =	vst v9;
	v5 =	vor.u32 v5, v7;
	v7 =	vand.u32 $0x1, v21  }
0x137: {  	v3 =	vor.u32 v6, v2;
	[tilespmem:s23+$0x2B0] =	vst v8;
	v2 =	vor.u32 v7, v5;
	v5 =	vshll.u32 v4, $0x1;
	v6 =	vld [tilespmem:s23+$0x3A0]  }
0x138: {  	v7 =	vand.u32 $0xFFFFF000, v4;
	v4 =	vshrl.u32 v4, $0xB;
	[tilespmem:s23+$0x2C0] =	vst v10;
	v5 =	vand.u32 $0xFFE, v5;
	v8 =	vld [tilespmem:s23+$0x3B0]  }
0x139: {  	v4 =	vand.u32 $0x1, v4;
	[tilespmem:s23+$0x2D0] =	vst v11;
	v5 =	vor.u32 v7, v5;
	v7 =	vshll.u32 v20, $0x1  }
0x13a: {  	v9 =	vand.u32 $0xFFFFF000, v20;
	v10 =	vshrl.u32 v20, $0xB;
	[tilespmem:s23+$0x2E0] =	vst v12;
	v7 =	vand.u32 $0xFFE, v7  }
0x13b: {  	v4 =	vor.u32 v4, v5;
	[tilespmem:s23+$0x2F0] =	vst v13;
	v5 =	vor.u32 v9, v7;
	v7 =	vand.u32 $0x1, v10  }
0x13c: {  	[tilespmem:s23+$0x300] =	vst v15;
	v9 =	vand.u32 $0xFFFFF000, v6;
	v10 =	vshll.u32 v6, $0x1;
	v6 =	vshrl.u32 v6, $0xB;
	v12 =	vld [tilespmem:s23+$0x3C0]  }
.Ltmp0:
0x13d: {  	[tilespmem:s23+$0x310] =	vst v16;
	v10 =	vand.u32 $0xFFE, v10;
	v11 =	vand.u32 $0x1, v6;
	v13 =	vshll.u32 v8, $0x1;
	v6 =	vld [tilespmem:s23+$0x3D0];
	(pc) =	sbr.rel @p0 .LBB2_2-.Ltmp0, $4  }
0x13e: {  	[tilespmem:s23+$0x320] =	vst v14;
	v14 =	vand.u32 $0xFFFFF000, v8;
	v13 =	vand.u32 $0xFFE, v13;
	v8 =	vshrl.u32 v8, $0xB  }
0x13f: {  	v10 =	vor.u32 v9, v10;
	[tilespmem:s23+$0x330] =	vst v17;
	v13 =	vor.u32 v14, v13;
	v14 =	vand.u32 $0x1, v8  }
0x140: {  	v9 =	vor.u32 v7, v5;
	v8 =	vor.u32 v11, v10;
	[tilespmem:s23+$0x340] =	vst v18;
	v5 =	vor.u32 v14, v13;
	v7 =	vld [tilespmem:s23+$0x3E0]  }
0x141: {  	s24 =	sadd.s32 $0x1000, s24;
	[tilespmem:s23+$0x350] =	vst v19;
	v10 =	vand.u32 $0xFFFFF000, v12;
	v11 =	vshll.u32 v12, $0x1;
	v12 =	vshrl.u32 v12, $0xB  }
0x142: {  	[tilespmem:s23+$0x360] =	vst v3;
	v3 =	vand.u32 $0xFFE, v11;
	v53 =	vand.u32 $0x1, v12;
	v54 =	vshll.u32 v6, $0x1;
	v13 =	vld [tilespmem:s23+$0x3F0]  }
0x143: {  	[tilespmem:s23+$0x370] =	vst v2;
	v2 =	vand.u32 $0xFFFFF000, v6;
	v55 =	vshrl.u32 v6, $0xB;
	v12 =	vand.u32 $0xFFE, v54  }
0x144: {  	[tilespmem:s23+$0x380] =	vst v4;
	v3 =	vor.u32 v10, v3;
	v56 =	vand.u32 $0x1, v55;
	v2 =	vor.u32 v2, v12  }
0x145: {  	[tilespmem:s23+$0x390] =	vst v9;
	v3 =	vor.u32 v53, v3;
	v2 =	vor.u32 v56, v2;
	v57 =	vshll.u32 v7, $0x1  }
0x146: {  	[tilespmem:s23+$0x3A0] =	vst v8;
	v58 =	vand.u32 $0xFFFFF000, v7;
	v59 =	vshrl.u32 v7, $0xB;
	v4 =	vand.u32 $0xFFE, v57  }
0x147: {  	[tilespmem:s23+$0x3B0] =	vst v5;
	v60 =	vand.u32 $0x1, v59;
	v4 =	vor.u32 v58, v4;
	v61 =	vshll.u32 v13, $0x1  }
0x148: {  	[tilespmem:s23+$0x3C0] =	vst v3;
	v3 =	vand.u32 $0xFFFFF000, v13;
	v62 =	vshrl.u32 v13, $0xB;
	v6 =	vand.u32 $0xFFE, v61  }
0x149: {  	[tilespmem:s23+$0x3D0] =	vst v2;
	v2 =	vor.u32 v60, v4;
	v63 =	vand.u32 $0x1, v62;
	v3 =	vor.u32 v3, v6  }
0x14a: {  	[tilespmem:s23+$0x3E0] =	vst v2;
	v2 =	vor.u32 v63, v3  }
0x14b: {  	[tilespmem:s23+$0x3F0] =	vst v2;
	s23 =	simm.s32 $0x0  }
0x14c: {  	[tilespmem:s14], [sflag:$0x1] =	stream.indirect.gather [hbm4b:s5+s13], $0x40, s23, s13, $0xb8;
	[tilespmem:$0x11A00] =	vst v63  }
0x14d: {  	s24 =	simm.s32 $0x0  }
0x14e: {  	[tilespmem:s15], [sflag:$0x2] =	stream.indirect.gather [hbm4b:s5+s13], $0x40, s13, s13, $0xb8;
	[tilespmem:$0x11A00] =	vst v63  }
.LBB2_4:
0x14f: {  	_ =	swait.ge [sflag:s16], $0x2000  }
0x150: {  	p0 =	seq.s32 s24, $0x0;
	[sflag:s16] =	ssyncset.done $0x0  }
0x151: {  	s0 =	simm.s32 @!p0 $0x3;
	[sflag:s16] =	ssyncadd.s32 $0xFFFFE000  }
0x152: {  	_ =	swait.ge @!p0 [sflag:s0], $0x2000  }
0x153: {  	s25 =	sshll.u32 s24, $0x7;
	v2 =	vmov s23;
	[sflag:s0] =	ssyncset.done @!p0 $0x0  }
0x154: {  	s1 =	sand.u32 $0x3FFFFF80, s25;
	v2 =	vshrl.u32 v2, $0x3;
	[sflag:s0] =	ssyncadd.s32 @!p0 $0xFFFFE000  }
0x155: {  	s25 =	simm.s32 $0x9700;
	v2 =	vshll.u32 v2, v0;
	v35 =	vld [tilespmem:s1+$0x6400]  }
0x156: {  	v5 =	vbroadcast v2, $0x0;
	v3 =	vld [tilespmem:s25+$0xFFFFFF00];
	_ =	sdelay $0x1  }
0x157: {  	v2 =	vadd.s32 v1, v5;
	_ =	sdelay $0x2  }
0x158: {  	v36 =	vld [tilespmem:s1+$0x6410];
	v3 =	vadd.f32 v3, v35  }
0x159: {  	v34 =	vld [tilespmem:s1+$0x6420]  }
0x15a: {  	v33 =	vld [tilespmem:s1+$0x6430];
	[tilespmem:v2+s17+$0x0] =	vst.idx.msk $0xffff, v3  }
0x15b: {  	v3 =	vld [tilespmem:s25+$0xFFFFFF10]  }
0x15c: {  	v2 =	vadd.s32 $0x880, v1  }
0x15d: {  	v4 =	vadd.s32 v2, v5;
	_ =	sdelay $0x2  }
0x15e: {  	v3 =	vadd.f32 v3, v36;
	_ =	sdelay $0x1  }
0x15f: {  	[tilespmem:v4+s17+$0x0] =	vst.idx.msk $0xffff, v3  }
0x160: {  	v4 =	vld [tilespmem:s25+$0xFFFFFF20]  }
0x161: {  	v3 =	vadd.s32 $0x1100, v1  }
0x162: {  	v6 =	vadd.s32 v3, v5;
	_ =	sdelay $0x2  }
0x163: {  	v4 =	vadd.f32 v4, v34;
	_ =	sdelay $0x1  }
0x164: {  	[tilespmem:v6+s17+$0x0] =	vst.idx.msk $0xffff, v4  }
0x165: {  	v6 =	vld [tilespmem:s25+$0xFFFFFF30]  }
0x166: {  	v4 =	vadd.s32 $0x1980, v1  }
0x167: {  	v5 =	vadd.s32 v4, v5;
	_ =	sdelay $0x1  }
0x168: {  	s26 =	simm.s32 $0x1  }
0x169: {  	v7 =	vmov s26;
	v6 =	vadd.f32 v6, v33  }
0x16a: {  	v7 =	vshrl.u32 v7, $0x3  }
0x16b: {  	[tilespmem:v5+s17+$0x0] =	vst.idx.msk $0xffff, v6;
	v5 =	vshll.u32 v7, v0  }
0x16c: {  	v6 =	vld [tilespmem:s25+$0xFFFFFF40];
	v9 =	vbroadcast v5, $0x0  }
0x16d: {  	v5 =	vor.u32 $0x1, v1  }
0x16e: {  	v7 =	vadd.s32 v5, v9;
	_ =	sdelay $0x2  }
0x16f: {  	v6 =	vadd.f32 v6, v35;
	_ =	sdelay $0x1  }
0x170: {  	[tilespmem:v7+s17+$0x0] =	vst.idx.msk $0xffff, v6  }
0x171: {  	v7 =	vld [tilespmem:s25+$0xFFFFFF50]  }
0x172: {  	v6 =	vadd.s32 $0x881, v1  }
0x173: {  	v8 =	vadd.s32 v6, v9;
	_ =	sdelay $0x2  }
0x174: {  	v7 =	vadd.f32 v7, v36;
	_ =	sdelay $0x1  }
0x175: {  	[tilespmem:v8+s17+$0x0] =	vst.idx.msk $0xffff, v7  }
0x176: {  	v8 =	vld [tilespmem:s25+$0xFFFFFF60]  }
0x177: {  	v7 =	vadd.s32 $0x1101, v1  }
0x178: {  	v10 =	vadd.s32 v7, v9;
	_ =	sdelay $0x2  }
0x179: {  	v8 =	vadd.f32 v8, v34;
	_ =	sdelay $0x1  }
0x17a: {  	[tilespmem:v10+s17+$0x0] =	vst.idx.msk $0xffff, v8  }
0x17b: {  	v10 =	vld [tilespmem:s25+$0xFFFFFF70]  }
0x17c: {  	v8 =	vadd.s32 $0x1981, v1  }
0x17d: {  	v9 =	vadd.s32 v8, v9;
	_ =	sdelay $0x1  }
0x17e: {  	s30 =	simm.s32 $0x2  }
0x17f: {  	v11 =	vmov s30;
	v10 =	vadd.f32 v10, v33  }
0x180: {  	v11 =	vshrl.u32 v11, $0x3  }
0x181: {  	[tilespmem:v9+s17+$0x0] =	vst.idx.msk $0xffff, v10;
	v9 =	vshll.u32 v11, v0  }
0x182: {  	v10 =	vld [tilespmem:s25+$0xFFFFFF80];
	v13 =	vbroadcast v9, $0x0  }
0x183: {  	v9 =	vor.u32 $0x2, v1  }
0x184: {  	v11 =	vadd.s32 v9, v13;
	_ =	sdelay $0x2  }
0x185: {  	v10 =	vadd.f32 v10, v35;
	_ =	sdelay $0x1  }
0x186: {  	[tilespmem:v11+s17+$0x0] =	vst.idx.msk $0xffff, v10  }
0x187: {  	v11 =	vld [tilespmem:s25+$0xFFFFFF90]  }
0x188: {  	v10 =	vadd.s32 $0x882, v1  }
0x189: {  	v12 =	vadd.s32 v10, v13;
	_ =	sdelay $0x2  }
0x18a: {  	v11 =	vadd.f32 v11, v36;
	_ =	sdelay $0x1  }
0x18b: {  	[tilespmem:v12+s17+$0x0] =	vst.idx.msk $0xffff, v11  }
0x18c: {  	v12 =	vld [tilespmem:s25+$0xFFFFFFA0]  }
0x18d: {  	v11 =	vadd.s32 $0x1102, v1  }
0x18e: {  	v14 =	vadd.s32 v11, v13;
	_ =	sdelay $0x2  }
0x18f: {  	v12 =	vadd.f32 v12, v34;
	_ =	sdelay $0x1  }
0x190: {  	[tilespmem:v14+s17+$0x0] =	vst.idx.msk $0xffff, v12  }
0x191: {  	v14 =	vld [tilespmem:s25+$0xFFFFFFB0]  }
0x192: {  	v12 =	vadd.s32 $0x1982, v1  }
0x193: {  	v13 =	vadd.s32 v12, v13;
	_ =	sdelay $0x1  }
0x194: {  	s31 =	simm.s32 $0x3  }
0x195: {  	v15 =	vmov s31;
	v14 =	vadd.f32 v14, v33  }
0x196: {  	v15 =	vshrl.u32 v15, $0x3  }
0x197: {  	[tilespmem:v13+s17+$0x0] =	vst.idx.msk $0xffff, v14;
	v13 =	vshll.u32 v15, v0  }
0x198: {  	v14 =	vld [tilespmem:s25+$0xFFFFFFC0];
	v17 =	vbroadcast v13, $0x0  }
0x199: {  	v13 =	vor.u32 $0x3, v1  }
0x19a: {  	v15 =	vadd.s32 v13, v17;
	_ =	sdelay $0x2  }
0x19b: {  	v14 =	vadd.f32 v14, v35;
	_ =	sdelay $0x1  }
0x19c: {  	[tilespmem:v15+s17+$0x0] =	vst.idx.msk $0xffff, v14  }
0x19d: {  	v15 =	vld [tilespmem:s25+$0xFFFFFFD0]  }
0x19e: {  	v14 =	vadd.s32 $0x883, v1  }
0x19f: {  	v16 =	vadd.s32 v14, v17;
	_ =	sdelay $0x2  }
0x1a0: {  	v15 =	vadd.f32 v15, v36;
	_ =	sdelay $0x1  }
0x1a1: {  	[tilespmem:v16+s17+$0x0] =	vst.idx.msk $0xffff, v15  }
0x1a2: {  	v16 =	vld [tilespmem:s25+$0xFFFFFFE0]  }
0x1a3: {  	v15 =	vadd.s32 $0x1103, v1  }
0x1a4: {  	v18 =	vadd.s32 v15, v17;
	_ =	sdelay $0x2  }
0x1a5: {  	v16 =	vadd.f32 v16, v34;
	_ =	sdelay $0x1  }
0x1a6: {  	[tilespmem:v18+s17+$0x0] =	vst.idx.msk $0xffff, v16  }
0x1a7: {  	v18 =	vld [tilespmem:s25+$0xFFFFFFF0]  }
0x1a8: {  	v16 =	vadd.s32 $0x1983, v1  }
0x1a9: {  	v17 =	vadd.s32 v16, v17;
	_ =	sdelay $0x1  }
0x1aa: {  	s1 =	simm.s32 $0x4  }
0x1ab: {  	v19 =	vmov s1;
	v18 =	vadd.f32 v18, v33  }
0x1ac: {  	v19 =	vshrl.u32 v19, $0x3  }
0x1ad: {  	[tilespmem:v17+s17+$0x0] =	vst.idx.msk $0xffff, v18;
	v17 =	vshll.u32 v19, v0  }
0x1ae: {  	v18 =	vld [tilespmem:s25+$0x0];
	v21 =	vbroadcast v17, $0x0  }
0x1af: {  	v17 =	vor.u32 $0x4, v1  }
0x1b0: {  	v19 =	vadd.s32 v17, v21;
	_ =	sdelay $0x2  }
0x1b1: {  	v18 =	vadd.f32 v18, v35;
	_ =	sdelay $0x1  }
0x1b2: {  	[tilespmem:v19+s17+$0x0] =	vst.idx.msk $0xffff, v18  }
0x1b3: {  	v19 =	vld [tilespmem:s25+$0x10]  }
0x1b4: {  	v18 =	vadd.s32 $0x884, v1  }
0x1b5: {  	v20 =	vadd.s32 v18, v21;
	_ =	sdelay $0x2  }
0x1b6: {  	v19 =	vadd.f32 v19, v36;
	_ =	sdelay $0x1  }
0x1b7: {  	[tilespmem:v20+s17+$0x0] =	vst.idx.msk $0xffff, v19  }
0x1b8: {  	v20 =	vld [tilespmem:s25+$0x20]  }
0x1b9: {  	v19 =	vadd.s32 $0x1104, v1  }
0x1ba: {  	v22 =	vadd.s32 v19, v21;
	_ =	sdelay $0x2  }
0x1bb: {  	v20 =	vadd.f32 v20, v34;
	_ =	sdelay $0x1  }
0x1bc: {  	[tilespmem:v22+s17+$0x0] =	vst.idx.msk $0xffff, v20  }
0x1bd: {  	v22 =	vld [tilespmem:s25+$0x30]  }
0x1be: {  	v20 =	vadd.s32 $0x1984, v1  }
0x1bf: {  	v21 =	vadd.s32 v20, v21;
	_ =	sdelay $0x1  }
0x1c0: {  	s26 =	simm.s32 $0x5  }
0x1c1: {  	v23 =	vmov s26;
	v22 =	vadd.f32 v22, v33  }
0x1c2: {  	v23 =	vshrl.u32 v23, $0x3  }
0x1c3: {  	[tilespmem:v21+s17+$0x0] =	vst.idx.msk $0xffff, v22;
	v21 =	vshll.u32 v23, v0  }
0x1c4: {  	v22 =	vld [tilespmem:s25+$0x40];
	v25 =	vbroadcast v21, $0x0  }
0x1c5: {  	v21 =	vor.u32 $0x5, v1  }
0x1c6: {  	v23 =	vadd.s32 v21, v25;
	_ =	sdelay $0x2  }
0x1c7: {  	v22 =	vadd.f32 v22, v35;
	_ =	sdelay $0x1  }
0x1c8: {  	[tilespmem:v23+s17+$0x0] =	vst.idx.msk $0xffff, v22  }
0x1c9: {  	v23 =	vld [tilespmem:s25+$0x50]  }
0x1ca: {  	v22 =	vadd.s32 $0x885, v1  }
0x1cb: {  	v24 =	vadd.s32 v22, v25;
	_ =	sdelay $0x2  }
0x1cc: {  	v23 =	vadd.f32 v23, v36;
	_ =	sdelay $0x1  }
0x1cd: {  	[tilespmem:v24+s17+$0x0] =	vst.idx.msk $0xffff, v23  }
0x1ce: {  	v24 =	vld [tilespmem:s25+$0x60]  }
0x1cf: {  	v23 =	vadd.s32 $0x1105, v1  }
0x1d0: {  	v26 =	vadd.s32 v23, v25;
	_ =	sdelay $0x2  }
0x1d1: {  	v24 =	vadd.f32 v24, v34;
	_ =	sdelay $0x1  }
0x1d2: {  	[tilespmem:v26+s17+$0x0] =	vst.idx.msk $0xffff, v24  }
0x1d3: {  	v26 =	vld [tilespmem:s25+$0x70]  }
0x1d4: {  	v24 =	vadd.s32 $0x1985, v1  }
0x1d5: {  	v25 =	vadd.s32 v24, v25;
	_ =	sdelay $0x1  }
0x1d6: {  	s30 =	simm.s32 $0x6  }
0x1d7: {  	v27 =	vmov s30;
	v26 =	vadd.f32 v26, v33  }
0x1d8: {  	v27 =	vshrl.u32 v27, $0x3  }
0x1d9: {  	[tilespmem:v25+s17+$0x0] =	vst.idx.msk $0xffff, v26;
	v25 =	vshll.u32 v27, v0  }
0x1da: {  	v26 =	vld [tilespmem:s25+$0x80];
	v29 =	vbroadcast v25, $0x0  }
0x1db: {  	v25 =	vor.u32 $0x6, v1  }
0x1dc: {  	v27 =	vadd.s32 v25, v29;
	_ =	sdelay $0x2  }
0x1dd: {  	v26 =	vadd.f32 v26, v35;
	_ =	sdelay $0x1  }
0x1de: {  	[tilespmem:v27+s17+$0x0] =	vst.idx.msk $0xffff, v26  }
0x1df: {  	v27 =	vld [tilespmem:s25+$0x90]  }
0x1e0: {  	v26 =	vadd.s32 $0x886, v1  }
0x1e1: {  	v28 =	vadd.s32 v26, v29;
	_ =	sdelay $0x2  }
0x1e2: {  	v27 =	vadd.f32 v27, v36;
	_ =	sdelay $0x1  }
0x1e3: {  	[tilespmem:v28+s17+$0x0] =	vst.idx.msk $0xffff, v27  }
0x1e4: {  	v28 =	vld [tilespmem:s25+$0xA0]  }
0x1e5: {  	v27 =	vadd.s32 $0x1106, v1  }
0x1e6: {  	v30 =	vadd.s32 v27, v29;
	_ =	sdelay $0x2  }
0x1e7: {  	v28 =	vadd.f32 v28, v34;
	_ =	sdelay $0x1  }
0x1e8: {  	[tilespmem:v30+s17+$0x0] =	vst.idx.msk $0xffff, v28  }
0x1e9: {  	v30 =	vld [tilespmem:s25+$0xB0]  }
0x1ea: {  	v28 =	vadd.s32 $0x1986, v1  }
0x1eb: {  	v29 =	vadd.s32 v28, v29;
	_ =	sdelay $0x1  }
0x1ec: {  	s31 =	simm.s32 $0x7  }
0x1ed: {  	v31 =	vmov s31;
	v30 =	vadd.f32 v30, v33  }
0x1ee: {  	v31 =	vshrl.u32 v31, $0x3  }
0x1ef: {  	[tilespmem:v29+s17+$0x0] =	vst.idx.msk $0xffff, v30;
	v29 =	vshll.u32 v31, v0  }
0x1f0: {  	v30 =	vld [tilespmem:s25+$0xC0];
	v37 =	vbroadcast v29, $0x0  }
0x1f1: {  	v29 =	vor.u32 $0x7, v1  }
0x1f2: {  	v31 =	vadd.s32 v29, v37;
	_ =	sdelay $0x2  }
0x1f3: {  	v30 =	vadd.f32 v30, v35;
	_ =	sdelay $0x1  }
0x1f4: {  	[tilespmem:v31+s17+$0x0] =	vst.idx.msk $0xffff, v30  }
0x1f5: {  	v31 =	vld [tilespmem:s25+$0xD0]  }
0x1f6: {  	v30 =	vadd.s32 $0x887, v1  }
0x1f7: {  	v32 =	vadd.s32 v30, v37;
	_ =	sdelay $0x2  }
0x1f8: {  	v31 =	vadd.f32 v31, v36;
	_ =	sdelay $0x1  }
0x1f9: {  	[tilespmem:v32+s17+$0x0] =	vst.idx.msk $0xffff, v31  }
0x1fa: {  	v32 =	vld [tilespmem:s25+$0xE0]  }
0x1fb: {  	v31 =	vadd.s32 $0x1107, v1  }
0x1fc: {  	v38 =	vadd.s32 v31, v37;
	_ =	sdelay $0x2  }
0x1fd: {  	v32 =	vadd.f32 v32, v34;
	_ =	sdelay $0x1  }
0x1fe: {  	[tilespmem:v38+s17+$0x0] =	vst.idx.msk $0xffff, v32  }
0x1ff: {  	v38 =	vld [tilespmem:s25+$0xF0]  }
0x200: {  	v32 =	vadd.s32 $0x1987, v1  }
0x201: {  	v37 =	vadd.s32 v32, v37  }
0x202: {  	s28 =	simm.s32 $0x8  }
0x203: {  	v39 =	vmov s28  }
0x204: {  	s29 =	simm.s32 $0x10;
	s26 =	sshll.u32 s24, $0x1;
	v39 =	vshrl.u32 v39, $0x3;
	v38 =	vadd.f32 v38, v33  }
.LBB2_5:
0x205: {  	p1 =	slt.u32 s29, $0x78  }
0x206: {  	v39 =	vshll.u32 v39, v0;
	[tilespmem:v37+s17+$0x0] =	vst.idx.msk $0xffff, v38;
	s25 =	sadd.s32 $0x200, s25;
	s30 =	smov.u32 s29;
	s29 =	sadd.s32 $0x8, s29  }
0x207: {  	v37 =	vld [tilespmem:s25+$0xFFFFFF00];
	v38 =	vbroadcast v39, $0x0;
	_ =	sdelay $0x1  }
0x208: {  	v39 =	vadd.s32 v1, v38;
	_ =	sdelay $0x2  }
0x209: {  	v37 =	vadd.f32 v37, v35;
	_ =	sdelay $0x1  }
0x20a: {  	[tilespmem:v39+s17+$0x0] =	vst.idx.msk $0xffff, v37  }
0x20b: {  	v37 =	vld [tilespmem:s25+$0xFFFFFF10];
	_ =	sdelay $0x1  }
0x20c: {  	v39 =	vadd.s32 v2, v38;
	_ =	sdelay $0x2  }
0x20d: {  	v37 =	vadd.f32 v37, v36;
	_ =	sdelay $0x1  }
0x20e: {  	[tilespmem:v39+s17+$0x0] =	vst.idx.msk $0xffff, v37  }
0x20f: {  	v37 =	vld [tilespmem:s25+$0xFFFFFF20];
	_ =	sdelay $0x1  }
0x210: {  	v39 =	vadd.s32 v3, v38;
	_ =	sdelay $0x2  }
0x211: {  	v37 =	vadd.f32 v37, v34;
	_ =	sdelay $0x1  }
0x212: {  	[tilespmem:v39+s17+$0x0] =	vst.idx.msk $0xffff, v37  }
0x213: {  	v37 =	vld [tilespmem:s25+$0xFFFFFF30];
	_ =	sdelay $0x1  }
0x214: {  	v38 =	vadd.s32 v4, v38;
	_ =	sdelay $0x1  }
0x215: {  	s0 =	sadd.s32 $0x1, s28  }
0x216: {  	v39 =	vmov s0;
	v37 =	vadd.f32 v37, v33  }
0x217: {  	v39 =	vshrl.u32 v39, $0x3  }
0x218: {  	[tilespmem:v38+s17+$0x0] =	vst.idx.msk $0xffff, v37;
	v37 =	vshll.u32 v39, v0  }
0x219: {  	v38 =	vld [tilespmem:s25+$0xFFFFFF40];
	v37 =	vbroadcast v37, $0x0;
	_ =	sdelay $0x1  }
0x21a: {  	v39 =	vadd.s32 v5, v37;
	_ =	sdelay $0x2  }
0x21b: {  	v38 =	vadd.f32 v38, v35;
	_ =	sdelay $0x1  }
0x21c: {  	[tilespmem:v39+s17+$0x0] =	vst.idx.msk $0xffff, v38  }
0x21d: {  	v38 =	vld [tilespmem:s25+$0xFFFFFF50];
	_ =	sdelay $0x1  }
0x21e: {  	v39 =	vadd.s32 v6, v37;
	_ =	sdelay $0x2  }
0x21f: {  	v38 =	vadd.f32 v38, v36;
	_ =	sdelay $0x1  }
0x220: {  	[tilespmem:v39+s17+$0x0] =	vst.idx.msk $0xffff, v38  }
0x221: {  	v38 =	vld [tilespmem:s25+$0xFFFFFF60];
	_ =	sdelay $0x1  }
0x222: {  	v39 =	vadd.s32 v7, v37;
	_ =	sdelay $0x2  }
0x223: {  	v38 =	vadd.f32 v38, v34;
	_ =	sdelay $0x1  }
0x224: {  	[tilespmem:v39+s17+$0x0] =	vst.idx.msk $0xffff, v38  }
0x225: {  	v38 =	vld [tilespmem:s25+$0xFFFFFF70];
	_ =	sdelay $0x1  }
0x226: {  	v37 =	vadd.s32 v8, v37;
	_ =	sdelay $0x1  }
0x227: {  	s0 =	sadd.s32 $0x2, s28  }
0x228: {  	v39 =	vmov s0;
	v38 =	vadd.f32 v38, v33  }
0x229: {  	v39 =	vshrl.u32 v39, $0x3  }
0x22a: {  	[tilespmem:v37+s17+$0x0] =	vst.idx.msk $0xffff, v38;
	v37 =	vshll.u32 v39, v0  }
0x22b: {  	v38 =	vld [tilespmem:s25+$0xFFFFFF80];
	v37 =	vbroadcast v37, $0x0;
	_ =	sdelay $0x1  }
0x22c: {  	v39 =	vadd.s32 v9, v37;
	_ =	sdelay $0x2  }
0x22d: {  	v38 =	vadd.f32 v38, v35;
	_ =	sdelay $0x1  }
0x22e: {  	[tilespmem:v39+s17+$0x0] =	vst.idx.msk $0xffff, v38  }
0x22f: {  	v38 =	vld [tilespmem:s25+$0xFFFFFF90];
	_ =	sdelay $0x1  }
0x230: {  	v39 =	vadd.s32 v10, v37;
	_ =	sdelay $0x2  }
0x231: {  	v38 =	vadd.f32 v38, v36;
	_ =	sdelay $0x1  }
0x232: {  	[tilespmem:v39+s17+$0x0] =	vst.idx.msk $0xffff, v38  }
0x233: {  	v38 =	vld [tilespmem:s25+$0xFFFFFFA0];
	_ =	sdelay $0x1  }
0x234: {  	v39 =	vadd.s32 v11, v37;
	_ =	sdelay $0x2  }
0x235: {  	v38 =	vadd.f32 v38, v34;
	_ =	sdelay $0x1  }
0x236: {  	[tilespmem:v39+s17+$0x0] =	vst.idx.msk $0xffff, v38  }
0x237: {  	v38 =	vld [tilespmem:s25+$0xFFFFFFB0];
	_ =	sdelay $0x1  }
0x238: {  	v37 =	vadd.s32 v12, v37;
	_ =	sdelay $0x1  }
0x239: {  	s0 =	sadd.s32 $0x3, s28  }
0x23a: {  	v39 =	vmov s0;
	v38 =	vadd.f32 v38, v33  }
0x23b: {  	v39 =	vshrl.u32 v39, $0x3  }
0x23c: {  	[tilespmem:v37+s17+$0x0] =	vst.idx.msk $0xffff, v38;
	v37 =	vshll.u32 v39, v0  }
0x23d: {  	v38 =	vld [tilespmem:s25+$0xFFFFFFC0];
	v37 =	vbroadcast v37, $0x0;
	_ =	sdelay $0x1  }
0x23e: {  	v39 =	vadd.s32 v13, v37;
	_ =	sdelay $0x2  }
0x23f: {  	v38 =	vadd.f32 v38, v35;
	_ =	sdelay $0x1  }
0x240: {  	[tilespmem:v39+s17+$0x0] =	vst.idx.msk $0xffff, v38  }
0x241: {  	v38 =	vld [tilespmem:s25+$0xFFFFFFD0];
	_ =	sdelay $0x1  }
0x242: {  	v39 =	vadd.s32 v14, v37;
	_ =	sdelay $0x2  }
0x243: {  	v38 =	vadd.f32 v38, v36;
	_ =	sdelay $0x1  }
0x244: {  	[tilespmem:v39+s17+$0x0] =	vst.idx.msk $0xffff, v38  }
0x245: {  	v38 =	vld [tilespmem:s25+$0xFFFFFFE0];
	_ =	sdelay $0x1  }
0x246: {  	v39 =	vadd.s32 v15, v37;
	_ =	sdelay $0x2  }
0x247: {  	v38 =	vadd.f32 v38, v34;
	_ =	sdelay $0x1  }
0x248: {  	[tilespmem:v39+s17+$0x0] =	vst.idx.msk $0xffff, v38  }
0x249: {  	v38 =	vld [tilespmem:s25+$0xFFFFFFF0];
	_ =	sdelay $0x1  }
0x24a: {  	v37 =	vadd.s32 v16, v37;
	_ =	sdelay $0x1  }
0x24b: {  	s0 =	sadd.s32 $0x4, s28  }
0x24c: {  	v39 =	vmov s0;
	v38 =	vadd.f32 v38, v33  }
0x24d: {  	v39 =	vshrl.u32 v39, $0x3  }
0x24e: {  	[tilespmem:v37+s17+$0x0] =	vst.idx.msk $0xffff, v38;
	v37 =	vshll.u32 v39, v0  }
0x24f: {  	v38 =	vld [tilespmem:s25+$0x0];
	v37 =	vbroadcast v37, $0x0;
	_ =	sdelay $0x1  }
0x250: {  	v39 =	vadd.s32 v17, v37;
	_ =	sdelay $0x2  }
0x251: {  	v38 =	vadd.f32 v38, v35;
	_ =	sdelay $0x1  }
0x252: {  	[tilespmem:v39+s17+$0x0] =	vst.idx.msk $0xffff, v38  }
0x253: {  	v38 =	vld [tilespmem:s25+$0x10];
	_ =	sdelay $0x1  }
0x254: {  	v39 =	vadd.s32 v18, v37;
	_ =	sdelay $0x2  }
0x255: {  	v38 =	vadd.f32 v38, v36;
	_ =	sdelay $0x1  }
0x256: {  	[tilespmem:v39+s17+$0x0] =	vst.idx.msk $0xffff, v38  }
0x257: {  	v38 =	vld [tilespmem:s25+$0x20];
	_ =	sdelay $0x1  }
0x258: {  	v39 =	vadd.s32 v19, v37;
	_ =	sdelay $0x2  }
0x259: {  	v38 =	vadd.f32 v38, v34;
	_ =	sdelay $0x1  }
0x25a: {  	[tilespmem:v39+s17+$0x0] =	vst.idx.msk $0xffff, v38  }
0x25b: {  	v38 =	vld [tilespmem:s25+$0x30];
	_ =	sdelay $0x1  }
0x25c: {  	v37 =	vadd.s32 v20, v37;
	_ =	sdelay $0x1  }
0x25d: {  	s0 =	sadd.s32 $0x5, s28  }
0x25e: {  	v39 =	vmov s0;
	v38 =	vadd.f32 v38, v33  }
0x25f: {  	v39 =	vshrl.u32 v39, $0x3  }
0x260: {  	[tilespmem:v37+s17+$0x0] =	vst.idx.msk $0xffff, v38;
	v37 =	vshll.u32 v39, v0  }
0x261: {  	v38 =	vld [tilespmem:s25+$0x40];
	v37 =	vbroadcast v37, $0x0;
	_ =	sdelay $0x1  }
0x262: {  	v39 =	vadd.s32 v21, v37;
	_ =	sdelay $0x2  }
0x263: {  	v38 =	vadd.f32 v38, v35;
	_ =	sdelay $0x1  }
0x264: {  	[tilespmem:v39+s17+$0x0] =	vst.idx.msk $0xffff, v38  }
0x265: {  	v38 =	vld [tilespmem:s25+$0x50];
	_ =	sdelay $0x1  }
0x266: {  	v39 =	vadd.s32 v22, v37;
	_ =	sdelay $0x2  }
0x267: {  	v38 =	vadd.f32 v38, v36;
	_ =	sdelay $0x1  }
0x268: {  	[tilespmem:v39+s17+$0x0] =	vst.idx.msk $0xffff, v38  }
0x269: {  	v38 =	vld [tilespmem:s25+$0x60];
	_ =	sdelay $0x1  }
0x26a: {  	v39 =	vadd.s32 v23, v37;
	_ =	sdelay $0x2  }
0x26b: {  	v38 =	vadd.f32 v38, v34;
	_ =	sdelay $0x1  }
0x26c: {  	[tilespmem:v39+s17+$0x0] =	vst.idx.msk $0xffff, v38  }
0x26d: {  	v38 =	vld [tilespmem:s25+$0x70];
	_ =	sdelay $0x1  }
0x26e: {  	v37 =	vadd.s32 v24, v37;
	_ =	sdelay $0x1  }
0x26f: {  	s0 =	sadd.s32 $0x6, s28  }
0x270: {  	v39 =	vmov s0;
	v38 =	vadd.f32 v38, v33  }
0x271: {  	v39 =	vshrl.u32 v39, $0x3  }
0x272: {  	[tilespmem:v37+s17+$0x0] =	vst.idx.msk $0xffff, v38;
	v37 =	vshll.u32 v39, v0  }
0x273: {  	v38 =	vld [tilespmem:s25+$0x80];
	v37 =	vbroadcast v37, $0x0;
	_ =	sdelay $0x1  }
0x274: {  	v39 =	vadd.s32 v25, v37;
	_ =	sdelay $0x2  }
0x275: {  	v38 =	vadd.f32 v38, v35;
	_ =	sdelay $0x1  }
0x276: {  	[tilespmem:v39+s17+$0x0] =	vst.idx.msk $0xffff, v38  }
0x277: {  	v38 =	vld [tilespmem:s25+$0x90];
	_ =	sdelay $0x1  }
0x278: {  	v39 =	vadd.s32 v26, v37;
	_ =	sdelay $0x2  }
0x279: {  	v38 =	vadd.f32 v38, v36;
	_ =	sdelay $0x1  }
0x27a: {  	[tilespmem:v39+s17+$0x0] =	vst.idx.msk $0xffff, v38  }
0x27b: {  	v38 =	vld [tilespmem:s25+$0xA0];
	_ =	sdelay $0x1  }
0x27c: {  	v39 =	vadd.s32 v27, v37;
	_ =	sdelay $0x2  }
0x27d: {  	v38 =	vadd.f32 v38, v34;
	_ =	sdelay $0x1  }
0x27e: {  	[tilespmem:v39+s17+$0x0] =	vst.idx.msk $0xffff, v38  }
0x27f: {  	v38 =	vld [tilespmem:s25+$0xB0];
	_ =	sdelay $0x1  }
0x280: {  	v37 =	vadd.s32 v28, v37;
	_ =	sdelay $0x1  }
0x281: {  	s0 =	sadd.s32 $0x7, s28;
	s28 =	smov.u32 s30  }
0x282: {  	v39 =	vmov s0;
	v38 =	vadd.f32 v38, v33  }
0x283: {  	v39 =	vshrl.u32 v39, $0x3  }
0x284: {  	[tilespmem:v37+s17+$0x0] =	vst.idx.msk $0xffff, v38;
	v37 =	vshll.u32 v39, v0  }
0x285: {  	v38 =	vld [tilespmem:s25+$0xC0];
	v37 =	vbroadcast v37, $0x0;
	_ =	sdelay $0x1  }
0x286: {  	v39 =	vadd.s32 v29, v37;
	_ =	sdelay $0x2  }
0x287: {  	v38 =	vadd.f32 v38, v35;
	_ =	sdelay $0x1  }
0x288: {  	[tilespmem:v39+s17+$0x0] =	vst.idx.msk $0xffff, v38  }
0x289: {  	v38 =	vld [tilespmem:s25+$0xD0];
	_ =	sdelay $0x1  }
0x28a: {  	v39 =	vadd.s32 v30, v37;
	_ =	sdelay $0x2  }
0x28b: {  	v38 =	vadd.f32 v38, v36;
	_ =	sdelay $0x1  }
0x28c: {  	[tilespmem:v39+s17+$0x0] =	vst.idx.msk $0xffff, v38  }
0x28d: {  	v38 =	vld [tilespmem:s25+$0xE0];
	_ =	sdelay $0x1  }
0x28e: {  	v39 =	vadd.s32 v31, v37;
	_ =	sdelay $0x2  }
0x28f: {  	v38 =	vadd.f32 v38, v34;
	_ =	sdelay $0x1  }
0x290: {  	[tilespmem:v39+s17+$0x0] =	vst.idx.msk $0xffff, v38  }
0x291: {  	v38 =	vld [tilespmem:s25+$0xF0];
	_ =	sdelay $0x1  }
.Ltmp1:
0x292: {  	v37 =	vadd.s32 v32, v37;
	(pc) =	sbr.rel @p1 .LBB2_5-.Ltmp1, $3  }
0x293: {  	_ =	sdelay $0x1  }
0x294: {  	v39 =	vmov s28;
	v38 =	vadd.f32 v38, v33  }
0x295: {  	v39 =	vshrl.u32 v39, $0x3  }
0x296: {  	_ =	sdelay $0x3  }
0x297: {  	v39 =	vshll.u32 v39, v0;
	[tilespmem:v37+s17+$0x0] =	vst.idx.msk $0xffff, v38;
	s25 =	sadd.s32 $0x200, s25  }
0x298: {  	v37 =	vld [tilespmem:s25+$0xFFFFFF00];
	v45 =	vbroadcast v39, $0x0;
	_ =	sdelay $0x1  }
0x299: {  	v39 =	vadd.s32 v1, v45;
	_ =	sdelay $0x2  }
0x29a: {  	v37 =	vadd.f32 v37, v35;
	_ =	sdelay $0x1  }
0x29b: {  	[tilespmem:v39+s17+$0x0] =	vst.idx.msk $0xffff, v37  }
0x29c: {  	v37 =	vld [tilespmem:s25+$0xFFFFFF10];
	_ =	sdelay $0x1  }
0x29d: {  	v46 =	vadd.s32 v2, v45;
	_ =	sdelay $0x2  }
0x29e: {  	v37 =	vadd.f32 v37, v36;
	_ =	sdelay $0x1  }
0x29f: {  	[tilespmem:v46+s17+$0x0] =	vst.idx.msk $0xffff, v37  }
0x2a0: {  	v37 =	vld [tilespmem:s25+$0xFFFFFF20];
	_ =	sdelay $0x1  }
0x2a1: {  	v47 =	vadd.s32 v3, v45;
	_ =	sdelay $0x2  }
0x2a2: {  	v37 =	vadd.f32 v37, v34;
	_ =	sdelay $0x1  }
0x2a3: {  	[tilespmem:v47+s17+$0x0] =	vst.idx.msk $0xffff, v37  }
0x2a4: {  	v37 =	vld [tilespmem:s25+$0xFFFFFF30];
	_ =	sdelay $0x1  }
0x2a5: {  	v38 =	vadd.s32 v4, v45;
	_ =	sdelay $0x1  }
0x2a6: {  	s0 =	sadd.s32 $0x1, s28  }
0x2a7: {  	v48 =	vmov s0;
	v37 =	vadd.f32 v37, v33  }
0x2a8: {  	v39 =	vshrl.u32 v48, $0x3  }
0x2a9: {  	v49 =	vshll.u32 v39, v0;
	[tilespmem:v38+s17+$0x0] =	vst.idx.msk $0xffff, v37  }
0x2aa: {  	v37 =	vbroadcast v49, $0x0;
	v38 =	vld [tilespmem:s25+$0xFFFFFF40];
	_ =	sdelay $0x1  }
0x2ab: {  	v50 =	vadd.s32 v5, v37;
	_ =	sdelay $0x2  }
0x2ac: {  	v38 =	vadd.f32 v38, v35;
	_ =	sdelay $0x1  }
0x2ad: {  	[tilespmem:v50+s17+$0x0] =	vst.idx.msk $0xffff, v38  }
0x2ae: {  	v38 =	vld [tilespmem:s25+$0xFFFFFF50];
	_ =	sdelay $0x1  }
0x2af: {  	v51 =	vadd.s32 v6, v37;
	_ =	sdelay $0x2  }
0x2b0: {  	v38 =	vadd.f32 v38, v36;
	_ =	sdelay $0x1  }
0x2b1: {  	[tilespmem:v51+s17+$0x0] =	vst.idx.msk $0xffff, v38  }
0x2b2: {  	v38 =	vld [tilespmem:s25+$0xFFFFFF60];
	_ =	sdelay $0x1  }
0x2b3: {  	v52 =	vadd.s32 v7, v37;
	_ =	sdelay $0x2  }
0x2b4: {  	v38 =	vadd.f32 v38, v34;
	_ =	sdelay $0x1  }
0x2b5: {  	[tilespmem:v52+s17+$0x0] =	vst.idx.msk $0xffff, v38  }
0x2b6: {  	v38 =	vld [tilespmem:s25+$0xFFFFFF70];
	_ =	sdelay $0x1  }
0x2b7: {  	v37 =	vadd.s32 v8, v37;
	_ =	sdelay $0x1  }
0x2b8: {  	s1 =	sadd.s32 $0x2, s28  }
0x2b9: {  	v53 =	vmov s1;
	v38 =	vadd.f32 v38, v33  }
0x2ba: {  	v39 =	vshrl.u32 v53, $0x3  }
0x2bb: {  	v54 =	vshll.u32 v39, v0;
	[tilespmem:v37+s17+$0x0] =	vst.idx.msk $0xffff, v38  }
0x2bc: {  	v37 =	vbroadcast v54, $0x0;
	v38 =	vld [tilespmem:s25+$0xFFFFFF80];
	_ =	sdelay $0x1  }
0x2bd: {  	v55 =	vadd.s32 v9, v37;
	_ =	sdelay $0x2  }
0x2be: {  	v38 =	vadd.f32 v38, v35;
	_ =	sdelay $0x1  }
0x2bf: {  	[tilespmem:v55+s17+$0x0] =	vst.idx.msk $0xffff, v38  }
0x2c0: {  	v38 =	vld [tilespmem:s25+$0xFFFFFF90];
	_ =	sdelay $0x1  }
0x2c1: {  	v56 =	vadd.s32 v10, v37;
	_ =	sdelay $0x2  }
0x2c2: {  	v38 =	vadd.f32 v38, v36;
	_ =	sdelay $0x1  }
0x2c3: {  	[tilespmem:v56+s17+$0x0] =	vst.idx.msk $0xffff, v38  }
0x2c4: {  	v38 =	vld [tilespmem:s25+$0xFFFFFFA0];
	_ =	sdelay $0x1  }
0x2c5: {  	v57 =	vadd.s32 v11, v37;
	_ =	sdelay $0x2  }
0x2c6: {  	v38 =	vadd.f32 v38, v34;
	_ =	sdelay $0x1  }
0x2c7: {  	[tilespmem:v57+s17+$0x0] =	vst.idx.msk $0xffff, v38  }
0x2c8: {  	v38 =	vld [tilespmem:s25+$0xFFFFFFB0];
	_ =	sdelay $0x1  }
0x2c9: {  	v37 =	vadd.s32 v12, v37;
	_ =	sdelay $0x1  }
0x2ca: {  	s1 =	sadd.s32 $0x3, s28  }
0x2cb: {  	v58 =	vmov s1;
	v38 =	vadd.f32 v38, v33  }
0x2cc: {  	v39 =	vshrl.u32 v58, $0x3  }
0x2cd: {  	v59 =	vshll.u32 v39, v0;
	[tilespmem:v37+s17+$0x0] =	vst.idx.msk $0xffff, v38  }
0x2ce: {  	v37 =	vbroadcast v59, $0x0;
	v38 =	vld [tilespmem:s25+$0xFFFFFFC0];
	_ =	sdelay $0x1  }
0x2cf: {  	v60 =	vadd.s32 v13, v37;
	_ =	sdelay $0x2  }
0x2d0: {  	v38 =	vadd.f32 v38, v35;
	_ =	sdelay $0x1  }
0x2d1: {  	[tilespmem:v60+s17+$0x0] =	vst.idx.msk $0xffff, v38  }
0x2d2: {  	v38 =	vld [tilespmem:s25+$0xFFFFFFD0];
	_ =	sdelay $0x1  }
0x2d3: {  	v61 =	vadd.s32 v14, v37;
	_ =	sdelay $0x2  }
0x2d4: {  	v38 =	vadd.f32 v38, v36;
	_ =	sdelay $0x1  }
0x2d5: {  	[tilespmem:v61+s17+$0x0] =	vst.idx.msk $0xffff, v38  }
0x2d6: {  	v38 =	vld [tilespmem:s25+$0xFFFFFFE0];
	_ =	sdelay $0x1  }
0x2d7: {  	v62 =	vadd.s32 v15, v37;
	_ =	sdelay $0x2  }
0x2d8: {  	v38 =	vadd.f32 v38, v34;
	_ =	sdelay $0x1  }
0x2d9: {  	[tilespmem:v62+s17+$0x0] =	vst.idx.msk $0xffff, v38  }
0x2da: {  	v38 =	vld [tilespmem:s25+$0xFFFFFFF0];
	_ =	sdelay $0x1  }
0x2db: {  	v37 =	vadd.s32 v16, v37;
	_ =	sdelay $0x1  }
0x2dc: {  	s1 =	sadd.s32 $0x4, s28  }
0x2dd: {  	v63 =	vmov s1;
	v38 =	vadd.f32 v38, v33  }
0x2de: {  	v39 =	vshrl.u32 v63, $0x3  }
0x2df: {  	v41 =	vshll.u32 v39, v0;
	[tilespmem:v37+s17+$0x0] =	vst.idx.msk $0xffff, v38  }
0x2e0: {  	v37 =	vbroadcast v41, $0x0;
	v38 =	vld [tilespmem:s25+$0x0];
	_ =	sdelay $0x1  }
0x2e1: {  	v42 =	vadd.s32 v17, v37;
	_ =	sdelay $0x2  }
0x2e2: {  	v38 =	vadd.f32 v38, v35;
	_ =	sdelay $0x1  }
0x2e3: {  	[tilespmem:v42+s17+$0x0] =	vst.idx.msk $0xffff, v38  }
0x2e4: {  	v38 =	vld [tilespmem:s25+$0x10];
	_ =	sdelay $0x1  }
0x2e5: {  	v43 =	vadd.s32 v18, v37;
	_ =	sdelay $0x2  }
0x2e6: {  	v38 =	vadd.f32 v38, v36;
	_ =	sdelay $0x1  }
0x2e7: {  	[tilespmem:v43+s17+$0x0] =	vst.idx.msk $0xffff, v38  }
0x2e8: {  	v38 =	vld [tilespmem:s25+$0x20];
	_ =	sdelay $0x1  }
0x2e9: {  	v44 =	vadd.s32 v19, v37;
	_ =	sdelay $0x2  }
0x2ea: {  	v38 =	vadd.f32 v38, v34;
	_ =	sdelay $0x1  }
0x2eb: {  	[tilespmem:v44+s17+$0x0] =	vst.idx.msk $0xffff, v38  }
0x2ec: {  	v38 =	vld [tilespmem:s25+$0x30];
	_ =	sdelay $0x1  }
0x2ed: {  	v37 =	vadd.s32 v20, v37;
	_ =	sdelay $0x1  }
0x2ee: {  	s1 =	sadd.s32 $0x5, s28  }
0x2ef: {  	v45 =	vmov s1;
	v38 =	vadd.f32 v38, v33  }
0x2f0: {  	v39 =	vshrl.u32 v45, $0x3  }
0x2f1: {  	v46 =	vshll.u32 v39, v0;
	[tilespmem:v37+s17+$0x0] =	vst.idx.msk $0xffff, v38  }
0x2f2: {  	v37 =	vbroadcast v46, $0x0;
	v38 =	vld [tilespmem:s25+$0x40];
	_ =	sdelay $0x1  }
0x2f3: {  	v47 =	vadd.s32 v21, v37;
	_ =	sdelay $0x2  }
0x2f4: {  	v38 =	vadd.f32 v38, v35;
	_ =	sdelay $0x1  }
0x2f5: {  	[tilespmem:v47+s17+$0x0] =	vst.idx.msk $0xffff, v38  }
0x2f6: {  	v38 =	vld [tilespmem:s25+$0x50];
	_ =	sdelay $0x1  }
0x2f7: {  	v48 =	vadd.s32 v22, v37;
	_ =	sdelay $0x2  }
0x2f8: {  	v38 =	vadd.f32 v38, v36;
	_ =	sdelay $0x1  }
0x2f9: {  	[tilespmem:v48+s17+$0x0] =	vst.idx.msk $0xffff, v38  }
0x2fa: {  	v38 =	vld [tilespmem:s25+$0x60];
	_ =	sdelay $0x1  }
0x2fb: {  	v49 =	vadd.s32 v23, v37;
	_ =	sdelay $0x2  }
0x2fc: {  	v38 =	vadd.f32 v38, v34;
	_ =	sdelay $0x1  }
0x2fd: {  	[tilespmem:v49+s17+$0x0] =	vst.idx.msk $0xffff, v38  }
0x2fe: {  	v38 =	vld [tilespmem:s25+$0x70];
	_ =	sdelay $0x1  }
0x2ff: {  	v37 =	vadd.s32 v24, v37;
	_ =	sdelay $0x1  }
0x300: {  	s1 =	sadd.s32 $0x6, s28  }
0x301: {  	v50 =	vmov s1;
	v38 =	vadd.f32 v38, v33  }
0x302: {  	v39 =	vshrl.u32 v50, $0x3  }
0x303: {  	v51 =	vshll.u32 v39, v0;
	[tilespmem:v37+s17+$0x0] =	vst.idx.msk $0xffff, v38  }
0x304: {  	v37 =	vbroadcast v51, $0x0;
	v38 =	vld [tilespmem:s25+$0x80];
	_ =	sdelay $0x1  }
0x305: {  	v52 =	vadd.s32 v25, v37;
	_ =	sdelay $0x2  }
0x306: {  	v38 =	vadd.f32 v38, v35;
	_ =	sdelay $0x1  }
0x307: {  	[tilespmem:v52+s17+$0x0] =	vst.idx.msk $0xffff, v38  }
0x308: {  	v38 =	vld [tilespmem:s25+$0x90];
	_ =	sdelay $0x1  }
0x309: {  	v53 =	vadd.s32 v26, v37;
	_ =	sdelay $0x2  }
0x30a: {  	v38 =	vadd.f32 v38, v36;
	_ =	sdelay $0x1  }
0x30b: {  	[tilespmem:v53+s17+$0x0] =	vst.idx.msk $0xffff, v38  }
0x30c: {  	v38 =	vld [tilespmem:s25+$0xA0];
	_ =	sdelay $0x1  }
0x30d: {  	v54 =	vadd.s32 v27, v37;
	_ =	sdelay $0x2  }
0x30e: {  	v38 =	vadd.f32 v38, v34;
	_ =	sdelay $0x1  }
0x30f: {  	[tilespmem:v54+s17+$0x0] =	vst.idx.msk $0xffff, v38  }
0x310: {  	v38 =	vld [tilespmem:s25+$0xB0];
	_ =	sdelay $0x1  }
0x311: {  	v37 =	vadd.s32 v28, v37;
	_ =	sdelay $0x1  }
0x312: {  	s1 =	sadd.s32 $0x7, s28  }
0x313: {  	v55 =	vmov s1;
	v38 =	vadd.f32 v38, v33  }
0x314: {  	v39 =	vshrl.u32 v55, $0x3  }
0x315: {  	v56 =	vshll.u32 v39, v0;
	[tilespmem:v37+s17+$0x0] =	vst.idx.msk $0xffff, v38  }
0x316: {  	v37 =	vbroadcast v56, $0x0;
	v38 =	vld [tilespmem:s25+$0xC0];
	_ =	sdelay $0x1  }
0x317: {  	v57 =	vadd.s32 v29, v37;
	_ =	sdelay $0x2  }
0x318: {  	v58 =	vadd.f32 v38, v35;
	_ =	sdelay $0x1  }
0x319: {  	[tilespmem:v57+s17+$0x0] =	vst.idx.msk $0xffff, v58  }
0x31a: {  	v35 =	vld [tilespmem:s25+$0xD0];
	_ =	sdelay $0x1  }
0x31b: {  	v59 =	vadd.s32 v30, v37;
	_ =	sdelay $0x2  }
0x31c: {  	v35 =	vadd.f32 v35, v36;
	_ =	sdelay $0x1  }
0x31d: {  	[tilespmem:v59+s17+$0x0] =	vst.idx.msk $0xffff, v35  }
0x31e: {  	v35 =	vld [tilespmem:s25+$0xE0];
	_ =	sdelay $0x1  }
0x31f: {  	v60 =	vadd.s32 v31, v37;
	_ =	sdelay $0x2  }
0x320: {  	v61 =	vadd.f32 v35, v34;
	_ =	sdelay $0x1  }
0x321: {  	[tilespmem:v60+s17+$0x0] =	vst.idx.msk $0xffff, v61  }
0x322: {  	v34 =	vld [tilespmem:s25+$0xF0];
	_ =	sdelay $0x1  }
0x323: {  	v62 =	vadd.s32 v32, v37;
	_ =	sdelay $0x1  }
0x324: {  	p1 =	seq.s32 s24, $0x63  }
0x325: {  	s25 =	sshll.u32 @!p1 s26, $0x7;
	v63 =	vadd.f32 v34, v33  }
0x326: {  	s29 =	simm.s32 @!p1 $0x9600;
	s0 =	sadd.s32 @!p1 $0x100, s25  }
0x327: {  	s28 =	simm.s32 @!p1 $0x80;
	s1 =	sshll.u32 s24, $0x13;
	s0 =	sand.u32 @!p1 $0xFF00, s0;
	[tilespmem:v62+s17+$0x0] =	vst.idx.msk $0xffff, v63  }
0x328: {  	[tilespmem:s29], [sflag:$0x1] =	stream.indirect.gather @!p1 [hbm4b:s5+s28], $0x40, s0, s28, $0xb8;
	[tilespmem:$0x11A00] =	vst v63  }
0x329: {  	s0 =	sor.u32 s4, s1  }
0x32a: {  	s0 =	sshrl.u32 s0, $0x3  }
0x32b: {  	s1 =	simm.s32 $0xD600;
	s29 =	sadd.s32 s2, s0  }
0x32c: {  	[hbm4b:s29+s3] =	stream.linear.scatter [tilespmem:s1], [sflag:$0x3], $0x80, $0x38;
	[tilespmem:$0x11A00] =	vst v63  }
0x32d: {  	s1 =	simm.s32 $0xD688;
	s28 =	sadd.s32 $0x10, s29  }
0x32e: {  	[hbm4b:s28+s3] =	stream.linear.scatter [tilespmem:s1], [sflag:$0x3], $0x80, $0x38;
	[tilespmem:$0x11A00] =	vst v63  }
0x32f: {  	s1 =	simm.s32 $0xD710;
	s28 =	sadd.s32 $0x20, s29  }
0x330: {  	[hbm4b:s28+s3] =	stream.linear.scatter [tilespmem:s1], [sflag:$0x3], $0x80, $0x38;
	[tilespmem:$0x11A00] =	vst v63  }
0x331: {  	s1 =	simm.s32 $0xD798;
	s28 =	sadd.s32 $0x30, s29  }
0x332: {  	[hbm4b:s28+s3] =	stream.linear.scatter [tilespmem:s1], [sflag:$0x3], $0x80, $0x38;
	[tilespmem:$0x11A00] =	vst v63  }
0x333: {  	s1 =	simm.s32 $0xD820;
	s28 =	sadd.s32 $0x40, s29  }
0x334: {  	[hbm4b:s28+s3] =	stream.linear.scatter [tilespmem:s1], [sflag:$0x3], $0x80, $0x38;
	[tilespmem:$0x11A00] =	vst v63  }
0x335: {  	s30 =	simm.s32 $0x2200;
	s1 =	simm.s32 $0xD8A8;
	s28 =	sadd.s32 $0x50, s29  }
0x336: {  	[hbm4b:s28+s3] =	stream.linear.scatter [tilespmem:s1], [sflag:$0x3], $0x80, $0x38;
	[tilespmem:$0x11A00] =	vst v63  }
0x337: {  	s31 =	simm.s32 $0xD9B8;
	s1 =	simm.s32 $0xD930;
	s28 =	sadd.s32 $0x60, s29  }
0x338: {  	[hbm4b:s28+s3] =	stream.linear.scatter [tilespmem:s1], [sflag:$0x3], $0x80, $0x38;
	[tilespmem:$0x11A00] =	vst v63  }
0x339: {  	s0 =	sadd.s32 $0x70, s29;
	s29 =	sadd.s32 $0x1000, s29;
	s28 =	simm.s32 $0x440  }
.LBB2_7:
0x33a: {  	[hbm4b:s0+s3] =	stream.linear.scatter [tilespmem:s31], [sflag:$0x3], $0x80, $0x38;
	[tilespmem:$0x11A00] =	vst v63  }
0x33b: {  	s0 =	smov.u32 s28;
	s28 =	smov.u32 s30  }
0x33c: {  	s1 =	sadd.s32 $0x1100, s30;
	s28 =	sshra.s32 s28, $0x2;
	s31 =	sadd.s32 $0xD600, s0  }
0x33d: {  	[hbm4b:s29+s3] =	stream.linear.scatter [tilespmem:s31], [sflag:$0x3], $0x80, $0x38;
	[tilespmem:$0x11A00] =	vst v63  }
0x33e: {  	p2 =	sne.s32 s30, $0x7700;
	s30 =	sadd.s32 $0xD688, s0;
	s31 =	sadd.s32 $0x10, s29  }
0x33f: {  	[hbm4b:s31+s3] =	stream.linear.scatter [tilespmem:s30], [sflag:$0x3], $0x80, $0x38;
	[tilespmem:$0x11A00] =	vst v63  }
0x340: {  	s30 =	sadd.s32 $0xD710, s0;
	s31 =	sadd.s32 $0x20, s29  }
0x341: {  	[hbm4b:s31+s3] =	stream.linear.scatter [tilespmem:s30], [sflag:$0x3], $0x80, $0x38;
	[tilespmem:$0x11A00] =	vst v63  }
0x342: {  	s30 =	sadd.s32 $0xD798, s0;
	s31 =	sadd.s32 $0x30, s29  }
0x343: {  	[hbm4b:s31+s3] =	stream.linear.scatter [tilespmem:s30], [sflag:$0x3], $0x80, $0x38;
	[tilespmem:$0x11A00] =	vst v63  }
0x344: {  	s30 =	sadd.s32 $0xD820, s0;
	s31 =	sadd.s32 $0x40, s29  }
0x345: {  	[hbm4b:s31+s3] =	stream.linear.scatter [tilespmem:s30], [sflag:$0x3], $0x80, $0x38;
	[tilespmem:$0x11A00] =	vst v63  }
0x346: {  	s30 =	sadd.s32 $0xD8A8, s0;
	s31 =	sadd.s32 $0x50, s29  }
0x347: {  	[hbm4b:s31+s3] =	stream.linear.scatter [tilespmem:s30], [sflag:$0x3], $0x80, $0x38;
	[tilespmem:$0x11A00] =	vst v63  }
.Ltmp2:
0x348: {  	_ = 	snop;
	(pc) =	sbr.rel @p2 .LBB2_7-.Ltmp2, $4  }
0x349: {  	s30 =	sadd.s32 $0xD930, s0;
	s31 =	sadd.s32 $0x60, s29  }
0x34a: {  	[hbm4b:s31+s3] =	stream.linear.scatter [tilespmem:s30], [sflag:$0x3], $0x80, $0x38;
	[tilespmem:$0x11A00] =	vst v63  }
0x34b: {  	s31 =	sadd.s32 $0xD9B8, s0  }
0x34c: {  	s0 =	sadd.s32 $0x70, s29;
	s29 =	sadd.s32 $0x1000, s29;
	s30 =	smov.u32 s1  }
0x34d: {  	[hbm4b:s0+s3] =	stream.linear.scatter [tilespmem:s31], [sflag:$0x3], $0x80, $0x38;
	[tilespmem:$0x11A00] =	vst v63  }
0x34e: {  	s1 =	sadd.s32 $0xD600, s28  }
0x34f: {  	[hbm4b:s29+s3] =	stream.linear.scatter [tilespmem:s1], [sflag:$0x3], $0x80, $0x38;
	[tilespmem:$0x11A00] =	vst v63  }
0x350: {  	s31 =	sadd.s32 $0xD688, s28;
	s1 =	sadd.s32 $0x10, s29  }
0x351: {  	[hbm4b:s1+s3] =	stream.linear.scatter [tilespmem:s31], [sflag:$0x3], $0x80, $0x38;
	[tilespmem:$0x11A00] =	vst v63  }
0x352: {  	s1 =	sadd.s32 $0xD710, s28;
	s31 =	sadd.s32 $0x20, s29  }
0x353: {  	[hbm4b:s31+s3] =	stream.linear.scatter [tilespmem:s1], [sflag:$0x3], $0x80, $0x38;
	[tilespmem:$0x11A00] =	vst v63  }
0x354: {  	s1 =	sadd.s32 $0xD798, s28;
	s31 =	sadd.s32 $0x30, s29  }
0x355: {  	[hbm4b:s31+s3] =	stream.linear.scatter [tilespmem:s1], [sflag:$0x3], $0x80, $0x38;
	[tilespmem:$0x11A00] =	vst v63  }
0x356: {  	s1 =	sadd.s32 $0xD820, s28;
	s31 =	sadd.s32 $0x40, s29  }
0x357: {  	[hbm4b:s31+s3] =	stream.linear.scatter [tilespmem:s1], [sflag:$0x3], $0x80, $0x38;
	[tilespmem:$0x11A00] =	vst v63  }
0x358: {  	s1 =	sadd.s32 $0xD8A8, s28;
	s31 =	sadd.s32 $0x50, s29  }
0x359: {  	[hbm4b:s31+s3] =	stream.linear.scatter [tilespmem:s1], [sflag:$0x3], $0x80, $0x38;
	[tilespmem:$0x11A00] =	vst v63  }
0x35a: {  	s1 =	sadd.s32 $0xD930, s28;
	s31 =	sadd.s32 $0x60, s29  }
0x35b: {  	[hbm4b:s31+s3] =	stream.linear.scatter [tilespmem:s1], [sflag:$0x3], $0x80, $0x38;
	[tilespmem:$0x11A00] =	vst v63  }
0x35c: {  	s1 =	sadd.s32 $0xD9B8, s28;
	s31 =	sadd.s32 $0x70, s29  }
0x35d: {  	[hbm4b:s31+s3] =	stream.linear.scatter [tilespmem:s1], [sflag:$0x3], $0x80, $0x38;
	[tilespmem:$0x11A00] =	vst v63  }
0x35e: {  	_ =	swait.ge [sflag:s18], $0x2000  }
0x35f: {  	[sflag:s18] =	ssyncset.done $0x0  }
0x360: {  	s0 =	simm.s32 @!p0 $0x4;
	[sflag:s18] =	ssyncadd.s32 $0xFFFFE000  }
0x361: {  	s26 =	sor.u32 $0x1, s26;
	s31 =	simm.s32 $0x0;
	_ =	swait.ge @!p0 [sflag:s0], $0x2000  }
0x362: {  	s28 =	sshll.u32 s26, $0x6;
	v33 =	vmov s31;
	[sflag:s0] =	ssyncset.done @!p0 $0x0  }
0x363: {  	s1 =	sand.u32 $0x3FFFFFC0, s28;
	v33 =	vshrl.u32 v33, $0x3;
	[sflag:s0] =	ssyncadd.s32 @!p0 $0xFFFFE000  }
0x364: {  	s28 =	simm.s32 $0xB7F0;
	v33 =	vshll.u32 v33, v0;
	v35 =	vld [tilespmem:s1+$0x6400]  }
0x365: {  	v38 =	vbroadcast v33, $0x0;
	v37 =	vld [tilespmem:s28+$0xFFFFFE10];
	_ =	sdelay $0x1  }
0x366: {  	v39 =	vadd.s32 v1, v38;
	_ =	sdelay $0x2  }
0x367: {  	v36 =	vld [tilespmem:s1+$0x6410];
	v37 =	vadd.f32 v37, v35  }
0x368: {  	v34 =	vld [tilespmem:s1+$0x6420]  }
0x369: {  	v33 =	vld [tilespmem:s1+$0x6430];
	[tilespmem:v39+s19+$0x0] =	vst.idx.msk $0xffff, v37  }
0x36a: {  	v37 =	vld [tilespmem:s28+$0xFFFFFE20];
	_ =	sdelay $0x1  }
0x36b: {  	v48 =	vadd.s32 v2, v38;
	_ =	sdelay $0x2  }
0x36c: {  	v37 =	vadd.f32 v37, v36;
	_ =	sdelay $0x1  }
0x36d: {  	[tilespmem:v48+s19+$0x0] =	vst.idx.msk $0xffff, v37  }
0x36e: {  	v37 =	vld [tilespmem:s28+$0xFFFFFE30];
	_ =	sdelay $0x1  }
0x36f: {  	v49 =	vadd.s32 v3, v38;
	_ =	sdelay $0x2  }
0x370: {  	v37 =	vadd.f32 v37, v34;
	_ =	sdelay $0x1  }
0x371: {  	[tilespmem:v49+s19+$0x0] =	vst.idx.msk $0xffff, v37  }
0x372: {  	v37 =	vld [tilespmem:s28+$0xFFFFFE40];
	_ =	sdelay $0x1  }
0x373: {  	v38 =	vadd.s32 v4, v38;
	_ =	sdelay $0x1  }
0x374: {  	s31 =	simm.s32 $0x1  }
0x375: {  	v50 =	vmov s31;
	v37 =	vadd.f32 v37, v33  }
0x376: {  	v39 =	vshrl.u32 v50, $0x3  }
0x377: {  	v51 =	vshll.u32 v39, v0;
	[tilespmem:v38+s19+$0x0] =	vst.idx.msk $0xffff, v37  }
0x378: {  	v37 =	vbroadcast v51, $0x0;
	v38 =	vld [tilespmem:s28+$0xFFFFFE50];
	_ =	sdelay $0x1  }
0x379: {  	v52 =	vadd.s32 v5, v37;
	_ =	sdelay $0x2  }
0x37a: {  	v38 =	vadd.f32 v38, v35;
	_ =	sdelay $0x1  }
0x37b: {  	[tilespmem:v52+s19+$0x0] =	vst.idx.msk $0xffff, v38  }
0x37c: {  	v38 =	vld [tilespmem:s28+$0xFFFFFE60];
	_ =	sdelay $0x1  }
0x37d: {  	v53 =	vadd.s32 v6, v37;
	_ =	sdelay $0x2  }
0x37e: {  	v38 =	vadd.f32 v38, v36;
	_ =	sdelay $0x1  }
0x37f: {  	[tilespmem:v53+s19+$0x0] =	vst.idx.msk $0xffff, v38  }
0x380: {  	v38 =	vld [tilespmem:s28+$0xFFFFFE70];
	_ =	sdelay $0x1  }
0x381: {  	v54 =	vadd.s32 v7, v37;
	_ =	sdelay $0x2  }
0x382: {  	v38 =	vadd.f32 v38, v34;
	_ =	sdelay $0x1  }
0x383: {  	[tilespmem:v54+s19+$0x0] =	vst.idx.msk $0xffff, v38  }
0x384: {  	v38 =	vld [tilespmem:s28+$0xFFFFFE80];
	_ =	sdelay $0x1  }
0x385: {  	v37 =	vadd.s32 v8, v37;
	_ =	sdelay $0x1  }
0x386: {  	s1 =	simm.s32 $0x2  }
0x387: {  	v55 =	vmov s1;
	v38 =	vadd.f32 v38, v33  }
0x388: {  	v39 =	vshrl.u32 v55, $0x3  }
0x389: {  	v56 =	vshll.u32 v39, v0;
	[tilespmem:v37+s19+$0x0] =	vst.idx.msk $0xffff, v38  }
0x38a: {  	v37 =	vbroadcast v56, $0x0;
	v38 =	vld [tilespmem:s28+$0xFFFFFE90];
	_ =	sdelay $0x1  }
0x38b: {  	v57 =	vadd.s32 v9, v37;
	_ =	sdelay $0x2  }
0x38c: {  	v38 =	vadd.f32 v38, v35;
	_ =	sdelay $0x1  }
0x38d: {  	[tilespmem:v57+s19+$0x0] =	vst.idx.msk $0xffff, v38  }
0x38e: {  	v38 =	vld [tilespmem:s28+$0xFFFFFEA0];
	_ =	sdelay $0x1  }
0x38f: {  	v58 =	vadd.s32 v10, v37;
	_ =	sdelay $0x2  }
0x390: {  	v38 =	vadd.f32 v38, v36;
	_ =	sdelay $0x1  }
0x391: {  	[tilespmem:v58+s19+$0x0] =	vst.idx.msk $0xffff, v38  }
0x392: {  	v38 =	vld [tilespmem:s28+$0xFFFFFEB0];
	_ =	sdelay $0x1  }
0x393: {  	v59 =	vadd.s32 v11, v37;
	_ =	sdelay $0x2  }
0x394: {  	v38 =	vadd.f32 v38, v34;
	_ =	sdelay $0x1  }
0x395: {  	[tilespmem:v59+s19+$0x0] =	vst.idx.msk $0xffff, v38  }
0x396: {  	v38 =	vld [tilespmem:s28+$0xFFFFFEC0];
	_ =	sdelay $0x1  }
0x397: {  	v37 =	vadd.s32 v12, v37;
	_ =	sdelay $0x1  }
0x398: {  	s31 =	simm.s32 $0x3  }
0x399: {  	v60 =	vmov s31;
	v38 =	vadd.f32 v38, v33  }
0x39a: {  	v39 =	vshrl.u32 v60, $0x3  }
0x39b: {  	v61 =	vshll.u32 v39, v0;
	[tilespmem:v37+s19+$0x0] =	vst.idx.msk $0xffff, v38  }
0x39c: {  	v37 =	vbroadcast v61, $0x0;
	v38 =	vld [tilespmem:s28+$0xFFFFFED0];
	_ =	sdelay $0x1  }
0x39d: {  	v62 =	vadd.s32 v13, v37;
	_ =	sdelay $0x2  }
0x39e: {  	v38 =	vadd.f32 v38, v35;
	_ =	sdelay $0x1  }
0x39f: {  	[tilespmem:v62+s19+$0x0] =	vst.idx.msk $0xffff, v38  }
0x3a0: {  	v38 =	vld [tilespmem:s28+$0xFFFFFEE0];
	_ =	sdelay $0x1  }
0x3a1: {  	v63 =	vadd.s32 v14, v37;
	_ =	sdelay $0x2  }
0x3a2: {  	v38 =	vadd.f32 v38, v36;
	_ =	sdelay $0x1  }
0x3a3: {  	[tilespmem:v63+s19+$0x0] =	vst.idx.msk $0xffff, v38  }
0x3a4: {  	v38 =	vld [tilespmem:s28+$0xFFFFFEF0];
	_ =	sdelay $0x1  }
0x3a5: {  	v42 =	vadd.s32 v15, v37;
	_ =	sdelay $0x2  }
0x3a6: {  	v38 =	vadd.f32 v38, v34;
	_ =	sdelay $0x1  }
0x3a7: {  	[tilespmem:v42+s19+$0x0] =	vst.idx.msk $0xffff, v38  }
0x3a8: {  	v38 =	vld [tilespmem:s28+$0xFFFFFF00];
	_ =	sdelay $0x1  }
0x3a9: {  	v37 =	vadd.s32 v16, v37;
	_ =	sdelay $0x1  }
0x3aa: {  	s1 =	simm.s32 $0x4  }
0x3ab: {  	v43 =	vmov s1;
	v38 =	vadd.f32 v38, v33  }
0x3ac: {  	v39 =	vshrl.u32 v43, $0x3  }
0x3ad: {  	v44 =	vshll.u32 v39, v0;
	[tilespmem:v37+s19+$0x0] =	vst.idx.msk $0xffff, v38  }
0x3ae: {  	v37 =	vbroadcast v44, $0x0;
	v38 =	vld [tilespmem:s28+$0xFFFFFF10];
	_ =	sdelay $0x1  }
0x3af: {  	v45 =	vadd.s32 v17, v37;
	_ =	sdelay $0x2  }
0x3b0: {  	v38 =	vadd.f32 v38, v35;
	_ =	sdelay $0x1  }
0x3b1: {  	[tilespmem:v45+s19+$0x0] =	vst.idx.msk $0xffff, v38  }
0x3b2: {  	v38 =	vld [tilespmem:s28+$0xFFFFFF20];
	_ =	sdelay $0x1  }
0x3b3: {  	v46 =	vadd.s32 v18, v37;
	_ =	sdelay $0x2  }
0x3b4: {  	v38 =	vadd.f32 v38, v36;
	_ =	sdelay $0x1  }
0x3b5: {  	[tilespmem:v46+s19+$0x0] =	vst.idx.msk $0xffff, v38  }
0x3b6: {  	v38 =	vld [tilespmem:s28+$0xFFFFFF30];
	_ =	sdelay $0x1  }
0x3b7: {  	v47 =	vadd.s32 v19, v37;
	_ =	sdelay $0x2  }
0x3b8: {  	v38 =	vadd.f32 v38, v34;
	_ =	sdelay $0x1  }
0x3b9: {  	[tilespmem:v47+s19+$0x0] =	vst.idx.msk $0xffff, v38  }
0x3ba: {  	v38 =	vld [tilespmem:s28+$0xFFFFFF40];
	_ =	sdelay $0x1  }
0x3bb: {  	v37 =	vadd.s32 v20, v37;
	_ =	sdelay $0x1  }
0x3bc: {  	s31 =	simm.s32 $0x5  }
0x3bd: {  	v48 =	vmov s31;
	v38 =	vadd.f32 v38, v33  }
0x3be: {  	v39 =	vshrl.u32 v48, $0x3  }
0x3bf: {  	v49 =	vshll.u32 v39, v0;
	[tilespmem:v37+s19+$0x0] =	vst.idx.msk $0xffff, v38  }
0x3c0: {  	v37 =	vbroadcast v49, $0x0;
	v38 =	vld [tilespmem:s28+$0xFFFFFF50];
	_ =	sdelay $0x1  }
0x3c1: {  	v50 =	vadd.s32 v21, v37;
	_ =	sdelay $0x2  }
0x3c2: {  	v38 =	vadd.f32 v38, v35;
	_ =	sdelay $0x1  }
0x3c3: {  	[tilespmem:v50+s19+$0x0] =	vst.idx.msk $0xffff, v38  }
0x3c4: {  	v38 =	vld [tilespmem:s28+$0xFFFFFF60];
	_ =	sdelay $0x1  }
0x3c5: {  	v51 =	vadd.s32 v22, v37;
	_ =	sdelay $0x2  }
0x3c6: {  	v38 =	vadd.f32 v38, v36;
	_ =	sdelay $0x1  }
0x3c7: {  	[tilespmem:v51+s19+$0x0] =	vst.idx.msk $0xffff, v38  }
0x3c8: {  	v38 =	vld [tilespmem:s28+$0xFFFFFF70];
	_ =	sdelay $0x1  }
0x3c9: {  	v52 =	vadd.s32 v23, v37;
	_ =	sdelay $0x2  }
0x3ca: {  	v38 =	vadd.f32 v38, v34;
	_ =	sdelay $0x1  }
0x3cb: {  	[tilespmem:v52+s19+$0x0] =	vst.idx.msk $0xffff, v38  }
0x3cc: {  	v38 =	vld [tilespmem:s28+$0xFFFFFF80];
	_ =	sdelay $0x1  }
0x3cd: {  	v37 =	vadd.s32 v24, v37;
	_ =	sdelay $0x1  }
0x3ce: {  	s1 =	simm.s32 $0x6  }
0x3cf: {  	v53 =	vmov s1;
	v38 =	vadd.f32 v38, v33  }
0x3d0: {  	v39 =	vshrl.u32 v53, $0x3  }
0x3d1: {  	v54 =	vshll.u32 v39, v0;
	[tilespmem:v37+s19+$0x0] =	vst.idx.msk $0xffff, v38  }
0x3d2: {  	v37 =	vbroadcast v54, $0x0;
	v38 =	vld [tilespmem:s28+$0xFFFFFF90];
	_ =	sdelay $0x1  }
0x3d3: {  	v55 =	vadd.s32 v25, v37;
	_ =	sdelay $0x2  }
0x3d4: {  	v38 =	vadd.f32 v38, v35;
	_ =	sdelay $0x1  }
0x3d5: {  	[tilespmem:v55+s19+$0x0] =	vst.idx.msk $0xffff, v38  }
0x3d6: {  	v38 =	vld [tilespmem:s28+$0xFFFFFFA0];
	_ =	sdelay $0x1  }
0x3d7: {  	v56 =	vadd.s32 v26, v37;
	_ =	sdelay $0x2  }
0x3d8: {  	v38 =	vadd.f32 v38, v36;
	_ =	sdelay $0x1  }
0x3d9: {  	[tilespmem:v56+s19+$0x0] =	vst.idx.msk $0xffff, v38  }
0x3da: {  	v38 =	vld [tilespmem:s28+$0xFFFFFFB0];
	_ =	sdelay $0x1  }
0x3db: {  	v57 =	vadd.s32 v27, v37;
	_ =	sdelay $0x2  }
0x3dc: {  	v38 =	vadd.f32 v38, v34;
	_ =	sdelay $0x1  }
0x3dd: {  	[tilespmem:v57+s19+$0x0] =	vst.idx.msk $0xffff, v38  }
0x3de: {  	v38 =	vld [tilespmem:s28+$0xFFFFFFC0];
	_ =	sdelay $0x1  }
0x3df: {  	v37 =	vadd.s32 v28, v37;
	_ =	sdelay $0x1  }
0x3e0: {  	s31 =	simm.s32 $0x7  }
0x3e1: {  	v58 =	vmov s31;
	v38 =	vadd.f32 v38, v33  }
0x3e2: {  	v39 =	vshrl.u32 v58, $0x3  }
0x3e3: {  	v59 =	vshll.u32 v39, v0;
	[tilespmem:v37+s19+$0x0] =	vst.idx.msk $0xffff, v38  }
0x3e4: {  	v37 =	vbroadcast v59, $0x0;
	v38 =	vld [tilespmem:s28+$0xFFFFFFD0];
	_ =	sdelay $0x1  }
0x3e5: {  	v60 =	vadd.s32 v29, v37;
	_ =	sdelay $0x2  }
0x3e6: {  	v38 =	vadd.f32 v38, v35;
	_ =	sdelay $0x1  }
0x3e7: {  	[tilespmem:v60+s19+$0x0] =	vst.idx.msk $0xffff, v38  }
0x3e8: {  	v38 =	vld [tilespmem:s28+$0xFFFFFFE0];
	_ =	sdelay $0x1  }
0x3e9: {  	v61 =	vadd.s32 v30, v37;
	_ =	sdelay $0x2  }
0x3ea: {  	v38 =	vadd.f32 v38, v36;
	_ =	sdelay $0x1  }
0x3eb: {  	[tilespmem:v61+s19+$0x0] =	vst.idx.msk $0xffff, v38  }
0x3ec: {  	v38 =	vld [tilespmem:s28+$0xFFFFFFF0];
	_ =	sdelay $0x1  }
0x3ed: {  	v62 =	vadd.s32 v31, v37;
	_ =	sdelay $0x2  }
0x3ee: {  	v38 =	vadd.f32 v38, v34;
	_ =	sdelay $0x1  }
0x3ef: {  	[tilespmem:v62+s19+$0x0] =	vst.idx.msk $0xffff, v38  }
0x3f0: {  	v38 =	vld [tilespmem:s28+$0x0];
	_ =	sdelay $0x1  }
0x3f1: {  	v37 =	vadd.s32 v32, v37  }
0x3f2: {  	s29 =	simm.s32 $0x8  }
0x3f3: {  	v63 =	vmov s29  }
0x3f4: {  	s30 =	simm.s32 $0x10;
	v39 =	vshrl.u32 v63, $0x3;
	v38 =	vadd.f32 v38, v33  }
.LBB2_9:
0x3f5: {  	p0 =	slt.u32 s30, $0x78  }
0x3f6: {  	v39 =	vshll.u32 v39, v0;
	[tilespmem:v37+s19+$0x0] =	vst.idx.msk $0xffff, v38;
	s28 =	sadd.s32 $0x200, s28;
	s31 =	smov.u32 s30;
	s30 =	sadd.s32 $0x8, s30  }
0x3f7: {  	v37 =	vld [tilespmem:s28+$0xFFFFFE10];
	v38 =	vbroadcast v39, $0x0;
	_ =	sdelay $0x1  }
0x3f8: {  	v39 =	vadd.s32 v1, v38;
	_ =	sdelay $0x2  }
0x3f9: {  	v37 =	vadd.f32 v37, v35;
	_ =	sdelay $0x1  }
0x3fa: {  	[tilespmem:v39+s19+$0x0] =	vst.idx.msk $0xffff, v37  }
0x3fb: {  	v37 =	vld [tilespmem:s28+$0xFFFFFE20];
	_ =	sdelay $0x1  }
0x3fc: {  	v39 =	vadd.s32 v2, v38;
	_ =	sdelay $0x2  }
0x3fd: {  	v37 =	vadd.f32 v37, v36;
	_ =	sdelay $0x1  }
0x3fe: {  	[tilespmem:v39+s19+$0x0] =	vst.idx.msk $0xffff, v37  }
0x3ff: {  	v37 =	vld [tilespmem:s28+$0xFFFFFE30];
	_ =	sdelay $0x1  }
0x400: {  	v39 =	vadd.s32 v3, v38;
	_ =	sdelay $0x2  }
0x401: {  	v37 =	vadd.f32 v37, v34;
	_ =	sdelay $0x1  }
0x402: {  	[tilespmem:v39+s19+$0x0] =	vst.idx.msk $0xffff, v37  }
0x403: {  	v37 =	vld [tilespmem:s28+$0xFFFFFE40];
	_ =	sdelay $0x1  }
0x404: {  	v38 =	vadd.s32 v4, v38;
	_ =	sdelay $0x1  }
0x405: {  	s0 =	sadd.s32 $0x1, s29  }
0x406: {  	v39 =	vmov s0;
	v37 =	vadd.f32 v37, v33  }
0x407: {  	v39 =	vshrl.u32 v39, $0x3  }
0x408: {  	[tilespmem:v38+s19+$0x0] =	vst.idx.msk $0xffff, v37;
	v37 =	vshll.u32 v39, v0  }
0x409: {  	v38 =	vld [tilespmem:s28+$0xFFFFFE50];
	v37 =	vbroadcast v37, $0x0;
	_ =	sdelay $0x1  }
0x40a: {  	v39 =	vadd.s32 v5, v37;
	_ =	sdelay $0x2  }
0x40b: {  	v38 =	vadd.f32 v38, v35;
	_ =	sdelay $0x1  }
0x40c: {  	[tilespmem:v39+s19+$0x0] =	vst.idx.msk $0xffff, v38  }
0x40d: {  	v38 =	vld [tilespmem:s28+$0xFFFFFE60];
	_ =	sdelay $0x1  }
0x40e: {  	v39 =	vadd.s32 v6, v37;
	_ =	sdelay $0x2  }
0x40f: {  	v38 =	vadd.f32 v38, v36;
	_ =	sdelay $0x1  }
0x410: {  	[tilespmem:v39+s19+$0x0] =	vst.idx.msk $0xffff, v38  }
0x411: {  	v38 =	vld [tilespmem:s28+$0xFFFFFE70];
	_ =	sdelay $0x1  }
0x412: {  	v39 =	vadd.s32 v7, v37;
	_ =	sdelay $0x2  }
0x413: {  	v38 =	vadd.f32 v38, v34;
	_ =	sdelay $0x1  }
0x414: {  	[tilespmem:v39+s19+$0x0] =	vst.idx.msk $0xffff, v38  }
0x415: {  	v38 =	vld [tilespmem:s28+$0xFFFFFE80];
	_ =	sdelay $0x1  }
0x416: {  	v37 =	vadd.s32 v8, v37;
	_ =	sdelay $0x1  }
0x417: {  	s0 =	sadd.s32 $0x2, s29  }
0x418: {  	v39 =	vmov s0;
	v38 =	vadd.f32 v38, v33  }
0x419: {  	v39 =	vshrl.u32 v39, $0x3  }
0x41a: {  	[tilespmem:v37+s19+$0x0] =	vst.idx.msk $0xffff, v38;
	v37 =	vshll.u32 v39, v0  }
0x41b: {  	v38 =	vld [tilespmem:s28+$0xFFFFFE90];
	v37 =	vbroadcast v37, $0x0;
	_ =	sdelay $0x1  }
0x41c: {  	v39 =	vadd.s32 v9, v37;
	_ =	sdelay $0x2  }
0x41d: {  	v38 =	vadd.f32 v38, v35;
	_ =	sdelay $0x1  }
0x41e: {  	[tilespmem:v39+s19+$0x0] =	vst.idx.msk $0xffff, v38  }
0x41f: {  	v38 =	vld [tilespmem:s28+$0xFFFFFEA0];
	_ =	sdelay $0x1  }
0x420: {  	v39 =	vadd.s32 v10, v37;
	_ =	sdelay $0x2  }
0x421: {  	v38 =	vadd.f32 v38, v36;
	_ =	sdelay $0x1  }
0x422: {  	[tilespmem:v39+s19+$0x0] =	vst.idx.msk $0xffff, v38  }
0x423: {  	v38 =	vld [tilespmem:s28+$0xFFFFFEB0];
	_ =	sdelay $0x1  }
0x424: {  	v39 =	vadd.s32 v11, v37;
	_ =	sdelay $0x2  }
0x425: {  	v38 =	vadd.f32 v38, v34;
	_ =	sdelay $0x1  }
0x426: {  	[tilespmem:v39+s19+$0x0] =	vst.idx.msk $0xffff, v38  }
0x427: {  	v38 =	vld [tilespmem:s28+$0xFFFFFEC0];
	_ =	sdelay $0x1  }
0x428: {  	v37 =	vadd.s32 v12, v37;
	_ =	sdelay $0x1  }
0x429: {  	s0 =	sadd.s32 $0x3, s29  }
0x42a: {  	v39 =	vmov s0;
	v38 =	vadd.f32 v38, v33  }
0x42b: {  	v39 =	vshrl.u32 v39, $0x3  }
0x42c: {  	[tilespmem:v37+s19+$0x0] =	vst.idx.msk $0xffff, v38;
	v37 =	vshll.u32 v39, v0  }
0x42d: {  	v38 =	vld [tilespmem:s28+$0xFFFFFED0];
	v37 =	vbroadcast v37, $0x0;
	_ =	sdelay $0x1  }
0x42e: {  	v39 =	vadd.s32 v13, v37;
	_ =	sdelay $0x2  }
0x42f: {  	v38 =	vadd.f32 v38, v35;
	_ =	sdelay $0x1  }
0x430: {  	[tilespmem:v39+s19+$0x0] =	vst.idx.msk $0xffff, v38  }
0x431: {  	v38 =	vld [tilespmem:s28+$0xFFFFFEE0];
	_ =	sdelay $0x1  }
0x432: {  	v39 =	vadd.s32 v14, v37;
	_ =	sdelay $0x2  }
0x433: {  	v38 =	vadd.f32 v38, v36;
	_ =	sdelay $0x1  }
0x434: {  	[tilespmem:v39+s19+$0x0] =	vst.idx.msk $0xffff, v38  }
0x435: {  	v38 =	vld [tilespmem:s28+$0xFFFFFEF0];
	_ =	sdelay $0x1  }
0x436: {  	v39 =	vadd.s32 v15, v37;
	_ =	sdelay $0x2  }
0x437: {  	v38 =	vadd.f32 v38, v34;
	_ =	sdelay $0x1  }
0x438: {  	[tilespmem:v39+s19+$0x0] =	vst.idx.msk $0xffff, v38  }
0x439: {  	v38 =	vld [tilespmem:s28+$0xFFFFFF00];
	_ =	sdelay $0x1  }
0x43a: {  	v37 =	vadd.s32 v16, v37;
	_ =	sdelay $0x1  }
0x43b: {  	s0 =	sadd.s32 $0x4, s29  }
0x43c: {  	v39 =	vmov s0;
	v38 =	vadd.f32 v38, v33  }
0x43d: {  	v39 =	vshrl.u32 v39, $0x3  }
0x43e: {  	[tilespmem:v37+s19+$0x0] =	vst.idx.msk $0xffff, v38;
	v37 =	vshll.u32 v39, v0  }
0x43f: {  	v38 =	vld [tilespmem:s28+$0xFFFFFF10];
	v37 =	vbroadcast v37, $0x0;
	_ =	sdelay $0x1  }
0x440: {  	v39 =	vadd.s32 v17, v37;
	_ =	sdelay $0x2  }
0x441: {  	v38 =	vadd.f32 v38, v35;
	_ =	sdelay $0x1  }
0x442: {  	[tilespmem:v39+s19+$0x0] =	vst.idx.msk $0xffff, v38  }
0x443: {  	v38 =	vld [tilespmem:s28+$0xFFFFFF20];
	_ =	sdelay $0x1  }
0x444: {  	v39 =	vadd.s32 v18, v37;
	_ =	sdelay $0x2  }
0x445: {  	v38 =	vadd.f32 v38, v36;
	_ =	sdelay $0x1  }
0x446: {  	[tilespmem:v39+s19+$0x0] =	vst.idx.msk $0xffff, v38  }
0x447: {  	v38 =	vld [tilespmem:s28+$0xFFFFFF30];
	_ =	sdelay $0x1  }
0x448: {  	v39 =	vadd.s32 v19, v37;
	_ =	sdelay $0x2  }
0x449: {  	v38 =	vadd.f32 v38, v34;
	_ =	sdelay $0x1  }
0x44a: {  	[tilespmem:v39+s19+$0x0] =	vst.idx.msk $0xffff, v38  }
0x44b: {  	v38 =	vld [tilespmem:s28+$0xFFFFFF40];
	_ =	sdelay $0x1  }
0x44c: {  	v37 =	vadd.s32 v20, v37;
	_ =	sdelay $0x1  }
0x44d: {  	s0 =	sadd.s32 $0x5, s29  }
0x44e: {  	v39 =	vmov s0;
	v38 =	vadd.f32 v38, v33  }
0x44f: {  	v39 =	vshrl.u32 v39, $0x3  }
0x450: {  	[tilespmem:v37+s19+$0x0] =	vst.idx.msk $0xffff, v38;
	v37 =	vshll.u32 v39, v0  }
0x451: {  	v38 =	vld [tilespmem:s28+$0xFFFFFF50];
	v37 =	vbroadcast v37, $0x0;
	_ =	sdelay $0x1  }
0x452: {  	v39 =	vadd.s32 v21, v37;
	_ =	sdelay $0x2  }
0x453: {  	v38 =	vadd.f32 v38, v35;
	_ =	sdelay $0x1  }
0x454: {  	[tilespmem:v39+s19+$0x0] =	vst.idx.msk $0xffff, v38  }
0x455: {  	v38 =	vld [tilespmem:s28+$0xFFFFFF60];
	_ =	sdelay $0x1  }
0x456: {  	v39 =	vadd.s32 v22, v37;
	_ =	sdelay $0x2  }
0x457: {  	v38 =	vadd.f32 v38, v36;
	_ =	sdelay $0x1  }
0x458: {  	[tilespmem:v39+s19+$0x0] =	vst.idx.msk $0xffff, v38  }
0x459: {  	v38 =	vld [tilespmem:s28+$0xFFFFFF70];
	_ =	sdelay $0x1  }
0x45a: {  	v39 =	vadd.s32 v23, v37;
	_ =	sdelay $0x2  }
0x45b: {  	v38 =	vadd.f32 v38, v34;
	_ =	sdelay $0x1  }
0x45c: {  	[tilespmem:v39+s19+$0x0] =	vst.idx.msk $0xffff, v38  }
0x45d: {  	v38 =	vld [tilespmem:s28+$0xFFFFFF80];
	_ =	sdelay $0x1  }
0x45e: {  	v37 =	vadd.s32 v24, v37;
	_ =	sdelay $0x1  }
0x45f: {  	s0 =	sadd.s32 $0x6, s29  }
0x460: {  	v39 =	vmov s0;
	v38 =	vadd.f32 v38, v33  }
0x461: {  	v39 =	vshrl.u32 v39, $0x3  }
0x462: {  	[tilespmem:v37+s19+$0x0] =	vst.idx.msk $0xffff, v38;
	v37 =	vshll.u32 v39, v0  }
0x463: {  	v38 =	vld [tilespmem:s28+$0xFFFFFF90];
	v37 =	vbroadcast v37, $0x0;
	_ =	sdelay $0x1  }
0x464: {  	v39 =	vadd.s32 v25, v37;
	_ =	sdelay $0x2  }
0x465: {  	v38 =	vadd.f32 v38, v35;
	_ =	sdelay $0x1  }
0x466: {  	[tilespmem:v39+s19+$0x0] =	vst.idx.msk $0xffff, v38  }
0x467: {  	v38 =	vld [tilespmem:s28+$0xFFFFFFA0];
	_ =	sdelay $0x1  }
0x468: {  	v39 =	vadd.s32 v26, v37;
	_ =	sdelay $0x2  }
0x469: {  	v38 =	vadd.f32 v38, v36;
	_ =	sdelay $0x1  }
0x46a: {  	[tilespmem:v39+s19+$0x0] =	vst.idx.msk $0xffff, v38  }
0x46b: {  	v38 =	vld [tilespmem:s28+$0xFFFFFFB0];
	_ =	sdelay $0x1  }
0x46c: {  	v39 =	vadd.s32 v27, v37;
	_ =	sdelay $0x2  }
0x46d: {  	v38 =	vadd.f32 v38, v34;
	_ =	sdelay $0x1  }
0x46e: {  	[tilespmem:v39+s19+$0x0] =	vst.idx.msk $0xffff, v38  }
0x46f: {  	v38 =	vld [tilespmem:s28+$0xFFFFFFC0];
	_ =	sdelay $0x1  }
0x470: {  	v37 =	vadd.s32 v28, v37;
	_ =	sdelay $0x1  }
0x471: {  	s0 =	sadd.s32 $0x7, s29;
	s29 =	smov.u32 s31  }
0x472: {  	v39 =	vmov s0;
	v38 =	vadd.f32 v38, v33  }
0x473: {  	v39 =	vshrl.u32 v39, $0x3  }
0x474: {  	[tilespmem:v37+s19+$0x0] =	vst.idx.msk $0xffff, v38;
	v37 =	vshll.u32 v39, v0  }
0x475: {  	v38 =	vld [tilespmem:s28+$0xFFFFFFD0];
	v37 =	vbroadcast v37, $0x0;
	_ =	sdelay $0x1  }
0x476: {  	v39 =	vadd.s32 v29, v37;
	_ =	sdelay $0x2  }
0x477: {  	v38 =	vadd.f32 v38, v35;
	_ =	sdelay $0x1  }
0x478: {  	[tilespmem:v39+s19+$0x0] =	vst.idx.msk $0xffff, v38  }
0x479: {  	v38 =	vld [tilespmem:s28+$0xFFFFFFE0];
	_ =	sdelay $0x1  }
0x47a: {  	v39 =	vadd.s32 v30, v37;
	_ =	sdelay $0x2  }
0x47b: {  	v38 =	vadd.f32 v38, v36;
	_ =	sdelay $0x1  }
0x47c: {  	[tilespmem:v39+s19+$0x0] =	vst.idx.msk $0xffff, v38  }
0x47d: {  	v38 =	vld [tilespmem:s28+$0xFFFFFFF0];
	_ =	sdelay $0x1  }
0x47e: {  	v39 =	vadd.s32 v31, v37;
	_ =	sdelay $0x2  }
0x47f: {  	v38 =	vadd.f32 v38, v34;
	_ =	sdelay $0x1  }
0x480: {  	[tilespmem:v39+s19+$0x0] =	vst.idx.msk $0xffff, v38  }
0x481: {  	v38 =	vld [tilespmem:s28+$0x0];
	_ =	sdelay $0x1  }
.Ltmp3:
0x482: {  	v37 =	vadd.s32 v32, v37;
	(pc) =	sbr.rel @p0 .LBB2_9-.Ltmp3, $3  }
0x483: {  	_ =	sdelay $0x1  }
0x484: {  	v39 =	vmov s29;
	v38 =	vadd.f32 v38, v33  }
0x485: {  	v39 =	vshrl.u32 v39, $0x3  }
0x486: {  	_ =	sdelay $0x3  }
0x487: {  	v39 =	vshll.u32 v39, v0;
	[tilespmem:v37+s19+$0x0] =	vst.idx.msk $0xffff, v38;
	s28 =	sadd.s32 $0x200, s28  }
0x488: {  	v37 =	vld [tilespmem:s28+$0xFFFFFE10];
	v62 =	vbroadcast v39, $0x0;
	_ =	sdelay $0x1  }
0x489: {  	v39 =	vadd.s32 v1, v62;
	_ =	sdelay $0x2  }
0x48a: {  	v37 =	vadd.f32 v37, v35;
	_ =	sdelay $0x1  }
0x48b: {  	[tilespmem:v39+s19+$0x0] =	vst.idx.msk $0xffff, v37  }
0x48c: {  	v37 =	vld [tilespmem:s28+$0xFFFFFE20];
	_ =	sdelay $0x1  }
0x48d: {  	v2 =	vadd.s32 v2, v62;
	_ =	sdelay $0x2  }
0x48e: {  	v37 =	vadd.f32 v37, v36;
	_ =	sdelay $0x1  }
0x48f: {  	[tilespmem:v2+s19+$0x0] =	vst.idx.msk $0xffff, v37  }
0x490: {  	v2 =	vld [tilespmem:s28+$0xFFFFFE30];
	_ =	sdelay $0x1  }
0x491: {  	v3 =	vadd.s32 v3, v62;
	_ =	sdelay $0x2  }
0x492: {  	v2 =	vadd.f32 v2, v34;
	_ =	sdelay $0x1  }
0x493: {  	[tilespmem:v3+s19+$0x0] =	vst.idx.msk $0xffff, v2  }
0x494: {  	v2 =	vld [tilespmem:s28+$0xFFFFFE40];
	_ =	sdelay $0x1  }
0x495: {  	v3 =	vadd.s32 v4, v62;
	_ =	sdelay $0x1  }
0x496: {  	s0 =	sadd.s32 $0x1, s29  }
0x497: {  	v63 =	vmov s0;
	v2 =	vadd.f32 v2, v33  }
0x498: {  	v4 =	vshrl.u32 v63, $0x3  }
0x499: {  	[tilespmem:v3+s19+$0x0] =	vst.idx.msk $0xffff, v2;
	v2 =	vshll.u32 v4, v0  }
0x49a: {  	v3 =	vld [tilespmem:s28+$0xFFFFFE50];
	v2 =	vbroadcast v2, $0x0;
	_ =	sdelay $0x1  }
0x49b: {  	v37 =	vadd.s32 v5, v2;
	_ =	sdelay $0x2  }
0x49c: {  	v3 =	vadd.f32 v3, v35;
	_ =	sdelay $0x1  }
0x49d: {  	[tilespmem:v37+s19+$0x0] =	vst.idx.msk $0xffff, v3  }
0x49e: {  	v3 =	vld [tilespmem:s28+$0xFFFFFE60];
	_ =	sdelay $0x1  }
0x49f: {  	v38 =	vadd.s32 v6, v2;
	_ =	sdelay $0x2  }
0x4a0: {  	v3 =	vadd.f32 v3, v36;
	_ =	sdelay $0x1  }
0x4a1: {  	[tilespmem:v38+s19+$0x0] =	vst.idx.msk $0xffff, v3  }
0x4a2: {  	v3 =	vld [tilespmem:s28+$0xFFFFFE70];
	_ =	sdelay $0x1  }
0x4a3: {  	v39 =	vadd.s32 v7, v2;
	_ =	sdelay $0x2  }
0x4a4: {  	v3 =	vadd.f32 v3, v34;
	_ =	sdelay $0x1  }
0x4a5: {  	[tilespmem:v39+s19+$0x0] =	vst.idx.msk $0xffff, v3  }
0x4a6: {  	v3 =	vld [tilespmem:s28+$0xFFFFFE80];
	_ =	sdelay $0x1  }
0x4a7: {  	v2 =	vadd.s32 v8, v2;
	_ =	sdelay $0x1  }
0x4a8: {  	s30 =	sadd.s32 $0x2, s29  }
0x4a9: {  	v40 =	vmov s30;
	v3 =	vadd.f32 v3, v33  }
0x4aa: {  	v4 =	vshrl.u32 v40, $0x3  }
0x4ab: {  	[tilespmem:v2+s19+$0x0] =	vst.idx.msk $0xffff, v3;
	v2 =	vshll.u32 v4, v0  }
0x4ac: {  	v3 =	vld [tilespmem:s28+$0xFFFFFE90];
	v2 =	vbroadcast v2, $0x0;
	_ =	sdelay $0x1  }
0x4ad: {  	v41 =	vadd.s32 v9, v2;
	_ =	sdelay $0x2  }
0x4ae: {  	v3 =	vadd.f32 v3, v35;
	_ =	sdelay $0x1  }
0x4af: {  	[tilespmem:v41+s19+$0x0] =	vst.idx.msk $0xffff, v3  }
0x4b0: {  	v3 =	vld [tilespmem:s28+$0xFFFFFEA0];
	_ =	sdelay $0x1  }
0x4b1: {  	v42 =	vadd.s32 v10, v2;
	_ =	sdelay $0x2  }
0x4b2: {  	v3 =	vadd.f32 v3, v36;
	_ =	sdelay $0x1  }
0x4b3: {  	[tilespmem:v42+s19+$0x0] =	vst.idx.msk $0xffff, v3  }
0x4b4: {  	v3 =	vld [tilespmem:s28+$0xFFFFFEB0];
	_ =	sdelay $0x1  }
0x4b5: {  	v43 =	vadd.s32 v11, v2;
	_ =	sdelay $0x2  }
0x4b6: {  	v3 =	vadd.f32 v3, v34;
	_ =	sdelay $0x1  }
0x4b7: {  	[tilespmem:v43+s19+$0x0] =	vst.idx.msk $0xffff, v3  }
0x4b8: {  	v3 =	vld [tilespmem:s28+$0xFFFFFEC0];
	_ =	sdelay $0x1  }
0x4b9: {  	v2 =	vadd.s32 v12, v2;
	_ =	sdelay $0x1  }
0x4ba: {  	s31 =	sadd.s32 $0x3, s29  }
0x4bb: {  	v44 =	vmov s31;
	v3 =	vadd.f32 v3, v33  }
0x4bc: {  	v4 =	vshrl.u32 v44, $0x3  }
0x4bd: {  	[tilespmem:v2+s19+$0x0] =	vst.idx.msk $0xffff, v3;
	v2 =	vshll.u32 v4, v0  }
0x4be: {  	v3 =	vld [tilespmem:s28+$0xFFFFFED0];
	v2 =	vbroadcast v2, $0x0;
	_ =	sdelay $0x1  }
0x4bf: {  	v45 =	vadd.s32 v13, v2;
	_ =	sdelay $0x2  }
0x4c0: {  	v3 =	vadd.f32 v3, v35;
	_ =	sdelay $0x1  }
0x4c1: {  	[tilespmem:v45+s19+$0x0] =	vst.idx.msk $0xffff, v3  }
0x4c2: {  	v3 =	vld [tilespmem:s28+$0xFFFFFEE0];
	_ =	sdelay $0x1  }
0x4c3: {  	v46 =	vadd.s32 v14, v2;
	_ =	sdelay $0x2  }
0x4c4: {  	v3 =	vadd.f32 v3, v36;
	_ =	sdelay $0x1  }
0x4c5: {  	[tilespmem:v46+s19+$0x0] =	vst.idx.msk $0xffff, v3  }
0x4c6: {  	v3 =	vld [tilespmem:s28+$0xFFFFFEF0];
	_ =	sdelay $0x1  }
0x4c7: {  	v47 =	vadd.s32 v15, v2;
	_ =	sdelay $0x2  }
0x4c8: {  	v3 =	vadd.f32 v3, v34;
	_ =	sdelay $0x1  }
0x4c9: {  	[tilespmem:v47+s19+$0x0] =	vst.idx.msk $0xffff, v3  }
0x4ca: {  	v3 =	vld [tilespmem:s28+$0xFFFFFF00];
	_ =	sdelay $0x1  }
0x4cb: {  	v2 =	vadd.s32 v16, v2;
	_ =	sdelay $0x1  }
0x4cc: {  	s1 =	sadd.s32 $0x4, s29  }
0x4cd: {  	v48 =	vmov s1;
	v3 =	vadd.f32 v3, v33  }
0x4ce: {  	v4 =	vshrl.u32 v48, $0x3  }
0x4cf: {  	[tilespmem:v2+s19+$0x0] =	vst.idx.msk $0xffff, v3;
	v2 =	vshll.u32 v4, v0  }
0x4d0: {  	v3 =	vld [tilespmem:s28+$0xFFFFFF10];
	v2 =	vbroadcast v2, $0x0;
	_ =	sdelay $0x1  }
0x4d1: {  	v49 =	vadd.s32 v17, v2;
	_ =	sdelay $0x2  }
0x4d2: {  	v3 =	vadd.f32 v3, v35;
	_ =	sdelay $0x1  }
0x4d3: {  	[tilespmem:v49+s19+$0x0] =	vst.idx.msk $0xffff, v3  }
0x4d4: {  	v3 =	vld [tilespmem:s28+$0xFFFFFF20];
	_ =	sdelay $0x1  }
0x4d5: {  	v50 =	vadd.s32 v18, v2;
	_ =	sdelay $0x2  }
0x4d6: {  	v3 =	vadd.f32 v3, v36;
	_ =	sdelay $0x1  }
0x4d7: {  	[tilespmem:v50+s19+$0x0] =	vst.idx.msk $0xffff, v3  }
0x4d8: {  	v3 =	vld [tilespmem:s28+$0xFFFFFF30];
	_ =	sdelay $0x1  }
0x4d9: {  	v51 =	vadd.s32 v19, v2;
	_ =	sdelay $0x2  }
0x4da: {  	v3 =	vadd.f32 v3, v34;
	_ =	sdelay $0x1  }
0x4db: {  	[tilespmem:v51+s19+$0x0] =	vst.idx.msk $0xffff, v3  }
0x4dc: {  	v3 =	vld [tilespmem:s28+$0xFFFFFF40];
	_ =	sdelay $0x1  }
0x4dd: {  	v2 =	vadd.s32 v20, v2;
	_ =	sdelay $0x1  }
0x4de: {  	s30 =	sadd.s32 $0x5, s29  }
0x4df: {  	v52 =	vmov s30;
	v3 =	vadd.f32 v3, v33  }
0x4e0: {  	v4 =	vshrl.u32 v52, $0x3  }
0x4e1: {  	[tilespmem:v2+s19+$0x0] =	vst.idx.msk $0xffff, v3;
	v2 =	vshll.u32 v4, v0  }
0x4e2: {  	v3 =	vld [tilespmem:s28+$0xFFFFFF50];
	v2 =	vbroadcast v2, $0x0;
	_ =	sdelay $0x1  }
0x4e3: {  	v53 =	vadd.s32 v21, v2;
	_ =	sdelay $0x2  }
0x4e4: {  	v3 =	vadd.f32 v3, v35;
	_ =	sdelay $0x1  }
0x4e5: {  	[tilespmem:v53+s19+$0x0] =	vst.idx.msk $0xffff, v3  }
0x4e6: {  	v3 =	vld [tilespmem:s28+$0xFFFFFF60];
	_ =	sdelay $0x1  }
0x4e7: {  	v54 =	vadd.s32 v22, v2;
	_ =	sdelay $0x2  }
0x4e8: {  	v3 =	vadd.f32 v3, v36;
	_ =	sdelay $0x1  }
0x4e9: {  	[tilespmem:v54+s19+$0x0] =	vst.idx.msk $0xffff, v3  }
0x4ea: {  	v3 =	vld [tilespmem:s28+$0xFFFFFF70];
	_ =	sdelay $0x1  }
0x4eb: {  	v55 =	vadd.s32 v23, v2;
	_ =	sdelay $0x2  }
0x4ec: {  	v3 =	vadd.f32 v3, v34;
	_ =	sdelay $0x1  }
0x4ed: {  	[tilespmem:v55+s19+$0x0] =	vst.idx.msk $0xffff, v3  }
0x4ee: {  	v3 =	vld [tilespmem:s28+$0xFFFFFF80];
	_ =	sdelay $0x1  }
0x4ef: {  	v2 =	vadd.s32 v24, v2;
	_ =	sdelay $0x1  }
0x4f0: {  	s31 =	sadd.s32 $0x6, s29  }
0x4f1: {  	v56 =	vmov s31;
	v3 =	vadd.f32 v3, v33  }
0x4f2: {  	v4 =	vshrl.u32 v56, $0x3  }
0x4f3: {  	[tilespmem:v2+s19+$0x0] =	vst.idx.msk $0xffff, v3;
	v2 =	vshll.u32 v4, v0  }
0x4f4: {  	v3 =	vld [tilespmem:s28+$0xFFFFFF90];
	v2 =	vbroadcast v2, $0x0;
	_ =	sdelay $0x1  }
0x4f5: {  	v57 =	vadd.s32 v25, v2;
	_ =	sdelay $0x2  }
0x4f6: {  	v3 =	vadd.f32 v3, v35;
	_ =	sdelay $0x1  }
0x4f7: {  	[tilespmem:v57+s19+$0x0] =	vst.idx.msk $0xffff, v3  }
0x4f8: {  	v3 =	vld [tilespmem:s28+$0xFFFFFFA0];
	_ =	sdelay $0x1  }
0x4f9: {  	v58 =	vadd.s32 v26, v2;
	_ =	sdelay $0x2  }
0x4fa: {  	v3 =	vadd.f32 v3, v36;
	_ =	sdelay $0x1  }
0x4fb: {  	[tilespmem:v58+s19+$0x0] =	vst.idx.msk $0xffff, v3  }
0x4fc: {  	v3 =	vld [tilespmem:s28+$0xFFFFFFB0];
	_ =	sdelay $0x1  }
0x4fd: {  	v59 =	vadd.s32 v27, v2;
	_ =	sdelay $0x2  }
0x4fe: {  	v3 =	vadd.f32 v3, v34;
	_ =	sdelay $0x1  }
0x4ff: {  	[tilespmem:v59+s19+$0x0] =	vst.idx.msk $0xffff, v3  }
0x500: {  	v3 =	vld [tilespmem:s28+$0xFFFFFFC0];
	_ =	sdelay $0x1  }
0x501: {  	v2 =	vadd.s32 v28, v2;
	_ =	sdelay $0x1  }
0x502: {  	s1 =	sadd.s32 $0x7, s29  }
0x503: {  	v60 =	vmov s1;
	v3 =	vadd.f32 v3, v33  }
0x504: {  	v4 =	vshrl.u32 v60, $0x3  }
0x505: {  	[tilespmem:v2+s19+$0x0] =	vst.idx.msk $0xffff, v3;
	v2 =	vshll.u32 v4, v0  }
0x506: {  	v3 =	vld [tilespmem:s28+$0xFFFFFFD0];
	v2 =	vbroadcast v2, $0x0;
	_ =	sdelay $0x1  }
0x507: {  	v61 =	vadd.s32 v29, v2;
	_ =	sdelay $0x2  }
0x508: {  	v3 =	vadd.f32 v3, v35;
	_ =	sdelay $0x1  }
0x509: {  	[tilespmem:v61+s19+$0x0] =	vst.idx.msk $0xffff, v3  }
0x50a: {  	v3 =	vld [tilespmem:s28+$0xFFFFFFE0];
	_ =	sdelay $0x1  }
0x50b: {  	v62 =	vadd.s32 v30, v2;
	_ =	sdelay $0x2  }
0x50c: {  	v3 =	vadd.f32 v3, v36;
	_ =	sdelay $0x1  }
0x50d: {  	[tilespmem:v62+s19+$0x0] =	vst.idx.msk $0xffff, v3  }
0x50e: {  	v3 =	vld [tilespmem:s28+$0xFFFFFFF0];
	_ =	sdelay $0x1  }
0x50f: {  	v63 =	vadd.s32 v31, v2;
	_ =	sdelay $0x2  }
0x510: {  	v3 =	vadd.f32 v3, v34;
	_ =	sdelay $0x1  }
0x511: {  	[tilespmem:v63+s19+$0x0] =	vst.idx.msk $0xffff, v3  }
0x512: {  	v3 =	vld [tilespmem:s28+$0x0];
	_ =	sdelay $0x1  }
0x513: {  	v2 =	vadd.s32 v32, v2;
	_ =	sdelay $0x2  }
0x514: {  	v3 =	vadd.f32 v3, v33  }
0x515: {  	s0 =	sadd.s32 @!p1 $0x180, s25;
	s25 =	simm.s32 @!p1 $0xB600  }
0x516: {  	s0 =	sand.u32 @!p1 $0xFF80, s0;
	s1 =	simm.s32 @!p1 $0x80;
	s30 =	sshll.u32 s26, $0x12;
	[tilespmem:v2+s19+$0x0] =	vst.idx.msk $0xffff, v3  }
0x517: {  	[tilespmem:s25], [sflag:$0x2] =	stream.indirect.gather @!p1 [hbm4b:s5+s1], $0x40, s0, s1, $0xb8;
	[tilespmem:$0x11A00] =	vst v63  }
0x518: {  	s0 =	sor.u32 s4, s30  }
0x519: {  	s0 =	sshrl.u32 s0, $0x3  }
0x51a: {  	s31 =	simm.s32 $0xF800;
	s1 =	sadd.s32 s2, s0  }
0x51b: {  	[hbm4b:s1+s3] =	stream.linear.scatter [tilespmem:s31], [sflag:$0x4], $0x80, $0x38;
	[tilespmem:$0x11A00] =	vst v63  }
0x51c: {  	s25 =	simm.s32 $0xF888;
	s26 =	sadd.s32 $0x10, s1  }
0x51d: {  	[hbm4b:s26+s3] =	stream.linear.scatter [tilespmem:s25], [sflag:$0x4], $0x80, $0x38;
	[tilespmem:$0x11A00] =	vst v63  }
0x51e: {  	s29 =	simm.s32 $0xFBB8;
	s30 =	simm.s32 $0xF910;
	s31 =	sadd.s32 $0x20, s1  }
0x51f: {  	[hbm4b:s31+s3] =	stream.linear.scatter [tilespmem:s30], [sflag:$0x4], $0x80, $0x38;
	[tilespmem:$0x11A00] =	vst v63  }
0x520: {  	s28 =	simm.s32 $0x2200;
	s25 =	simm.s32 $0xF998;
	s26 =	sadd.s32 $0x30, s1  }
0x521: {  	[hbm4b:s26+s3] =	stream.linear.scatter [tilespmem:s25], [sflag:$0x4], $0x80, $0x38;
	[tilespmem:$0x11A00] =	vst v63  }
0x522: {  	s0 =	sadd.s32 $0x70, s1;
	s30 =	simm.s32 $0xFA20;
	s31 =	sadd.s32 $0x40, s1  }
0x523: {  	[hbm4b:s31+s3] =	stream.linear.scatter [tilespmem:s30], [sflag:$0x4], $0x80, $0x38;
	[tilespmem:$0x11A00] =	vst v63  }
0x524: {  	s25 =	simm.s32 $0xFAA8;
	s26 =	sadd.s32 $0x50, s1;
	s30 =	simm.s32 $0xFB30  }
0x525: {  	[hbm4b:s26+s3] =	stream.linear.scatter [tilespmem:s25], [sflag:$0x4], $0x80, $0x38;
	[tilespmem:$0x11A00] =	vst v63  }
0x526: {  	s31 =	sadd.s32 $0x60, s1;
	s25 =	simm.s32 $0x440;
	s26 =	sadd.s32 $0x1000, s1  }
0x527: {  	[hbm4b:s31+s3] =	stream.linear.scatter [tilespmem:s30], [sflag:$0x4], $0x80, $0x38;
	[tilespmem:$0x11A00] =	vst v63  }
.LBB2_11:
0x528: {  	[hbm4b:s0+s3] =	stream.linear.scatter [tilespmem:s29], [sflag:$0x4], $0x80, $0x38;
	[tilespmem:$0x11A00] =	vst v63  }
0x529: {  	s0 =	smov.u32 s25;
	s1 =	smov.u32 s28  }
0x52a: {  	s25 =	sshra.s32 s1, $0x2;
	s1 =	sadd.s32 $0x1100, s28;
	s29 =	sadd.s32 $0xF800, s0  }
0x52b: {  	[hbm4b:s26+s3] =	stream.linear.scatter [tilespmem:s29], [sflag:$0x4], $0x80, $0x38;
	[tilespmem:$0x11A00] =	vst v63  }
0x52c: {  	p0 =	sne.s32 s28, $0x7700;
	s28 =	sadd.s32 $0xF888, s0;
	s29 =	sadd.s32 $0x10, s26  }
0x52d: {  	[hbm4b:s29+s3] =	stream.linear.scatter [tilespmem:s28], [sflag:$0x4], $0x80, $0x38;
	[tilespmem:$0x11A00] =	vst v63  }
0x52e: {  	s28 =	sadd.s32 $0xF910, s0;
	s29 =	sadd.s32 $0x20, s26  }
0x52f: {  	[hbm4b:s29+s3] =	stream.linear.scatter [tilespmem:s28], [sflag:$0x4], $0x80, $0x38;
	[tilespmem:$0x11A00] =	vst v63  }
0x530: {  	s28 =	sadd.s32 $0xF998, s0;
	s29 =	sadd.s32 $0x30, s26  }
0x531: {  	[hbm4b:s29+s3] =	stream.linear.scatter [tilespmem:s28], [sflag:$0x4], $0x80, $0x38;
	[tilespmem:$0x11A00] =	vst v63  }
0x532: {  	s28 =	sadd.s32 $0xFA20, s0;
	s29 =	sadd.s32 $0x40, s26  }
0x533: {  	[hbm4b:s29+s3] =	stream.linear.scatter [tilespmem:s28], [sflag:$0x4], $0x80, $0x38;
	[tilespmem:$0x11A00] =	vst v63  }
0x534: {  	s28 =	sadd.s32 $0xFAA8, s0;
	s29 =	sadd.s32 $0x50, s26  }
0x535: {  	[hbm4b:s29+s3] =	stream.linear.scatter [tilespmem:s28], [sflag:$0x4], $0x80, $0x38;
	[tilespmem:$0x11A00] =	vst v63  }
.Ltmp4:
0x536: {  	_ = 	snop;
	(pc) =	sbr.rel @p0 .LBB2_11-.Ltmp4, $4  }
0x537: {  	s28 =	sadd.s32 $0xFB30, s0;
	s29 =	sadd.s32 $0x60, s26  }
0x538: {  	[hbm4b:s29+s3] =	stream.linear.scatter [tilespmem:s28], [sflag:$0x4], $0x80, $0x38;
	[tilespmem:$0x11A00] =	vst v63  }
0x539: {  	s29 =	sadd.s32 $0xFBB8, s0  }
0x53a: {  	s0 =	sadd.s32 $0x70, s26;
	s26 =	sadd.s32 $0x1000, s26;
	s28 =	smov.u32 s1  }
0x53b: {  	[hbm4b:s0+s3] =	stream.linear.scatter [tilespmem:s29], [sflag:$0x4], $0x80, $0x38;
	[tilespmem:$0x11A00] =	vst v63  }
0x53c: {  	s30 =	sadd.s32 $0xF800, s25  }
0x53d: {  	[hbm4b:s26+s3] =	stream.linear.scatter [tilespmem:s30], [sflag:$0x4], $0x80, $0x38;
	[tilespmem:$0x11A00] =	vst v63  }
0x53e: {  	s31 =	sadd.s32 $0xF888, s25;
	s1 =	sadd.s32 $0x10, s26  }
0x53f: {  	[hbm4b:s1+s3] =	stream.linear.scatter [tilespmem:s31], [sflag:$0x4], $0x80, $0x38;
	[tilespmem:$0x11A00] =	vst v63  }
0x540: {  	s28 =	sadd.s32 $0xF910, s25;
	s29 =	sadd.s32 $0x20, s26  }
0x541: {  	[hbm4b:s29+s3] =	stream.linear.scatter [tilespmem:s28], [sflag:$0x4], $0x80, $0x38;
	[tilespmem:$0x11A00] =	vst v63  }
0x542: {  	s30 =	sadd.s32 $0xF998, s25;
	s31 =	sadd.s32 $0x30, s26  }
0x543: {  	[hbm4b:s31+s3] =	stream.linear.scatter [tilespmem:s30], [sflag:$0x4], $0x80, $0x38;
	[tilespmem:$0x11A00] =	vst v63  }
0x544: {  	s24 =	sadd.s32 $0x1, s24;
	s28 =	sadd.s32 $0xFA20, s25;
	s29 =	sadd.s32 $0x40, s26  }
0x545: {  	[hbm4b:s29+s3] =	stream.linear.scatter [tilespmem:s28], [sflag:$0x4], $0x80, $0x38;
	[tilespmem:$0x11A00] =	vst v63  }
0x546: {  	p0 =	sne.s32 s24, $0x64;
	s30 =	sadd.s32 $0xFAA8, s25;
	s31 =	sadd.s32 $0x50, s26  }
0x547: {  	[hbm4b:s31+s3] =	stream.linear.scatter [tilespmem:s30], [sflag:$0x4], $0x80, $0x38;
	[tilespmem:$0x11A00] =	vst v63  }
.Ltmp5:
0x548: {  	_ = 	snop;
	(pc) =	sbr.rel @p0 .LBB2_4-.Ltmp5, $4  }
0x549: {  	s28 =	sadd.s32 $0xFB30, s25;
	s29 =	sadd.s32 $0x60, s26  }
0x54a: {  	[hbm4b:s29+s3] =	stream.linear.scatter [tilespmem:s28], [sflag:$0x4], $0x80, $0x38;
	[tilespmem:$0x11A00] =	vst v63  }
0x54b: {  	s30 =	sadd.s32 $0xFBB8, s25;
	s31 =	sadd.s32 $0x70, s26  }
0x54c: {  	[hbm4b:s31+s3] =	stream.linear.scatter [tilespmem:s30], [sflag:$0x4], $0x80, $0x38;
	[tilespmem:$0x11A00] =	vst v63  }
0x54d: {  	s22 =	sadd.s32 $0x1, s22  }
0x54e: {  	_ =	swait.ge [sflag:s20], $0x2000;
	p0 =	sne.s32 s22, s8  }
.Ltmp6:
0x54f: {  	[sflag:s20] =	ssyncset.done $0x0;
	(pc) =	sbr.rel @p0 .LBB2_1-.Ltmp6, $4  }
0x550: {  	[sflag:s20] =	ssyncadd.s32 $0xFFFFE000  }
0x551: {  	_ =	swait.ge [sflag:s21], $0x2000  }
0x552: {  	[sflag:s21] =	ssyncset.done $0x0  }
0x553: {  	[sflag:s21] =	ssyncadd.s32 $0xFFFFE000  }
0x554: {  	_ =	sfence.sel $0x180000  }
0x555: {  	[bflag:$0x0] =	sbarrier.arrive $0xFFFF  }
0x556: {  	_ =	strace $0x90000047  }
0x557: {  	s0 =	stileid.u32;
	[bflag:$0x2] =	sbarrier.arrive $0xFFFF  }
0x558: {  	p0 =	sne.s32 s0, $0x0;
	s0 =	rddreg [dreg:$0x3]  }
0x559: {  	s0 =	sadd.s32 @!p0 $0x100000, s0  }
0x55a: {  	[sflag:s0] =	ssyncadd.tile.s32 @!p0 $0x1;
	_ =	shalt  }
.Lfunc_end2:
_tile_overlayer_lowered:
.L_overlay_start_2:
0x55b: {  	(tag) =	ssettag $0x2  }
0x55c: {  	s0 =	rddreg [dreg:$0x0];
	s2 =	stileid.u32  }
0x55d: {  	s1 =	rddreg [dreg:$0x1];
	p0 =	sne.s32 s2, $0x0  }
0x55e: {  	s3 =	rddreg [dreg:$0x2];
	[bflag:$0x3] =	sbarrier.arrive $0xFFFF;
	s2 =	simm.s32 @!p0 $0x1C05  }
0x55f: {  	[timem:s3], [sflag:s2] =	dma.local @!p0 [hbm:s0], s1  }
0x560: {  	s0 =	simm.s32 @!p0 $0x5  }
0x561: {  	_ =	swait.ge @!p0 [sflag:s0], s1  }
0x562: {  	s1 =	ssub.s32 @!p0 $0x0, s1;
	[sflag:s0] =	ssyncset.done @!p0 $0x0  }
0x563: {  	[sflag:s0] =	ssyncadd.s32 @!p0 s1  }
0x564: {  	[bflag:$0x3] =	sbarrier.arrive $0xFFFF  }
0x565: {  	_ =	shalt  }

</sc_bundles>
